<compile_context>
chip_gen: v7x
topology: tpu7x:2x2x1
jax: 0.10.2.dev20260603
libtpu: 0.0.44.dev20260713+nightly
codegen_flags: <defaults>
</compile_context>

<pallas_src>
import functools

import jax
import jax.numpy as jnp
from jax import lax
from jax.experimental import pallas as pl
from jax.experimental.pallas import tpu as pltpu
from jax.experimental.pallas import tpu_sc as plsc

N = 10000
H = 128
NW = 32
FLUSH = 8192
CAP = FLUSH + 10000 + 16
CAPW = 160000 + CAP + 8
SPW = 5120
E0P = NW * SPW
BT = 128
ROWBLK = 2
NROWS_W = 313


def _b16(x):
    return x.astype(jnp.bfloat16)


def _b16f(x):
    return x.astype(jnp.bfloat16).astype(jnp.float32)


def _dotb(a, b):
    return jnp.dot(_b16(a), _b16(b), preferred_element_type=jnp.float32)


def _widx():
    c = lax.axis_index("c")
    s = lax.axis_index("s")
    return s * 2 + c


def _extract_body(jflat, cols_o, vals_o, rows_o, cnt_o,
                  buf, buf2, colbuf, valbuf, rowbuf, outv, sem, sem2):
    wid = _widx()
    lo = (wid * 625) // 2
    hi = ((wid + 1) * 625) // 2
    iota = lax.iota(jnp.int32, 16)

    def fetch(blk, b, s):
        rb = lo + blk * ROWBLK
        rbc = jnp.minimum(rb, N - ROWBLK)
        pltpu.async_copy(
            jflat.at[pl.ds(pl.multiple_of(rbc * N, 8), ROWBLK * N)], b, s)
        return rb - rbc

    def proc_block(tb, buf, qoff, carry):
        cursor, flushed = carry
        rb = lo + tb * ROWBLK

        def one_row(q, cur):
            r = rb + q
            base = (q + qoff) * N
            rowv = jnp.zeros((16,), jnp.int32) + r

            def emit_vec(v, colbase, cu):
                m = v != 0.0
                cnt = plsc.all_reduce_population_count(m)[0]
                plsc.store_compressed(colbuf.at[pl.ds(cu, 16)],
                                      iota + colbase, mask=m)
                plsc.store_compressed(valbuf.at[pl.ds(cu, 16)], v, mask=m)
                plsc.store_compressed(rowbuf.at[pl.ds(cu, 16)], rowv, mask=m)
                return cu + cnt

            def grp_body(k, cur2):
                b0 = base + k * 128
                vs = [buf[pl.ds(b0 + 16 * j, 16)] for j in range(8)]
                m01 = jnp.maximum(vs[0], vs[1])
                m23 = jnp.maximum(vs[2], vs[3])
                m45 = jnp.maximum(vs[4], vs[5])
                m67 = jnp.maximum(vs[6], vs[7])
                mx = jnp.maximum(jnp.maximum(m01, m23), jnp.maximum(m45, m67))
                anypc = plsc.all_reduce_population_count(mx != 0.0)[0]

                def emit(cu):
                    c0 = k * 128
                    for j in range(8):
                        cu = emit_vec(vs[j], c0 + 16 * j, cu)
                    return cu

                return lax.cond(anypc > 0, emit, lambda cu: cu, cur2)

            def scan_row(cu):
                cu = lax.fori_loop(0, N // 128, grp_body, cu)
                cu = emit_vec(buf[pl.ds(base + (N // 128) * 128, 16)],
                              (N // 128) * 128, cu)
                return cu

            return lax.cond(r < hi, scan_row, lambda cu: cu, cur)

        for q in range(ROWBLK):
            cursor = one_row(q, cursor)

        def do_flush(cf):
            cu, fl = cf
            pltpu.sync_copy(colbuf.at[pl.ds(0, FLUSH)],
                            cols_o.at[pl.ds(pl.multiple_of(wid * CAPW + fl, 8), FLUSH)])
            pltpu.sync_copy(valbuf.at[pl.ds(0, FLUSH)],
                            vals_o.at[pl.ds(pl.multiple_of(wid * CAPW + fl, 8), FLUSH)])
            pltpu.sync_copy(rowbuf.at[pl.ds(0, FLUSH)],
                            rows_o.at[pl.ds(pl.multiple_of(wid * CAPW + fl, 8), FLUSH)])
            nmove = (cu - FLUSH + 15) // 16

            def mv(j, _):
                colbuf[pl.ds(j * 16, 16)] = colbuf[pl.ds(FLUSH + j * 16, 16)]
                valbuf[pl.ds(j * 16, 16)] = valbuf[pl.ds(FLUSH + j * 16, 16)]
                rowbuf[pl.ds(j * 16, 16)] = rowbuf[pl.ds(FLUSH + j * 16, 16)]
                return 0

            lax.fori_loop(0, nmove, mv, 0)
            return cu - FLUSH, fl + FLUSH

        cursor, flushed = lax.cond(cursor >= FLUSH, do_flush,
                                   lambda cf: cf, (cursor, flushed))
        return cursor, flushed

    npair = (NROWS_W + 2 * ROWBLK - 1) // (2 * ROWBLK)
    qoff0 = fetch(0, buf, sem)

    def pair_body(t, carry):
        cursor, flushed, qa = carry
        qb = fetch(2 * t + 1, buf2, sem2)
        pltpu.make_async_copy(
            jflat.at[pl.ds(0, ROWBLK * N)], buf, sem).wait()
        cursor, flushed = proc_block(2 * t, buf, qa, (cursor, flushed))
        qa2 = fetch(jnp.minimum(2 * t + 2, 2 * npair - 1), buf, sem)
        pltpu.make_async_copy(
            jflat.at[pl.ds(0, ROWBLK * N)], buf2, sem2).wait()
        cursor, flushed = proc_block(2 * t + 1, buf2, qb, (cursor, flushed))
        return cursor, flushed, qa2

    cursor, flushed, _ = lax.fori_loop(0, npair, pair_body, (0, 0, qoff0))
    pltpu.make_async_copy(jflat.at[pl.ds(0, ROWBLK * N)], buf, sem).wait()

    pltpu.sync_copy(colbuf, cols_o.at[pl.ds(pl.multiple_of(wid * CAPW + flushed, 8), CAP)])
    pltpu.sync_copy(valbuf, vals_o.at[pl.ds(pl.multiple_of(wid * CAPW + flushed, 8), CAP)])
    pltpu.sync_copy(rowbuf, rows_o.at[pl.ds(pl.multiple_of(wid * CAPW + flushed, 8), CAP)])
    total = flushed + cursor
    outv[...] = jnp.where(iota == 0, total, 0)
    pltpu.sync_copy(outv, cnt_o.at[pl.ds(pl.multiple_of(wid * 16, 8), 16)])


def _k1_extract(jflat):
    mesh = plsc.VectorSubcoreMesh(core_axis_name="c", subcore_axis_name="s")
    out_type = (
        jax.ShapeDtypeStruct((NW * CAPW,), jnp.int32),
        jax.ShapeDtypeStruct((NW * CAPW,), jnp.float32),
        jax.ShapeDtypeStruct((NW * CAPW,), jnp.int32),
        jax.ShapeDtypeStruct((NW * 16,), jnp.int32),
    )
    scratch = [
        pltpu.VMEM((ROWBLK * N,), jnp.float32),
        pltpu.VMEM((ROWBLK * N,), jnp.float32),
        pltpu.VMEM((CAP,), jnp.int32),
        pltpu.VMEM((CAP,), jnp.float32),
        pltpu.VMEM((CAP,), jnp.int32),
        pltpu.VMEM((16,), jnp.int32),
        pltpu.SemaphoreType.DMA,
        pltpu.SemaphoreType.DMA,
    ]
    return pl.kernel(_extract_body, out_type=out_type, mesh=mesh,
                     scratch_types=scratch,
                     compiler_params=pltpu.CompilerParams(
                         needs_layout_passes=False))(jflat)


def _gather_body(colsf, valsf, rowsf, cnt_i, mvar,
                 agg1_o, agg2_o, vals_o, rows_o, nnz_o,
                 cvm, offs, sidx, ridx, cidx, vstage, mrow, mcol, nstage,
                 sem, sem2, sem3):
    wid = _widx()
    iota = lax.iota(jnp.int32, 16)
    zeros16 = jnp.zeros((16,), jnp.int32)
    pltpu.sync_copy(cnt_i, cvm)
    c_lo = plsc.load_gather(cvm, [iota * 16])
    c_hi = plsc.load_gather(cvm, [(iota + 16) * 16])
    inc_lo = plsc.cumsum(c_lo)
    tot_lo = jnp.max(inc_lo)
    inc_hi = plsc.cumsum(c_hi)
    nnz = tot_lo + jnp.max(inc_hi)
    exc_lo = inc_lo - c_lo
    exc_hi = inc_hi - c_hi + tot_lo
    offs[pl.ds(0, 16)] = exc_lo
    offs[pl.ds(16, 16)] = exc_hi
    offs_sc = [exc_lo[k] for k in range(16)] + [exc_hi[k] for k in range(16)]

    @pl.when(wid == 0)
    def _():
        nstage[...] = jnp.where(iota == 0, nnz, 0)
        pltpu.sync_copy(nstage, nnz_o)

    def chunk(t, _):
        g0 = wid * SPW + t * BT
        for u in range(BT // 16):
            gvec = g0 + u * 16 + iota
            wv = zeros16 - 1
            for osc in offs_sc:
                wv = wv + (gvec >= osc).astype(jnp.int32)
            srcpos = gvec - plsc.load_gather(offs, [wv])
            srcflat = wv * CAPW + srcpos
            srcflat = jnp.where(gvec < nnz, srcflat, 0)
            sidx[0, pl.ds(u * 16, 16)] = srcflat
        d1 = pltpu.async_copy(colsf.at[sidx.at[0]], cidx.at[0], sem)
        d2 = pltpu.async_copy(rowsf.at[sidx.at[0]], ridx.at[0], sem2)
        d3 = pltpu.async_copy(valsf.at[sidx.at[0]], vstage, sem3)
        d1.wait()
        d2.wait()
        d3.wait()
        for u in range(BT // 16):
            cv = cidx[0, pl.ds(u * 16, 16)]
            cidx[0, pl.ds(u * 16, 16)] = jnp.clip(cv, 0, N - 1)
            rv = ridx[0, pl.ds(u * 16, 16)]
            ridx[0, pl.ds(u * 16, 16)] = jnp.clip(rv, 0, N - 1)
        g1 = pltpu.async_copy(mvar.at[ridx.at[0]], mrow, sem)
        g2 = pltpu.async_copy(mvar.at[cidx.at[0]], mcol, sem2)
        pltpu.sync_copy(vstage, vals_o.at[pl.ds(pl.multiple_of(g0, 8), BT)])
        pltpu.sync_copy(ridx.at[0], rows_o.at[pl.ds(pl.multiple_of(g0, 8), BT)])
        g1.wait()
        pltpu.sync_copy(mrow, agg1_o.at[pl.ds(g0, BT), :])
        g2.wait()
        pltpu.sync_copy(mcol, agg2_o.at[pl.ds(g0, BT), :])
        return 0

    lax.fori_loop(0, SPW // BT, chunk, 0)


def _k4_gather(colsf, valsf, rowsf, cnts, mvar):
    mesh = plsc.VectorSubcoreMesh(core_axis_name="c", subcore_axis_name="s")
    out_type = (
        jax.ShapeDtypeStruct((E0P, H), jnp.float32),
        jax.ShapeDtypeStruct((E0P, H), jnp.float32),
        jax.ShapeDtypeStruct((E0P,), jnp.float32),
        jax.ShapeDtypeStruct((E0P,), jnp.int32),
        jax.ShapeDtypeStruct((16,), jnp.int32),
    )
    scratch = [
        pltpu.VMEM((NW * 16,), jnp.int32),
        pltpu.VMEM((NW,), jnp.int32),
        pltpu.VMEM((1, BT), jnp.int32),
        pltpu.VMEM((1, BT), jnp.int32),
        pltpu.VMEM((1, BT), jnp.int32),
        pltpu.VMEM((BT,), jnp.float32),
        pltpu.VMEM((BT, H), jnp.float32),
        pltpu.VMEM((BT, H), jnp.float32),
        pltpu.VMEM((16,), jnp.int32),
        pltpu.SemaphoreType.DMA,
        pltpu.SemaphoreType.DMA,
        pltpu.SemaphoreType.DMA,
    ]
    return pl.kernel(_gather_body, out_type=out_type, mesh=mesh,
                     scratch_types=scratch,
                     compiler_params=pltpu.CompilerParams(
                         needs_layout_passes=False))(colsf, valsf, rowsf, cnts, mvar)


def _scatter_body(msg, rowsE, zrows, nm_o, acc, mstage, ridx):
    c = lax.axis_index("c")
    s = lax.axis_index("s")
    r0 = s * 624
    pltpu.sync_copy(zrows.at[pl.ds(r0, 624), :], acc.at[pl.ds(r0, 624), :])

    @pl.when(s == 0)
    def _():
        pltpu.sync_copy(zrows.at[pl.ds(9984, 16), :], acc.at[pl.ds(9984, 16), :])

    plsc.subcore_barrier()
    half = E0P // 2

    def chunk(t, _):
        base = c * half + s * SPW + t * BT
        pltpu.sync_copy(msg.at[pl.ds(base, BT), :], mstage)
        pltpu.sync_copy(rowsE.at[pl.ds(pl.multiple_of(base, 8), BT)], ridx.at[0])
        pltpu.sync_copy(mstage, acc.at[ridx.at[0]], add=True)
        return 0

    lax.fori_loop(0, SPW // BT, chunk, 0)
    plsc.subcore_barrier()
    pltpu.sync_copy(acc.at[pl.ds(r0, 624), :], nm_o.at[c, pl.ds(r0, 624), :])

    @pl.when(s == 0)
    def _():
        pltpu.sync_copy(acc.at[pl.ds(9984, 16), :], nm_o.at[c, pl.ds(9984, 16), :])


def _k6_scatter(msg, rowsE, zrows):
    mesh = plsc.VectorSubcoreMesh(core_axis_name="c", subcore_axis_name="s")
    out_type = jax.ShapeDtypeStruct((2, N, H), jnp.float32)
    scratch = [
        pltpu.VMEM_SHARED((N, H), jnp.float32),
        pltpu.VMEM((BT, H), jnp.float32),
        pltpu.VMEM((1, BT), jnp.int32),
    ]
    return pl.kernel(_scatter_body, out_type=out_type, mesh=mesh,
                     scratch_types=scratch,
                     compiler_params=pltpu.CompilerParams(
                         needs_layout_passes=False))(msg, rowsE, zrows)


def _stats_body(j_ref, rc_ref, rs_ref, cc_ref, cs_ref):
    x = j_ref[...]
    xb = _b16f(x)
    m = (x != 0.0).astype(jnp.float32)
    rc_ref[...] = jnp.sum(m, axis=1, keepdims=True)
    rs_ref[...] = jnp.sum(xb, axis=1, keepdims=True)

    @pl.when(pl.program_id(0) == 0)
    def _():
        cc_ref[...] = jnp.zeros_like(cc_ref)
        cs_ref[...] = jnp.zeros_like(cs_ref)

    cc_ref[...] += jnp.sum(m, axis=0, keepdims=True)
    cs_ref[...] += jnp.sum(xb, axis=0, keepdims=True)


def _k0_stats(J):
    BR = 80
    grid = (N // BR,)
    return pl.pallas_call(
        _stats_body,
        grid=grid,
        in_specs=[pl.BlockSpec((BR, N), lambda i: (i, 0))],
        out_specs=[
            pl.BlockSpec((BR, 1), lambda i: (i, 0)),
            pl.BlockSpec((BR, 1), lambda i: (i, 0)),
            pl.BlockSpec((1, N), lambda i: (0, 0)),
            pl.BlockSpec((1, N), lambda i: (0, 0)),
        ],
        out_shape=[
            jax.ShapeDtypeStruct((N, 1), jnp.float32),
            jax.ShapeDtypeStruct((N, 1), jnp.float32),
            jax.ShapeDtypeStruct((1, N), jnp.float32),
            jax.ShapeDtypeStruct((1, N), jnp.float32),
        ],
    )(J)


def _node_body(rc, rs, cc, cs, c01, c1, wih, whh, bih, bhh, mv_ref):
    deg = rc[...] + cc[...]
    sv = rs[...] + cs[...]
    c0b = _b16f(c01[...])
    agg = deg * c0b[0:1, :] + sv * c0b[1:2, :]
    gi = _dotb(agg, wih[...]) + bih[...]
    hb = bhh[...]
    r = jax.nn.sigmoid(gi[:, 0:H] + hb[:, 0:H])
    z = jax.nn.sigmoid(gi[:, H:2 * H] + hb[:, H:2 * H])
    n = jnp.tanh(gi[:, 2 * H:] + r * hb[:, 2 * H:])
    h1 = (1.0 - z) * n
    mv_ref[...] = _dotb(h1, c1[...])


def _k3_node(rc, rs, ccT, csT, c01, c1, wih, whh, bih, bhh):
    BN = 200
    grid = (N // BN,)
    full = lambda shape: pl.BlockSpec(shape, lambda i: tuple(0 for _ in shape))
    return pl.pallas_call(
        _node_body,
        grid=grid,
        in_specs=[
            pl.BlockSpec((BN, 1), lambda i: (i, 0)),
            pl.BlockSpec((BN, 1), lambda i: (i, 0)),
            pl.BlockSpec((BN, 1), lambda i: (i, 0)),
            pl.BlockSpec((BN, 1), lambda i: (i, 0)),
            full((2, H)), full((H, H)), full((H, 3 * H)), full((H, 3 * H)),
            full((1, 3 * H)), full((1, 3 * H)),
        ],
        out_specs=pl.BlockSpec((BN, H), lambda i: (i, 0)),
        out_shape=jax.ShapeDtypeStruct((N, H), jnp.float32),
    )(rc, rs, ccT, csT, c01, c1, wih, whh, bih, bhh)


def _edge_body(a1, a2, vals, nnz_ref, wih, whh, bih, bhh,
               w1, b1, w2, b2, w3, b3, msg_ref, *, TE):
    nnz = nnz_ref[0]
    vv = vals[...]
    bi = bih[...]
    bh = bhh[...]
    whh_ = whh[...]
    whb = _b16f(whh_)
    ghf = whb[0:1, :] + _b16f(vv) * whb[1:2, :] + bh
    r2 = jax.nn.sigmoid(bi[:, 0:H] + ghf[:, 0:H])
    z2 = jax.nn.sigmoid(bi[:, H:2 * H] + ghf[:, H:2 * H])
    n2 = jnp.tanh(bi[:, 2 * H:] + r2 * ghf[:, 2 * H:])
    lane = lax.broadcasted_iota(jnp.int32, (TE, H), 1)
    h0 = jnp.where(lane == 0, 1.0, 0.0) + jnp.where(lane == 1, vv, 0.0)
    h1f = (1.0 - z2) * n2 + z2 * h0
    agg = a1[...] + a2[...]
    gi2 = _dotb(agg, wih[...]) + bi
    gh2 = _dotb(h1f, whh_) + bh
    r3 = jax.nn.sigmoid(gi2[:, 0:H] + gh2[:, 0:H])
    z3 = jax.nn.sigmoid(gi2[:, H:2 * H] + gh2[:, H:2 * H])
    n3 = jnp.tanh(gi2[:, 2 * H:] + r3 * gh2[:, 2 * H:])
    h2 = (1.0 - z3) * n3 + z3 * h1f
    msg = jax.nn.relu(_dotb(h2, w1[...]) + b1[...])
    msg = jax.nn.relu(_dotb(msg, w2[...]) + b2[...])
    msg = _dotb(msg, w3[...]) + b3[...]
    eidx = pl.program_id(0) * TE + lax.broadcasted_iota(jnp.int32, (TE, 1), 0)
    msg_ref[...] = jnp.where(eidx < nnz, msg, 0.0)


def _k5_edge(a1, a2, valsE, nnz11, wih, whh, bih, bhh, w1, b1, w2, b2, w3, b3):
    TE = 512
    grid = (E0P // TE,)
    full = lambda shape: pl.BlockSpec(shape, lambda i: tuple(0 for _ in shape))
    return pl.pallas_call(
        functools.partial(_edge_body, TE=TE),
        grid=grid,
        in_specs=[
            pl.BlockSpec((TE, H), lambda i: (i, 0)),
            pl.BlockSpec((TE, H), lambda i: (i, 0)),
            pl.BlockSpec((TE, 1), lambda i: (i, 0)),
            pl.BlockSpec(memory_space=pltpu.SMEM),
            full((H, 3 * H)), full((H, 3 * H)),
            full((1, 3 * H)), full((1, 3 * H)),
            full((H, H)), full((1, H)), full((H, H)), full((1, H)),
            full((H, H)), full((1, H)),
        ],
        out_specs=pl.BlockSpec((TE, H), lambda i: (i, 0)),
        out_shape=jax.ShapeDtypeStruct((E0P, H), jnp.float32),
    )(a1, a2, valsE, nnz11, wih, whh, bih, bhh, w1, b1, w2, b2, w3, b3)


def _readout_body(nm0, nm1, w1, b1, w2, b2, w3, b3, out_ref):
    nm = nm0[...] + nm1[...]
    o = jax.nn.relu(_dotb(nm, w1[...]) + b1[...])
    o = jax.nn.relu(_dotb(o, w2[...]) + b2[...])
    o = _dotb(o, w3[...]) + b3[...]
    m = jnp.max(o, axis=1, keepdims=True)
    e = jnp.exp(o - m)
    out_ref[...] = e / jnp.sum(e, axis=1, keepdims=True)


def _k7_readout(nm0, nm1, w1, b1, w2, b2, w3, b3):
    BN = 200
    grid = (N // BN,)
    full = lambda shape: pl.BlockSpec(shape, lambda i: tuple(0 for _ in shape))
    return pl.pallas_call(
        _readout_body,
        grid=grid,
        in_specs=[
            pl.BlockSpec((BN, H), lambda i: (i, 0)),
            pl.BlockSpec((BN, H), lambda i: (i, 0)),
            full((H, H)), full((1, H)), full((H, H)), full((1, H)),
            full((H, 2)), full((1, 2)),
        ],
        out_specs=pl.BlockSpec((BN, 2), lambda i: (i, 0)),
        out_shape=jax.ShapeDtypeStruct((N, 2), jnp.float32),
    )(nm0, nm1, w1, b1, w2, b2, w3, b3)


def kernel(J, b, conv_W, gru_W_ih, gru_W_hh, gru_b_ih, gru_b_hh,
           mp_W1, mp_b1, mp_W2, mp_b2, mp_W3, mp_b3,
           ro_W1, ro_b1, ro_W2, ro_b2, ro_W3, ro_b3):
    bih = gru_b_ih.reshape(1, 3 * H)
    bhh = gru_b_hh.reshape(1, 3 * H)
    rc, rs, cc, cs = _k0_stats(J)
    mvar = _k3_node(rc, rs, cc.reshape(N, 1), cs.reshape(N, 1),
                    conv_W[0][0:2], conv_W[1], gru_W_ih, gru_W_hh, bih, bhh)
    colsF, valsF, rowsF, cnts = _k1_extract(J.reshape(-1))
    agg1, agg2, valsE, rowsE, nnzv = _k4_gather(colsF, valsF, rowsF, cnts, mvar)
    nnz11 = nnzv[0:1]
    msg = _k5_edge(agg1, agg2, valsE.reshape(E0P, 1), nnz11,
                   gru_W_ih, gru_W_hh, bih, bhh,
                   mp_W1, mp_b1.reshape(1, H), mp_W2, mp_b2.reshape(1, H),
                   mp_W3, mp_b3.reshape(1, H))
    zrows = jnp.zeros((N, H), jnp.float32)
    nm2 = _k6_scatter(msg, rowsE, zrows)
    out = _k7_readout(nm2[0], nm2[1], ro_W1, ro_b1.reshape(1, H),
                      ro_W2, ro_b2.reshape(1, H), ro_W3, ro_b3.reshape(1, 2))
    return out

# --- scband reference (transcript-rebuilt; emitter-appended) ---
"""Pipeline reference for scband-ggnn-72232759984373 (READ-ONLY COPY).

The authoritative reference and input builder live on the scoring server;
editing this copy changes nothing except your own understanding.
"""

import jax, jax.numpy as jnp
import numpy as np

STATE_DIM = 128
MESSAGE_DIM = 128
H = 128
HR = 128


def setup_inputs(seed: int = 0):
    key = jax.random.key(seed)
    N = 10000
    deg = 16
    E0 = N * deg
    ks = jax.random.split(key, 16)
    rows = jax.random.randint(ks[0], (E0,), 0, N)
    cols = jax.random.randint(ks[1], (E0,), 0, N)
    vals = jax.random.uniform(ks[2], (E0,), minval=0.5, maxval=1.5)
    J = jnp.zeros((N, N), dtype=jnp.float32).at[rows, cols].set(vals)
    b = jax.random.normal(ks[3], (N,), dtype=jnp.float32)
    def nrm(k, shape):
        return (jax.random.normal(k, shape) * 0.1).astype(jnp.float32)
    return {
        "J": J,
        "b": b,
        "conv_W": nrm(ks[4], (2, H, H)),
        "gru_W_ih": nrm(ks[5], (H, 3 * H)),
        "gru_W_hh": nrm(ks[6], (H, 3 * H)),
        "gru_b_ih": jnp.zeros((3 * H,), jnp.float32),
        "gru_b_hh": jnp.zeros((3 * H,), jnp.float32),
        "mp_W1": nrm(ks[7], (H, H)), "mp_b1": jnp.zeros((H,), jnp.float32),
        "mp_W2": nrm(ks[8], (H, H)), "mp_b2": jnp.zeros((H,), jnp.float32),
        "mp_W3": nrm(ks[9], (H, MESSAGE_DIM)), "mp_b3": jnp.zeros((MESSAGE_DIM,), jnp.float32),
        "ro_W1": nrm(ks[10], (MESSAGE_DIM, HR)), "ro_b1": jnp.zeros((HR,), jnp.float32),
        "ro_W2": nrm(ks[11], (HR, HR)), "ro_b2": jnp.zeros((HR,), jnp.float32),
        "ro_W3": nrm(ks[12], (HR, 2)), "ro_b3": jnp.zeros((2,), jnp.float32),
    }


def _gru(m, h, W_ih, W_hh, b_ih, b_hh):
    gi = m @ W_ih + b_ih
    gh = h @ W_hh + b_hh
    i_r, i_z, i_n = jnp.split(gi, 3, axis=-1)
    h_r, h_z, h_n = jnp.split(gh, 3, axis=-1)
    r = jax.nn.sigmoid(i_r + h_r)
    z = jax.nn.sigmoid(i_z + h_z)
    n = jnp.tanh(i_n + r * h_n)
    return (1.0 - z) * n + z * h


def _forward(J, row, col, valid, conv_W, gru_W_ih, gru_W_hh, gru_b_ih, gru_b_hh,
             mp_W1, mp_b1, mp_W2, mp_b2, mp_W3, mp_b3,
             ro_W1, ro_b1, ro_W2, ro_b2, ro_W3, ro_b3):
    N = J.shape[0]
    E = row.shape[0]
    validf = valid.astype(jnp.float32)
    # variable node features (all zeros, col 0 explicitly 0.0 as in original)
    var_feat = jnp.zeros((N, STATE_DIM), jnp.float32)
    # factor node features: col0 = 1.0, col1 = coupling value J[row, col]
    fac_feat = jnp.zeros((E, STATE_DIM), jnp.float32)
    fac_feat = fac_feat.at[:, 0].set(validf)
    fac_feat = fac_feat.at[:, 1].set(J[row, col] * validf)
    x = jnp.concatenate([var_feat, fac_feat], axis=0)
    n_total = N + E
    # bipartite variable<->factor edges (both directions), as in original edge list
    fidx = N + jnp.arange(E)
    src = jnp.concatenate([fidx, row, fidx, col])
    dst = jnp.concatenate([row, fidx, col, fidx])
    edge_valid = jnp.concatenate([validf, validf, validf, validf])
    # GatedGraphConv(out_channels=H, num_layers=2) with sum aggregation + GRUCell
    h = x
    for l in range(2):
        m = h @ conv_W[l]
        agg = jax.ops.segment_sum(m[src] * edge_valid[:, None], dst,
                                  num_segments=n_total)
        h = _gru(agg, h, gru_W_ih, gru_W_hh, gru_b_ih, gru_b_hh)
    # message MLP
    msg = jax.nn.relu(h @ mp_W1 + mp_b1)
    msg = jax.nn.relu(msg @ mp_W2 + mp_b2)
    msg = msg @ mp_W3 + mp_b3
    # Special3dSpmm: per-channel sparse [N,N] coo (indices=(row,col), values=factor messages) times ones(N,1)
    # == row-wise segment sum of factor-node messages, concatenated over channels -> [N, message_dim]
    node_messages = jax.ops.segment_sum(msg[N:] * validf[:, None], row,
                                        num_segments=N)
    # readout MLP + softmax
    out = jax.nn.relu(node_messages @ ro_W1 + ro_b1)
    out = jax.nn.relu(out @ ro_W2 + ro_b2)
    out = out @ ro_W3 + ro_b3
    return jax.nn.softmax(out, axis=1)


def reference(J, b, conv_W, gru_W_ih, gru_W_hh, gru_b_ih, gru_b_hh,
              mp_W1, mp_b1, mp_W2, mp_b2, mp_W3, mp_b3,
              ro_W1, ro_b1, ro_W2, ro_b2, ro_W3, ro_b3):
    N = J.shape[0]
    E0 = 16 * N
    row, col = jnp.nonzero(J, size=E0, fill_value=0)
    valid = jnp.arange(E0) < jnp.count_nonzero(J)
    return _forward(J, row, col, valid, conv_W, gru_W_ih, gru_W_hh, gru_b_ih, gru_b_hh,
                    mp_W1, mp_b1, mp_W2, mp_b2, mp_W3, mp_b3,
                    ro_W1, ro_b1, ro_W2, ro_b2, ro_W3, ro_b3)

if __name__ == "__main__":
    import jax
    _d = setup_inputs()
    print(jax.jit(kernel)(*tuple(_d.values())))

</pallas_src>

<mosaic_0001>
#map = affine_map<(d0, d1) -> (0)>
#map1 = affine_map<(d0, d1) -> (0, 0)>
module attributes {stable_mosaic.version = 14 : i64} {
  func.func @_gather_body(%arg0: i32, %arg1: i32, %arg2: memref<5702912xi32, #tpu.memory_space<hbm>>, %arg3: memref<5702912xf32, #tpu.memory_space<hbm>>, %arg4: memref<5702912xi32, #tpu.memory_space<hbm>>, %arg5: memref<512xi32, #tpu.memory_space<hbm>>, %arg6: memref<10000x128xf32, #tpu.memory_space<hbm>>, %arg7: memref<163840x128xf32, #tpu.memory_space<hbm>>, %arg8: memref<163840x128xf32, #tpu.memory_space<hbm>>, %arg9: memref<163840xf32, #tpu.memory_space<hbm>>, %arg10: memref<163840xi32, #tpu.memory_space<hbm>>, %arg11: memref<16xi32, #tpu.memory_space<hbm>>, %arg12: memref<512xi32, #tpu.memory_space<vmem>>, %arg13: memref<32xi32, #tpu.memory_space<vmem>>, %arg14: memref<1x128xi32, #tpu.memory_space<vmem>>, %arg15: memref<1x128xi32, #tpu.memory_space<vmem>>, %arg16: memref<1x128xi32, #tpu.memory_space<vmem>>, %arg17: memref<128xf32, #tpu.memory_space<vmem>>, %arg18: memref<128x128xf32, #tpu.memory_space<vmem>>, %arg19: memref<128x128xf32, #tpu.memory_space<vmem>>, %arg20: memref<16xi32, #tpu.memory_space<vmem>>, %arg21: memref<!tpu.dma_semaphore, #tpu.memory_space<semaphore_mem>>, %arg22: memref<!tpu.dma_semaphore, #tpu.memory_space<semaphore_mem>>, %arg23: memref<!tpu.dma_semaphore, #tpu.memory_space<semaphore_mem>>) attributes {dimension_semantics = [#tpu.dimension_semantics<core_parallel>, #tpu.dimension_semantics<subcore_parallel>], iteration_bounds = array<i64: 2, 16>, scalar_prefetch = 0 : i64, scratch_operands = 12 : i64, tpu.core_type = #tpu.core_type<sc_vector_subcore>, window_params = [{transform_indices = #map}, {transform_indices = #map}, {transform_indices = #map}, {transform_indices = #map}, {transform_indices = #map1}, {transform_indices = #map1}, {transform_indices = #map1}, {transform_indices = #map}, {transform_indices = #map}, {transform_indices = #map}]} {
    %mul3A = arith.constant 2 : i32
    %mul3A_0 = arith.muli %arg1, %mul3A : i32
    %add3A = arith.addi %mul3A_0, %arg0 : i32
    %iota3A = tpu.iota {dimensions = array<i32: 0>} : vector<16xi32>
    %broadcast_in_dim3A = arith.constant 0 : i32
    %broadcast_in_dim3A_1 = vector.broadcast %broadcast_in_dim3A : i32 to vector<16xi32>
    "tpu.region"() ({
      %run_scoped3A = tpu.sem_alloc : memref<!tpu.dma_semaphore, #tpu.memory_space<semaphore_mem>>
      tpu.enqueue_dma source(%arg5 : memref<512xi32, #tpu.memory_space<hbm>>) target(%arg12 : memref<512xi32, #tpu.memory_space<vmem>>) target_semaphore(%run_scoped3A : memref<!tpu.dma_semaphore, #tpu.memory_space<semaphore_mem>>)
      tpu.wait_dma2 semaphore(%run_scoped3A : memref<!tpu.dma_semaphore, #tpu.memory_space<semaphore_mem>>) src(%arg5 : memref<512xi32, #tpu.memory_space<hbm>>) dst(%arg12 : memref<512xi32, #tpu.memory_space<vmem>>)
      tpu.yield
    }) : () -> ()
    %mul3A_2 = arith.constant 16 : i32
    %mul3A_3 = vector.broadcast %mul3A_2 : i32 to vector<16xi32>
    %mul3A_4 = arith.muli %iota3A, %mul3A_3 : vector<16xi32>
    %gather3A = tpu.vector_load_idx %arg12[%mul3A_4] : memref<512xi32, #tpu.memory_space<vmem>>[vector<16xi32>], vector<16xi32>,
    %add3A_5 = arith.constant 16 : i32
    %add3A_6 = vector.broadcast %add3A_5 : i32 to vector<16xi32>
    %add3A_7 = arith.addi %iota3A, %add3A_6 : vector<16xi32>
    %mul3A_8 = arith.constant 16 : i32
    %mul3A_9 = vector.broadcast %mul3A_8 : i32 to vector<16xi32>
    %mul3A_10 = arith.muli %add3A_7, %mul3A_9 : vector<16xi32>
    %gather3A_11 = tpu.vector_load_idx %arg12[%mul3A_10] : memref<512xi32, #tpu.memory_space<vmem>>[vector<16xi32>], vector<16xi32>,
    %broadcast_in_dim3A_12 = arith.constant true
    %broadcast_in_dim3A_13 = vector.broadcast %broadcast_in_dim3A_12 : i1 to vector<16xi1>
    %masked_cumsum3A = tpu.scan <sum>, %gather3A masked %broadcast_in_dim3A_13 : vector<16xi32>, vector<16xi1> -> vector<16xi32>
    %reduce_max3A = arith.constant true
    %reduce_max3A_14 = vector.broadcast %reduce_max3A : i1 to vector<16xi1>
    %reduce_max3A_15 = arith.constant -2147483648 : i32
    %reduce_max3A_16 = vector.broadcast %reduce_max3A_15 : i32 to vector<16xi32>
    %reduce_max3A_17 = arith.xori %masked_cumsum3A, %reduce_max3A_16 : vector<16xi32>
    %reduce_max3A_18 = tpu.scan <max>, %reduce_max3A_17 masked %reduce_max3A_14 : vector<16xi32>, vector<16xi1> -> vector<16xi32>
    %reduce_max3A_19 = arith.xori %reduce_max3A_18, %reduce_max3A_16 : vector<16xi32>
    %reduce_max3A_20 = vector.extract %reduce_max3A_19[15] : i32 from vector<16xi32>
    %broadcast_in_dim3A_21 = arith.constant true
    %broadcast_in_dim3A_22 = vector.broadcast %broadcast_in_dim3A_21 : i1 to vector<16xi1>
    %masked_cumsum3A_23 = tpu.scan <sum>, %gather3A_11 masked %broadcast_in_dim3A_22 : vector<16xi32>, vector<16xi1> -> vector<16xi32>
    %reduce_max3A_24 = arith.constant true
    %reduce_max3A_25 = vector.broadcast %reduce_max3A_24 : i1 to vector<16xi1>
    %reduce_max3A_26 = arith.constant -2147483648 : i32
    %reduce_max3A_27 = vector.broadcast %reduce_max3A_26 : i32 to vector<16xi32>
    %reduce_max3A_28 = arith.xori %masked_cumsum3A_23, %reduce_max3A_27 : vector<16xi32>
    %reduce_max3A_29 = tpu.scan <max>, %reduce_max3A_28 masked %reduce_max3A_25 : vector<16xi32>, vector<16xi1> -> vector<16xi32>
    %reduce_max3A_30 = arith.xori %reduce_max3A_29, %reduce_max3A_27 : vector<16xi32>
    %reduce_max3A_31 = vector.extract %reduce_max3A_30[15] : i32 from vector<16xi32>
    %add3A_32 = arith.addi %reduce_max3A_20, %reduce_max3A_31 : i32
    %sub3A = arith.subi %masked_cumsum3A, %gather3A : vector<16xi32>
    %sub3A_33 = arith.subi %masked_cumsum3A_23, %gather3A_11 : vector<16xi32>
    %add3A_34 = vector.broadcast %reduce_max3A_20 : i32 to vector<16xi32>
    %add3A_35 = arith.addi %sub3A_33, %add3A_34 : vector<16xi32>
    %swap3A = arith.constant 0 : index
    %swap3A_36 = tpu.vector_load %arg13[%swap3A] {strides = array<i32>} : memref<32xi32, #tpu.memory_space<vmem>>, vector<16xi32>,
    tpu.vector_store %arg13[%swap3A], %sub3A {strides = array<i32>} : memref<32xi32, #tpu.memory_space<vmem>>, vector<16xi32>,
    %swap3A_37 = arith.constant 16 : index
    %swap3A_38 = tpu.vector_load %arg13[%swap3A_37] {strides = array<i32>} : memref<32xi32, #tpu.memory_space<vmem>>, vector<16xi32>,
    tpu.vector_store %arg13[%swap3A_37], %add3A_35 {strides = array<i32>} : memref<32xi32, #tpu.memory_space<vmem>>, vector<16xi32>,
    %slice3A = vector.extract_strided_slice %sub3A {offsets = [0], sizes = [1], strides = [1]} : vector<16xi32> to vector<1xi32>
    %squeeze3A = vector.extract %slice3A[0] : i32 from vector<1xi32>
    %slice3A_39 = vector.extract_strided_slice %sub3A {offsets = [1], sizes = [1], strides = [1]} : vector<16xi32> to vector<1xi32>
    %squeeze3A_40 = vector.extract %slice3A_39[0] : i32 from vector<1xi32>
    %slice3A_41 = vector.extract_strided_slice %sub3A {offsets = [2], sizes = [1], strides = [1]} : vector<16xi32> to vector<1xi32>
    %squeeze3A_42 = vector.extract %slice3A_41[0] : i32 from vector<1xi32>
    %slice3A_43 = vector.extract_strided_slice %sub3A {offsets = [3], sizes = [1], strides = [1]} : vector<16xi32> to vector<1xi32>
    %squeeze3A_44 = vector.extract %slice3A_43[0] : i32 from vector<1xi32>
    %slice3A_45 = vector.extract_strided_slice %sub3A {offsets = [4], sizes = [1], strides = [1]} : vector<16xi32> to vector<1xi32>
    %squeeze3A_46 = vector.extract %slice3A_45[0] : i32 from vector<1xi32>
    %slice3A_47 = vector.extract_strided_slice %sub3A {offsets = [5], sizes = [1], strides = [1]} : vector<16xi32> to vector<1xi32>
    %squeeze3A_48 = vector.extract %slice3A_47[0] : i32 from vector<1xi32>
    %slice3A_49 = vector.extract_strided_slice %sub3A {offsets = [6], sizes = [1], strides = [1]} : vector<16xi32> to vector<1xi32>
    %squeeze3A_50 = vector.extract %slice3A_49[0] : i32 from vector<1xi32>
    %slice3A_51 = vector.extract_strided_slice %sub3A {offsets = [7], sizes = [1], strides = [1]} : vector<16xi32> to vector<1xi32>
    %squeeze3A_52 = vector.extract %slice3A_51[0] : i32 from vector<1xi32>
    %slice3A_53 = vector.extract_strided_slice %sub3A {offsets = [8], sizes = [1], strides = [1]} : vector<16xi32> to vector<1xi32>
    %squeeze3A_54 = vector.extract %slice3A_53[0] : i32 from vector<1xi32>
    %slice3A_55 = vector.extract_strided_slice %sub3A {offsets = [9], sizes = [1], strides = [1]} : vector<16xi32> to vector<1xi32>
    %squeeze3A_56 = vector.extract %slice3A_55[0] : i32 from vector<1xi32>
    %slice3A_57 = vector.extract_strided_slice %sub3A {offsets = [10], sizes = [1], strides = [1]} : vector<16xi32> to vector<1xi32>
    %squeeze3A_58 = vector.extract %slice3A_57[0] : i32 from vector<1xi32>
    %slice3A_59 = vector.extract_strided_slice %sub3A {offsets = [11], sizes = [1], strides = [1]} : vector<16xi32> to vector<1xi32>
    %squeeze3A_60 = vector.extract %slice3A_59[0] : i32 from vector<1xi32>
    %slice3A_61 = vector.extract_strided_slice %sub3A {offsets = [12], sizes = [1], strides = [1]} : vector<16xi32> to vector<1xi32>
    %squeeze3A_62 = vector.extract %slice3A_61[0] : i32 from vector<1xi32>
    %slice3A_63 = vector.extract_strided_slice %sub3A {offsets = [13], sizes = [1], strides = [1]} : vector<16xi32> to vector<1xi32>
    %squeeze3A_64 = vector.extract %slice3A_63[0] : i32 from vector<1xi32>
    %slice3A_65 = vector.extract_strided_slice %sub3A {offsets = [14], sizes = [1], strides = [1]} : vector<16xi32> to vector<1xi32>
    %squeeze3A_66 = vector.extract %slice3A_65[0] : i32 from vector<1xi32>
    %slice3A_67 = vector.extract_strided_slice %sub3A {offsets = [15], sizes = [1], strides = [1]} : vector<16xi32> to vector<1xi32>
    %squeeze3A_68 = vector.extract %slice3A_67[0] : i32 from vector<1xi32>
    %slice3A_69 = vector.extract_strided_slice %add3A_35 {offsets = [0], sizes = [1], strides = [1]} : vector<16xi32> to vector<1xi32>
    %squeeze3A_70 = vector.extract %slice3A_69[0] : i32 from vector<1xi32>
    %slice3A_71 = vector.extract_strided_slice %add3A_35 {offsets = [1], sizes = [1], strides = [1]} : vector<16xi32> to vector<1xi32>
    %squeeze3A_72 = vector.extract %slice3A_71[0] : i32 from vector<1xi32>
    %slice3A_73 = vector.extract_strided_slice %add3A_35 {offsets = [2], sizes = [1], strides = [1]} : vector<16xi32> to vector<1xi32>
    %squeeze3A_74 = vector.extract %slice3A_73[0] : i32 from vector<1xi32>
    %slice3A_75 = vector.extract_strided_slice %add3A_35 {offsets = [3], sizes = [1], strides = [1]} : vector<16xi32> to vector<1xi32>
    %squeeze3A_76 = vector.extract %slice3A_75[0] : i32 from vector<1xi32>
    %slice3A_77 = vector.extract_strided_slice %add3A_35 {offsets = [4], sizes = [1], strides = [1]} : vector<16xi32> to vector<1xi32>
    %squeeze3A_78 = vector.extract %slice3A_77[0] : i32 from vector<1xi32>
    %slice3A_79 = vector.extract_strided_slice %add3A_35 {offsets = [5], sizes = [1], strides = [1]} : vector<16xi32> to vector<1xi32>
    %squeeze3A_80 = vector.extract %slice3A_79[0] : i32 from vector<1xi32>
    %slice3A_81 = vector.extract_strided_slice %add3A_35 {offsets = [6], sizes = [1], strides = [1]} : vector<16xi32> to vector<1xi32>
    %squeeze3A_82 = vector.extract %slice3A_81[0] : i32 from vector<1xi32>
    %slice3A_83 = vector.extract_strided_slice %add3A_35 {offsets = [7], sizes = [1], strides = [1]} : vector<16xi32> to vector<1xi32>
    %squeeze3A_84 = vector.extract %slice3A_83[0] : i32 from vector<1xi32>
    %slice3A_85 = vector.extract_strided_slice %add3A_35 {offsets = [8], sizes = [1], strides = [1]} : vector<16xi32> to vector<1xi32>
    %squeeze3A_86 = vector.extract %slice3A_85[0] : i32 from vector<1xi32>
    %slice3A_87 = vector.extract_strided_slice %add3A_35 {offsets = [9], sizes = [1], strides = [1]} : vector<16xi32> to vector<1xi32>
    %squeeze3A_88 = vector.extract %slice3A_87[0] : i32 from vector<1xi32>
    %slice3A_89 = vector.extract_strided_slice %add3A_35 {offsets = [10], sizes = [1], strides = [1]} : vector<16xi32> to vector<1xi32>
    %squeeze3A_90 = vector.extract %slice3A_89[0] : i32 from vector<1xi32>
    %slice3A_91 = vector.extract_strided_slice %add3A_35 {offsets = [11], sizes = [1], strides = [1]} : vector<16xi32> to vector<1xi32>
    %squeeze3A_92 = vector.extract %slice3A_91[0] : i32 from vector<1xi32>
    %slice3A_93 = vector.extract_strided_slice %add3A_35 {offsets = [12], sizes = [1], strides = [1]} : vector<16xi32> to vector<1xi32>
    %squeeze3A_94 = vector.extract %slice3A_93[0] : i32 from vector<1xi32>
    %slice3A_95 = vector.extract_strided_slice %add3A_35 {offsets = [13], sizes = [1], strides = [1]} : vector<16xi32> to vector<1xi32>
    %squeeze3A_96 = vector.extract %slice3A_95[0] : i32 from vector<1xi32>
    %slice3A_97 = vector.extract_strided_slice %add3A_35 {offsets = [14], sizes = [1], strides = [1]} : vector<16xi32> to vector<1xi32>
    %squeeze3A_98 = vector.extract %slice3A_97[0] : i32 from vector<1xi32>
    %slice3A_99 = vector.extract_strided_slice %add3A_35 {offsets = [15], sizes = [1], strides = [1]} : vector<16xi32> to vector<1xi32>
    %squeeze3A_100 = vector.extract %slice3A_99[0] : i32 from vector<1xi32>
    %eq3A = arith.constant 0 : i32
    %eq3A_101 = arith.cmpi eq, %add3A, %eq3A : i32
    %convert_element_type3A = arith.extui %eq3A_101 : i1 to i32
    %cond3A = arith.constant 0 : i32
    %cond3A_102 = arith.cmpi ne, %convert_element_type3A, %cond3A : i32
    scf.if %cond3A_102 {
      %eq3A_109 = arith.constant 0 : i32
      %eq3A_110 = vector.broadcast %eq3A_109 : i32 to vector<16xi32>
      %eq3A_111 = arith.cmpi eq, %iota3A, %eq3A_110 : vector<16xi32>
      %jit3A = arith.constant 0 : i32
      %broadcast_in_dim3A_112 = vector.broadcast %add3A_32 : i32 to vector<16xi32>
      %broadcast_in_dim3A_113 = vector.broadcast %jit3A : i32 to vector<16xi32>
      %select_n3A = arith.select %eq3A_111, %broadcast_in_dim3A_112, %broadcast_in_dim3A_113 : vector<16xi1>, vector<16xi32>
      %swap3A_114 = arith.constant 0 : index
      %swap3A_115 = tpu.vector_load %arg20[%swap3A_114] {strides = array<i32>} : memref<16xi32, #tpu.memory_space<vmem>>, vector<16xi32>,
      tpu.vector_store %arg20[%swap3A_114], %select_n3A {strides = array<i32>} : memref<16xi32, #tpu.memory_space<vmem>>, vector<16xi32>,
      "tpu.region"() ({
        %run_scoped3A = tpu.sem_alloc : memref<!tpu.dma_semaphore, #tpu.memory_space<semaphore_mem>>
        tpu.enqueue_dma source(%arg20 : memref<16xi32, #tpu.memory_space<vmem>>) target(%arg11 : memref<16xi32, #tpu.memory_space<hbm>>) target_semaphore(%run_scoped3A : memref<!tpu.dma_semaphore, #tpu.memory_space<semaphore_mem>>)
        tpu.wait_dma2 semaphore(%run_scoped3A : memref<!tpu.dma_semaphore, #tpu.memory_space<semaphore_mem>>) src(%arg20 : memref<16xi32, #tpu.memory_space<vmem>>) dst(%arg11 : memref<16xi32, #tpu.memory_space<hbm>>)
        tpu.yield
      }) : () -> ()
    } else {
    }
    %scan3A = arith.constant 0 : i32
    %scan3A_103 = arith.constant 0 : i32
    %scan3A_104 = arith.constant 40 : i32
    %scan3A_105 = arith.addi %scan3A_103, %scan3A_104 : i32
    %scan3A_106 = arith.constant 1 : i32
    %scan3A_107 = scf.for %scan3A_109 = %scan3A_103 to %scan3A_105 step %scan3A_106 iter_args(%scan3A_110 = %scan3A) -> (i32)  : i32 {
      %mul3A_111 = arith.constant 5120 : i32
      %mul3A_112 = arith.muli %add3A, %mul3A_111 : i32
      %mul3A_113 = arith.constant 128 : i32
      %mul3A_114 = arith.muli %scan3A_109, %mul3A_113 : i32
      %add3A_115 = arith.addi %mul3A_112, %mul3A_114 : i32
      %add3A_116 = arith.constant 0 : i32
      %add3A_117 = arith.addi %add3A_115, %add3A_116 : i32
      %add3A_118 = vector.broadcast %add3A_117 : i32 to vector<16xi32>
      %add3A_119 = arith.addi %add3A_118, %iota3A : vector<16xi32>
      %sub3A_120 = arith.constant 1 : i32
      %sub3A_121 = vector.broadcast %sub3A_120 : i32 to vector<16xi32>
      %sub3A_122 = arith.subi %broadcast_in_dim3A_1, %sub3A_121 : vector<16xi32>
      %ge3A = vector.broadcast %squeeze3A : i32 to vector<16xi32>
      %ge3A_123 = arith.cmpi sge, %add3A_119, %ge3A : vector<16xi32>
      %convert_element_type3A_124 = arith.extui %ge3A_123 : vector<16xi1> to vector<16xi32>
      %add3A_125 = arith.addi %sub3A_122, %convert_element_type3A_124 : vector<16xi32>
      %ge3A_126 = vector.broadcast %squeeze3A_40 : i32 to vector<16xi32>
      %ge3A_127 = arith.cmpi sge, %add3A_119, %ge3A_126 : vector<16xi32>
      %convert_element_type3A_128 = arith.extui %ge3A_127 : vector<16xi1> to vector<16xi32>
      %add3A_129 = arith.addi %add3A_125, %convert_element_type3A_128 : vector<16xi32>
      %ge3A_130 = vector.broadcast %squeeze3A_42 : i32 to vector<16xi32>
      %ge3A_131 = arith.cmpi sge, %add3A_119, %ge3A_130 : vector<16xi32>
      %convert_element_type3A_132 = arith.extui %ge3A_131 : vector<16xi1> to vector<16xi32>
      %add3A_133 = arith.addi %add3A_129, %convert_element_type3A_132 : vector<16xi32>
      %ge3A_134 = vector.broadcast %squeeze3A_44 : i32 to vector<16xi32>
      %ge3A_135 = arith.cmpi sge, %add3A_119, %ge3A_134 : vector<16xi32>
      %convert_element_type3A_136 = arith.extui %ge3A_135 : vector<16xi1> to vector<16xi32>
      %add3A_137 = arith.addi %add3A_133, %convert_element_type3A_136 : vector<16xi32>
      %ge3A_138 = vector.broadcast %squeeze3A_46 : i32 to vector<16xi32>
      %ge3A_139 = arith.cmpi sge, %add3A_119, %ge3A_138 : vector<16xi32>
      %convert_element_type3A_140 = arith.extui %ge3A_139 : vector<16xi1> to vector<16xi32>
      %add3A_141 = arith.addi %add3A_137, %convert_element_type3A_140 : vector<16xi32>
      %ge3A_142 = vector.broadcast %squeeze3A_48 : i32 to vector<16xi32>
      %ge3A_143 = arith.cmpi sge, %add3A_119, %ge3A_142 : vector<16xi32>
      %convert_element_type3A_144 = arith.extui %ge3A_143 : vector<16xi1> to vector<16xi32>
      %add3A_145 = arith.addi %add3A_141, %convert_element_type3A_144 : vector<16xi32>
      %ge3A_146 = vector.broadcast %squeeze3A_50 : i32 to vector<16xi32>
      %ge3A_147 = arith.cmpi sge, %add3A_119, %ge3A_146 : vector<16xi32>
      %convert_element_type3A_148 = arith.extui %ge3A_147 : vector<16xi1> to vector<16xi32>
      %add3A_149 = arith.addi %add3A_145, %convert_element_type3A_148 : vector<16xi32>
      %ge3A_150 = vector.broadcast %squeeze3A_52 : i32 to vector<16xi32>
      %ge3A_151 = arith.cmpi sge, %add3A_119, %ge3A_150 : vector<16xi32>
      %convert_element_type3A_152 = arith.extui %ge3A_151 : vector<16xi1> to vector<16xi32>
      %add3A_153 = arith.addi %add3A_149, %convert_element_type3A_152 : vector<16xi32>
      %ge3A_154 = vector.broadcast %squeeze3A_54 : i32 to vector<16xi32>
      %ge3A_155 = arith.cmpi sge, %add3A_119, %ge3A_154 : vector<16xi32>
      %convert_element_type3A_156 = arith.extui %ge3A_155 : vector<16xi1> to vector<16xi32>
      %add3A_157 = arith.addi %add3A_153, %convert_element_type3A_156 : vector<16xi32>
      %ge3A_158 = vector.broadcast %squeeze3A_56 : i32 to vector<16xi32>
      %ge3A_159 = arith.cmpi sge, %add3A_119, %ge3A_158 : vector<16xi32>
      %convert_element_type3A_160 = arith.extui %ge3A_159 : vector<16xi1> to vector<16xi32>
      %add3A_161 = arith.addi %add3A_157, %convert_element_type3A_160 : vector<16xi32>
      %ge3A_162 = vector.broadcast %squeeze3A_58 : i32 to vector<16xi32>
      %ge3A_163 = arith.cmpi sge, %add3A_119, %ge3A_162 : vector<16xi32>
      %convert_element_type3A_164 = arith.extui %ge3A_163 : vector<16xi1> to vector<16xi32>
      %add3A_165 = arith.addi %add3A_161, %convert_element_type3A_164 : vector<16xi32>
      %ge3A_166 = vector.broadcast %squeeze3A_60 : i32 to vector<16xi32>
      %ge3A_167 = arith.cmpi sge, %add3A_119, %ge3A_166 : vector<16xi32>
      %convert_element_type3A_168 = arith.extui %ge3A_167 : vector<16xi1> to vector<16xi32>
      %add3A_169 = arith.addi %add3A_165, %convert_element_type3A_168 : vector<16xi32>
      %ge3A_170 = vector.broadcast %squeeze3A_62 : i32 to vector<16xi32>
      %ge3A_171 = arith.cmpi sge, %add3A_119, %ge3A_170 : vector<16xi32>
      %convert_element_type3A_172 = arith.extui %ge3A_171 : vector<16xi1> to vector<16xi32>
      %add3A_173 = arith.addi %add3A_169, %convert_element_type3A_172 : vector<16xi32>
      %ge3A_174 = vector.broadcast %squeeze3A_64 : i32 to vector<16xi32>
      %ge3A_175 = arith.cmpi sge, %add3A_119, %ge3A_174 : vector<16xi32>
      %convert_element_type3A_176 = arith.extui %ge3A_175 : vector<16xi1> to vector<16xi32>
      %add3A_177 = arith.addi %add3A_173, %convert_element_type3A_176 : vector<16xi32>
      %ge3A_178 = vector.broadcast %squeeze3A_66 : i32 to vector<16xi32>
      %ge3A_179 = arith.cmpi sge, %add3A_119, %ge3A_178 : vector<16xi32>
      %convert_element_type3A_180 = arith.extui %ge3A_179 : vector<16xi1> to vector<16xi32>
      %add3A_181 = arith.addi %add3A_177, %convert_element_type3A_180 : vector<16xi32>
      %ge3A_182 = vector.broadcast %squeeze3A_68 : i32 to vector<16xi32>
      %ge3A_183 = arith.cmpi sge, %add3A_119, %ge3A_182 : vector<16xi32>
      %convert_element_type3A_184 = arith.extui %ge3A_183 : vector<16xi1> to vector<16xi32>
      %add3A_185 = arith.addi %add3A_181, %convert_element_type3A_184 : vector<16xi32>
      %ge3A_186 = vector.broadcast %squeeze3A_70 : i32 to vector<16xi32>
      %ge3A_187 = arith.cmpi sge, %add3A_119, %ge3A_186 : vector<16xi32>
      %convert_element_type3A_188 = arith.extui %ge3A_187 : vector<16xi1> to vector<16xi32>
      %add3A_189 = arith.addi %add3A_185, %convert_element_type3A_188 : vector<16xi32>
      %ge3A_190 = vector.broadcast %squeeze3A_72 : i32 to vector<16xi32>
      %ge3A_191 = arith.cmpi sge, %add3A_119, %ge3A_190 : vector<16xi32>
      %convert_element_type3A_192 = arith.extui %ge3A_191 : vector<16xi1> to vector<16xi32>
      %add3A_193 = arith.addi %add3A_189, %convert_element_type3A_192 : vector<16xi32>
      %ge3A_194 = vector.broadcast %squeeze3A_74 : i32 to vector<16xi32>
      %ge3A_195 = arith.cmpi sge, %add3A_119, %ge3A_194 : vector<16xi32>
      %convert_element_type3A_196 = arith.extui %ge3A_195 : vector<16xi1> to vector<16xi32>
      %add3A_197 = arith.addi %add3A_193, %convert_element_type3A_196 : vector<16xi32>
      %ge3A_198 = vector.broadcast %squeeze3A_76 : i32 to vector<16xi32>
      %ge3A_199 = arith.cmpi sge, %add3A_119, %ge3A_198 : vector<16xi32>
      %convert_element_type3A_200 = arith.extui %ge3A_199 : vector<16xi1> to vector<16xi32>
      %add3A_201 = arith.addi %add3A_197, %convert_element_type3A_200 : vector<16xi32>
      %ge3A_202 = vector.broadcast %squeeze3A_78 : i32 to vector<16xi32>
      %ge3A_203 = arith.cmpi sge, %add3A_119, %ge3A_202 : vector<16xi32>
      %convert_element_type3A_204 = arith.extui %ge3A_203 : vector<16xi1> to vector<16xi32>
      %add3A_205 = arith.addi %add3A_201, %convert_element_type3A_204 : vector<16xi32>
      %ge3A_206 = vector.broadcast %squeeze3A_80 : i32 to vector<16xi32>
      %ge3A_207 = arith.cmpi sge, %add3A_119, %ge3A_206 : vector<16xi32>
      %convert_element_type3A_208 = arith.extui %ge3A_207 : vector<16xi1> to vector<16xi32>
      %add3A_209 = arith.addi %add3A_205, %convert_element_type3A_208 : vector<16xi32>
      %ge3A_210 = vector.broadcast %squeeze3A_82 : i32 to vector<16xi32>
      %ge3A_211 = arith.cmpi sge, %add3A_119, %ge3A_210 : vector<16xi32>
      %convert_element_type3A_212 = arith.extui %ge3A_211 : vector<16xi1> to vector<16xi32>
      %add3A_213 = arith.addi %add3A_209, %convert_element_type3A_212 : vector<16xi32>
      %ge3A_214 = vector.broadcast %squeeze3A_84 : i32 to vector<16xi32>
      %ge3A_215 = arith.cmpi sge, %add3A_119, %ge3A_214 : vector<16xi32>
      %convert_element_type3A_216 = arith.extui %ge3A_215 : vector<16xi1> to vector<16xi32>
      %add3A_217 = arith.addi %add3A_213, %convert_element_type3A_216 : vector<16xi32>
      %ge3A_218 = vector.broadcast %squeeze3A_86 : i32 to vector<16xi32>
      %ge3A_219 = arith.cmpi sge, %add3A_119, %ge3A_218 : vector<16xi32>
      %convert_element_type3A_220 = arith.extui %ge3A_219 : vector<16xi1> to vector<16xi32>
      %add3A_221 = arith.addi %add3A_217, %convert_element_type3A_220 : vector<16xi32>
      %ge3A_222 = vector.broadcast %squeeze3A_88 : i32 to vector<16xi32>
      %ge3A_223 = arith.cmpi sge, %add3A_119, %ge3A_222 : vector<16xi32>
      %convert_element_type3A_224 = arith.extui %ge3A_223 : vector<16xi1> to vector<16xi32>
      %add3A_225 = arith.addi %add3A_221, %convert_element_type3A_224 : vector<16xi32>
      %ge3A_226 = vector.broadcast %squeeze3A_90 : i32 to vector<16xi32>
      %ge3A_227 = arith.cmpi sge, %add3A_119, %ge3A_226 : vector<16xi32>
      %convert_element_type3A_228 = arith.extui %ge3A_227 : vector<16xi1> to vector<16xi32>
      %add3A_229 = arith.addi %add3A_225, %convert_element_type3A_228 : vector<16xi32>
      %ge3A_230 = vector.broadcast %squeeze3A_92 : i32 to vector<16xi32>
      %ge3A_231 = arith.cmpi sge, %add3A_119, %ge3A_230 : vector<16xi32>
      %convert_element_type3A_232 = arith.extui %ge3A_231 : vector<16xi1> to vector<16xi32>
      %add3A_233 = arith.addi %add3A_229, %convert_element_type3A_232 : vector<16xi32>
      %ge3A_234 = vector.broadcast %squeeze3A_94 : i32 to vector<16xi32>
      %ge3A_235 = arith.cmpi sge, %add3A_119, %ge3A_234 : vector<16xi32>
      %convert_element_type3A_236 = arith.extui %ge3A_235 : vector<16xi1> to vector<16xi32>
      %add3A_237 = arith.addi %add3A_233, %convert_element_type3A_236 : vector<16xi32>
      %ge3A_238 = vector.broadcast %squeeze3A_96 : i32 to vector<16xi32>
      %ge3A_239 = arith.cmpi sge, %add3A_119, %ge3A_238 : vector<16xi32>
      %convert_element_type3A_240 = arith.extui %ge3A_239 : vector<16xi1> to vector<16xi32>
      %add3A_241 = arith.addi %add3A_237, %convert_element_type3A_240 : vector<16xi32>
      %ge3A_242 = vector.broadcast %squeeze3A_98 : i32 to vector<16xi32>
      %ge3A_243 = arith.cmpi sge, %add3A_119, %ge3A_242 : vector<16xi32>
      %convert_element_type3A_244 = arith.extui %ge3A_243 : vector<16xi1> to vector<16xi32>
      %add3A_245 = arith.addi %add3A_241, %convert_element_type3A_244 : vector<16xi32>
      %ge3A_246 = vector.broadcast %squeeze3A_100 : i32 to vector<16xi32>
      %ge3A_247 = arith.cmpi sge, %add3A_119, %ge3A_246 : vector<16xi32>
      %convert_element_type3A_248 = arith.extui %ge3A_247 : vector<16xi1> to vector<16xi32>
      %add3A_249 = arith.addi %add3A_245, %convert_element_type3A_248 : vector<16xi32>
      %gather3A_250 = tpu.vector_load_idx %arg13[%add3A_249] : memref<32xi32, #tpu.memory_space<vmem>>[vector<16xi32>], vector<16xi32>,
      %sub3A_251 = arith.subi %add3A_119, %gather3A_250 : vector<16xi32>
      %mul3A_252 = arith.constant 178216 : i32
      %mul3A_253 = vector.broadcast %mul3A_252 : i32 to vector<16xi32>
      %mul3A_254 = arith.muli %add3A_249, %mul3A_253 : vector<16xi32>
      %add3A_255 = arith.addi %mul3A_254, %sub3A_251 : vector<16xi32>
      %lt3A = vector.broadcast %add3A_32 : i32 to vector<16xi32>
      %lt3A_256 = arith.cmpi slt, %add3A_119, %lt3A : vector<16xi32>
      %jit3A = arith.constant 0 : i32
      %broadcast_in_dim3A_257 = vector.broadcast %jit3A : i32 to vector<16xi32>
      %select_n3A = arith.select %lt3A_256, %add3A_255, %broadcast_in_dim3A_257 : vector<16xi1>, vector<16xi32>
      %swap3A_258 = arith.constant 0 : i32
      %swap3A_259 = arith.index_cast %swap3A_258 : i32 to index
      %swap3A_260 = arith.constant 0 : index
      %swap3A_261 = tpu.vector_load %arg14[%swap3A_259, %swap3A_260] {strides = array<i32>} : memref<1x128xi32, #tpu.memory_space<vmem>>, vector<16xi32>,
      tpu.vector_store %arg14[%swap3A_259, %swap3A_260], %select_n3A {strides = array<i32>} : memref<1x128xi32, #tpu.memory_space<vmem>>, vector<16xi32>,
      %add3A_262 = arith.constant 16 : i32
      %add3A_263 = arith.addi %add3A_115, %add3A_262 : i32
      %add3A_264 = vector.broadcast %add3A_263 : i32 to vector<16xi32>
      %add3A_265 = arith.addi %add3A_264, %iota3A : vector<16xi32>
      %sub3A_266 = arith.constant 1 : i32
      %sub3A_267 = vector.broadcast %sub3A_266 : i32 to vector<16xi32>
      %sub3A_268 = arith.subi %broadcast_in_dim3A_1, %sub3A_267 : vector<16xi32>
      %ge3A_269 = vector.broadcast %squeeze3A : i32 to vector<16xi32>
      %ge3A_270 = arith.cmpi sge, %add3A_265, %ge3A_269 : vector<16xi32>
      %convert_element_type3A_271 = arith.extui %ge3A_270 : vector<16xi1> to vector<16xi32>
      %add3A_272 = arith.addi %sub3A_268, %convert_element_type3A_271 : vector<16xi32>
      %ge3A_273 = vector.broadcast %squeeze3A_40 : i32 to vector<16xi32>
      %ge3A_274 = arith.cmpi sge, %add3A_265, %ge3A_273 : vector<16xi32>
      %convert_element_type3A_275 = arith.extui %ge3A_274 : vector<16xi1> to vector<16xi32>
      %add3A_276 = arith.addi %add3A_272, %convert_element_type3A_275 : vector<16xi32>
      %ge3A_277 = vector.broadcast %squeeze3A_42 : i32 to vector<16xi32>
      %ge3A_278 = arith.cmpi sge, %add3A_265, %ge3A_277 : vector<16xi32>
      %convert_element_type3A_279 = arith.extui %ge3A_278 : vector<16xi1> to vector<16xi32>
      %add3A_280 = arith.addi %add3A_276, %convert_element_type3A_279 : vector<16xi32>
      %ge3A_281 = vector.broadcast %squeeze3A_44 : i32 to vector<16xi32>
      %ge3A_282 = arith.cmpi sge, %add3A_265, %ge3A_281 : vector<16xi32>
      %convert_element_type3A_283 = arith.extui %ge3A_282 : vector<16xi1> to vector<16xi32>
      %add3A_284 = arith.addi %add3A_280, %convert_element_type3A_283 : vector<16xi32>
      %ge3A_285 = vector.broadcast %squeeze3A_46 : i32 to vector<16xi32>
      %ge3A_286 = arith.cmpi sge, %add3A_265, %ge3A_285 : vector<16xi32>
      %convert_element_type3A_287 = arith.extui %ge3A_286 : vector<16xi1> to vector<16xi32>
      %add3A_288 = arith.addi %add3A_284, %convert_element_type3A_287 : vector<16xi32>
      %ge3A_289 = vector.broadcast %squeeze3A_48 : i32 to vector<16xi32>
      %ge3A_290 = arith.cmpi sge, %add3A_265, %ge3A_289 : vector<16xi32>
      %convert_element_type3A_291 = arith.extui %ge3A_290 : vector<16xi1> to vector<16xi32>
      %add3A_292 = arith.addi %add3A_288, %convert_element_type3A_291 : vector<16xi32>
      %ge3A_293 = vector.broadcast %squeeze3A_50 : i32 to vector<16xi32>
      %ge3A_294 = arith.cmpi sge, %add3A_265, %ge3A_293 : vector<16xi32>
      %convert_element_type3A_295 = arith.extui %ge3A_294 : vector<16xi1> to vector<16xi32>
      %add3A_296 = arith.addi %add3A_292, %convert_element_type3A_295 : vector<16xi32>
      %ge3A_297 = vector.broadcast %squeeze3A_52 : i32 to vector<16xi32>
      %ge3A_298 = arith.cmpi sge, %add3A_265, %ge3A_297 : vector<16xi32>
      %convert_element_type3A_299 = arith.extui %ge3A_298 : vector<16xi1> to vector<16xi32>
      %add3A_300 = arith.addi %add3A_296, %convert_element_type3A_299 : vector<16xi32>
      %ge3A_301 = vector.broadcast %squeeze3A_54 : i32 to vector<16xi32>
      %ge3A_302 = arith.cmpi sge, %add3A_265, %ge3A_301 : vector<16xi32>
      %convert_element_type3A_303 = arith.extui %ge3A_302 : vector<16xi1> to vector<16xi32>
      %add3A_304 = arith.addi %add3A_300, %convert_element_type3A_303 : vector<16xi32>
      %ge3A_305 = vector.broadcast %squeeze3A_56 : i32 to vector<16xi32>
      %ge3A_306 = arith.cmpi sge, %add3A_265, %ge3A_305 : vector<16xi32>
      %convert_element_type3A_307 = arith.extui %ge3A_306 : vector<16xi1> to vector<16xi32>
      %add3A_308 = arith.addi %add3A_304, %convert_element_type3A_307 : vector<16xi32>
      %ge3A_309 = vector.broadcast %squeeze3A_58 : i32 to vector<16xi32>
      %ge3A_310 = arith.cmpi sge, %add3A_265, %ge3A_309 : vector<16xi32>
      %convert_element_type3A_311 = arith.extui %ge3A_310 : vector<16xi1> to vector<16xi32>
      %add3A_312 = arith.addi %add3A_308, %convert_element_type3A_311 : vector<16xi32>
      %ge3A_313 = vector.broadcast %squeeze3A_60 : i32 to vector<16xi32>
      %ge3A_314 = arith.cmpi sge, %add3A_265, %ge3A_313 : vector<16xi32>
      %convert_element_type3A_315 = arith.extui %ge3A_314 : vector<16xi1> to vector<16xi32>
      %add3A_316 = arith.addi %add3A_312, %convert_element_type3A_315 : vector<16xi32>
      %ge3A_317 = vector.broadcast %squeeze3A_62 : i32 to vector<16xi32>
      %ge3A_318 = arith.cmpi sge, %add3A_265, %ge3A_317 : vector<16xi32>
      %convert_element_type3A_319 = arith.extui %ge3A_318 : vector<16xi1> to vector<16xi32>
      %add3A_320 = arith.addi %add3A_316, %convert_element_type3A_319 : vector<16xi32>
      %ge3A_321 = vector.broadcast %squeeze3A_64 : i32 to vector<16xi32>
      %ge3A_322 = arith.cmpi sge, %add3A_265, %ge3A_321 : vector<16xi32>
      %convert_element_type3A_323 = arith.extui %ge3A_322 : vector<16xi1> to vector<16xi32>
      %add3A_324 = arith.addi %add3A_320, %convert_element_type3A_323 : vector<16xi32>
      %ge3A_325 = vector.broadcast %squeeze3A_66 : i32 to vector<16xi32>
      %ge3A_326 = arith.cmpi sge, %add3A_265, %ge3A_325 : vector<16xi32>
      %convert_element_type3A_327 = arith.extui %ge3A_326 : vector<16xi1> to vector<16xi32>
      %add3A_328 = arith.addi %add3A_324, %convert_element_type3A_327 : vector<16xi32>
      %ge3A_329 = vector.broadcast %squeeze3A_68 : i32 to vector<16xi32>
      %ge3A_330 = arith.cmpi sge, %add3A_265, %ge3A_329 : vector<16xi32>
      %convert_element_type3A_331 = arith.extui %ge3A_330 : vector<16xi1> to vector<16xi32>
      %add3A_332 = arith.addi %add3A_328, %convert_element_type3A_331 : vector<16xi32>
      %ge3A_333 = vector.broadcast %squeeze3A_70 : i32 to vector<16xi32>
      %ge3A_334 = arith.cmpi sge, %add3A_265, %ge3A_333 : vector<16xi32>
      %convert_element_type3A_335 = arith.extui %ge3A_334 : vector<16xi1> to vector<16xi32>
      %add3A_336 = arith.addi %add3A_332, %convert_element_type3A_335 : vector<16xi32>
      %ge3A_337 = vector.broadcast %squeeze3A_72 : i32 to vector<16xi32>
      %ge3A_338 = arith.cmpi sge, %add3A_265, %ge3A_337 : vector<16xi32>
      %convert_element_type3A_339 = arith.extui %ge3A_338 : vector<16xi1> to vector<16xi32>
      %add3A_340 = arith.addi %add3A_336, %convert_element_type3A_339 : vector<16xi32>
      %ge3A_341 = vector.broadcast %squeeze3A_74 : i32 to vector<16xi32>
      %ge3A_342 = arith.cmpi sge, %add3A_265, %ge3A_341 : vector<16xi32>
      %convert_element_type3A_343 = arith.extui %ge3A_342 : vector<16xi1> to vector<16xi32>
      %add3A_344 = arith.addi %add3A_340, %convert_element_type3A_343 : vector<16xi32>
      %ge3A_345 = vector.broadcast %squeeze3A_76 : i32 to vector<16xi32>
      %ge3A_346 = arith.cmpi sge, %add3A_265, %ge3A_345 : vector<16xi32>
      %convert_element_type3A_347 = arith.extui %ge3A_346 : vector<16xi1> to vector<16xi32>
      %add3A_348 = arith.addi %add3A_344, %convert_element_type3A_347 : vector<16xi32>
      %ge3A_349 = vector.broadcast %squeeze3A_78 : i32 to vector<16xi32>
      %ge3A_350 = arith.cmpi sge, %add3A_265, %ge3A_349 : vector<16xi32>
      %convert_element_type3A_351 = arith.extui %ge3A_350 : vector<16xi1> to vector<16xi32>
      %add3A_352 = arith.addi %add3A_348, %convert_element_type3A_351 : vector<16xi32>
      %ge3A_353 = vector.broadcast %squeeze3A_80 : i32 to vector<16xi32>
      %ge3A_354 = arith.cmpi sge, %add3A_265, %ge3A_353 : vector<16xi32>
      %convert_element_type3A_355 = arith.extui %ge3A_354 : vector<16xi1> to vector<16xi32>
      %add3A_356 = arith.addi %add3A_352, %convert_element_type3A_355 : vector<16xi32>
      %ge3A_357 = vector.broadcast %squeeze3A_82 : i32 to vector<16xi32>
      %ge3A_358 = arith.cmpi sge, %add3A_265, %ge3A_357 : vector<16xi32>
      %convert_element_type3A_359 = arith.extui %ge3A_358 : vector<16xi1> to vector<16xi32>
      %add3A_360 = arith.addi %add3A_356, %convert_element_type3A_359 : vector<16xi32>
      %ge3A_361 = vector.broadcast %squeeze3A_84 : i32 to vector<16xi32>
      %ge3A_362 = arith.cmpi sge, %add3A_265, %ge3A_361 : vector<16xi32>
      %convert_element_type3A_363 = arith.extui %ge3A_362 : vector<16xi1> to vector<16xi32>
      %add3A_364 = arith.addi %add3A_360, %convert_element_type3A_363 : vector<16xi32>
      %ge3A_365 = vector.broadcast %squeeze3A_86 : i32 to vector<16xi32>
      %ge3A_366 = arith.cmpi sge, %add3A_265, %ge3A_365 : vector<16xi32>
      %convert_element_type3A_367 = arith.extui %ge3A_366 : vector<16xi1> to vector<16xi32>
      %add3A_368 = arith.addi %add3A_364, %convert_element_type3A_367 : vector<16xi32>
      %ge3A_369 = vector.broadcast %squeeze3A_88 : i32 to vector<16xi32>
      %ge3A_370 = arith.cmpi sge, %add3A_265, %ge3A_369 : vector<16xi32>
      %convert_element_type3A_371 = arith.extui %ge3A_370 : vector<16xi1> to vector<16xi32>
      %add3A_372 = arith.addi %add3A_368, %convert_element_type3A_371 : vector<16xi32>
      %ge3A_373 = vector.broadcast %squeeze3A_90 : i32 to vector<16xi32>
      %ge3A_374 = arith.cmpi sge, %add3A_265, %ge3A_373 : vector<16xi32>
      %convert_element_type3A_375 = arith.extui %ge3A_374 : vector<16xi1> to vector<16xi32>
      %add3A_376 = arith.addi %add3A_372, %convert_element_type3A_375 : vector<16xi32>
      %ge3A_377 = vector.broadcast %squeeze3A_92 : i32 to vector<16xi32>
      %ge3A_378 = arith.cmpi sge, %add3A_265, %ge3A_377 : vector<16xi32>
      %convert_element_type3A_379 = arith.extui %ge3A_378 : vector<16xi1> to vector<16xi32>
      %add3A_380 = arith.addi %add3A_376, %convert_element_type3A_379 : vector<16xi32>
      %ge3A_381 = vector.broadcast %squeeze3A_94 : i32 to vector<16xi32>
      %ge3A_382 = arith.cmpi sge, %add3A_265, %ge3A_381 : vector<16xi32>
      %convert_element_type3A_383 = arith.extui %ge3A_382 : vector<16xi1> to vector<16xi32>
      %add3A_384 = arith.addi %add3A_380, %convert_element_type3A_383 : vector<16xi32>
      %ge3A_385 = vector.broadcast %squeeze3A_96 : i32 to vector<16xi32>
      %ge3A_386 = arith.cmpi sge, %add3A_265, %ge3A_385 : vector<16xi32>
      %convert_element_type3A_387 = arith.extui %ge3A_386 : vector<16xi1> to vector<16xi32>
      %add3A_388 = arith.addi %add3A_384, %convert_element_type3A_387 : vector<16xi32>
      %ge3A_389 = vector.broadcast %squeeze3A_98 : i32 to vector<16xi32>
      %ge3A_390 = arith.cmpi sge, %add3A_265, %ge3A_389 : vector<16xi32>
      %convert_element_type3A_391 = arith.extui %ge3A_390 : vector<16xi1> to vector<16xi32>
      %add3A_392 = arith.addi %add3A_388, %convert_element_type3A_391 : vector<16xi32>
      %ge3A_393 = vector.broadcast %squeeze3A_100 : i32 to vector<16xi32>
      %ge3A_394 = arith.cmpi sge, %add3A_265, %ge3A_393 : vector<16xi32>
      %convert_element_type3A_395 = arith.extui %ge3A_394 : vector<16xi1> to vector<16xi32>
      %add3A_396 = arith.addi %add3A_392, %convert_element_type3A_395 : vector<16xi32>
      %gather3A_397 = tpu.vector_load_idx %arg13[%add3A_396] : memref<32xi32, #tpu.memory_space<vmem>>[vector<16xi32>], vector<16xi32>,
      %sub3A_398 = arith.subi %add3A_265, %gather3A_397 : vector<16xi32>
      %mul3A_399 = arith.constant 178216 : i32
      %mul3A_400 = vector.broadcast %mul3A_399 : i32 to vector<16xi32>
      %mul3A_401 = arith.muli %add3A_396, %mul3A_400 : vector<16xi32>
      %add3A_402 = arith.addi %mul3A_401, %sub3A_398 : vector<16xi32>
      %lt3A_403 = vector.broadcast %add3A_32 : i32 to vector<16xi32>
      %lt3A_404 = arith.cmpi slt, %add3A_265, %lt3A_403 : vector<16xi32>
      %jit3A_405 = arith.constant 0 : i32
      %broadcast_in_dim3A_406 = vector.broadcast %jit3A_405 : i32 to vector<16xi32>
      %select_n3A_407 = arith.select %lt3A_404, %add3A_402, %broadcast_in_dim3A_406 : vector<16xi1>, vector<16xi32>
      %swap3A_408 = arith.constant 0 : i32
      %swap3A_409 = arith.index_cast %swap3A_408 : i32 to index
      %swap3A_410 = arith.constant 16 : index
      %swap3A_411 = tpu.vector_load %arg14[%swap3A_409, %swap3A_410] {strides = array<i32>} : memref<1x128xi32, #tpu.memory_space<vmem>>, vector<16xi32>,
      tpu.vector_store %arg14[%swap3A_409, %swap3A_410], %select_n3A_407 {strides = array<i32>} : memref<1x128xi32, #tpu.memory_space<vmem>>, vector<16xi32>,
      %add3A_412 = arith.constant 32 : i32
      %add3A_413 = arith.addi %add3A_115, %add3A_412 : i32
      %add3A_414 = vector.broadcast %add3A_413 : i32 to vector<16xi32>
      %add3A_415 = arith.addi %add3A_414, %iota3A : vector<16xi32>
      %sub3A_416 = arith.constant 1 : i32
      %sub3A_417 = vector.broadcast %sub3A_416 : i32 to vector<16xi32>
      %sub3A_418 = arith.subi %broadcast_in_dim3A_1, %sub3A_417 : vector<16xi32>
      %ge3A_419 = vector.broadcast %squeeze3A : i32 to vector<16xi32>
      %ge3A_420 = arith.cmpi sge, %add3A_415, %ge3A_419 : vector<16xi32>
      %convert_element_type3A_421 = arith.extui %ge3A_420 : vector<16xi1> to vector<16xi32>
      %add3A_422 = arith.addi %sub3A_418, %convert_element_type3A_421 : vector<16xi32>
      %ge3A_423 = vector.broadcast %squeeze3A_40 : i32 to vector<16xi32>
      %ge3A_424 = arith.cmpi sge, %add3A_415, %ge3A_423 : vector<16xi32>
      %convert_element_type3A_425 = arith.extui %ge3A_424 : vector<16xi1> to vector<16xi32>
      %add3A_426 = arith.addi %add3A_422, %convert_element_type3A_425 : vector<16xi32>
      %ge3A_427 = vector.broadcast %squeeze3A_42 : i32 to vector<16xi32>
      %ge3A_428 = arith.cmpi sge, %add3A_415, %ge3A_427 : vector<16xi32>
      %convert_element_type3A_429 = arith.extui %ge3A_428 : vector<16xi1> to vector<16xi32>
      %add3A_430 = arith.addi %add3A_426, %convert_element_type3A_429 : vector<16xi32>
      %ge3A_431 = vector.broadcast %squeeze3A_44 : i32 to vector<16xi32>
      %ge3A_432 = arith.cmpi sge, %add3A_415, %ge3A_431 : vector<16xi32>
      %convert_element_type3A_433 = arith.extui %ge3A_432 : vector<16xi1> to vector<16xi32>
      %add3A_434 = arith.addi %add3A_430, %convert_element_type3A_433 : vector<16xi32>
      %ge3A_435 = vector.broadcast %squeeze3A_46 : i32 to vector<16xi32>
      %ge3A_436 = arith.cmpi sge, %add3A_415, %ge3A_435 : vector<16xi32>
      %convert_element_type3A_437 = arith.extui %ge3A_436 : vector<16xi1> to vector<16xi32>
      %add3A_438 = arith.addi %add3A_434, %convert_element_type3A_437 : vector<16xi32>
      %ge3A_439 = vector.broadcast %squeeze3A_48 : i32 to vector<16xi32>
      %ge3A_440 = arith.cmpi sge, %add3A_415, %ge3A_439 : vector<16xi32>
      %convert_element_type3A_441 = arith.extui %ge3A_440 : vector<16xi1> to vector<16xi32>
      %add3A_442 = arith.addi %add3A_438, %convert_element_type3A_441 : vector<16xi32>
      %ge3A_443 = vector.broadcast %squeeze3A_50 : i32 to vector<16xi32>
      %ge3A_444 = arith.cmpi sge, %add3A_415, %ge3A_443 : vector<16xi32>
      %convert_element_type3A_445 = arith.extui %ge3A_444 : vector<16xi1> to vector<16xi32>
      %add3A_446 = arith.addi %add3A_442, %convert_element_type3A_445 : vector<16xi32>
      %ge3A_447 = vector.broadcast %squeeze3A_52 : i32 to vector<16xi32>
      %ge3A_448 = arith.cmpi sge, %add3A_415, %ge3A_447 : vector<16xi32>
      %convert_element_type3A_449 = arith.extui %ge3A_448 : vector<16xi1> to vector<16xi32>
      %add3A_450 = arith.addi %add3A_446, %convert_element_type3A_449 : vector<16xi32>
      %ge3A_451 = vector.broadcast %squeeze3A_54 : i32 to vector<16xi32>
      %ge3A_452 = arith.cmpi sge, %add3A_415, %ge3A_451 : vector<16xi32>
      %convert_element_type3A_453 = arith.extui %ge3A_452 : vector<16xi1> to vector<16xi32>
      %add3A_454 = arith.addi %add3A_450, %convert_element_type3A_453 : vector<16xi32>
      %ge3A_455 = vector.broadcast %squeeze3A_56 : i32 to vector<16xi32>
      %ge3A_456 = arith.cmpi sge, %add3A_415, %ge3A_455 : vector<16xi32>
      %convert_element_type3A_457 = arith.extui %ge3A_456 : vector<16xi1> to vector<16xi32>
      %add3A_458 = arith.addi %add3A_454, %convert_element_type3A_457 : vector<16xi32>
      %ge3A_459 = vector.broadcast %squeeze3A_58 : i32 to vector<16xi32>
      %ge3A_460 = arith.cmpi sge, %add3A_415, %ge3A_459 : vector<16xi32>
      %convert_element_type3A_461 = arith.extui %ge3A_460 : vector<16xi1> to vector<16xi32>
      %add3A_462 = arith.addi %add3A_458, %convert_element_type3A_461 : vector<16xi32>
      %ge3A_463 = vector.broadcast %squeeze3A_60 : i32 to vector<16xi32>
      %ge3A_464 = arith.cmpi sge, %add3A_415, %ge3A_463 : vector<16xi32>
      %convert_element_type3A_465 = arith.extui %ge3A_464 : vector<16xi1> to vector<16xi32>
      %add3A_466 = arith.addi %add3A_462, %convert_element_type3A_465 : vector<16xi32>
      %ge3A_467 = vector.broadcast %squeeze3A_62 : i32 to vector<16xi32>
      %ge3A_468 = arith.cmpi sge, %add3A_415, %ge3A_467 : vector<16xi32>
      %convert_element_type3A_469 = arith.extui %ge3A_468 : vector<16xi1> to vector<16xi32>
      %add3A_470 = arith.addi %add3A_466, %convert_element_type3A_469 : vector<16xi32>
      %ge3A_471 = vector.broadcast %squeeze3A_64 : i32 to vector<16xi32>
      %ge3A_472 = arith.cmpi sge, %add3A_415, %ge3A_471 : vector<16xi32>
      %convert_element_type3A_473 = arith.extui %ge3A_472 : vector<16xi1> to vector<16xi32>
      %add3A_474 = arith.addi %add3A_470, %convert_element_type3A_473 : vector<16xi32>
      %ge3A_475 = vector.broadcast %squeeze3A_66 : i32 to vector<16xi32>
      %ge3A_476 = arith.cmpi sge, %add3A_415, %ge3A_475 : vector<16xi32>
      %convert_element_type3A_477 = arith.extui %ge3A_476 : vector<16xi1> to vector<16xi32>
      %add3A_478 = arith.addi %add3A_474, %convert_element_type3A_477 : vector<16xi32>
      %ge3A_479 = vector.broadcast %squeeze3A_68 : i32 to vector<16xi32>
      %ge3A_480 = arith.cmpi sge, %add3A_415, %ge3A_479 : vector<16xi32>
      %convert_element_type3A_481 = arith.extui %ge3A_480 : vector<16xi1> to vector<16xi32>
      %add3A_482 = arith.addi %add3A_478, %convert_element_type3A_481 : vector<16xi32>
      %ge3A_483 = vector.broadcast %squeeze3A_70 : i32 to vector<16xi32>
      %ge3A_484 = arith.cmpi sge, %add3A_415, %ge3A_483 : vector<16xi32>
      %convert_element_type3A_485 = arith.extui %ge3A_484 : vector<16xi1> to vector<16xi32>
      %add3A_486 = arith.addi %add3A_482, %convert_element_type3A_485 : vector<16xi32>
      %ge3A_487 = vector.broadcast %squeeze3A_72 : i32 to vector<16xi32>
      %ge3A_488 = arith.cmpi sge, %add3A_415, %ge3A_487 : vector<16xi32>
      %convert_element_type3A_489 = arith.extui %ge3A_488 : vector<16xi1> to vector<16xi32>
      %add3A_490 = arith.addi %add3A_486, %convert_element_type3A_489 : vector<16xi32>
      %ge3A_491 = vector.broadcast %squeeze3A_74 : i32 to vector<16xi32>
      %ge3A_492 = arith.cmpi sge, %add3A_415, %ge3A_491 : vector<16xi32>
      %convert_element_type3A_493 = arith.extui %ge3A_492 : vector<16xi1> to vector<16xi32>
      %add3A_494 = arith.addi %add3A_490, %convert_element_type3A_493 : vector<16xi32>
      %ge3A_495 = vector.broadcast %squeeze3A_76 : i32 to vector<16xi32>
      %ge3A_496 = arith.cmpi sge, %add3A_415, %ge3A_495 : vector<16xi32>
      %convert_element_type3A_497 = arith.extui %ge3A_496 : vector<16xi1> to vector<16xi32>
      %add3A_498 = arith.addi %add3A_494, %convert_element_type3A_497 : vector<16xi32>
      %ge3A_499 = vector.broadcast %squeeze3A_78 : i32 to vector<16xi32>
      %ge3A_500 = arith.cmpi sge, %add3A_415, %ge3A_499 : vector<16xi32>
      %convert_element_type3A_501 = arith.extui %ge3A_500 : vector<16xi1> to vector<16xi32>
      %add3A_502 = arith.addi %add3A_498, %convert_element_type3A_501 : vector<16xi32>
      %ge3A_503 = vector.broadcast %squeeze3A_80 : i32 to vector<16xi32>
      %ge3A_504 = arith.cmpi sge, %add3A_415, %ge3A_503 : vector<16xi32>
      %convert_element_type3A_505 = arith.extui %ge3A_504 : vector<16xi1> to vector<16xi32>
      %add3A_506 = arith.addi %add3A_502, %convert_element_type3A_505 : vector<16xi32>
      %ge3A_507 = vector.broadcast %squeeze3A_82 : i32 to vector<16xi32>
      %ge3A_508 = arith.cmpi sge, %add3A_415, %ge3A_507 : vector<16xi32>
      %convert_element_type3A_509 = arith.extui %ge3A_508 : vector<16xi1> to vector<16xi32>
      %add3A_510 = arith.addi %add3A_506, %convert_element_type3A_509 : vector<16xi32>
      %ge3A_511 = vector.broadcast %squeeze3A_84 : i32 to vector<16xi32>
      %ge3A_512 = arith.cmpi sge, %add3A_415, %ge3A_511 : vector<16xi32>
      %convert_element_type3A_513 = arith.extui %ge3A_512 : vector<16xi1> to vector<16xi32>
      %add3A_514 = arith.addi %add3A_510, %convert_element_type3A_513 : vector<16xi32>
      %ge3A_515 = vector.broadcast %squeeze3A_86 : i32 to vector<16xi32>
      %ge3A_516 = arith.cmpi sge, %add3A_415, %ge3A_515 : vector<16xi32>
      %convert_element_type3A_517 = arith.extui %ge3A_516 : vector<16xi1> to vector<16xi32>
      %add3A_518 = arith.addi %add3A_514, %convert_element_type3A_517 : vector<16xi32>
      %ge3A_519 = vector.broadcast %squeeze3A_88 : i32 to vector<16xi32>
      %ge3A_520 = arith.cmpi sge, %add3A_415, %ge3A_519 : vector<16xi32>
      %convert_element_type3A_521 = arith.extui %ge3A_520 : vector<16xi1> to vector<16xi32>
      %add3A_522 = arith.addi %add3A_518, %convert_element_type3A_521 : vector<16xi32>
      %ge3A_523 = vector.broadcast %squeeze3A_90 : i32 to vector<16xi32>
      %ge3A_524 = arith.cmpi sge, %add3A_415, %ge3A_523 : vector<16xi32>
      %convert_element_type3A_525 = arith.extui %ge3A_524 : vector<16xi1> to vector<16xi32>
      %add3A_526 = arith.addi %add3A_522, %convert_element_type3A_525 : vector<16xi32>
      %ge3A_527 = vector.broadcast %squeeze3A_92 : i32 to vector<16xi32>
      %ge3A_528 = arith.cmpi sge, %add3A_415, %ge3A_527 : vector<16xi32>
      %convert_element_type3A_529 = arith.extui %ge3A_528 : vector<16xi1> to vector<16xi32>
      %add3A_530 = arith.addi %add3A_526, %convert_element_type3A_529 : vector<16xi32>
      %ge3A_531 = vector.broadcast %squeeze3A_94 : i32 to vector<16xi32>
      %ge3A_532 = arith.cmpi sge, %add3A_415, %ge3A_531 : vector<16xi32>
      %convert_element_type3A_533 = arith.extui %ge3A_532 : vector<16xi1> to vector<16xi32>
      %add3A_534 = arith.addi %add3A_530, %convert_element_type3A_533 : vector<16xi32>
      %ge3A_535 = vector.broadcast %squeeze3A_96 : i32 to vector<16xi32>
      %ge3A_536 = arith.cmpi sge, %add3A_415, %ge3A_535 : vector<16xi32>
      %convert_element_type3A_537 = arith.extui %ge3A_536 : vector<16xi1> to vector<16xi32>
      %add3A_538 = arith.addi %add3A_534, %convert_element_type3A_537 : vector<16xi32>
      %ge3A_539 = vector.broadcast %squeeze3A_98 : i32 to vector<16xi32>
      %ge3A_540 = arith.cmpi sge, %add3A_415, %ge3A_539 : vector<16xi32>
      %convert_element_type3A_541 = arith.extui %ge3A_540 : vector<16xi1> to vector<16xi32>
      %add3A_542 = arith.addi %add3A_538, %convert_element_type3A_541 : vector<16xi32>
      %ge3A_543 = vector.broadcast %squeeze3A_100 : i32 to vector<16xi32>
      %ge3A_544 = arith.cmpi sge, %add3A_415, %ge3A_543 : vector<16xi32>
      %convert_element_type3A_545 = arith.extui %ge3A_544 : vector<16xi1> to vector<16xi32>
      %add3A_546 = arith.addi %add3A_542, %convert_element_type3A_545 : vector<16xi32>
      %gather3A_547 = tpu.vector_load_idx %arg13[%add3A_546] : memref<32xi32, #tpu.memory_space<vmem>>[vector<16xi32>], vector<16xi32>,
      %sub3A_548 = arith.subi %add3A_415, %gather3A_547 : vector<16xi32>
      %mul3A_549 = arith.constant 178216 : i32
      %mul3A_550 = vector.broadcast %mul3A_549 : i32 to vector<16xi32>
      %mul3A_551 = arith.muli %add3A_546, %mul3A_550 : vector<16xi32>
      %add3A_552 = arith.addi %mul3A_551, %sub3A_548 : vector<16xi32>
      %lt3A_553 = vector.broadcast %add3A_32 : i32 to vector<16xi32>
      %lt3A_554 = arith.cmpi slt, %add3A_415, %lt3A_553 : vector<16xi32>
      %jit3A_555 = arith.constant 0 : i32
      %broadcast_in_dim3A_556 = vector.broadcast %jit3A_555 : i32 to vector<16xi32>
      %select_n3A_557 = arith.select %lt3A_554, %add3A_552, %broadcast_in_dim3A_556 : vector<16xi1>, vector<16xi32>
      %swap3A_558 = arith.constant 0 : i32
      %swap3A_559 = arith.index_cast %swap3A_558 : i32 to index
      %swap3A_560 = arith.constant 32 : index
      %swap3A_561 = tpu.vector_load %arg14[%swap3A_559, %swap3A_560] {strides = array<i32>} : memref<1x128xi32, #tpu.memory_space<vmem>>, vector<16xi32>,
      tpu.vector_store %arg14[%swap3A_559, %swap3A_560], %select_n3A_557 {strides = array<i32>} : memref<1x128xi32, #tpu.memory_space<vmem>>, vector<16xi32>,
      %add3A_562 = arith.constant 48 : i32
      %add3A_563 = arith.addi %add3A_115, %add3A_562 : i32
      %add3A_564 = vector.broadcast %add3A_563 : i32 to vector<16xi32>
      %add3A_565 = arith.addi %add3A_564, %iota3A : vector<16xi32>
      %sub3A_566 = arith.constant 1 : i32
      %sub3A_567 = vector.broadcast %sub3A_566 : i32 to vector<16xi32>
      %sub3A_568 = arith.subi %broadcast_in_dim3A_1, %sub3A_567 : vector<16xi32>
      %ge3A_569 = vector.broadcast %squeeze3A : i32 to vector<16xi32>
      %ge3A_570 = arith.cmpi sge, %add3A_565, %ge3A_569 : vector<16xi32>
      %convert_element_type3A_571 = arith.extui %ge3A_570 : vector<16xi1> to vector<16xi32>
      %add3A_572 = arith.addi %sub3A_568, %convert_element_type3A_571 : vector<16xi32>
      %ge3A_573 = vector.broadcast %squeeze3A_40 : i32 to vector<16xi32>
      %ge3A_574 = arith.cmpi sge, %add3A_565, %ge3A_573 : vector<16xi32>
      %convert_element_type3A_575 = arith.extui %ge3A_574 : vector<16xi1> to vector<16xi32>
      %add3A_576 = arith.addi %add3A_572, %convert_element_type3A_575 : vector<16xi32>
      %ge3A_577 = vector.broadcast %squeeze3A_42 : i32 to vector<16xi32>
      %ge3A_578 = arith.cmpi sge, %add3A_565, %ge3A_577 : vector<16xi32>
      %convert_element_type3A_579 = arith.extui %ge3A_578 : vector<16xi1> to vector<16xi32>
      %add3A_580 = arith.addi %add3A_576, %convert_element_type3A_579 : vector<16xi32>
      %ge3A_581 = vector.broadcast %squeeze3A_44 : i32 to vector<16xi32>
      %ge3A_582 = arith.cmpi sge, %add3A_565, %ge3A_581 : vector<16xi32>
      %convert_element_type3A_583 = arith.extui %ge3A_582 : vector<16xi1> to vector<16xi32>
      %add3A_584 = arith.addi %add3A_580, %convert_element_type3A_583 : vector<16xi32>
      %ge3A_585 = vector.broadcast %squeeze3A_46 : i32 to vector<16xi32>
      %ge3A_586 = arith.cmpi sge, %add3A_565, %ge3A_585 : vector<16xi32>
      %convert_element_type3A_587 = arith.extui %ge3A_586 : vector<16xi1> to vector<16xi32>
      %add3A_588 = arith.addi %add3A_584, %convert_element_type3A_587 : vector<16xi32>
      %ge3A_589 = vector.broadcast %squeeze3A_48 : i32 to vector<16xi32>
      %ge3A_590 = arith.cmpi sge, %add3A_565, %ge3A_589 : vector<16xi32>
      %convert_element_type3A_591 = arith.extui %ge3A_590 : vector<16xi1> to vector<16xi32>
      %add3A_592 = arith.addi %add3A_588, %convert_element_type3A_591 : vector<16xi32>
      %ge3A_593 = vector.broadcast %squeeze3A_50 : i32 to vector<16xi32>
      %ge3A_594 = arith.cmpi sge, %add3A_565, %ge3A_593 : vector<16xi32>
      %convert_element_type3A_595 = arith.extui %ge3A_594 : vector<16xi1> to vector<16xi32>
      %add3A_596 = arith.addi %add3A_592, %convert_element_type3A_595 : vector<16xi32>
      %ge3A_597 = vector.broadcast %squeeze3A_52 : i32 to vector<16xi32>
      %ge3A_598 = arith.cmpi sge, %add3A_565, %ge3A_597 : vector<16xi32>
      %convert_element_type3A_599 = arith.extui %ge3A_598 : vector<16xi1> to vector<16xi32>
      %add3A_600 = arith.addi %add3A_596, %convert_element_type3A_599 : vector<16xi32>
      %ge3A_601 = vector.broadcast %squeeze3A_54 : i32 to vector<16xi32>
      %ge3A_602 = arith.cmpi sge, %add3A_565, %ge3A_601 : vector<16xi32>
      %convert_element_type3A_603 = arith.extui %ge3A_602 : vector<16xi1> to vector<16xi32>
      %add3A_604 = arith.addi %add3A_600, %convert_element_type3A_603 : vector<16xi32>
      %ge3A_605 = vector.broadcast %squeeze3A_56 : i32 to vector<16xi32>
      %ge3A_606 = arith.cmpi sge, %add3A_565, %ge3A_605 : vector<16xi32>
      %convert_element_type3A_607 = arith.extui %ge3A_606 : vector<16xi1> to vector<16xi32>
      %add3A_608 = arith.addi %add3A_604, %convert_element_type3A_607 : vector<16xi32>
      %ge3A_609 = vector.broadcast %squeeze3A_58 : i32 to vector<16xi32>
      %ge3A_610 = arith.cmpi sge, %add3A_565, %ge3A_609 : vector<16xi32>
      %convert_element_type3A_611 = arith.extui %ge3A_610 : vector<16xi1> to vector<16xi32>
      %add3A_612 = arith.addi %add3A_608, %convert_element_type3A_611 : vector<16xi32>
      %ge3A_613 = vector.broadcast %squeeze3A_60 : i32 to vector<16xi32>
      %ge3A_614 = arith.cmpi sge, %add3A_565, %ge3A_613 : vector<16xi32>
      %convert_element_type3A_615 = arith.extui %ge3A_614 : vector<16xi1> to vector<16xi32>
      %add3A_616 = arith.addi %add3A_612, %convert_element_type3A_615 : vector<16xi32>
      %ge3A_617 = vector.broadcast %squeeze3A_62 : i32 to vector<16xi32>
      %ge3A_618 = arith.cmpi sge, %add3A_565, %ge3A_617 : vector<16xi32>
      %convert_element_type3A_619 = arith.extui %ge3A_618 : vector<16xi1> to vector<16xi32>
      %add3A_620 = arith.addi %add3A_616, %convert_element_type3A_619 : vector<16xi32>
      %ge3A_621 = vector.broadcast %squeeze3A_64 : i32 to vector<16xi32>
      %ge3A_622 = arith.cmpi sge, %add3A_565, %ge3A_621 : vector<16xi32>
      %convert_element_type3A_623 = arith.extui %ge3A_622 : vector<16xi1> to vector<16xi32>
      %add3A_624 = arith.addi %add3A_620, %convert_element_type3A_623 : vector<16xi32>
      %ge3A_625 = vector.broadcast %squeeze3A_66 : i32 to vector<16xi32>
      %ge3A_626 = arith.cmpi sge, %add3A_565, %ge3A_625 : vector<16xi32>
      %convert_element_type3A_627 = arith.extui %ge3A_626 : vector<16xi1> to vector<16xi32>
      %add3A_628 = arith.addi %add3A_624, %convert_element_type3A_627 : vector<16xi32>
      %ge3A_629 = vector.broadcast %squeeze3A_68 : i32 to vector<16xi32>
      %ge3A_630 = arith.cmpi sge, %add3A_565, %ge3A_629 : vector<16xi32>
      %convert_element_type3A_631 = arith.extui %ge3A_630 : vector<16xi1> to vector<16xi32>
      %add3A_632 = arith.addi %add3A_628, %convert_element_type3A_631 : vector<16xi32>
      %ge3A_633 = vector.broadcast %squeeze3A_70 : i32 to vector<16xi32>
      %ge3A_634 = arith.cmpi sge, %add3A_565, %ge3A_633 : vector<16xi32>
      %convert_element_type3A_635 = arith.extui %ge3A_634 : vector<16xi1> to vector<16xi32>
      %add3A_636 = arith.addi %add3A_632, %convert_element_type3A_635 : vector<16xi32>
      %ge3A_637 = vector.broadcast %squeeze3A_72 : i32 to vector<16xi32>
      %ge3A_638 = arith.cmpi sge, %add3A_565, %ge3A_637 : vector<16xi32>
      %convert_element_type3A_639 = arith.extui %ge3A_638 : vector<16xi1> to vector<16xi32>
      %add3A_640 = arith.addi %add3A_636, %convert_element_type3A_639 : vector<16xi32>
      %ge3A_641 = vector.broadcast %squeeze3A_74 : i32 to vector<16xi32>
      %ge3A_642 = arith.cmpi sge, %add3A_565, %ge3A_641 : vector<16xi32>
      %convert_element_type3A_643 = arith.extui %ge3A_642 : vector<16xi1> to vector<16xi32>
      %add3A_644 = arith.addi %add3A_640, %convert_element_type3A_643 : vector<16xi32>
      %ge3A_645 = vector.broadcast %squeeze3A_76 : i32 to vector<16xi32>
      %ge3A_646 = arith.cmpi sge, %add3A_565, %ge3A_645 : vector<16xi32>
      %convert_element_type3A_647 = arith.extui %ge3A_646 : vector<16xi1> to vector<16xi32>
      %add3A_648 = arith.addi %add3A_644, %convert_element_type3A_647 : vector<16xi32>
      %ge3A_649 = vector.broadcast %squeeze3A_78 : i32 to vector<16xi32>
      %ge3A_650 = arith.cmpi sge, %add3A_565, %ge3A_649 : vector<16xi32>
      %convert_element_type3A_651 = arith.extui %ge3A_650 : vector<16xi1> to vector<16xi32>
      %add3A_652 = arith.addi %add3A_648, %convert_element_type3A_651 : vector<16xi32>
      %ge3A_653 = vector.broadcast %squeeze3A_80 : i32 to vector<16xi32>
      %ge3A_654 = arith.cmpi sge, %add3A_565, %ge3A_653 : vector<16xi32>
      %convert_element_type3A_655 = arith.extui %ge3A_654 : vector<16xi1> to vector<16xi32>
      %add3A_656 = arith.addi %add3A_652, %convert_element_type3A_655 : vector<16xi32>
      %ge3A_657 = vector.broadcast %squeeze3A_82 : i32 to vector<16xi32>
      %ge3A_658 = arith.cmpi sge, %add3A_565, %ge3A_657 : vector<16xi32>
      %convert_element_type3A_659 = arith.extui %ge3A_658 : vector<16xi1> to vector<16xi32>
      %add3A_660 = arith.addi %add3A_656, %convert_element_type3A_659 : vector<16xi32>
      %ge3A_661 = vector.broadcast %squeeze3A_84 : i32 to vector<16xi32>
      %ge3A_662 = arith.cmpi sge, %add3A_565, %ge3A_661 : vector<16xi32>
      %convert_element_type3A_663 = arith.extui %ge3A_662 : vector<16xi1> to vector<16xi32>
      %add3A_664 = arith.addi %add3A_660, %convert_element_type3A_663 : vector<16xi32>
      %ge3A_665 = vector.broadcast %squeeze3A_86 : i32 to vector<16xi32>
      %ge3A_666 = arith.cmpi sge, %add3A_565, %ge3A_665 : vector<16xi32>
      %convert_element_type3A_667 = arith.extui %ge3A_666 : vector<16xi1> to vector<16xi32>
      %add3A_668 = arith.addi %add3A_664, %convert_element_type3A_667 : vector<16xi32>
      %ge3A_669 = vector.broadcast %squeeze3A_88 : i32 to vector<16xi32>
      %ge3A_670 = arith.cmpi sge, %add3A_565, %ge3A_669 : vector<16xi32>
      %convert_element_type3A_671 = arith.extui %ge3A_670 : vector<16xi1> to vector<16xi32>
      %add3A_672 = arith.addi %add3A_668, %convert_element_type3A_671 : vector<16xi32>
      %ge3A_673 = vector.broadcast %squeeze3A_90 : i32 to vector<16xi32>
      %ge3A_674 = arith.cmpi sge, %add3A_565, %ge3A_673 : vector<16xi32>
      %convert_element_type3A_675 = arith.extui %ge3A_674 : vector<16xi1> to vector<16xi32>
      %add3A_676 = arith.addi %add3A_672, %convert_element_type3A_675 : vector<16xi32>
      %ge3A_677 = vector.broadcast %squeeze3A_92 : i32 to vector<16xi32>
      %ge3A_678 = arith.cmpi sge, %add3A_565, %ge3A_677 : vector<16xi32>
      %convert_element_type3A_679 = arith.extui %ge3A_678 : vector<16xi1> to vector<16xi32>
      %add3A_680 = arith.addi %add3A_676, %convert_element_type3A_679 : vector<16xi32>
      %ge3A_681 = vector.broadcast %squeeze3A_94 : i32 to vector<16xi32>
      %ge3A_682 = arith.cmpi sge, %add3A_565, %ge3A_681 : vector<16xi32>
      %convert_element_type3A_683 = arith.extui %ge3A_682 : vector<16xi1> to vector<16xi32>
      %add3A_684 = arith.addi %add3A_680, %convert_element_type3A_683 : vector<16xi32>
      %ge3A_685 = vector.broadcast %squeeze3A_96 : i32 to vector<16xi32>
      %ge3A_686 = arith.cmpi sge, %add3A_565, %ge3A_685 : vector<16xi32>
      %convert_element_type3A_687 = arith.extui %ge3A_686 : vector<16xi1> to vector<16xi32>
      %add3A_688 = arith.addi %add3A_684, %convert_element_type3A_687 : vector<16xi32>
      %ge3A_689 = vector.broadcast %squeeze3A_98 : i32 to vector<16xi32>
      %ge3A_690 = arith.cmpi sge, %add3A_565, %ge3A_689 : vector<16xi32>
      %convert_element_type3A_691 = arith.extui %ge3A_690 : vector<16xi1> to vector<16xi32>
      %add3A_692 = arith.addi %add3A_688, %convert_element_type3A_691 : vector<16xi32>
      %ge3A_693 = vector.broadcast %squeeze3A_100 : i32 to vector<16xi32>
      %ge3A_694 = arith.cmpi sge, %add3A_565, %ge3A_693 : vector<16xi32>
      %convert_element_type3A_695 = arith.extui %ge3A_694 : vector<16xi1> to vector<16xi32>
      %add3A_696 = arith.addi %add3A_692, %convert_element_type3A_695 : vector<16xi32>
      %gather3A_697 = tpu.vector_load_idx %arg13[%add3A_696] : memref<32xi32, #tpu.memory_space<vmem>>[vector<16xi32>], vector<16xi32>,
      %sub3A_698 = arith.subi %add3A_565, %gather3A_697 : vector<16xi32>
      %mul3A_699 = arith.constant 178216 : i32
      %mul3A_700 = vector.broadcast %mul3A_699 : i32 to vector<16xi32>
      %mul3A_701 = arith.muli %add3A_696, %mul3A_700 : vector<16xi32>
      %add3A_702 = arith.addi %mul3A_701, %sub3A_698 : vector<16xi32>
      %lt3A_703 = vector.broadcast %add3A_32 : i32 to vector<16xi32>
      %lt3A_704 = arith.cmpi slt, %add3A_565, %lt3A_703 : vector<16xi32>
      %jit3A_705 = arith.constant 0 : i32
      %broadcast_in_dim3A_706 = vector.broadcast %jit3A_705 : i32 to vector<16xi32>
      %select_n3A_707 = arith.select %lt3A_704, %add3A_702, %broadcast_in_dim3A_706 : vector<16xi1>, vector<16xi32>
      %swap3A_708 = arith.constant 0 : i32
      %swap3A_709 = arith.index_cast %swap3A_708 : i32 to index
      %swap3A_710 = arith.constant 48 : index
      %swap3A_711 = tpu.vector_load %arg14[%swap3A_709, %swap3A_710] {strides = array<i32>} : memref<1x128xi32, #tpu.memory_space<vmem>>, vector<16xi32>,
      tpu.vector_store %arg14[%swap3A_709, %swap3A_710], %select_n3A_707 {strides = array<i32>} : memref<1x128xi32, #tpu.memory_space<vmem>>, vector<16xi32>,
      %add3A_712 = arith.constant 64 : i32
      %add3A_713 = arith.addi %add3A_115, %add3A_712 : i32
      %add3A_714 = vector.broadcast %add3A_713 : i32 to vector<16xi32>
      %add3A_715 = arith.addi %add3A_714, %iota3A : vector<16xi32>
      %sub3A_716 = arith.constant 1 : i32
      %sub3A_717 = vector.broadcast %sub3A_716 : i32 to vector<16xi32>
      %sub3A_718 = arith.subi %broadcast_in_dim3A_1, %sub3A_717 : vector<16xi32>
      %ge3A_719 = vector.broadcast %squeeze3A : i32 to vector<16xi32>
      %ge3A_720 = arith.cmpi sge, %add3A_715, %ge3A_719 : vector<16xi32>
      %convert_element_type3A_721 = arith.extui %ge3A_720 : vector<16xi1> to vector<16xi32>
      %add3A_722 = arith.addi %sub3A_718, %convert_element_type3A_721 : vector<16xi32>
      %ge3A_723 = vector.broadcast %squeeze3A_40 : i32 to vector<16xi32>
      %ge3A_724 = arith.cmpi sge, %add3A_715, %ge3A_723 : vector<16xi32>
      %convert_element_type3A_725 = arith.extui %ge3A_724 : vector<16xi1> to vector<16xi32>
      %add3A_726 = arith.addi %add3A_722, %convert_element_type3A_725 : vector<16xi32>
      %ge3A_727 = vector.broadcast %squeeze3A_42 : i32 to vector<16xi32>
      %ge3A_728 = arith.cmpi sge, %add3A_715, %ge3A_727 : vector<16xi32>
      %convert_element_type3A_729 = arith.extui %ge3A_728 : vector<16xi1> to vector<16xi32>
      %add3A_730 = arith.addi %add3A_726, %convert_element_type3A_729 : vector<16xi32>
      %ge3A_731 = vector.broadcast %squeeze3A_44 : i32 to vector<16xi32>
      %ge3A_732 = arith.cmpi sge, %add3A_715, %ge3A_731 : vector<16xi32>
      %convert_element_type3A_733 = arith.extui %ge3A_732 : vector<16xi1> to vector<16xi32>
      %add3A_734 = arith.addi %add3A_730, %convert_element_type3A_733 : vector<16xi32>
      %ge3A_735 = vector.broadcast %squeeze3A_46 : i32 to vector<16xi32>
      %ge3A_736 = arith.cmpi sge, %add3A_715, %ge3A_735 : vector<16xi32>
      %convert_element_type3A_737 = arith.extui %ge3A_736 : vector<16xi1> to vector<16xi32>
      %add3A_738 = arith.addi %add3A_734, %convert_element_type3A_737 : vector<16xi32>
      %ge3A_739 = vector.broadcast %squeeze3A_48 : i32 to vector<16xi32>
      %ge3A_740 = arith.cmpi sge, %add3A_715, %ge3A_739 : vector<16xi32>
      %convert_element_type3A_741 = arith.extui %ge3A_740 : vector<16xi1> to vector<16xi32>
      %add3A_742 = arith.addi %add3A_738, %convert_element_type3A_741 : vector<16xi32>
      %ge3A_743 = vector.broadcast %squeeze3A_50 : i32 to vector<16xi32>
      %ge3A_744 = arith.cmpi sge, %add3A_715, %ge3A_743 : vector<16xi32>
      %convert_element_type3A_745 = arith.extui %ge3A_744 : vector<16xi1> to vector<16xi32>
      %add3A_746 = arith.addi %add3A_742, %convert_element_type3A_745 : vector<16xi32>
      %ge3A_747 = vector.broadcast %squeeze3A_52 : i32 to vector<16xi32>
      %ge3A_748 = arith.cmpi sge, %add3A_715, %ge3A_747 : vector<16xi32>
      %convert_element_type3A_749 = arith.extui %ge3A_748 : vector<16xi1> to vector<16xi32>
      %add3A_750 = arith.addi %add3A_746, %convert_element_type3A_749 : vector<16xi32>
      %ge3A_751 = vector.broadcast %squeeze3A_54 : i32 to vector<16xi32>
      %ge3A_752 = arith.cmpi sge, %add3A_715, %ge3A_751 : vector<16xi32>
      %convert_element_type3A_753 = arith.extui %ge3A_752 : vector<16xi1> to vector<16xi32>
      %add3A_754 = arith.addi %add3A_750, %convert_element_type3A_753 : vector<16xi32>
      %ge3A_755 = vector.broadcast %squeeze3A_56 : i32 to vector<16xi32>
      %ge3A_756 = arith.cmpi sge, %add3A_715, %ge3A_755 : vector<16xi32>
      %convert_element_type3A_757 = arith.extui %ge3A_756 : vector<16xi1> to vector<16xi32>
      %add3A_758 = arith.addi %add3A_754, %convert_element_type3A_757 : vector<16xi32>
      %ge3A_759 = vector.broadcast %squeeze3A_58 : i32 to vector<16xi32>
      %ge3A_760 = arith.cmpi sge, %add3A_715, %ge3A_759 : vector<16xi32>
      %convert_element_type3A_761 = arith.extui %ge3A_760 : vector<16xi1> to vector<16xi32>
      %add3A_762 = arith.addi %add3A_758, %convert_element_type3A_761 : vector<16xi32>
      %ge3A_763 = vector.broadcast %squeeze3A_60 : i32 to vector<16xi32>
      %ge3A_764 = arith.cmpi sge, %add3A_715, %ge3A_763 : vector<16xi32>
      %convert_element_type3A_765 = arith.extui %ge3A_764 : vector<16xi1> to vector<16xi32>
      %add3A_766 = arith.addi %add3A_762, %convert_element_type3A_765 : vector<16xi32>
      %ge3A_767 = vector.broadcast %squeeze3A_62 : i32 to vector<16xi32>
      %ge3A_768 = arith.cmpi sge, %add3A_715, %ge3A_767 : vector<16xi32>
      %convert_element_type3A_769 = arith.extui %ge3A_768 : vector<16xi1> to vector<16xi32>
      %add3A_770 = arith.addi %add3A_766, %convert_element_type3A_769 : vector<16xi32>
      %ge3A_771 = vector.broadcast %squeeze3A_64 : i32 to vector<16xi32>
      %ge3A_772 = arith.cmpi sge, %add3A_715, %ge3A_771 : vector<16xi32>
      %convert_element_type3A_773 = arith.extui %ge3A_772 : vector<16xi1> to vector<16xi32>
      %add3A_774 = arith.addi %add3A_770, %convert_element_type3A_773 : vector<16xi32>
      %ge3A_775 = vector.broadcast %squeeze3A_66 : i32 to vector<16xi32>
      %ge3A_776 = arith.cmpi sge, %add3A_715, %ge3A_775 : vector<16xi32>
      %convert_element_type3A_777 = arith.extui %ge3A_776 : vector<16xi1> to vector<16xi32>
      %add3A_778 = arith.addi %add3A_774, %convert_element_type3A_777 : vector<16xi32>
      %ge3A_779 = vector.broadcast %squeeze3A_68 : i32 to vector<16xi32>
      %ge3A_780 = arith.cmpi sge, %add3A_715, %ge3A_779 : vector<16xi32>
      %convert_element_type3A_781 = arith.extui %ge3A_780 : vector<16xi1> to vector<16xi32>
      %add3A_782 = arith.addi %add3A_778, %convert_element_type3A_781 : vector<16xi32>
      %ge3A_783 = vector.broadcast %squeeze3A_70 : i32 to vector<16xi32>
      %ge3A_784 = arith.cmpi sge, %add3A_715, %ge3A_783 : vector<16xi32>
      %convert_element_type3A_785 = arith.extui %ge3A_784 : vector<16xi1> to vector<16xi32>
      %add3A_786 = arith.addi %add3A_782, %convert_element_type3A_785 : vector<16xi32>
      %ge3A_787 = vector.broadcast %squeeze3A_72 : i32 to vector<16xi32>
      %ge3A_788 = arith.cmpi sge, %add3A_715, %ge3A_787 : vector<16xi32>
      %convert_element_type3A_789 = arith.extui %ge3A_788 : vector<16xi1> to vector<16xi32>
      %add3A_790 = arith.addi %add3A_786, %convert_element_type3A_789 : vector<16xi32>
      %ge3A_791 = vector.broadcast %squeeze3A_74 : i32 to vector<16xi32>
      %ge3A_792 = arith.cmpi sge, %add3A_715, %ge3A_791 : vector<16xi32>
      %convert_element_type3A_793 = arith.extui %ge3A_792 : vector<16xi1> to vector<16xi32>
      %add3A_794 = arith.addi %add3A_790, %convert_element_type3A_793 : vector<16xi32>
      %ge3A_795 = vector.broadcast %squeeze3A_76 : i32 to vector<16xi32>
      %ge3A_796 = arith.cmpi sge, %add3A_715, %ge3A_795 : vector<16xi32>
      %convert_element_type3A_797 = arith.extui %ge3A_796 : vector<16xi1> to vector<16xi32>
      %add3A_798 = arith.addi %add3A_794, %convert_element_type3A_797 : vector<16xi32>
      %ge3A_799 = vector.broadcast %squeeze3A_78 : i32 to vector<16xi32>
      %ge3A_800 = arith.cmpi sge, %add3A_715, %ge3A_799 : vector<16xi32>
      %convert_element_type3A_801 = arith.extui %ge3A_800 : vector<16xi1> to vector<16xi32>
      %add3A_802 = arith.addi %add3A_798, %convert_element_type3A_801 : vector<16xi32>
      %ge3A_803 = vector.broadcast %squeeze3A_80 : i32 to vector<16xi32>
      %ge3A_804 = arith.cmpi sge, %add3A_715, %ge3A_803 : vector<16xi32>
      %convert_element_type3A_805 = arith.extui %ge3A_804 : vector<16xi1> to vector<16xi32>
      %add3A_806 = arith.addi %add3A_802, %convert_element_type3A_805 : vector<16xi32>
      %ge3A_807 = vector.broadcast %squeeze3A_82 : i32 to vector<16xi32>
      %ge3A_808 = arith.cmpi sge, %add3A_715, %ge3A_807 : vector<16xi32>
      %convert_element_type3A_809 = arith.extui %ge3A_808 : vector<16xi1> to vector<16xi32>
      %add3A_810 = arith.addi %add3A_806, %convert_element_type3A_809 : vector<16xi32>
      %ge3A_811 = vector.broadcast %squeeze3A_84 : i32 to vector<16xi32>
      %ge3A_812 = arith.cmpi sge, %add3A_715, %ge3A_811 : vector<16xi32>
      %convert_element_type3A_813 = arith.extui %ge3A_812 : vector<16xi1> to vector<16xi32>
      %add3A_814 = arith.addi %add3A_810, %convert_element_type3A_813 : vector<16xi32>
      %ge3A_815 = vector.broadcast %squeeze3A_86 : i32 to vector<16xi32>
      %ge3A_816 = arith.cmpi sge, %add3A_715, %ge3A_815 : vector<16xi32>
      %convert_element_type3A_817 = arith.extui %ge3A_816 : vector<16xi1> to vector<16xi32>
      %add3A_818 = arith.addi %add3A_814, %convert_element_type3A_817 : vector<16xi32>
      %ge3A_819 = vector.broadcast %squeeze3A_88 : i32 to vector<16xi32>
      %ge3A_820 = arith.cmpi sge, %add3A_715, %ge3A_819 : vector<16xi32>
      %convert_element_type3A_821 = arith.extui %ge3A_820 : vector<16xi1> to vector<16xi32>
      %add3A_822 = arith.addi %add3A_818, %convert_element_type3A_821 : vector<16xi32>
      %ge3A_823 = vector.broadcast %squeeze3A_90 : i32 to vector<16xi32>
      %ge3A_824 = arith.cmpi sge, %add3A_715, %ge3A_823 : vector<16xi32>
      %convert_element_type3A_825 = arith.extui %ge3A_824 : vector<16xi1> to vector<16xi32>
      %add3A_826 = arith.addi %add3A_822, %convert_element_type3A_825 : vector<16xi32>
      %ge3A_827 = vector.broadcast %squeeze3A_92 : i32 to vector<16xi32>
      %ge3A_828 = arith.cmpi sge, %add3A_715, %ge3A_827 : vector<16xi32>
      %convert_element_type3A_829 = arith.extui %ge3A_828 : vector<16xi1> to vector<16xi32>
      %add3A_830 = arith.addi %add3A_826, %convert_element_type3A_829 : vector<16xi32>
      %ge3A_831 = vector.broadcast %squeeze3A_94 : i32 to vector<16xi32>
      %ge3A_832 = arith.cmpi sge, %add3A_715, %ge3A_831 : vector<16xi32>
      %convert_element_type3A_833 = arith.extui %ge3A_832 : vector<16xi1> to vector<16xi32>
      %add3A_834 = arith.addi %add3A_830, %convert_element_type3A_833 : vector<16xi32>
      %ge3A_835 = vector.broadcast %squeeze3A_96 : i32 to vector<16xi32>
      %ge3A_836 = arith.cmpi sge, %add3A_715, %ge3A_835 : vector<16xi32>
      %convert_element_type3A_837 = arith.extui %ge3A_836 : vector<16xi1> to vector<16xi32>
      %add3A_838 = arith.addi %add3A_834, %convert_element_type3A_837 : vector<16xi32>
      %ge3A_839 = vector.broadcast %squeeze3A_98 : i32 to vector<16xi32>
      %ge3A_840 = arith.cmpi sge, %add3A_715, %ge3A_839 : vector<16xi32>
      %convert_element_type3A_841 = arith.extui %ge3A_840 : vector<16xi1> to vector<16xi32>
      %add3A_842 = arith.addi %add3A_838, %convert_element_type3A_841 : vector<16xi32>
      %ge3A_843 = vector.broadcast %squeeze3A_100 : i32 to vector<16xi32>
      %ge3A_844 = arith.cmpi sge, %add3A_715, %ge3A_843 : vector<16xi32>
      %convert_element_type3A_845 = arith.extui %ge3A_844 : vector<16xi1> to vector<16xi32>
      %add3A_846 = arith.addi %add3A_842, %convert_element_type3A_845 : vector<16xi32>
      %gather3A_847 = tpu.vector_load_idx %arg13[%add3A_846] : memref<32xi32, #tpu.memory_space<vmem>>[vector<16xi32>], vector<16xi32>,
      %sub3A_848 = arith.subi %add3A_715, %gather3A_847 : vector<16xi32>
      %mul3A_849 = arith.constant 178216 : i32
      %mul3A_850 = vector.broadcast %mul3A_849 : i32 to vector<16xi32>
      %mul3A_851 = arith.muli %add3A_846, %mul3A_850 : vector<16xi32>
      %add3A_852 = arith.addi %mul3A_851, %sub3A_848 : vector<16xi32>
      %lt3A_853 = vector.broadcast %add3A_32 : i32 to vector<16xi32>
      %lt3A_854 = arith.cmpi slt, %add3A_715, %lt3A_853 : vector<16xi32>
      %jit3A_855 = arith.constant 0 : i32
      %broadcast_in_dim3A_856 = vector.broadcast %jit3A_855 : i32 to vector<16xi32>
      %select_n3A_857 = arith.select %lt3A_854, %add3A_852, %broadcast_in_dim3A_856 : vector<16xi1>, vector<16xi32>
      %swap3A_858 = arith.constant 0 : i32
      %swap3A_859 = arith.index_cast %swap3A_858 : i32 to index
      %swap3A_860 = arith.constant 64 : index
      %swap3A_861 = tpu.vector_load %arg14[%swap3A_859, %swap3A_860] {strides = array<i32>} : memref<1x128xi32, #tpu.memory_space<vmem>>, vector<16xi32>,
      tpu.vector_store %arg14[%swap3A_859, %swap3A_860], %select_n3A_857 {strides = array<i32>} : memref<1x128xi32, #tpu.memory_space<vmem>>, vector<16xi32>,
      %add3A_862 = arith.constant 80 : i32
      %add3A_863 = arith.addi %add3A_115, %add3A_862 : i32
      %add3A_864 = vector.broadcast %add3A_863 : i32 to vector<16xi32>
      %add3A_865 = arith.addi %add3A_864, %iota3A : vector<16xi32>
      %sub3A_866 = arith.constant 1 : i32
      %sub3A_867 = vector.broadcast %sub3A_866 : i32 to vector<16xi32>
      %sub3A_868 = arith.subi %broadcast_in_dim3A_1, %sub3A_867 : vector<16xi32>
      %ge3A_869 = vector.broadcast %squeeze3A : i32 to vector<16xi32>
      %ge3A_870 = arith.cmpi sge, %add3A_865, %ge3A_869 : vector<16xi32>
      %convert_element_type3A_871 = arith.extui %ge3A_870 : vector<16xi1> to vector<16xi32>
      %add3A_872 = arith.addi %sub3A_868, %convert_element_type3A_871 : vector<16xi32>
      %ge3A_873 = vector.broadcast %squeeze3A_40 : i32 to vector<16xi32>
      %ge3A_874 = arith.cmpi sge, %add3A_865, %ge3A_873 : vector<16xi32>
      %convert_element_type3A_875 = arith.extui %ge3A_874 : vector<16xi1> to vector<16xi32>
      %add3A_876 = arith.addi %add3A_872, %convert_element_type3A_875 : vector<16xi32>
      %ge3A_877 = vector.broadcast %squeeze3A_42 : i32 to vector<16xi32>
      %ge3A_878 = arith.cmpi sge, %add3A_865, %ge3A_877 : vector<16xi32>
      %convert_element_type3A_879 = arith.extui %ge3A_878 : vector<16xi1> to vector<16xi32>
      %add3A_880 = arith.addi %add3A_876, %convert_element_type3A_879 : vector<16xi32>
      %ge3A_881 = vector.broadcast %squeeze3A_44 : i32 to vector<16xi32>
      %ge3A_882 = arith.cmpi sge, %add3A_865, %ge3A_881 : vector<16xi32>
      %convert_element_type3A_883 = arith.extui %ge3A_882 : vector<16xi1> to vector<16xi32>
      %add3A_884 = arith.addi %add3A_880, %convert_element_type3A_883 : vector<16xi32>
      %ge3A_885 = vector.broadcast %squeeze3A_46 : i32 to vector<16xi32>
      %ge3A_886 = arith.cmpi sge, %add3A_865, %ge3A_885 : vector<16xi32>
      %convert_element_type3A_887 = arith.extui %ge3A_886 : vector<16xi1> to vector<16xi32>
      %add3A_888 = arith.addi %add3A_884, %convert_element_type3A_887 : vector<16xi32>
      %ge3A_889 = vector.broadcast %squeeze3A_48 : i32 to vector<16xi32>
      %ge3A_890 = arith.cmpi sge, %add3A_865, %ge3A_889 : vector<16xi32>
      %convert_element_type3A_891 = arith.extui %ge3A_890 : vector<16xi1> to vector<16xi32>
      %add3A_892 = arith.addi %add3A_888, %convert_element_type3A_891 : vector<16xi32>
      %ge3A_893 = vector.broadcast %squeeze3A_50 : i32 to vector<16xi32>
      %ge3A_894 = arith.cmpi sge, %add3A_865, %ge3A_893 : vector<16xi32>
      %convert_element_type3A_895 = arith.extui %ge3A_894 : vector<16xi1> to vector<16xi32>
      %add3A_896 = arith.addi %add3A_892, %convert_element_type3A_895 : vector<16xi32>
      %ge3A_897 = vector.broadcast %squeeze3A_52 : i32 to vector<16xi32>
      %ge3A_898 = arith.cmpi sge, %add3A_865, %ge3A_897 : vector<16xi32>
      %convert_element_type3A_899 = arith.extui %ge3A_898 : vector<16xi1> to vector<16xi32>
      %add3A_900 = arith.addi %add3A_896, %convert_element_type3A_899 : vector<16xi32>
      %ge3A_901 = vector.broadcast %squeeze3A_54 : i32 to vector<16xi32>
      %ge3A_902 = arith.cmpi sge, %add3A_865, %ge3A_901 : vector<16xi32>
      %convert_element_type3A_903 = arith.extui %ge3A_902 : vector<16xi1> to vector<16xi32>
      %add3A_904 = arith.addi %add3A_900, %convert_element_type3A_903 : vector<16xi32>
      %ge3A_905 = vector.broadcast %squeeze3A_56 : i32 to vector<16xi32>
      %ge3A_906 = arith.cmpi sge, %add3A_865, %ge3A_905 : vector<16xi32>
      %convert_element_type3A_907 = arith.extui %ge3A_906 : vector<16xi1> to vector<16xi32>
      %add3A_908 = arith.addi %add3A_904, %convert_element_type3A_907 : vector<16xi32>
      %ge3A_909 = vector.broadcast %squeeze3A_58 : i32 to vector<16xi32>
      %ge3A_910 = arith.cmpi sge, %add3A_865, %ge3A_909 : vector<16xi32>
      %convert_element_type3A_911 = arith.extui %ge3A_910 : vector<16xi1> to vector<16xi32>
      %add3A_912 = arith.addi %add3A_908, %convert_element_type3A_911 : vector<16xi32>
      %ge3A_913 = vector.broadcast %squeeze3A_60 : i32 to vector<16xi32>
      %ge3A_914 = arith.cmpi sge, %add3A_865, %ge3A_913 : vector<16xi32>
      %convert_element_type3A_915 = arith.extui %ge3A_914 : vector<16xi1> to vector<16xi32>
      %add3A_916 = arith.addi %add3A_912, %convert_element_type3A_915 : vector<16xi32>
      %ge3A_917 = vector.broadcast %squeeze3A_62 : i32 to vector<16xi32>
      %ge3A_918 = arith.cmpi sge, %add3A_865, %ge3A_917 : vector<16xi32>
      %convert_element_type3A_919 = arith.extui %ge3A_918 : vector<16xi1> to vector<16xi32>
      %add3A_920 = arith.addi %add3A_916, %convert_element_type3A_919 : vector<16xi32>
      %ge3A_921 = vector.broadcast %squeeze3A_64 : i32 to vector<16xi32>
      %ge3A_922 = arith.cmpi sge, %add3A_865, %ge3A_921 : vector<16xi32>
      %convert_element_type3A_923 = arith.extui %ge3A_922 : vector<16xi1> to vector<16xi32>
      %add3A_924 = arith.addi %add3A_920, %convert_element_type3A_923 : vector<16xi32>
      %ge3A_925 = vector.broadcast %squeeze3A_66 : i32 to vector<16xi32>
      %ge3A_926 = arith.cmpi sge, %add3A_865, %ge3A_925 : vector<16xi32>
      %convert_element_type3A_927 = arith.extui %ge3A_926 : vector<16xi1> to vector<16xi32>
      %add3A_928 = arith.addi %add3A_924, %convert_element_type3A_927 : vector<16xi32>
      %ge3A_929 = vector.broadcast %squeeze3A_68 : i32 to vector<16xi32>
      %ge3A_930 = arith.cmpi sge, %add3A_865, %ge3A_929 : vector<16xi32>
      %convert_element_type3A_931 = arith.extui %ge3A_930 : vector<16xi1> to vector<16xi32>
      %add3A_932 = arith.addi %add3A_928, %convert_element_type3A_931 : vector<16xi32>
      %ge3A_933 = vector.broadcast %squeeze3A_70 : i32 to vector<16xi32>
      %ge3A_934 = arith.cmpi sge, %add3A_865, %ge3A_933 : vector<16xi32>
      %convert_element_type3A_935 = arith.extui %ge3A_934 : vector<16xi1> to vector<16xi32>
      %add3A_936 = arith.addi %add3A_932, %convert_element_type3A_935 : vector<16xi32>
      %ge3A_937 = vector.broadcast %squeeze3A_72 : i32 to vector<16xi32>
      %ge3A_938 = arith.cmpi sge, %add3A_865, %ge3A_937 : vector<16xi32>
      %convert_element_type3A_939 = arith.extui %ge3A_938 : vector<16xi1> to vector<16xi32>
      %add3A_940 = arith.addi %add3A_936, %convert_element_type3A_939 : vector<16xi32>
      %ge3A_941 = vector.broadcast %squeeze3A_74 : i32 to vector<16xi32>
      %ge3A_942 = arith.cmpi sge, %add3A_865, %ge3A_941 : vector<16xi32>
      %convert_element_type3A_943 = arith.extui %ge3A_942 : vector<16xi1> to vector<16xi32>
      %add3A_944 = arith.addi %add3A_940, %convert_element_type3A_943 : vector<16xi32>
      %ge3A_945 = vector.broadcast %squeeze3A_76 : i32 to vector<16xi32>
      %ge3A_946 = arith.cmpi sge, %add3A_865, %ge3A_945 : vector<16xi32>
      %convert_element_type3A_947 = arith.extui %ge3A_946 : vector<16xi1> to vector<16xi32>
      %add3A_948 = arith.addi %add3A_944, %convert_element_type3A_947 : vector<16xi32>
      %ge3A_949 = vector.broadcast %squeeze3A_78 : i32 to vector<16xi32>
      %ge3A_950 = arith.cmpi sge, %add3A_865, %ge3A_949 : vector<16xi32>
      %convert_element_type3A_951 = arith.extui %ge3A_950 : vector<16xi1> to vector<16xi32>
      %add3A_952 = arith.addi %add3A_948, %convert_element_type3A_951 : vector<16xi32>
      %ge3A_953 = vector.broadcast %squeeze3A_80 : i32 to vector<16xi32>
      %ge3A_954 = arith.cmpi sge, %add3A_865, %ge3A_953 : vector<16xi32>
      %convert_element_type3A_955 = arith.extui %ge3A_954 : vector<16xi1> to vector<16xi32>
      %add3A_956 = arith.addi %add3A_952, %convert_element_type3A_955 : vector<16xi32>
      %ge3A_957 = vector.broadcast %squeeze3A_82 : i32 to vector<16xi32>
      %ge3A_958 = arith.cmpi sge, %add3A_865, %ge3A_957 : vector<16xi32>
      %convert_element_type3A_959 = arith.extui %ge3A_958 : vector<16xi1> to vector<16xi32>
      %add3A_960 = arith.addi %add3A_956, %convert_element_type3A_959 : vector<16xi32>
      %ge3A_961 = vector.broadcast %squeeze3A_84 : i32 to vector<16xi32>
      %ge3A_962 = arith.cmpi sge, %add3A_865, %ge3A_961 : vector<16xi32>
      %convert_element_type3A_963 = arith.extui %ge3A_962 : vector<16xi1> to vector<16xi32>
      %add3A_964 = arith.addi %add3A_960, %convert_element_type3A_963 : vector<16xi32>
      %ge3A_965 = vector.broadcast %squeeze3A_86 : i32 to vector<16xi32>
      %ge3A_966 = arith.cmpi sge, %add3A_865, %ge3A_965 : vector<16xi32>
      %convert_element_type3A_967 = arith.extui %ge3A_966 : vector<16xi1> to vector<16xi32>
      %add3A_968 = arith.addi %add3A_964, %convert_element_type3A_967 : vector<16xi32>
      %ge3A_969 = vector.broadcast %squeeze3A_88 : i32 to vector<16xi32>
      %ge3A_970 = arith.cmpi sge, %add3A_865, %ge3A_969 : vector<16xi32>
      %convert_element_type3A_971 = arith.extui %ge3A_970 : vector<16xi1> to vector<16xi32>
      %add3A_972 = arith.addi %add3A_968, %convert_element_type3A_971 : vector<16xi32>
      %ge3A_973 = vector.broadcast %squeeze3A_90 : i32 to vector<16xi32>
      %ge3A_974 = arith.cmpi sge, %add3A_865, %ge3A_973 : vector<16xi32>
      %convert_element_type3A_975 = arith.extui %ge3A_974 : vector<16xi1> to vector<16xi32>
      %add3A_976 = arith.addi %add3A_972, %convert_element_type3A_975 : vector<16xi32>
      %ge3A_977 = vector.broadcast %squeeze3A_92 : i32 to vector<16xi32>
      %ge3A_978 = arith.cmpi sge, %add3A_865, %ge3A_977 : vector<16xi32>
      %convert_element_type3A_979 = arith.extui %ge3A_978 : vector<16xi1> to vector<16xi32>
      %add3A_980 = arith.addi %add3A_976, %convert_element_type3A_979 : vector<16xi32>
      %ge3A_981 = vector.broadcast %squeeze3A_94 : i32 to vector<16xi32>
      %ge3A_982 = arith.cmpi sge, %add3A_865, %ge3A_981 : vector<16xi32>
      %convert_element_type3A_983 = arith.extui %ge3A_982 : vector<16xi1> to vector<16xi32>
      %add3A_984 = arith.addi %add3A_980, %convert_element_type3A_983 : vector<16xi32>
      %ge3A_985 = vector.broadcast %squeeze3A_96 : i32 to vector<16xi32>
      %ge3A_986 = arith.cmpi sge, %add3A_865, %ge3A_985 : vector<16xi32>
      %convert_element_type3A_987 = arith.extui %ge3A_986 : vector<16xi1> to vector<16xi32>
      %add3A_988 = arith.addi %add3A_984, %convert_element_type3A_987 : vector<16xi32>
      %ge3A_989 = vector.broadcast %squeeze3A_98 : i32 to vector<16xi32>
      %ge3A_990 = arith.cmpi sge, %add3A_865, %ge3A_989 : vector<16xi32>
      %convert_element_type3A_991 = arith.extui %ge3A_990 : vector<16xi1> to vector<16xi32>
      %add3A_992 = arith.addi %add3A_988, %convert_element_type3A_991 : vector<16xi32>
      %ge3A_993 = vector.broadcast %squeeze3A_100 : i32 to vector<16xi32>
      %ge3A_994 = arith.cmpi sge, %add3A_865, %ge3A_993 : vector<16xi32>
      %convert_element_type3A_995 = arith.extui %ge3A_994 : vector<16xi1> to vector<16xi32>
      %add3A_996 = arith.addi %add3A_992, %convert_element_type3A_995 : vector<16xi32>
      %gather3A_997 = tpu.vector_load_idx %arg13[%add3A_996] : memref<32xi32, #tpu.memory_space<vmem>>[vector<16xi32>], vector<16xi32>,
      %sub3A_998 = arith.subi %add3A_865, %gather3A_997 : vector<16xi32>
      %mul3A_999 = arith.constant 178216 : i32
      %mul3A_1000 = vector.broadcast %mul3A_999 : i32 to vector<16xi32>
      %mul3A_1001 = arith.muli %add3A_996, %mul3A_1000 : vector<16xi32>
      %add3A_1002 = arith.addi %mul3A_1001, %sub3A_998 : vector<16xi32>
      %lt3A_1003 = vector.broadcast %add3A_32 : i32 to vector<16xi32>
      %lt3A_1004 = arith.cmpi slt, %add3A_865, %lt3A_1003 : vector<16xi32>
      %jit3A_1005 = arith.constant 0 : i32
      %broadcast_in_dim3A_1006 = vector.broadcast %jit3A_1005 : i32 to vector<16xi32>
      %select_n3A_1007 = arith.select %lt3A_1004, %add3A_1002, %broadcast_in_dim3A_1006 : vector<16xi1>, vector<16xi32>
      %swap3A_1008 = arith.constant 0 : i32
      %swap3A_1009 = arith.index_cast %swap3A_1008 : i32 to index
      %swap3A_1010 = arith.constant 80 : index
      %swap3A_1011 = tpu.vector_load %arg14[%swap3A_1009, %swap3A_1010] {strides = array<i32>} : memref<1x128xi32, #tpu.memory_space<vmem>>, vector<16xi32>,
      tpu.vector_store %arg14[%swap3A_1009, %swap3A_1010], %select_n3A_1007 {strides = array<i32>} : memref<1x128xi32, #tpu.memory_space<vmem>>, vector<16xi32>,
      %add3A_1012 = arith.constant 96 : i32
      %add3A_1013 = arith.addi %add3A_115, %add3A_1012 : i32
      %add3A_1014 = vector.broadcast %add3A_1013 : i32 to vector<16xi32>
      %add3A_1015 = arith.addi %add3A_1014, %iota3A : vector<16xi32>
      %sub3A_1016 = arith.constant 1 : i32
      %sub3A_1017 = vector.broadcast %sub3A_1016 : i32 to vector<16xi32>
      %sub3A_1018 = arith.subi %broadcast_in_dim3A_1, %sub3A_1017 : vector<16xi32>
      %ge3A_1019 = vector.broadcast %squeeze3A : i32 to vector<16xi32>
      %ge3A_1020 = arith.cmpi sge, %add3A_1015, %ge3A_1019 : vector<16xi32>
      %convert_element_type3A_1021 = arith.extui %ge3A_1020 : vector<16xi1> to vector<16xi32>
      %add3A_1022 = arith.addi %sub3A_1018, %convert_element_type3A_1021 : vector<16xi32>
      %ge3A_1023 = vector.broadcast %squeeze3A_40 : i32 to vector<16xi32>
      %ge3A_1024 = arith.cmpi sge, %add3A_1015, %ge3A_1023 : vector<16xi32>
      %convert_element_type3A_1025 = arith.extui %ge3A_1024 : vector<16xi1> to vector<16xi32>
      %add3A_1026 = arith.addi %add3A_1022, %convert_element_type3A_1025 : vector<16xi32>
      %ge3A_1027 = vector.broadcast %squeeze3A_42 : i32 to vector<16xi32>
      %ge3A_1028 = arith.cmpi sge, %add3A_1015, %ge3A_1027 : vector<16xi32>
      %convert_element_type3A_1029 = arith.extui %ge3A_1028 : vector<16xi1> to vector<16xi32>
      %add3A_1030 = arith.addi %add3A_1026, %convert_element_type3A_1029 : vector<16xi32>
      %ge3A_1031 = vector.broadcast %squeeze3A_44 : i32 to vector<16xi32>
      %ge3A_1032 = arith.cmpi sge, %add3A_1015, %ge3A_1031 : vector<16xi32>
      %convert_element_type3A_1033 = arith.extui %ge3A_1032 : vector<16xi1> to vector<16xi32>
      %add3A_1034 = arith.addi %add3A_1030, %convert_element_type3A_1033 : vector<16xi32>
      %ge3A_1035 = vector.broadcast %squeeze3A_46 : i32 to vector<16xi32>
      %ge3A_1036 = arith.cmpi sge, %add3A_1015, %ge3A_1035 : vector<16xi32>
      %convert_element_type3A_1037 = arith.extui %ge3A_1036 : vector<16xi1> to vector<16xi32>
      %add3A_1038 = arith.addi %add3A_1034, %convert_element_type3A_1037 : vector<16xi32>
      %ge3A_1039 = vector.broadcast %squeeze3A_48 : i32 to vector<16xi32>
      %ge3A_1040 = arith.cmpi sge, %add3A_1015, %ge3A_1039 : vector<16xi32>
      %convert_element_type3A_1041 = arith.extui %ge3A_1040 : vector<16xi1> to vector<16xi32>
      %add3A_1042 = arith.addi %add3A_1038, %convert_element_type3A_1041 : vector<16xi32>
      %ge3A_1043 = vector.broadcast %squeeze3A_50 : i32 to vector<16xi32>
      %ge3A_1044 = arith.cmpi sge, %add3A_1015, %ge3A_1043 : vector<16xi32>
      %convert_element_type3A_1045 = arith.extui %ge3A_1044 : vector<16xi1> to vector<16xi32>
      %add3A_1046 = arith.addi %add3A_1042, %convert_element_type3A_1045 : vector<16xi32>
      %ge3A_1047 = vector.broadcast %squeeze3A_52 : i32 to vector<16xi32>
      %ge3A_1048 = arith.cmpi sge, %add3A_1015, %ge3A_1047 : vector<16xi32>
      %convert_element_type3A_1049 = arith.extui %ge3A_1048 : vector<16xi1> to vector<16xi32>
      %add3A_1050 = arith.addi %add3A_1046, %convert_element_type3A_1049 : vector<16xi32>
      %ge3A_1051 = vector.broadcast %squeeze3A_54 : i32 to vector<16xi32>
      %ge3A_1052 = arith.cmpi sge, %add3A_1015, %ge3A_1051 : vector<16xi32>
      %convert_element_type3A_1053 = arith.extui %ge3A_1052 : vector<16xi1> to vector<16xi32>
      %add3A_1054 = arith.addi %add3A_1050, %convert_element_type3A_1053 : vector<16xi32>
      %ge3A_1055 = vector.broadcast %squeeze3A_56 : i32 to vector<16xi32>
      %ge3A_1056 = arith.cmpi sge, %add3A_1015, %ge3A_1055 : vector<16xi32>
      %convert_element_type3A_1057 = arith.extui %ge3A_1056 : vector<16xi1> to vector<16xi32>
      %add3A_1058 = arith.addi %add3A_1054, %convert_element_type3A_1057 : vector<16xi32>
      %ge3A_1059 = vector.broadcast %squeeze3A_58 : i32 to vector<16xi32>
      %ge3A_1060 = arith.cmpi sge, %add3A_1015, %ge3A_1059 : vector<16xi32>
      %convert_element_type3A_1061 = arith.extui %ge3A_1060 : vector<16xi1> to vector<16xi32>
      %add3A_1062 = arith.addi %add3A_1058, %convert_element_type3A_1061 : vector<16xi32>
      %ge3A_1063 = vector.broadcast %squeeze3A_60 : i32 to vector<16xi32>
      %ge3A_1064 = arith.cmpi sge, %add3A_1015, %ge3A_1063 : vector<16xi32>
      %convert_element_type3A_1065 = arith.extui %ge3A_1064 : vector<16xi1> to vector<16xi32>
      %add3A_1066 = arith.addi %add3A_1062, %convert_element_type3A_1065 : vector<16xi32>
      %ge3A_1067 = vector.broadcast %squeeze3A_62 : i32 to vector<16xi32>
      %ge3A_1068 = arith.cmpi sge, %add3A_1015, %ge3A_1067 : vector<16xi32>
      %convert_element_type3A_1069 = arith.extui %ge3A_1068 : vector<16xi1> to vector<16xi32>
      %add3A_1070 = arith.addi %add3A_1066, %convert_element_type3A_1069 : vector<16xi32>
      %ge3A_1071 = vector.broadcast %squeeze3A_64 : i32 to vector<16xi32>
      %ge3A_1072 = arith.cmpi sge, %add3A_1015, %ge3A_1071 : vector<16xi32>
      %convert_element_type3A_1073 = arith.extui %ge3A_1072 : vector<16xi1> to vector<16xi32>
      %add3A_1074 = arith.addi %add3A_1070, %convert_element_type3A_1073 : vector<16xi32>
      %ge3A_1075 = vector.broadcast %squeeze3A_66 : i32 to vector<16xi32>
      %ge3A_1076 = arith.cmpi sge, %add3A_1015, %ge3A_1075 : vector<16xi32>
      %convert_element_type3A_1077 = arith.extui %ge3A_1076 : vector<16xi1> to vector<16xi32>
      %add3A_1078 = arith.addi %add3A_1074, %convert_element_type3A_1077 : vector<16xi32>
      %ge3A_1079 = vector.broadcast %squeeze3A_68 : i32 to vector<16xi32>
      %ge3A_1080 = arith.cmpi sge, %add3A_1015, %ge3A_1079 : vector<16xi32>
      %convert_element_type3A_1081 = arith.extui %ge3A_1080 : vector<16xi1> to vector<16xi32>
      %add3A_1082 = arith.addi %add3A_1078, %convert_element_type3A_1081 : vector<16xi32>
      %ge3A_1083 = vector.broadcast %squeeze3A_70 : i32 to vector<16xi32>
      %ge3A_1084 = arith.cmpi sge, %add3A_1015, %ge3A_1083 : vector<16xi32>
      %convert_element_type3A_1085 = arith.extui %ge3A_1084 : vector<16xi1> to vector<16xi32>
      %add3A_1086 = arith.addi %add3A_1082, %convert_element_type3A_1085 : vector<16xi32>
      %ge3A_1087 = vector.broadcast %squeeze3A_72 : i32 to vector<16xi32>
      %ge3A_1088 = arith.cmpi sge, %add3A_1015, %ge3A_1087 : vector<16xi32>
      %convert_element_type3A_1089 = arith.extui %ge3A_1088 : vector<16xi1> to vector<16xi32>
      %add3A_1090 = arith.addi %add3A_1086, %convert_element_type3A_1089 : vector<16xi32>
      %ge3A_1091 = vector.broadcast %squeeze3A_74 : i32 to vector<16xi32>
      %ge3A_1092 = arith.cmpi sge, %add3A_1015, %ge3A_1091 : vector<16xi32>
      %convert_element_type3A_1093 = arith.extui %ge3A_1092 : vector<16xi1> to vector<16xi32>
      %add3A_1094 = arith.addi %add3A_1090, %convert_element_type3A_1093 : vector<16xi32>
      %ge3A_1095 = vector.broadcast %squeeze3A_76 : i32 to vector<16xi32>
      %ge3A_1096 = arith.cmpi sge, %add3A_1015, %ge3A_1095 : vector<16xi32>
      %convert_element_type3A_1097 = arith.extui %ge3A_1096 : vector<16xi1> to vector<16xi32>
      %add3A_1098 = arith.addi %add3A_1094, %convert_element_type3A_1097 : vector<16xi32>
      %ge3A_1099 = vector.broadcast %squeeze3A_78 : i32 to vector<16xi32>
      %ge3A_1100 = arith.cmpi sge, %add3A_1015, %ge3A_1099 : vector<16xi32>
      %convert_element_type3A_1101 = arith.extui %ge3A_1100 : vector<16xi1> to vector<16xi32>
      %add3A_1102 = arith.addi %add3A_1098, %convert_element_type3A_1101 : vector<16xi32>
      %ge3A_1103 = vector.broadcast %squeeze3A_80 : i32 to vector<16xi32>
      %ge3A_1104 = arith.cmpi sge, %add3A_1015, %ge3A_1103 : vector<16xi32>
      %convert_element_type3A_1105 = arith.extui %ge3A_1104 : vector<16xi1> to vector<16xi32>
      %add3A_1106 = arith.addi %add3A_1102, %convert_element_type3A_1105 : vector<16xi32>
      %ge3A_1107 = vector.broadcast %squeeze3A_82 : i32 to vector<16xi32>
      %ge3A_1108 = arith.cmpi sge, %add3A_1015, %ge3A_1107 : vector<16xi32>
      %convert_element_type3A_1109 = arith.extui %ge3A_1108 : vector<16xi1> to vector<16xi32>
      %add3A_1110 = arith.addi %add3A_1106, %convert_element_type3A_1109 : vector<16xi32>
      %ge3A_1111 = vector.broadcast %squeeze3A_84 : i32 to vector<16xi32>
      %ge3A_1112 = arith.cmpi sge, %add3A_1015, %ge3A_1111 : vector<16xi32>
      %convert_element_type3A_1113 = arith.extui %ge3A_1112 : vector<16xi1> to vector<16xi32>
      %add3A_1114 = arith.addi %add3A_1110, %convert_element_type3A_1113 : vector<16xi32>
      %ge3A_1115 = vector.broadcast %squeeze3A_86 : i32 to vector<16xi32>
      %ge3A_1116 = arith.cmpi sge, %add3A_1015, %ge3A_1115 : vector<16xi32>
      %convert_element_type3A_1117 = arith.extui %ge3A_1116 : vector<16xi1> to vector<16xi32>
      %add3A_1118 = arith.addi %add3A_1114, %convert_element_type3A_1117 : vector<16xi32>
      %ge3A_1119 = vector.broadcast %squeeze3A_88 : i32 to vector<16xi32>
      %ge3A_1120 = arith.cmpi sge, %add3A_1015, %ge3A_1119 : vector<16xi32>
      %convert_element_type3A_1121 = arith.extui %ge3A_1120 : vector<16xi1> to vector<16xi32>
      %add3A_1122 = arith.addi %add3A_1118, %convert_element_type3A_1121 : vector<16xi32>
      %ge3A_1123 = vector.broadcast %squeeze3A_90 : i32 to vector<16xi32>
      %ge3A_1124 = arith.cmpi sge, %add3A_1015, %ge3A_1123 : vector<16xi32>
      %convert_element_type3A_1125 = arith.extui %ge3A_1124 : vector<16xi1> to vector<16xi32>
      %add3A_1126 = arith.addi %add3A_1122, %convert_element_type3A_1125 : vector<16xi32>
      %ge3A_1127 = vector.broadcast %squeeze3A_92 : i32 to vector<16xi32>
      %ge3A_1128 = arith.cmpi sge, %add3A_1015, %ge3A_1127 : vector<16xi32>
      %convert_element_type3A_1129 = arith.extui %ge3A_1128 : vector<16xi1> to vector<16xi32>
      %add3A_1130 = arith.addi %add3A_1126, %convert_element_type3A_1129 : vector<16xi32>
      %ge3A_1131 = vector.broadcast %squeeze3A_94 : i32 to vector<16xi32>
      %ge3A_1132 = arith.cmpi sge, %add3A_1015, %ge3A_1131 : vector<16xi32>
      %convert_element_type3A_1133 = arith.extui %ge3A_1132 : vector<16xi1> to vector<16xi32>
      %add3A_1134 = arith.addi %add3A_1130, %convert_element_type3A_1133 : vector<16xi32>
      %ge3A_1135 = vector.broadcast %squeeze3A_96 : i32 to vector<16xi32>
      %ge3A_1136 = arith.cmpi sge, %add3A_1015, %ge3A_1135 : vector<16xi32>
      %convert_element_type3A_1137 = arith.extui %ge3A_1136 : vector<16xi1> to vector<16xi32>
      %add3A_1138 = arith.addi %add3A_1134, %convert_element_type3A_1137 : vector<16xi32>
      %ge3A_1139 = vector.broadcast %squeeze3A_98 : i32 to vector<16xi32>
      %ge3A_1140 = arith.cmpi sge, %add3A_1015, %ge3A_1139 : vector<16xi32>
      %convert_element_type3A_1141 = arith.extui %ge3A_1140 : vector<16xi1> to vector<16xi32>
      %add3A_1142 = arith.addi %add3A_1138, %convert_element_type3A_1141 : vector<16xi32>
      %ge3A_1143 = vector.broadcast %squeeze3A_100 : i32 to vector<16xi32>
      %ge3A_1144 = arith.cmpi sge, %add3A_1015, %ge3A_1143 : vector<16xi32>
      %convert_element_type3A_1145 = arith.extui %ge3A_1144 : vector<16xi1> to vector<16xi32>
      %add3A_1146 = arith.addi %add3A_1142, %convert_element_type3A_1145 : vector<16xi32>
      %gather3A_1147 = tpu.vector_load_idx %arg13[%add3A_1146] : memref<32xi32, #tpu.memory_space<vmem>>[vector<16xi32>], vector<16xi32>,
      %sub3A_1148 = arith.subi %add3A_1015, %gather3A_1147 : vector<16xi32>
      %mul3A_1149 = arith.constant 178216 : i32
      %mul3A_1150 = vector.broadcast %mul3A_1149 : i32 to vector<16xi32>
      %mul3A_1151 = arith.muli %add3A_1146, %mul3A_1150 : vector<16xi32>
      %add3A_1152 = arith.addi %mul3A_1151, %sub3A_1148 : vector<16xi32>
      %lt3A_1153 = vector.broadcast %add3A_32 : i32 to vector<16xi32>
      %lt3A_1154 = arith.cmpi slt, %add3A_1015, %lt3A_1153 : vector<16xi32>
      %jit3A_1155 = arith.constant 0 : i32
      %broadcast_in_dim3A_1156 = vector.broadcast %jit3A_1155 : i32 to vector<16xi32>
      %select_n3A_1157 = arith.select %lt3A_1154, %add3A_1152, %broadcast_in_dim3A_1156 : vector<16xi1>, vector<16xi32>
      %swap3A_1158 = arith.constant 0 : i32
      %swap3A_1159 = arith.index_cast %swap3A_1158 : i32 to index
      %swap3A_1160 = arith.constant 96 : index
      %swap3A_1161 = tpu.vector_load %arg14[%swap3A_1159, %swap3A_1160] {strides = array<i32>} : memref<1x128xi32, #tpu.memory_space<vmem>>, vector<16xi32>,
      tpu.vector_store %arg14[%swap3A_1159, %swap3A_1160], %select_n3A_1157 {strides = array<i32>} : memref<1x128xi32, #tpu.memory_space<vmem>>, vector<16xi32>,
      %add3A_1162 = arith.constant 112 : i32
      %add3A_1163 = arith.addi %add3A_115, %add3A_1162 : i32
      %add3A_1164 = vector.broadcast %add3A_1163 : i32 to vector<16xi32>
      %add3A_1165 = arith.addi %add3A_1164, %iota3A : vector<16xi32>
      %sub3A_1166 = arith.constant 1 : i32
      %sub3A_1167 = vector.broadcast %sub3A_1166 : i32 to vector<16xi32>
      %sub3A_1168 = arith.subi %broadcast_in_dim3A_1, %sub3A_1167 : vector<16xi32>
      %ge3A_1169 = vector.broadcast %squeeze3A : i32 to vector<16xi32>
      %ge3A_1170 = arith.cmpi sge, %add3A_1165, %ge3A_1169 : vector<16xi32>
      %convert_element_type3A_1171 = arith.extui %ge3A_1170 : vector<16xi1> to vector<16xi32>
      %add3A_1172 = arith.addi %sub3A_1168, %convert_element_type3A_1171 : vector<16xi32>
      %ge3A_1173 = vector.broadcast %squeeze3A_40 : i32 to vector<16xi32>
      %ge3A_1174 = arith.cmpi sge, %add3A_1165, %ge3A_1173 : vector<16xi32>
      %convert_element_type3A_1175 = arith.extui %ge3A_1174 : vector<16xi1> to vector<16xi32>
      %add3A_1176 = arith.addi %add3A_1172, %convert_element_type3A_1175 : vector<16xi32>
      %ge3A_1177 = vector.broadcast %squeeze3A_42 : i32 to vector<16xi32>
      %ge3A_1178 = arith.cmpi sge, %add3A_1165, %ge3A_1177 : vector<16xi32>
      %convert_element_type3A_1179 = arith.extui %ge3A_1178 : vector<16xi1> to vector<16xi32>
      %add3A_1180 = arith.addi %add3A_1176, %convert_element_type3A_1179 : vector<16xi32>
      %ge3A_1181 = vector.broadcast %squeeze3A_44 : i32 to vector<16xi32>
      %ge3A_1182 = arith.cmpi sge, %add3A_1165, %ge3A_1181 : vector<16xi32>
      %convert_element_type3A_1183 = arith.extui %ge3A_1182 : vector<16xi1> to vector<16xi32>
      %add3A_1184 = arith.addi %add3A_1180, %convert_element_type3A_1183 : vector<16xi32>
      %ge3A_1185 = vector.broadcast %squeeze3A_46 : i32 to vector<16xi32>
      %ge3A_1186 = arith.cmpi sge, %add3A_1165, %ge3A_1185 : vector<16xi32>
      %convert_element_type3A_1187 = arith.extui %ge3A_1186 : vector<16xi1> to vector<16xi32>
      %add3A_1188 = arith.addi %add3A_1184, %convert_element_type3A_1187 : vector<16xi32>
      %ge3A_1189 = vector.broadcast %squeeze3A_48 : i32 to vector<16xi32>
      %ge3A_1190 = arith.cmpi sge, %add3A_1165, %ge3A_1189 : vector<16xi32>
      %convert_element_type3A_1191 = arith.extui %ge3A_1190 : vector<16xi1> to vector<16xi32>
      %add3A_1192 = arith.addi %add3A_1188, %convert_element_type3A_1191 : vector<16xi32>
      %ge3A_1193 = vector.broadcast %squeeze3A_50 : i32 to vector<16xi32>
      %ge3A_1194 = arith.cmpi sge, %add3A_1165, %ge3A_1193 : vector<16xi32>
      %convert_element_type3A_1195 = arith.extui %ge3A_1194 : vector<16xi1> to vector<16xi32>
      %add3A_1196 = arith.addi %add3A_1192, %convert_element_type3A_1195 : vector<16xi32>
      %ge3A_1197 = vector.broadcast %squeeze3A_52 : i32 to vector<16xi32>
      %ge3A_1198 = arith.cmpi sge, %add3A_1165, %ge3A_1197 : vector<16xi32>
      %convert_element_type3A_1199 = arith.extui %ge3A_1198 : vector<16xi1> to vector<16xi32>
      %add3A_1200 = arith.addi %add3A_1196, %convert_element_type3A_1199 : vector<16xi32>
      %ge3A_1201 = vector.broadcast %squeeze3A_54 : i32 to vector<16xi32>
      %ge3A_1202 = arith.cmpi sge, %add3A_1165, %ge3A_1201 : vector<16xi32>
      %convert_element_type3A_1203 = arith.extui %ge3A_1202 : vector<16xi1> to vector<16xi32>
      %add3A_1204 = arith.addi %add3A_1200, %convert_element_type3A_1203 : vector<16xi32>
      %ge3A_1205 = vector.broadcast %squeeze3A_56 : i32 to vector<16xi32>
      %ge3A_1206 = arith.cmpi sge, %add3A_1165, %ge3A_1205 : vector<16xi32>
      %convert_element_type3A_1207 = arith.extui %ge3A_1206 : vector<16xi1> to vector<16xi32>
      %add3A_1208 = arith.addi %add3A_1204, %convert_element_type3A_1207 : vector<16xi32>
      %ge3A_1209 = vector.broadcast %squeeze3A_58 : i32 to vector<16xi32>
      %ge3A_1210 = arith.cmpi sge, %add3A_1165, %ge3A_1209 : vector<16xi32>
      %convert_element_type3A_1211 = arith.extui %ge3A_1210 : vector<16xi1> to vector<16xi32>
      %add3A_1212 = arith.addi %add3A_1208, %convert_element_type3A_1211 : vector<16xi32>
      %ge3A_1213 = vector.broadcast %squeeze3A_60 : i32 to vector<16xi32>
      %ge3A_1214 = arith.cmpi sge, %add3A_1165, %ge3A_1213 : vector<16xi32>
      %convert_element_type3A_1215 = arith.extui %ge3A_1214 : vector<16xi1> to vector<16xi32>
      %add3A_1216 = arith.addi %add3A_1212, %convert_element_type3A_1215 : vector<16xi32>
      %ge3A_1217 = vector.broadcast %squeeze3A_62 : i32 to vector<16xi32>
      %ge3A_1218 = arith.cmpi sge, %add3A_1165, %ge3A_1217 : vector<16xi32>
      %convert_element_type3A_1219 = arith.extui %ge3A_1218 : vector<16xi1> to vector<16xi32>
      %add3A_1220 = arith.addi %add3A_1216, %convert_element_type3A_1219 : vector<16xi32>
      %ge3A_1221 = vector.broadcast %squeeze3A_64 : i32 to vector<16xi32>
      %ge3A_1222 = arith.cmpi sge, %add3A_1165, %ge3A_1221 : vector<16xi32>
      %convert_element_type3A_1223 = arith.extui %ge3A_1222 : vector<16xi1> to vector<16xi32>
      %add3A_1224 = arith.addi %add3A_1220, %convert_element_type3A_1223 : vector<16xi32>
      %ge3A_1225 = vector.broadcast %squeeze3A_66 : i32 to vector<16xi32>
      %ge3A_1226 = arith.cmpi sge, %add3A_1165, %ge3A_1225 : vector<16xi32>
      %convert_element_type3A_1227 = arith.extui %ge3A_1226 : vector<16xi1> to vector<16xi32>
      %add3A_1228 = arith.addi %add3A_1224, %convert_element_type3A_1227 : vector<16xi32>
      %ge3A_1229 = vector.broadcast %squeeze3A_68 : i32 to vector<16xi32>
      %ge3A_1230 = arith.cmpi sge, %add3A_1165, %ge3A_1229 : vector<16xi32>
      %convert_element_type3A_1231 = arith.extui %ge3A_1230 : vector<16xi1> to vector<16xi32>
      %add3A_1232 = arith.addi %add3A_1228, %convert_element_type3A_1231 : vector<16xi32>
      %ge3A_1233 = vector.broadcast %squeeze3A_70 : i32 to vector<16xi32>
      %ge3A_1234 = arith.cmpi sge, %add3A_1165, %ge3A_1233 : vector<16xi32>
      %convert_element_type3A_1235 = arith.extui %ge3A_1234 : vector<16xi1> to vector<16xi32>
      %add3A_1236 = arith.addi %add3A_1232, %convert_element_type3A_1235 : vector<16xi32>
      %ge3A_1237 = vector.broadcast %squeeze3A_72 : i32 to vector<16xi32>
      %ge3A_1238 = arith.cmpi sge, %add3A_1165, %ge3A_1237 : vector<16xi32>
      %convert_element_type3A_1239 = arith.extui %ge3A_1238 : vector<16xi1> to vector<16xi32>
      %add3A_1240 = arith.addi %add3A_1236, %convert_element_type3A_1239 : vector<16xi32>
      %ge3A_1241 = vector.broadcast %squeeze3A_74 : i32 to vector<16xi32>
      %ge3A_1242 = arith.cmpi sge, %add3A_1165, %ge3A_1241 : vector<16xi32>
      %convert_element_type3A_1243 = arith.extui %ge3A_1242 : vector<16xi1> to vector<16xi32>
      %add3A_1244 = arith.addi %add3A_1240, %convert_element_type3A_1243 : vector<16xi32>
      %ge3A_1245 = vector.broadcast %squeeze3A_76 : i32 to vector<16xi32>
      %ge3A_1246 = arith.cmpi sge, %add3A_1165, %ge3A_1245 : vector<16xi32>
      %convert_element_type3A_1247 = arith.extui %ge3A_1246 : vector<16xi1> to vector<16xi32>
      %add3A_1248 = arith.addi %add3A_1244, %convert_element_type3A_1247 : vector<16xi32>
      %ge3A_1249 = vector.broadcast %squeeze3A_78 : i32 to vector<16xi32>
      %ge3A_1250 = arith.cmpi sge, %add3A_1165, %ge3A_1249 : vector<16xi32>
      %convert_element_type3A_1251 = arith.extui %ge3A_1250 : vector<16xi1> to vector<16xi32>
      %add3A_1252 = arith.addi %add3A_1248, %convert_element_type3A_1251 : vector<16xi32>
      %ge3A_1253 = vector.broadcast %squeeze3A_80 : i32 to vector<16xi32>
      %ge3A_1254 = arith.cmpi sge, %add3A_1165, %ge3A_1253 : vector<16xi32>
      %convert_element_type3A_1255 = arith.extui %ge3A_1254 : vector<16xi1> to vector<16xi32>
      %add3A_1256 = arith.addi %add3A_1252, %convert_element_type3A_1255 : vector<16xi32>
      %ge3A_1257 = vector.broadcast %squeeze3A_82 : i32 to vector<16xi32>
      %ge3A_1258 = arith.cmpi sge, %add3A_1165, %ge3A_1257 : vector<16xi32>
      %convert_element_type3A_1259 = arith.extui %ge3A_1258 : vector<16xi1> to vector<16xi32>
      %add3A_1260 = arith.addi %add3A_1256, %convert_element_type3A_1259 : vector<16xi32>
      %ge3A_1261 = vector.broadcast %squeeze3A_84 : i32 to vector<16xi32>
      %ge3A_1262 = arith.cmpi sge, %add3A_1165, %ge3A_1261 : vector<16xi32>
      %convert_element_type3A_1263 = arith.extui %ge3A_1262 : vector<16xi1> to vector<16xi32>
      %add3A_1264 = arith.addi %add3A_1260, %convert_element_type3A_1263 : vector<16xi32>
      %ge3A_1265 = vector.broadcast %squeeze3A_86 : i32 to vector<16xi32>
      %ge3A_1266 = arith.cmpi sge, %add3A_1165, %ge3A_1265 : vector<16xi32>
      %convert_element_type3A_1267 = arith.extui %ge3A_1266 : vector<16xi1> to vector<16xi32>
      %add3A_1268 = arith.addi %add3A_1264, %convert_element_type3A_1267 : vector<16xi32>
      %ge3A_1269 = vector.broadcast %squeeze3A_88 : i32 to vector<16xi32>
      %ge3A_1270 = arith.cmpi sge, %add3A_1165, %ge3A_1269 : vector<16xi32>
      %convert_element_type3A_1271 = arith.extui %ge3A_1270 : vector<16xi1> to vector<16xi32>
      %add3A_1272 = arith.addi %add3A_1268, %convert_element_type3A_1271 : vector<16xi32>
      %ge3A_1273 = vector.broadcast %squeeze3A_90 : i32 to vector<16xi32>
      %ge3A_1274 = arith.cmpi sge, %add3A_1165, %ge3A_1273 : vector<16xi32>
      %convert_element_type3A_1275 = arith.extui %ge3A_1274 : vector<16xi1> to vector<16xi32>
      %add3A_1276 = arith.addi %add3A_1272, %convert_element_type3A_1275 : vector<16xi32>
      %ge3A_1277 = vector.broadcast %squeeze3A_92 : i32 to vector<16xi32>
      %ge3A_1278 = arith.cmpi sge, %add3A_1165, %ge3A_1277 : vector<16xi32>
      %convert_element_type3A_1279 = arith.extui %ge3A_1278 : vector<16xi1> to vector<16xi32>
      %add3A_1280 = arith.addi %add3A_1276, %convert_element_type3A_1279 : vector<16xi32>
      %ge3A_1281 = vector.broadcast %squeeze3A_94 : i32 to vector<16xi32>
      %ge3A_1282 = arith.cmpi sge, %add3A_1165, %ge3A_1281 : vector<16xi32>
      %convert_element_type3A_1283 = arith.extui %ge3A_1282 : vector<16xi1> to vector<16xi32>
      %add3A_1284 = arith.addi %add3A_1280, %convert_element_type3A_1283 : vector<16xi32>
      %ge3A_1285 = vector.broadcast %squeeze3A_96 : i32 to vector<16xi32>
      %ge3A_1286 = arith.cmpi sge, %add3A_1165, %ge3A_1285 : vector<16xi32>
      %convert_element_type3A_1287 = arith.extui %ge3A_1286 : vector<16xi1> to vector<16xi32>
      %add3A_1288 = arith.addi %add3A_1284, %convert_element_type3A_1287 : vector<16xi32>
      %ge3A_1289 = vector.broadcast %squeeze3A_98 : i32 to vector<16xi32>
      %ge3A_1290 = arith.cmpi sge, %add3A_1165, %ge3A_1289 : vector<16xi32>
      %convert_element_type3A_1291 = arith.extui %ge3A_1290 : vector<16xi1> to vector<16xi32>
      %add3A_1292 = arith.addi %add3A_1288, %convert_element_type3A_1291 : vector<16xi32>
      %ge3A_1293 = vector.broadcast %squeeze3A_100 : i32 to vector<16xi32>
      %ge3A_1294 = arith.cmpi sge, %add3A_1165, %ge3A_1293 : vector<16xi32>
      %convert_element_type3A_1295 = arith.extui %ge3A_1294 : vector<16xi1> to vector<16xi32>
      %add3A_1296 = arith.addi %add3A_1292, %convert_element_type3A_1295 : vector<16xi32>
      %gather3A_1297 = tpu.vector_load_idx %arg13[%add3A_1296] : memref<32xi32, #tpu.memory_space<vmem>>[vector<16xi32>], vector<16xi32>,
      %sub3A_1298 = arith.subi %add3A_1165, %gather3A_1297 : vector<16xi32>
      %mul3A_1299 = arith.constant 178216 : i32
      %mul3A_1300 = vector.broadcast %mul3A_1299 : i32 to vector<16xi32>
      %mul3A_1301 = arith.muli %add3A_1296, %mul3A_1300 : vector<16xi32>
      %add3A_1302 = arith.addi %mul3A_1301, %sub3A_1298 : vector<16xi32>
      %lt3A_1303 = vector.broadcast %add3A_32 : i32 to vector<16xi32>
      %lt3A_1304 = arith.cmpi slt, %add3A_1165, %lt3A_1303 : vector<16xi32>
      %jit3A_1305 = arith.constant 0 : i32
      %broadcast_in_dim3A_1306 = vector.broadcast %jit3A_1305 : i32 to vector<16xi32>
      %select_n3A_1307 = arith.select %lt3A_1304, %add3A_1302, %broadcast_in_dim3A_1306 : vector<16xi1>, vector<16xi32>
      %swap3A_1308 = arith.constant 0 : i32
      %swap3A_1309 = arith.index_cast %swap3A_1308 : i32 to index
      %swap3A_1310 = arith.constant 112 : index
      %swap3A_1311 = tpu.vector_load %arg14[%swap3A_1309, %swap3A_1310] {strides = array<i32>} : memref<1x128xi32, #tpu.memory_space<vmem>>, vector<16xi32>,
      tpu.vector_store %arg14[%swap3A_1309, %swap3A_1310], %select_n3A_1307 {strides = array<i32>} : memref<1x128xi32, #tpu.memory_space<vmem>>, vector<16xi32>,
      %dma_start3A = arith.constant 0 : i32
      %dma_start3A_1312 = arith.constant 0 : i32
      %dma_start3A_1313 = arith.constant 0 : i32
      %dma_start3A_1314 = tpu.memref_slice %arg16[%dma_start3A_1312, %dma_start3A_1313] : memref<1x128xi32, #tpu.memory_space<vmem>> -> memref<1x128xi32, #tpu.memory_space<vmem>>
      %dma_start3A_1315 = tpu.memref_squeeze %dma_start3A_1314 : memref<1x128xi32, #tpu.memory_space<vmem>> -> memref<128xi32, #tpu.memory_space<vmem>>
      %dma_start3A_1316 = arith.constant 0 : i32
      %dma_start3A_1317 = tpu.memref_slice %arg14[%dma_start3A, %dma_start3A_1316] : memref<1x128xi32, #tpu.memory_space<vmem>> -> memref<1x128xi32, #tpu.memory_space<vmem>>
      %dma_start3A_1318 = tpu.memref_squeeze %dma_start3A_1317 : memref<1x128xi32, #tpu.memory_space<vmem>> -> memref<128xi32, #tpu.memory_space<vmem>>
      %dma_start3A_1319 = arith.constant 0 : i32
      %dma_start3A_1320 = tpu.memref_slice %arg2[%dma_start3A_1319] : memref<5702912xi32, #tpu.memory_space<hbm>> -> memref<5702912xi32, #tpu.memory_space<hbm>>
      tpu.enqueue_indirect_dma source(%dma_start3A_1320 : memref<5702912xi32, #tpu.memory_space<hbm>>) target(%dma_start3A_1315 : memref<128xi32, #tpu.memory_space<vmem>>) offsets(%dma_start3A_1318 : memref<128xi32, #tpu.memory_space<vmem>>) semaphore(%arg21 : memref<!tpu.dma_semaphore, #tpu.memory_space<semaphore_mem>>)
      %dma_start3A_1321 = arith.constant 0 : i32
      %dma_start3A_1322 = arith.constant 0 : i32
      %dma_start3A_1323 = arith.constant 0 : i32
      %dma_start3A_1324 = tpu.memref_slice %arg15[%dma_start3A_1322, %dma_start3A_1323] : memref<1x128xi32, #tpu.memory_space<vmem>> -> memref<1x128xi32, #tpu.memory_space<vmem>>
      %dma_start3A_1325 = tpu.memref_squeeze %dma_start3A_1324 : memref<1x128xi32, #tpu.memory_space<vmem>> -> memref<128xi32, #tpu.memory_space<vmem>>
      %dma_start3A_1326 = arith.constant 0 : i32
      %dma_start3A_1327 = tpu.memref_slice %arg14[%dma_start3A_1321, %dma_start3A_1326] : memref<1x128xi32, #tpu.memory_space<vmem>> -> memref<1x128xi32, #tpu.memory_space<vmem>>
      %dma_start3A_1328 = tpu.memref_squeeze %dma_start3A_1327 : memref<1x128xi32, #tpu.memory_space<vmem>> -> memref<128xi32, #tpu.memory_space<vmem>>
      %dma_start3A_1329 = arith.constant 0 : i32
      %dma_start3A_1330 = tpu.memref_slice %arg4[%dma_start3A_1329] : memref<5702912xi32, #tpu.memory_space<hbm>> -> memref<5702912xi32, #tpu.memory_space<hbm>>
      tpu.enqueue_indirect_dma source(%dma_start3A_1330 : memref<5702912xi32, #tpu.memory_space<hbm>>) target(%dma_start3A_1325 : memref<128xi32, #tpu.memory_space<vmem>>) offsets(%dma_start3A_1328 : memref<128xi32, #tpu.memory_space<vmem>>) semaphore(%arg22 : memref<!tpu.dma_semaphore, #tpu.memory_space<semaphore_mem>>)
      %dma_start3A_1331 = arith.constant 0 : i32
      %dma_start3A_1332 = arith.constant 0 : i32
      %dma_start3A_1333 = tpu.memref_slice %arg14[%dma_start3A_1331, %dma_start3A_1332] : memref<1x128xi32, #tpu.memory_space<vmem>> -> memref<1x128xi32, #tpu.memory_space<vmem>>
      %dma_start3A_1334 = tpu.memref_squeeze %dma_start3A_1333 : memref<1x128xi32, #tpu.memory_space<vmem>> -> memref<128xi32, #tpu.memory_space<vmem>>
      %dma_start3A_1335 = arith.constant 0 : i32
      %dma_start3A_1336 = tpu.memref_slice %arg3[%dma_start3A_1335] : memref<5702912xf32, #tpu.memory_space<hbm>> -> memref<5702912xf32, #tpu.memory_space<hbm>>
      tpu.enqueue_indirect_dma source(%dma_start3A_1336 : memref<5702912xf32, #tpu.memory_space<hbm>>) target(%arg17 : memref<128xf32, #tpu.memory_space<vmem>>) offsets(%dma_start3A_1334 : memref<128xi32, #tpu.memory_space<vmem>>) semaphore(%arg23 : memref<!tpu.dma_semaphore, #tpu.memory_space<semaphore_mem>>)
      %dma_wait3A = arith.constant 0 : i32
      %dma_wait3A_1337 = arith.constant 0 : i32
      %dma_wait3A_1338 = arith.constant 0 : i32
      %dma_wait3A_1339 = tpu.memref_slice %arg16[%dma_wait3A_1337, %dma_wait3A_1338] : memref<1x128xi32, #tpu.memory_space<vmem>> -> memref<1x128xi32, #tpu.memory_space<vmem>>
      %dma_wait3A_1340 = tpu.memref_squeeze %dma_wait3A_1339 : memref<1x128xi32, #tpu.memory_space<vmem>> -> memref<128xi32, #tpu.memory_space<vmem>>
      %dma_wait3A_1341 = arith.constant 0 : i32
      %dma_wait3A_1342 = tpu.memref_slice %arg14[%dma_wait3A, %dma_wait3A_1341] : memref<1x128xi32, #tpu.memory_space<vmem>> -> memref<1x128xi32, #tpu.memory_space<vmem>>
      %dma_wait3A_1343 = tpu.memref_squeeze %dma_wait3A_1342 : memref<1x128xi32, #tpu.memory_space<vmem>> -> memref<128xi32, #tpu.memory_space<vmem>>
      %dma_wait3A_1344 = arith.constant 0 : i32
      %dma_wait3A_1345 = tpu.memref_slice %arg2[%dma_wait3A_1344] : memref<5702912xi32, #tpu.memory_space<hbm>> -> memref<5702912xi32, #tpu.memory_space<hbm>>
      tpu.wait_indirect_dma semaphore(%arg21 : memref<!tpu.dma_semaphore, #tpu.memory_space<semaphore_mem>>) src(%dma_wait3A_1345 : memref<5702912xi32, #tpu.memory_space<hbm>>) dst(%dma_wait3A_1340 : memref<128xi32, #tpu.memory_space<vmem>>)
      %dma_wait3A_1346 = arith.constant 0 : i32
      %dma_wait3A_1347 = arith.constant 0 : i32
      %dma_wait3A_1348 = arith.constant 0 : i32
      %dma_wait3A_1349 = tpu.memref_slice %arg15[%dma_wait3A_1347, %dma_wait3A_1348] : memref<1x128xi32, #tpu.memory_space<vmem>> -> memref<1x128xi32, #tpu.memory_space<vmem>>
      %dma_wait3A_1350 = tpu.memref_squeeze %dma_wait3A_1349 : memref<1x128xi32, #tpu.memory_space<vmem>> -> memref<128xi32, #tpu.memory_space<vmem>>
      %dma_wait3A_1351 = arith.constant 0 : i32
      %dma_wait3A_1352 = tpu.memref_slice %arg14[%dma_wait3A_1346, %dma_wait3A_1351] : memref<1x128xi32, #tpu.memory_space<vmem>> -> memref<1x128xi32, #tpu.memory_space<vmem>>
      %dma_wait3A_1353 = tpu.memref_squeeze %dma_wait3A_1352 : memref<1x128xi32, #tpu.memory_space<vmem>> -> memref<128xi32, #tpu.memory_space<vmem>>
      %dma_wait3A_1354 = arith.constant 0 : i32
      %dma_wait3A_1355 = tpu.memref_slice %arg4[%dma_wait3A_1354] : memref<5702912xi32, #tpu.memory_space<hbm>> -> memref<5702912xi32, #tpu.memory_space<hbm>>
      tpu.wait_indirect_dma semaphore(%arg22 : memref<!tpu.dma_semaphore, #tpu.memory_space<semaphore_mem>>) src(%dma_wait3A_1355 : memref<5702912xi32, #tpu.memory_space<hbm>>) dst(%dma_wait3A_1350 : memref<128xi32, #tpu.memory_space<vmem>>)
      %dma_wait3A_1356 = arith.constant 0 : i32
      %dma_wait3A_1357 = arith.constant 0 : i32
      %dma_wait3A_1358 = tpu.memref_slice %arg14[%dma_wait3A_1356, %dma_wait3A_1357] : memref<1x128xi32, #tpu.memory_space<vmem>> -> memref<1x128xi32, #tpu.memory_space<vmem>>
      %dma_wait3A_1359 = tpu.memref_squeeze %dma_wait3A_1358 : memref<1x128xi32, #tpu.memory_space<vmem>> -> memref<128xi32, #tpu.memory_space<vmem>>
      %dma_wait3A_1360 = arith.constant 0 : i32
      %dma_wait3A_1361 = tpu.memref_slice %arg3[%dma_wait3A_1360] : memref<5702912xf32, #tpu.memory_space<hbm>> -> memref<5702912xf32, #tpu.memory_space<hbm>>
      tpu.wait_indirect_dma semaphore(%arg23 : memref<!tpu.dma_semaphore, #tpu.memory_space<semaphore_mem>>) src(%dma_wait3A_1361 : memref<5702912xf32, #tpu.memory_space<hbm>>) dst(%arg17 : memref<128xf32, #tpu.memory_space<vmem>>)
      %get3A = arith.constant 0 : i32
      %get3A_1362 = arith.index_cast %get3A : i32 to index
      %get3A_1363 = arith.constant 0 : index
      %get3A_1364 = tpu.vector_load %arg16[%get3A_1362, %get3A_1363] {strides = array<i32>} : memref<1x128xi32, #tpu.memory_space<vmem>>, vector<16xi32>,
      %jit3A_1365 = arith.constant 0 : i32
      %jit3A_1366 = arith.constant 9999 : i32
      %max3A = vector.broadcast %jit3A_1365 : i32 to vector<16xi32>
      %max3A_1367 = arith.maxsi %max3A, %get3A_1364 : vector<16xi32>
      %min3A = vector.broadcast %jit3A_1366 : i32 to vector<16xi32>
      %min3A_1368 = arith.minsi %min3A, %max3A_1367 : vector<16xi32>
      %swap3A_1369 = arith.constant 0 : i32
      %swap3A_1370 = arith.index_cast %swap3A_1369 : i32 to index
      %swap3A_1371 = arith.constant 0 : index
      %swap3A_1372 = tpu.vector_load %arg16[%swap3A_1370, %swap3A_1371] {strides = array<i32>} : memref<1x128xi32, #tpu.memory_space<vmem>>, vector<16xi32>,
      tpu.vector_store %arg16[%swap3A_1370, %swap3A_1371], %min3A_1368 {strides = array<i32>} : memref<1x128xi32, #tpu.memory_space<vmem>>, vector<16xi32>,
      %get3A_1373 = arith.constant 0 : i32
      %get3A_1374 = arith.index_cast %get3A_1373 : i32 to index
      %get3A_1375 = arith.constant 0 : index
      %get3A_1376 = tpu.vector_load %arg15[%get3A_1374, %get3A_1375] {strides = array<i32>} : memref<1x128xi32, #tpu.memory_space<vmem>>, vector<16xi32>,
      %jit3A_1377 = arith.constant 0 : i32
      %jit3A_1378 = arith.constant 9999 : i32
      %max3A_1379 = vector.broadcast %jit3A_1377 : i32 to vector<16xi32>
      %max3A_1380 = arith.maxsi %max3A_1379, %get3A_1376 : vector<16xi32>
      %min3A_1381 = vector.broadcast %jit3A_1378 : i32 to vector<16xi32>
      %min3A_1382 = arith.minsi %min3A_1381, %max3A_1380 : vector<16xi32>
      %swap3A_1383 = arith.constant 0 : i32
      %swap3A_1384 = arith.index_cast %swap3A_1383 : i32 to index
      %swap3A_1385 = arith.constant 0 : index
      %swap3A_1386 = tpu.vector_load %arg15[%swap3A_1384, %swap3A_1385] {strides = array<i32>} : memref<1x128xi32, #tpu.memory_space<vmem>>, vector<16xi32>,
      tpu.vector_store %arg15[%swap3A_1384, %swap3A_1385], %min3A_1382 {strides = array<i32>} : memref<1x128xi32, #tpu.memory_space<vmem>>, vector<16xi32>,
      %get3A_1387 = arith.constant 0 : i32
      %get3A_1388 = arith.index_cast %get3A_1387 : i32 to index
      %get3A_1389 = arith.constant 16 : index
      %get3A_1390 = tpu.vector_load %arg16[%get3A_1388, %get3A_1389] {strides = array<i32>} : memref<1x128xi32, #tpu.memory_space<vmem>>, vector<16xi32>,
      %jit3A_1391 = arith.constant 0 : i32
      %jit3A_1392 = arith.constant 9999 : i32
      %max3A_1393 = vector.broadcast %jit3A_1391 : i32 to vector<16xi32>
      %max3A_1394 = arith.maxsi %max3A_1393, %get3A_1390 : vector<16xi32>
      %min3A_1395 = vector.broadcast %jit3A_1392 : i32 to vector<16xi32>
      %min3A_1396 = arith.minsi %min3A_1395, %max3A_1394 : vector<16xi32>
      %swap3A_1397 = arith.constant 0 : i32
      %swap3A_1398 = arith.index_cast %swap3A_1397 : i32 to index
      %swap3A_1399 = arith.constant 16 : index
      %swap3A_1400 = tpu.vector_load %arg16[%swap3A_1398, %swap3A_1399] {strides = array<i32>} : memref<1x128xi32, #tpu.memory_space<vmem>>, vector<16xi32>,
      tpu.vector_store %arg16[%swap3A_1398, %swap3A_1399], %min3A_1396 {strides = array<i32>} : memref<1x128xi32, #tpu.memory_space<vmem>>, vector<16xi32>,
      %get3A_1401 = arith.constant 0 : i32
      %get3A_1402 = arith.index_cast %get3A_1401 : i32 to index
      %get3A_1403 = arith.constant 16 : index
      %get3A_1404 = tpu.vector_load %arg15[%get3A_1402, %get3A_1403] {strides = array<i32>} : memref<1x128xi32, #tpu.memory_space<vmem>>, vector<16xi32>,
      %jit3A_1405 = arith.constant 0 : i32
      %jit3A_1406 = arith.constant 9999 : i32
      %max3A_1407 = vector.broadcast %jit3A_1405 : i32 to vector<16xi32>
      %max3A_1408 = arith.maxsi %max3A_1407, %get3A_1404 : vector<16xi32>
      %min3A_1409 = vector.broadcast %jit3A_1406 : i32 to vector<16xi32>
      %min3A_1410 = arith.minsi %min3A_1409, %max3A_1408 : vector<16xi32>
      %swap3A_1411 = arith.constant 0 : i32
      %swap3A_1412 = arith.index_cast %swap3A_1411 : i32 to index
      %swap3A_1413 = arith.constant 16 : index
      %swap3A_1414 = tpu.vector_load %arg15[%swap3A_1412, %swap3A_1413] {strides = array<i32>} : memref<1x128xi32, #tpu.memory_space<vmem>>, vector<16xi32>,
      tpu.vector_store %arg15[%swap3A_1412, %swap3A_1413], %min3A_1410 {strides = array<i32>} : memref<1x128xi32, #tpu.memory_space<vmem>>, vector<16xi32>,
      %get3A_1415 = arith.constant 0 : i32
      %get3A_1416 = arith.index_cast %get3A_1415 : i32 to index
      %get3A_1417 = arith.constant 32 : index
      %get3A_1418 = tpu.vector_load %arg16[%get3A_1416, %get3A_1417] {strides = array<i32>} : memref<1x128xi32, #tpu.memory_space<vmem>>, vector<16xi32>,
      %jit3A_1419 = arith.constant 0 : i32
      %jit3A_1420 = arith.constant 9999 : i32
      %max3A_1421 = vector.broadcast %jit3A_1419 : i32 to vector<16xi32>
      %max3A_1422 = arith.maxsi %max3A_1421, %get3A_1418 : vector<16xi32>
      %min3A_1423 = vector.broadcast %jit3A_1420 : i32 to vector<16xi32>
      %min3A_1424 = arith.minsi %min3A_1423, %max3A_1422 : vector<16xi32>
      %swap3A_1425 = arith.constant 0 : i32
      %swap3A_1426 = arith.index_cast %swap3A_1425 : i32 to index
      %swap3A_1427 = arith.constant 32 : index
      %swap3A_1428 = tpu.vector_load %arg16[%swap3A_1426, %swap3A_1427] {strides = array<i32>} : memref<1x128xi32, #tpu.memory_space<vmem>>, vector<16xi32>,
      tpu.vector_store %arg16[%swap3A_1426, %swap3A_1427], %min3A_1424 {strides = array<i32>} : memref<1x128xi32, #tpu.memory_space<vmem>>, vector<16xi32>,
      %get3A_1429 = arith.constant 0 : i32
      %get3A_1430 = arith.index_cast %get3A_1429 : i32 to index
      %get3A_1431 = arith.constant 32 : index
      %get3A_1432 = tpu.vector_load %arg15[%get3A_1430, %get3A_1431] {strides = array<i32>} : memref<1x128xi32, #tpu.memory_space<vmem>>, vector<16xi32>,
      %jit3A_1433 = arith.constant 0 : i32
      %jit3A_1434 = arith.constant 9999 : i32
      %max3A_1435 = vector.broadcast %jit3A_1433 : i32 to vector<16xi32>
      %max3A_1436 = arith.maxsi %max3A_1435, %get3A_1432 : vector<16xi32>
      %min3A_1437 = vector.broadcast %jit3A_1434 : i32 to vector<16xi32>
      %min3A_1438 = arith.minsi %min3A_1437, %max3A_1436 : vector<16xi32>
      %swap3A_1439 = arith.constant 0 : i32
      %swap3A_1440 = arith.index_cast %swap3A_1439 : i32 to index
      %swap3A_1441 = arith.constant 32 : index
      %swap3A_1442 = tpu.vector_load %arg15[%swap3A_1440, %swap3A_1441] {strides = array<i32>} : memref<1x128xi32, #tpu.memory_space<vmem>>, vector<16xi32>,
      tpu.vector_store %arg15[%swap3A_1440, %swap3A_1441], %min3A_1438 {strides = array<i32>} : memref<1x128xi32, #tpu.memory_space<vmem>>, vector<16xi32>,
      %get3A_1443 = arith.constant 0 : i32
      %get3A_1444 = arith.index_cast %get3A_1443 : i32 to index
      %get3A_1445 = arith.constant 48 : index
      %get3A_1446 = tpu.vector_load %arg16[%get3A_1444, %get3A_1445] {strides = array<i32>} : memref<1x128xi32, #tpu.memory_space<vmem>>, vector<16xi32>,
      %jit3A_1447 = arith.constant 0 : i32
      %jit3A_1448 = arith.constant 9999 : i32
      %max3A_1449 = vector.broadcast %jit3A_1447 : i32 to vector<16xi32>
      %max3A_1450 = arith.maxsi %max3A_1449, %get3A_1446 : vector<16xi32>
      %min3A_1451 = vector.broadcast %jit3A_1448 : i32 to vector<16xi32>
      %min3A_1452 = arith.minsi %min3A_1451, %max3A_1450 : vector<16xi32>
      %swap3A_1453 = arith.constant 0 : i32
      %swap3A_1454 = arith.index_cast %swap3A_1453 : i32 to index
      %swap3A_1455 = arith.constant 48 : index
      %swap3A_1456 = tpu.vector_load %arg16[%swap3A_1454, %swap3A_1455] {strides = array<i32>} : memref<1x128xi32, #tpu.memory_space<vmem>>, vector<16xi32>,
      tpu.vector_store %arg16[%swap3A_1454, %swap3A_1455], %min3A_1452 {strides = array<i32>} : memref<1x128xi32, #tpu.memory_space<vmem>>, vector<16xi32>,
      %get3A_1457 = arith.constant 0 : i32
      %get3A_1458 = arith.index_cast %get3A_1457 : i32 to index
      %get3A_1459 = arith.constant 48 : index
      %get3A_1460 = tpu.vector_load %arg15[%get3A_1458, %get3A_1459] {strides = array<i32>} : memref<1x128xi32, #tpu.memory_space<vmem>>, vector<16xi32>,
      %jit3A_1461 = arith.constant 0 : i32
      %jit3A_1462 = arith.constant 9999 : i32
      %max3A_1463 = vector.broadcast %jit3A_1461 : i32 to vector<16xi32>
      %max3A_1464 = arith.maxsi %max3A_1463, %get3A_1460 : vector<16xi32>
      %min3A_1465 = vector.broadcast %jit3A_1462 : i32 to vector<16xi32>
      %min3A_1466 = arith.minsi %min3A_1465, %max3A_1464 : vector<16xi32>
      %swap3A_1467 = arith.constant 0 : i32
      %swap3A_1468 = arith.index_cast %swap3A_1467 : i32 to index
      %swap3A_1469 = arith.constant 48 : index
      %swap3A_1470 = tpu.vector_load %arg15[%swap3A_1468, %swap3A_1469] {strides = array<i32>} : memref<1x128xi32, #tpu.memory_space<vmem>>, vector<16xi32>,
      tpu.vector_store %arg15[%swap3A_1468, %swap3A_1469], %min3A_1466 {strides = array<i32>} : memref<1x128xi32, #tpu.memory_space<vmem>>, vector<16xi32>,
      %get3A_1471 = arith.constant 0 : i32
      %get3A_1472 = arith.index_cast %get3A_1471 : i32 to index
      %get3A_1473 = arith.constant 64 : index
      %get3A_1474 = tpu.vector_load %arg16[%get3A_1472, %get3A_1473] {strides = array<i32>} : memref<1x128xi32, #tpu.memory_space<vmem>>, vector<16xi32>,
      %jit3A_1475 = arith.constant 0 : i32
      %jit3A_1476 = arith.constant 9999 : i32
      %max3A_1477 = vector.broadcast %jit3A_1475 : i32 to vector<16xi32>
      %max3A_1478 = arith.maxsi %max3A_1477, %get3A_1474 : vector<16xi32>
      %min3A_1479 = vector.broadcast %jit3A_1476 : i32 to vector<16xi32>
      %min3A_1480 = arith.minsi %min3A_1479, %max3A_1478 : vector<16xi32>
      %swap3A_1481 = arith.constant 0 : i32
      %swap3A_1482 = arith.index_cast %swap3A_1481 : i32 to index
      %swap3A_1483 = arith.constant 64 : index
      %swap3A_1484 = tpu.vector_load %arg16[%swap3A_1482, %swap3A_1483] {strides = array<i32>} : memref<1x128xi32, #tpu.memory_space<vmem>>, vector<16xi32>,
      tpu.vector_store %arg16[%swap3A_1482, %swap3A_1483], %min3A_1480 {strides = array<i32>} : memref<1x128xi32, #tpu.memory_space<vmem>>, vector<16xi32>,
      %get3A_1485 = arith.constant 0 : i32
      %get3A_1486 = arith.index_cast %get3A_1485 : i32 to index
      %get3A_1487 = arith.constant 64 : index
      %get3A_1488 = tpu.vector_load %arg15[%get3A_1486, %get3A_1487] {strides = array<i32>} : memref<1x128xi32, #tpu.memory_space<vmem>>, vector<16xi32>,
      %jit3A_1489 = arith.constant 0 : i32
      %jit3A_1490 = arith.constant 9999 : i32
      %max3A_1491 = vector.broadcast %jit3A_1489 : i32 to vector<16xi32>
      %max3A_1492 = arith.maxsi %max3A_1491, %get3A_1488 : vector<16xi32>
      %min3A_1493 = vector.broadcast %jit3A_1490 : i32 to vector<16xi32>
      %min3A_1494 = arith.minsi %min3A_1493, %max3A_1492 : vector<16xi32>
      %swap3A_1495 = arith.constant 0 : i32
      %swap3A_1496 = arith.index_cast %swap3A_1495 : i32 to index
      %swap3A_1497 = arith.constant 64 : index
      %swap3A_1498 = tpu.vector_load %arg15[%swap3A_1496, %swap3A_1497] {strides = array<i32>} : memref<1x128xi32, #tpu.memory_space<vmem>>, vector<16xi32>,
      tpu.vector_store %arg15[%swap3A_1496, %swap3A_1497], %min3A_1494 {strides = array<i32>} : memref<1x128xi32, #tpu.memory_space<vmem>>, vector<16xi32>,
      %get3A_1499 = arith.constant 0 : i32
      %get3A_1500 = arith.index_cast %get3A_1499 : i32 to index
      %get3A_1501 = arith.constant 80 : index
      %get3A_1502 = tpu.vector_load %arg16[%get3A_1500, %get3A_1501] {strides = array<i32>} : memref<1x128xi32, #tpu.memory_space<vmem>>, vector<16xi32>,
      %jit3A_1503 = arith.constant 0 : i32
      %jit3A_1504 = arith.constant 9999 : i32
      %max3A_1505 = vector.broadcast %jit3A_1503 : i32 to vector<16xi32>
      %max3A_1506 = arith.maxsi %max3A_1505, %get3A_1502 : vector<16xi32>
      %min3A_1507 = vector.broadcast %jit3A_1504 : i32 to vector<16xi32>
      %min3A_1508 = arith.minsi %min3A_1507, %max3A_1506 : vector<16xi32>
      %swap3A_1509 = arith.constant 0 : i32
      %swap3A_1510 = arith.index_cast %swap3A_1509 : i32 to index
      %swap3A_1511 = arith.constant 80 : index
      %swap3A_1512 = tpu.vector_load %arg16[%swap3A_1510, %swap3A_1511] {strides = array<i32>} : memref<1x128xi32, #tpu.memory_space<vmem>>, vector<16xi32>,
      tpu.vector_store %arg16[%swap3A_1510, %swap3A_1511], %min3A_1508 {strides = array<i32>} : memref<1x128xi32, #tpu.memory_space<vmem>>, vector<16xi32>,
      %get3A_1513 = arith.constant 0 : i32
      %get3A_1514 = arith.index_cast %get3A_1513 : i32 to index
      %get3A_1515 = arith.constant 80 : index
      %get3A_1516 = tpu.vector_load %arg15[%get3A_1514, %get3A_1515] {strides = array<i32>} : memref<1x128xi32, #tpu.memory_space<vmem>>, vector<16xi32>,
      %jit3A_1517 = arith.constant 0 : i32
      %jit3A_1518 = arith.constant 9999 : i32
      %max3A_1519 = vector.broadcast %jit3A_1517 : i32 to vector<16xi32>
      %max3A_1520 = arith.maxsi %max3A_1519, %get3A_1516 : vector<16xi32>
      %min3A_1521 = vector.broadcast %jit3A_1518 : i32 to vector<16xi32>
      %min3A_1522 = arith.minsi %min3A_1521, %max3A_1520 : vector<16xi32>
      %swap3A_1523 = arith.constant 0 : i32
      %swap3A_1524 = arith.index_cast %swap3A_1523 : i32 to index
      %swap3A_1525 = arith.constant 80 : index
      %swap3A_1526 = tpu.vector_load %arg15[%swap3A_1524, %swap3A_1525] {strides = array<i32>} : memref<1x128xi32, #tpu.memory_space<vmem>>, vector<16xi32>,
      tpu.vector_store %arg15[%swap3A_1524, %swap3A_1525], %min3A_1522 {strides = array<i32>} : memref<1x128xi32, #tpu.memory_space<vmem>>, vector<16xi32>,
      %get3A_1527 = arith.constant 0 : i32
      %get3A_1528 = arith.index_cast %get3A_1527 : i32 to index
      %get3A_1529 = arith.constant 96 : index
      %get3A_1530 = tpu.vector_load %arg16[%get3A_1528, %get3A_1529] {strides = array<i32>} : memref<1x128xi32, #tpu.memory_space<vmem>>, vector<16xi32>,
      %jit3A_1531 = arith.constant 0 : i32
      %jit3A_1532 = arith.constant 9999 : i32
      %max3A_1533 = vector.broadcast %jit3A_1531 : i32 to vector<16xi32>
      %max3A_1534 = arith.maxsi %max3A_1533, %get3A_1530 : vector<16xi32>
      %min3A_1535 = vector.broadcast %jit3A_1532 : i32 to vector<16xi32>
      %min3A_1536 = arith.minsi %min3A_1535, %max3A_1534 : vector<16xi32>
      %swap3A_1537 = arith.constant 0 : i32
      %swap3A_1538 = arith.index_cast %swap3A_1537 : i32 to index
      %swap3A_1539 = arith.constant 96 : index
      %swap3A_1540 = tpu.vector_load %arg16[%swap3A_1538, %swap3A_1539] {strides = array<i32>} : memref<1x128xi32, #tpu.memory_space<vmem>>, vector<16xi32>,
      tpu.vector_store %arg16[%swap3A_1538, %swap3A_1539], %min3A_1536 {strides = array<i32>} : memref<1x128xi32, #tpu.memory_space<vmem>>, vector<16xi32>,
      %get3A_1541 = arith.constant 0 : i32
      %get3A_1542 = arith.index_cast %get3A_1541 : i32 to index
      %get3A_1543 = arith.constant 96 : index
      %get3A_1544 = tpu.vector_load %arg15[%get3A_1542, %get3A_1543] {strides = array<i32>} : memref<1x128xi32, #tpu.memory_space<vmem>>, vector<16xi32>,
      %jit3A_1545 = arith.constant 0 : i32
      %jit3A_1546 = arith.constant 9999 : i32
      %max3A_1547 = vector.broadcast %jit3A_1545 : i32 to vector<16xi32>
      %max3A_1548 = arith.maxsi %max3A_1547, %get3A_1544 : vector<16xi32>
      %min3A_1549 = vector.broadcast %jit3A_1546 : i32 to vector<16xi32>
      %min3A_1550 = arith.minsi %min3A_1549, %max3A_1548 : vector<16xi32>
      %swap3A_1551 = arith.constant 0 : i32
      %swap3A_1552 = arith.index_cast %swap3A_1551 : i32 to index
      %swap3A_1553 = arith.constant 96 : index
      %swap3A_1554 = tpu.vector_load %arg15[%swap3A_1552, %swap3A_1553] {strides = array<i32>} : memref<1x128xi32, #tpu.memory_space<vmem>>, vector<16xi32>,
      tpu.vector_store %arg15[%swap3A_1552, %swap3A_1553], %min3A_1550 {strides = array<i32>} : memref<1x128xi32, #tpu.memory_space<vmem>>, vector<16xi32>,
      %get3A_1555 = arith.constant 0 : i32
      %get3A_1556 = arith.index_cast %get3A_1555 : i32 to index
      %get3A_1557 = arith.constant 112 : index
      %get3A_1558 = tpu.vector_load %arg16[%get3A_1556, %get3A_1557] {strides = array<i32>} : memref<1x128xi32, #tpu.memory_space<vmem>>, vector<16xi32>,
      %jit3A_1559 = arith.constant 0 : i32
      %jit3A_1560 = arith.constant 9999 : i32
      %max3A_1561 = vector.broadcast %jit3A_1559 : i32 to vector<16xi32>
      %max3A_1562 = arith.maxsi %max3A_1561, %get3A_1558 : vector<16xi32>
      %min3A_1563 = vector.broadcast %jit3A_1560 : i32 to vector<16xi32>
      %min3A_1564 = arith.minsi %min3A_1563, %max3A_1562 : vector<16xi32>
      %swap3A_1565 = arith.constant 0 : i32
      %swap3A_1566 = arith.index_cast %swap3A_1565 : i32 to index
      %swap3A_1567 = arith.constant 112 : index
      %swap3A_1568 = tpu.vector_load %arg16[%swap3A_1566, %swap3A_1567] {strides = array<i32>} : memref<1x128xi32, #tpu.memory_space<vmem>>, vector<16xi32>,
      tpu.vector_store %arg16[%swap3A_1566, %swap3A_1567], %min3A_1564 {strides = array<i32>} : memref<1x128xi32, #tpu.memory_space<vmem>>, vector<16xi32>,
      %get3A_1569 = arith.constant 0 : i32
      %get3A_1570 = arith.index_cast %get3A_1569 : i32 to index
      %get3A_1571 = arith.constant 112 : index
      %get3A_1572 = tpu.vector_load %arg15[%get3A_1570, %get3A_1571] {strides = array<i32>} : memref<1x128xi32, #tpu.memory_space<vmem>>, vector<16xi32>,
      %jit3A_1573 = arith.constant 0 : i32
      %jit3A_1574 = arith.constant 9999 : i32
      %max3A_1575 = vector.broadcast %jit3A_1573 : i32 to vector<16xi32>
      %max3A_1576 = arith.maxsi %max3A_1575, %get3A_1572 : vector<16xi32>
      %min3A_1577 = vector.broadcast %jit3A_1574 : i32 to vector<16xi32>
      %min3A_1578 = arith.minsi %min3A_1577, %max3A_1576 : vector<16xi32>
      %swap3A_1579 = arith.constant 0 : i32
      %swap3A_1580 = arith.index_cast %swap3A_1579 : i32 to index
      %swap3A_1581 = arith.constant 112 : index
      %swap3A_1582 = tpu.vector_load %arg15[%swap3A_1580, %swap3A_1581] {strides = array<i32>} : memref<1x128xi32, #tpu.memory_space<vmem>>, vector<16xi32>,
      tpu.vector_store %arg15[%swap3A_1580, %swap3A_1581], %min3A_1578 {strides = array<i32>} : memref<1x128xi32, #tpu.memory_space<vmem>>, vector<16xi32>,
      %dma_start3A_1583 = arith.constant 0 : i32
      %dma_start3A_1584 = arith.constant 0 : i32
      %dma_start3A_1585 = tpu.memref_slice %arg15[%dma_start3A_1583, %dma_start3A_1584] : memref<1x128xi32, #tpu.memory_space<vmem>> -> memref<1x128xi32, #tpu.memory_space<vmem>>
      %dma_start3A_1586 = tpu.memref_squeeze %dma_start3A_1585 : memref<1x128xi32, #tpu.memory_space<vmem>> -> memref<128xi32, #tpu.memory_space<vmem>>
      %dma_start3A_1587 = arith.constant 0 : i32
      %dma_start3A_1588 = arith.constant 0 : i32
      %dma_start3A_1589 = tpu.memref_slice %arg6[%dma_start3A_1587, %dma_start3A_1588] : memref<10000x128xf32, #tpu.memory_space<hbm>> -> memref<10000x128xf32, #tpu.memory_space<hbm>>
      tpu.enqueue_indirect_dma source(%dma_start3A_1589 : memref<10000x128xf32, #tpu.memory_space<hbm>>) target(%arg18 : memref<128x128xf32, #tpu.memory_space<vmem>>) offsets(%dma_start3A_1586 : memref<128xi32, #tpu.memory_space<vmem>>) semaphore(%arg21 : memref<!tpu.dma_semaphore, #tpu.memory_space<semaphore_mem>>)
      %dma_start3A_1590 = arith.constant 0 : i32
      %dma_start3A_1591 = arith.constant 0 : i32
      %dma_start3A_1592 = tpu.memref_slice %arg16[%dma_start3A_1590, %dma_start3A_1591] : memref<1x128xi32, #tpu.memory_space<vmem>> -> memref<1x128xi32, #tpu.memory_space<vmem>>
      %dma_start3A_1593 = tpu.memref_squeeze %dma_start3A_1592 : memref<1x128xi32, #tpu.memory_space<vmem>> -> memref<128xi32, #tpu.memory_space<vmem>>
      %dma_start3A_1594 = arith.constant 0 : i32
      %dma_start3A_1595 = arith.constant 0 : i32
      %dma_start3A_1596 = tpu.memref_slice %arg6[%dma_start3A_1594, %dma_start3A_1595] : memref<10000x128xf32, #tpu.memory_space<hbm>> -> memref<10000x128xf32, #tpu.memory_space<hbm>>
      tpu.enqueue_indirect_dma source(%dma_start3A_1596 : memref<10000x128xf32, #tpu.memory_space<hbm>>) target(%arg19 : memref<128x128xf32, #tpu.memory_space<vmem>>) offsets(%dma_start3A_1593 : memref<128xi32, #tpu.memory_space<vmem>>) semaphore(%arg22 : memref<!tpu.dma_semaphore, #tpu.memory_space<semaphore_mem>>)
      %multiple_of3A = tpu.assume_multiple %add3A_115, 8 : i32
      "tpu.region"() ({
        %run_scoped3A_1613 = tpu.sem_alloc : memref<!tpu.dma_semaphore, #tpu.memory_space<semaphore_mem>>
        %dma_start3A_1614 = tpu.memref_slice %arg9[%multiple_of3A] : memref<163840xf32, #tpu.memory_space<hbm>> -> memref<128xf32, #tpu.memory_space<hbm>>
        %dma_start3A_1615 = tpu.memref_slice %arg9[%multiple_of3A] : memref<163840xf32, #tpu.memory_space<hbm>> -> memref<128xf32, #tpu.memory_space<hbm>>
        tpu.enqueue_dma source(%arg17 : memref<128xf32, #tpu.memory_space<vmem>>) target(%dma_start3A_1615 : memref<128xf32, #tpu.memory_space<hbm>>) target_semaphore(%run_scoped3A_1613 : memref<!tpu.dma_semaphore, #tpu.memory_space<semaphore_mem>>)
        %dma_wait3A_1616 = tpu.memref_slice %arg9[%multiple_of3A] : memref<163840xf32, #tpu.memory_space<hbm>> -> memref<128xf32, #tpu.memory_space<hbm>>
        %dma_wait3A_1617 = tpu.memref_slice %arg9[%multiple_of3A] : memref<163840xf32, #tpu.memory_space<hbm>> -> memref<128xf32, #tpu.memory_space<hbm>>
        tpu.wait_dma2 semaphore(%run_scoped3A_1613 : memref<!tpu.dma_semaphore, #tpu.memory_space<semaphore_mem>>) src(%arg17 : memref<128xf32, #tpu.memory_space<vmem>>) dst(%dma_wait3A_1617 : memref<128xf32, #tpu.memory_space<hbm>>)
        tpu.yield
      }) : () -> ()
      %multiple_of3A_1597 = tpu.assume_multiple %add3A_115, 8 : i32
      %run_scoped3A = arith.constant 0 : i32
      "tpu.region"() ({
        %run_scoped3A_1613 = tpu.sem_alloc : memref<!tpu.dma_semaphore, #tpu.memory_space<semaphore_mem>>
        %dma_start3A_1614 = arith.constant 0 : i32
        %dma_start3A_1615 = tpu.memref_slice %arg15[%run_scoped3A, %dma_start3A_1614] : memref<1x128xi32, #tpu.memory_space<vmem>> -> memref<1x128xi32, #tpu.memory_space<vmem>>
        %dma_start3A_1616 = tpu.memref_squeeze %dma_start3A_1615 : memref<1x128xi32, #tpu.memory_space<vmem>> -> memref<128xi32, #tpu.memory_space<vmem>>
        %dma_start3A_1617 = tpu.memref_slice %arg10[%multiple_of3A_1597] : memref<163840xi32, #tpu.memory_space<hbm>> -> memref<128xi32, #tpu.memory_space<hbm>>
        %dma_start3A_1618 = tpu.memref_slice %arg10[%multiple_of3A_1597] : memref<163840xi32, #tpu.memory_space<hbm>> -> memref<128xi32, #tpu.memory_space<hbm>>
        %dma_start3A_1619 = arith.constant 0 : i32
        %dma_start3A_1620 = tpu.memref_slice %arg15[%run_scoped3A, %dma_start3A_1619] : memref<1x128xi32, #tpu.memory_space<vmem>> -> memref<1x128xi32, #tpu.memory_space<vmem>>
        %dma_start3A_1621 = tpu.memref_squeeze %dma_start3A_1620 : memref<1x128xi32, #tpu.memory_space<vmem>> -> memref<128xi32, #tpu.memory_space<vmem>>
        tpu.enqueue_dma source(%dma_start3A_1621 : memref<128xi32, #tpu.memory_space<vmem>>) target(%dma_start3A_1618 : memref<128xi32, #tpu.memory_space<hbm>>) target_semaphore(%run_scoped3A_1613 : memref<!tpu.dma_semaphore, #tpu.memory_space<semaphore_mem>>)
        %dma_wait3A_1622 = arith.constant 0 : i32
        %dma_wait3A_1623 = tpu.memref_slice %arg15[%run_scoped3A, %dma_wait3A_1622] : memref<1x128xi32, #tpu.memory_space<vmem>> -> memref<1x128xi32, #tpu.memory_space<vmem>>
        %dma_wait3A_1624 = tpu.memref_squeeze %dma_wait3A_1623 : memref<1x128xi32, #tpu.memory_space<vmem>> -> memref<128xi32, #tpu.memory_space<vmem>>
        %dma_wait3A_1625 = tpu.memref_slice %arg10[%multiple_of3A_1597] : memref<163840xi32, #tpu.memory_space<hbm>> -> memref<128xi32, #tpu.memory_space<hbm>>
        %dma_wait3A_1626 = tpu.memref_slice %arg10[%multiple_of3A_1597] : memref<163840xi32, #tpu.memory_space<hbm>> -> memref<128xi32, #tpu.memory_space<hbm>>
        %dma_wait3A_1627 = arith.constant 0 : i32
        %dma_wait3A_1628 = tpu.memref_slice %arg15[%run_scoped3A, %dma_wait3A_1627] : memref<1x128xi32, #tpu.memory_space<vmem>> -> memref<1x128xi32, #tpu.memory_space<vmem>>
        %dma_wait3A_1629 = tpu.memref_squeeze %dma_wait3A_1628 : memref<1x128xi32, #tpu.memory_space<vmem>> -> memref<128xi32, #tpu.memory_space<vmem>>
        tpu.wait_dma2 semaphore(%run_scoped3A_1613 : memref<!tpu.dma_semaphore, #tpu.memory_space<semaphore_mem>>) src(%dma_wait3A_1629 : memref<128xi32, #tpu.memory_space<vmem>>) dst(%dma_wait3A_1626 : memref<128xi32, #tpu.memory_space<hbm>>)
        tpu.yield
      }) : () -> ()
      %dma_wait3A_1598 = arith.constant 0 : i32
      %dma_wait3A_1599 = arith.constant 0 : i32
      %dma_wait3A_1600 = tpu.memref_slice %arg15[%dma_wait3A_1598, %dma_wait3A_1599] : memref<1x128xi32, #tpu.memory_space<vmem>> -> memref<1x128xi32, #tpu.memory_space<vmem>>
      %dma_wait3A_1601 = tpu.memref_squeeze %dma_wait3A_1600 : memref<1x128xi32, #tpu.memory_space<vmem>> -> memref<128xi32, #tpu.memory_space<vmem>>
      %dma_wait3A_1602 = arith.constant 0 : i32
      %dma_wait3A_1603 = arith.constant 0 : i32
      %dma_wait3A_1604 = tpu.memref_slice %arg6[%dma_wait3A_1602, %dma_wait3A_1603] : memref<10000x128xf32, #tpu.memory_space<hbm>> -> memref<10000x128xf32, #tpu.memory_space<hbm>>
      tpu.wait_indirect_dma semaphore(%arg21 : memref<!tpu.dma_semaphore, #tpu.memory_space<semaphore_mem>>) src(%dma_wait3A_1604 : memref<10000x128xf32, #tpu.memory_space<hbm>>) dst(%arg18 : memref<128x128xf32, #tpu.memory_space<vmem>>)
      "tpu.region"() ({
        %run_scoped3A_1613 = tpu.sem_alloc : memref<!tpu.dma_semaphore, #tpu.memory_space<semaphore_mem>>
        %dma_start3A_1614 = arith.constant 0 : i32
        %dma_start3A_1615 = tpu.memref_slice %arg7[%add3A_115, %dma_start3A_1614] : memref<163840x128xf32, #tpu.memory_space<hbm>> -> memref<128x128xf32, #tpu.memory_space<hbm>>
        %dma_start3A_1616 = arith.constant 0 : i32
        %dma_start3A_1617 = tpu.memref_slice %arg7[%add3A_115, %dma_start3A_1616] : memref<163840x128xf32, #tpu.memory_space<hbm>> -> memref<128x128xf32, #tpu.memory_space<hbm>>
        tpu.enqueue_dma source(%arg18 : memref<128x128xf32, #tpu.memory_space<vmem>>) target(%dma_start3A_1617 : memref<128x128xf32, #tpu.memory_space<hbm>>) target_semaphore(%run_scoped3A_1613 : memref<!tpu.dma_semaphore, #tpu.memory_space<semaphore_mem>>)
        %dma_wait3A_1618 = arith.constant 0 : i32
        %dma_wait3A_1619 = tpu.memref_slice %arg7[%add3A_115, %dma_wait3A_1618] : memref<163840x128xf32, #tpu.memory_space<hbm>> -> memref<128x128xf32, #tpu.memory_space<hbm>>
        %dma_wait3A_1620 = arith.constant 0 : i32
        %dma_wait3A_1621 = tpu.memref_slice %arg7[%add3A_115, %dma_wait3A_1620] : memref<163840x128xf32, #tpu.memory_space<hbm>> -> memref<128x128xf32, #tpu.memory_space<hbm>>
        tpu.wait_dma2 semaphore(%run_scoped3A_1613 : memref<!tpu.dma_semaphore, #tpu.memory_space<semaphore_mem>>) src(%arg18 : memref<128x128xf32, #tpu.memory_space<vmem>>) dst(%dma_wait3A_1621 : memref<128x128xf32, #tpu.memory_space<hbm>>)
        tpu.yield
      }) : () -> ()
      %dma_wait3A_1605 = arith.constant 0 : i32
      %dma_wait3A_1606 = arith.constant 0 : i32
      %dma_wait3A_1607 = tpu.memref_slice %arg16[%dma_wait3A_1605, %dma_wait3A_1606] : memref<1x128xi32, #tpu.memory_space<vmem>> -> memref<1x128xi32, #tpu.memory_space<vmem>>
      %dma_wait3A_1608 = tpu.memref_squeeze %dma_wait3A_1607 : memref<1x128xi32, #tpu.memory_space<vmem>> -> memref<128xi32, #tpu.memory_space<vmem>>
      %dma_wait3A_1609 = arith.constant 0 : i32
      %dma_wait3A_1610 = arith.constant 0 : i32
      %dma_wait3A_1611 = tpu.memref_slice %arg6[%dma_wait3A_1609, %dma_wait3A_1610] : memref<10000x128xf32, #tpu.memory_space<hbm>> -> memref<10000x128xf32, #tpu.memory_space<hbm>>
      tpu.wait_indirect_dma semaphore(%arg22 : memref<!tpu.dma_semaphore, #tpu.memory_space<semaphore_mem>>) src(%dma_wait3A_1611 : memref<10000x128xf32, #tpu.memory_space<hbm>>) dst(%arg19 : memref<128x128xf32, #tpu.memory_space<vmem>>)
      "tpu.region"() ({
        %run_scoped3A_1613 = tpu.sem_alloc : memref<!tpu.dma_semaphore, #tpu.memory_space<semaphore_mem>>
        %dma_start3A_1614 = arith.constant 0 : i32
        %dma_start3A_1615 = tpu.memref_slice %arg8[%add3A_115, %dma_start3A_1614] : memref<163840x128xf32, #tpu.memory_space<hbm>> -> memref<128x128xf32, #tpu.memory_space<hbm>>
        %dma_start3A_1616 = arith.constant 0 : i32
        %dma_start3A_1617 = tpu.memref_slice %arg8[%add3A_115, %dma_start3A_1616] : memref<163840x128xf32, #tpu.memory_space<hbm>> -> memref<128x128xf32, #tpu.memory_space<hbm>>
        tpu.enqueue_dma source(%arg19 : memref<128x128xf32, #tpu.memory_space<vmem>>) target(%dma_start3A_1617 : memref<128x128xf32, #tpu.memory_space<hbm>>) target_semaphore(%run_scoped3A_1613 : memref<!tpu.dma_semaphore, #tpu.memory_space<semaphore_mem>>)
        %dma_wait3A_1618 = arith.constant 0 : i32
        %dma_wait3A_1619 = tpu.memref_slice %arg8[%add3A_115, %dma_wait3A_1618] : memref<163840x128xf32, #tpu.memory_space<hbm>> -> memref<128x128xf32, #tpu.memory_space<hbm>>
        %dma_wait3A_1620 = arith.constant 0 : i32
        %dma_wait3A_1621 = tpu.memref_slice %arg8[%add3A_115, %dma_wait3A_1620] : memref<163840x128xf32, #tpu.memory_space<hbm>> -> memref<128x128xf32, #tpu.memory_space<hbm>>
        tpu.wait_dma2 semaphore(%run_scoped3A_1613 : memref<!tpu.dma_semaphore, #tpu.memory_space<semaphore_mem>>) src(%arg19 : memref<128x128xf32, #tpu.memory_space<vmem>>) dst(%dma_wait3A_1621 : memref<128x128xf32, #tpu.memory_space<hbm>>)
        tpu.yield
      }) : () -> ()
      %scan3A_1612 = arith.constant 0 : i32
      scf.yield %scan3A_1612 : i32
    }
    %scan3A_108 = arith.constant 40 : i32
    return
  }
}

#map = affine_map<(d0, d1) -> (0, 0)>
#map1 = affine_map<(d0, d1) -> (0)>
#map2 = affine_map<(d0, d1) -> (0, 0, 0)>
module attributes {stable_mosaic.version = 14 : i64} {
  func.func @_scatter_body(%arg0: i32, %arg1: i32, %arg2: memref<163840x128xf32, #tpu.memory_space<hbm>>, %arg3: memref<163840xi32, #tpu.memory_space<hbm>>, %arg4: memref<10000x128xf32, #tpu.memory_space<hbm>>, %arg5: memref<2x10000x128xf32, #tpu.memory_space<hbm>>, %arg6: memref<10000x128xf32, #tpu.memory_space<vmem_shared>>, %arg7: memref<128x128xf32, #tpu.memory_space<vmem>>, %arg8: memref<1x128xi32, #tpu.memory_space<vmem>>) attributes {dimension_semantics = [#tpu.dimension_semantics<core_parallel>, #tpu.dimension_semantics<subcore_parallel>], iteration_bounds = array<i64: 2, 16>, scalar_prefetch = 0 : i64, scratch_operands = 3 : i64, tpu.core_type = #tpu.core_type<sc_vector_subcore>, window_params = [{transform_indices = #map}, {transform_indices = #map1}, {transform_indices = #map}, {transform_indices = #map2}]} {
    %mul3A = arith.constant 624 : i32
    %mul3A_0 = arith.muli %arg1, %mul3A : i32
    "tpu.region"() ({
      %run_scoped3A = tpu.sem_alloc : memref<!tpu.dma_semaphore, #tpu.memory_space<semaphore_mem>>
      %dma_start3A = arith.constant 0 : i32
      %dma_start3A_15 = tpu.memref_slice %arg6[%mul3A_0, %dma_start3A] : memref<10000x128xf32, #tpu.memory_space<vmem_shared>> -> memref<624x128xf32, #tpu.memory_space<vmem_shared>>
      %dma_start3A_16 = arith.constant 0 : i32
      %dma_start3A_17 = tpu.memref_slice %arg4[%mul3A_0, %dma_start3A_16] : memref<10000x128xf32, #tpu.memory_space<hbm>> -> memref<624x128xf32, #tpu.memory_space<hbm>>
      tpu.enqueue_dma source(%dma_start3A_17 : memref<624x128xf32, #tpu.memory_space<hbm>>) target(%dma_start3A_15 : memref<624x128xf32, #tpu.memory_space<vmem_shared>>) target_semaphore(%run_scoped3A : memref<!tpu.dma_semaphore, #tpu.memory_space<semaphore_mem>>)
      %dma_wait3A = arith.constant 0 : i32
      %dma_wait3A_18 = tpu.memref_slice %arg6[%mul3A_0, %dma_wait3A] : memref<10000x128xf32, #tpu.memory_space<vmem_shared>> -> memref<624x128xf32, #tpu.memory_space<vmem_shared>>
      %dma_wait3A_19 = arith.constant 0 : i32
      %dma_wait3A_20 = tpu.memref_slice %arg4[%mul3A_0, %dma_wait3A_19] : memref<10000x128xf32, #tpu.memory_space<hbm>> -> memref<624x128xf32, #tpu.memory_space<hbm>>
      tpu.wait_dma2 semaphore(%run_scoped3A : memref<!tpu.dma_semaphore, #tpu.memory_space<semaphore_mem>>) src(%dma_wait3A_20 : memref<624x128xf32, #tpu.memory_space<hbm>>) dst(%dma_wait3A_18 : memref<624x128xf32, #tpu.memory_space<vmem_shared>>)
      tpu.yield
    }) : () -> ()
    %eq3A = arith.constant 0 : i32
    %eq3A_1 = arith.cmpi eq, %arg1, %eq3A : i32
    %convert_element_type3A = arith.extui %eq3A_1 : i1 to i32
    %cond3A = arith.constant 0 : i32
    %cond3A_2 = arith.cmpi ne, %convert_element_type3A, %cond3A : i32
    scf.if %cond3A_2 {
      "tpu.region"() ({
        %run_scoped3A = tpu.sem_alloc : memref<!tpu.dma_semaphore, #tpu.memory_space<semaphore_mem>>
        %dma_start3A = arith.constant 9984 : i32
        %dma_start3A_15 = arith.constant 0 : i32
        %dma_start3A_16 = tpu.memref_slice %arg6[%dma_start3A, %dma_start3A_15] : memref<10000x128xf32, #tpu.memory_space<vmem_shared>> -> memref<16x128xf32, #tpu.memory_space<vmem_shared>>
        %dma_start3A_17 = arith.constant 9984 : i32
        %dma_start3A_18 = arith.constant 0 : i32
        %dma_start3A_19 = tpu.memref_slice %arg4[%dma_start3A_17, %dma_start3A_18] : memref<10000x128xf32, #tpu.memory_space<hbm>> -> memref<16x128xf32, #tpu.memory_space<hbm>>
        tpu.enqueue_dma source(%dma_start3A_19 : memref<16x128xf32, #tpu.memory_space<hbm>>) target(%dma_start3A_16 : memref<16x128xf32, #tpu.memory_space<vmem_shared>>) target_semaphore(%run_scoped3A : memref<!tpu.dma_semaphore, #tpu.memory_space<semaphore_mem>>)
        %dma_wait3A = arith.constant 9984 : i32
        %dma_wait3A_20 = arith.constant 0 : i32
        %dma_wait3A_21 = tpu.memref_slice %arg6[%dma_wait3A, %dma_wait3A_20] : memref<10000x128xf32, #tpu.memory_space<vmem_shared>> -> memref<16x128xf32, #tpu.memory_space<vmem_shared>>
        %dma_wait3A_22 = arith.constant 9984 : i32
        %dma_wait3A_23 = arith.constant 0 : i32
        %dma_wait3A_24 = tpu.memref_slice %arg4[%dma_wait3A_22, %dma_wait3A_23] : memref<10000x128xf32, #tpu.memory_space<hbm>> -> memref<16x128xf32, #tpu.memory_space<hbm>>
        tpu.wait_dma2 semaphore(%run_scoped3A : memref<!tpu.dma_semaphore, #tpu.memory_space<semaphore_mem>>) src(%dma_wait3A_24 : memref<16x128xf32, #tpu.memory_space<hbm>>) dst(%dma_wait3A_21 : memref<16x128xf32, #tpu.memory_space<vmem_shared>>)
        tpu.yield
      }) : () -> ()
    } else {
    }
    %barrier3A = arith.constant 0 : index
    tpu.barrier barrier_id(%barrier3A)
    %scan3A = arith.constant 0 : i32
    %scan3A_3 = arith.constant 0 : i32
    %scan3A_4 = arith.constant 40 : i32
    %scan3A_5 = arith.addi %scan3A_3, %scan3A_4 : i32
    %scan3A_6 = arith.constant 1 : i32
    %scan3A_7 = scf.for %scan3A_15 = %scan3A_3 to %scan3A_5 step %scan3A_6 iter_args(%scan3A_16 = %scan3A) -> (i32)  : i32 {
      %mul3A_17 = arith.constant 81920 : i32
      %mul3A_18 = arith.muli %arg0, %mul3A_17 : i32
      %mul3A_19 = arith.constant 5120 : i32
      %mul3A_20 = arith.muli %arg1, %mul3A_19 : i32
      %add3A = arith.addi %mul3A_18, %mul3A_20 : i32
      %mul3A_21 = arith.constant 128 : i32
      %mul3A_22 = arith.muli %scan3A_15, %mul3A_21 : i32
      %add3A_23 = arith.addi %add3A, %mul3A_22 : i32
      "tpu.region"() ({
        %run_scoped3A_26 = tpu.sem_alloc : memref<!tpu.dma_semaphore, #tpu.memory_space<semaphore_mem>>
        %dma_start3A = arith.constant 0 : i32
        %dma_start3A_27 = tpu.memref_slice %arg2[%add3A_23, %dma_start3A] : memref<163840x128xf32, #tpu.memory_space<hbm>> -> memref<128x128xf32, #tpu.memory_space<hbm>>
        %dma_start3A_28 = arith.constant 0 : i32
        %dma_start3A_29 = tpu.memref_slice %arg2[%add3A_23, %dma_start3A_28] : memref<163840x128xf32, #tpu.memory_space<hbm>> -> memref<128x128xf32, #tpu.memory_space<hbm>>
        tpu.enqueue_dma source(%dma_start3A_29 : memref<128x128xf32, #tpu.memory_space<hbm>>) target(%arg7 : memref<128x128xf32, #tpu.memory_space<vmem>>) target_semaphore(%run_scoped3A_26 : memref<!tpu.dma_semaphore, #tpu.memory_space<semaphore_mem>>)
        %dma_wait3A = arith.constant 0 : i32
        %dma_wait3A_30 = tpu.memref_slice %arg2[%add3A_23, %dma_wait3A] : memref<163840x128xf32, #tpu.memory_space<hbm>> -> memref<128x128xf32, #tpu.memory_space<hbm>>
        %dma_wait3A_31 = arith.constant 0 : i32
        %dma_wait3A_32 = tpu.memref_slice %arg2[%add3A_23, %dma_wait3A_31] : memref<163840x128xf32, #tpu.memory_space<hbm>> -> memref<128x128xf32, #tpu.memory_space<hbm>>
        tpu.wait_dma2 semaphore(%run_scoped3A_26 : memref<!tpu.dma_semaphore, #tpu.memory_space<semaphore_mem>>) src(%dma_wait3A_32 : memref<128x128xf32, #tpu.memory_space<hbm>>) dst(%arg7 : memref<128x128xf32, #tpu.memory_space<vmem>>)
        tpu.yield
      }) : () -> ()
      %multiple_of3A = tpu.assume_multiple %add3A_23, 8 : i32
      %run_scoped3A = arith.constant 0 : i32
      "tpu.region"() ({
        %run_scoped3A_26 = tpu.sem_alloc : memref<!tpu.dma_semaphore, #tpu.memory_space<semaphore_mem>>
        %dma_start3A = arith.constant 0 : i32
        %dma_start3A_27 = tpu.memref_slice %arg8[%run_scoped3A, %dma_start3A] : memref<1x128xi32, #tpu.memory_space<vmem>> -> memref<1x128xi32, #tpu.memory_space<vmem>>
        %dma_start3A_28 = tpu.memref_squeeze %dma_start3A_27 : memref<1x128xi32, #tpu.memory_space<vmem>> -> memref<128xi32, #tpu.memory_space<vmem>>
        %dma_start3A_29 = tpu.memref_slice %arg3[%multiple_of3A] : memref<163840xi32, #tpu.memory_space<hbm>> -> memref<128xi32, #tpu.memory_space<hbm>>
        %dma_start3A_30 = arith.constant 0 : i32
        %dma_start3A_31 = tpu.memref_slice %arg8[%run_scoped3A, %dma_start3A_30] : memref<1x128xi32, #tpu.memory_space<vmem>> -> memref<1x128xi32, #tpu.memory_space<vmem>>
        %dma_start3A_32 = tpu.memref_squeeze %dma_start3A_31 : memref<1x128xi32, #tpu.memory_space<vmem>> -> memref<128xi32, #tpu.memory_space<vmem>>
        %dma_start3A_33 = tpu.memref_slice %arg3[%multiple_of3A] : memref<163840xi32, #tpu.memory_space<hbm>> -> memref<128xi32, #tpu.memory_space<hbm>>
        tpu.enqueue_dma source(%dma_start3A_33 : memref<128xi32, #tpu.memory_space<hbm>>) target(%dma_start3A_32 : memref<128xi32, #tpu.memory_space<vmem>>) target_semaphore(%run_scoped3A_26 : memref<!tpu.dma_semaphore, #tpu.memory_space<semaphore_mem>>)
        %dma_wait3A = arith.constant 0 : i32
        %dma_wait3A_34 = tpu.memref_slice %arg8[%run_scoped3A, %dma_wait3A] : memref<1x128xi32, #tpu.memory_space<vmem>> -> memref<1x128xi32, #tpu.memory_space<vmem>>
        %dma_wait3A_35 = tpu.memref_squeeze %dma_wait3A_34 : memref<1x128xi32, #tpu.memory_space<vmem>> -> memref<128xi32, #tpu.memory_space<vmem>>
        %dma_wait3A_36 = tpu.memref_slice %arg3[%multiple_of3A] : memref<163840xi32, #tpu.memory_space<hbm>> -> memref<128xi32, #tpu.memory_space<hbm>>
        %dma_wait3A_37 = arith.constant 0 : i32
        %dma_wait3A_38 = tpu.memref_slice %arg8[%run_scoped3A, %dma_wait3A_37] : memref<1x128xi32, #tpu.memory_space<vmem>> -> memref<1x128xi32, #tpu.memory_space<vmem>>
        %dma_wait3A_39 = tpu.memref_squeeze %dma_wait3A_38 : memref<1x128xi32, #tpu.memory_space<vmem>> -> memref<128xi32, #tpu.memory_space<vmem>>
        %dma_wait3A_40 = tpu.memref_slice %arg3[%multiple_of3A] : memref<163840xi32, #tpu.memory_space<hbm>> -> memref<128xi32, #tpu.memory_space<hbm>>
        tpu.wait_dma2 semaphore(%run_scoped3A_26 : memref<!tpu.dma_semaphore, #tpu.memory_space<semaphore_mem>>) src(%dma_wait3A_40 : memref<128xi32, #tpu.memory_space<hbm>>) dst(%dma_wait3A_39 : memref<128xi32, #tpu.memory_space<vmem>>)
        tpu.yield
      }) : () -> ()
      %run_scoped3A_24 = arith.constant 0 : i32
      "tpu.region"() ({
        %run_scoped3A_26 = tpu.sem_alloc : memref<!tpu.dma_semaphore, #tpu.memory_space<semaphore_mem>>
        %dma_start3A = arith.constant 0 : i32
        %dma_start3A_27 = tpu.memref_slice %arg8[%run_scoped3A_24, %dma_start3A] : memref<1x128xi32, #tpu.memory_space<vmem>> -> memref<1x128xi32, #tpu.memory_space<vmem>>
        %dma_start3A_28 = tpu.memref_squeeze %dma_start3A_27 : memref<1x128xi32, #tpu.memory_space<vmem>> -> memref<128xi32, #tpu.memory_space<vmem>>
        %dma_start3A_29 = arith.constant 0 : i32
        %dma_start3A_30 = arith.constant 0 : i32
        %dma_start3A_31 = tpu.memref_slice %arg6[%dma_start3A_29, %dma_start3A_30] : memref<10000x128xf32, #tpu.memory_space<vmem_shared>> -> memref<10000x128xf32, #tpu.memory_space<vmem_shared>>
        tpu.enqueue_indirect_dma source(%arg7 : memref<128x128xf32, #tpu.memory_space<vmem>>) target(%dma_start3A_31 : memref<10000x128xf32, #tpu.memory_space<vmem_shared>>) offsets(%dma_start3A_28 : memref<128xi32, #tpu.memory_space<vmem>>) semaphore(%run_scoped3A_26 : memref<!tpu.dma_semaphore, #tpu.memory_space<semaphore_mem>>) {add = true}
        %dma_wait3A = arith.constant 0 : i32
        %dma_wait3A_32 = tpu.memref_slice %arg8[%run_scoped3A_24, %dma_wait3A] : memref<1x128xi32, #tpu.memory_space<vmem>> -> memref<1x128xi32, #tpu.memory_space<vmem>>
        %dma_wait3A_33 = tpu.memref_squeeze %dma_wait3A_32 : memref<1x128xi32, #tpu.memory_space<vmem>> -> memref<128xi32, #tpu.memory_space<vmem>>
        %dma_wait3A_34 = arith.constant 0 : i32
        %dma_wait3A_35 = arith.constant 0 : i32
        %dma_wait3A_36 = tpu.memref_slice %arg6[%dma_wait3A_34, %dma_wait3A_35] : memref<10000x128xf32, #tpu.memory_space<vmem_shared>> -> memref<10000x128xf32, #tpu.memory_space<vmem_shared>>
        tpu.wait_indirect_dma semaphore(%run_scoped3A_26 : memref<!tpu.dma_semaphore, #tpu.memory_space<semaphore_mem>>) src(%arg7 : memref<128x128xf32, #tpu.memory_space<vmem>>) dst(%dma_wait3A_36 : memref<10000x128xf32, #tpu.memory_space<vmem_shared>>)
        tpu.yield
      }) : () -> ()
      %scan3A_25 = arith.constant 0 : i32
      scf.yield %scan3A_25 : i32
    }
    %scan3A_8 = arith.constant 40 : i32
    %barrier3A_9 = arith.constant 0 : index
    tpu.barrier barrier_id(%barrier3A_9)
    "tpu.region"() ({
      %run_scoped3A = tpu.sem_alloc : memref<!tpu.dma_semaphore, #tpu.memory_space<semaphore_mem>>
      %dma_start3A = arith.constant 0 : i32
      %dma_start3A_15 = tpu.memref_slice %arg5[%arg0, %mul3A_0, %dma_start3A] : memref<2x10000x128xf32, #tpu.memory_space<hbm>> -> memref<1x624x128xf32, #tpu.memory_space<hbm>>
      %dma_start3A_16 = tpu.memref_squeeze %dma_start3A_15 : memref<1x624x128xf32, #tpu.memory_space<hbm>> -> memref<624x128xf32, #tpu.memory_space<hbm>>
      %dma_start3A_17 = arith.constant 0 : i32
      %dma_start3A_18 = tpu.memref_slice %arg6[%mul3A_0, %dma_start3A_17] : memref<10000x128xf32, #tpu.memory_space<vmem_shared>> -> memref<624x128xf32, #tpu.memory_space<vmem_shared>>
      tpu.enqueue_dma source(%dma_start3A_18 : memref<624x128xf32, #tpu.memory_space<vmem_shared>>) target(%dma_start3A_16 : memref<624x128xf32, #tpu.memory_space<hbm>>) target_semaphore(%run_scoped3A : memref<!tpu.dma_semaphore, #tpu.memory_space<semaphore_mem>>)
      %dma_wait3A = arith.constant 0 : i32
      %dma_wait3A_19 = tpu.memref_slice %arg5[%arg0, %mul3A_0, %dma_wait3A] : memref<2x10000x128xf32, #tpu.memory_space<hbm>> -> memref<1x624x128xf32, #tpu.memory_space<hbm>>
      %dma_wait3A_20 = tpu.memref_squeeze %dma_wait3A_19 : memref<1x624x128xf32, #tpu.memory_space<hbm>> -> memref<624x128xf32, #tpu.memory_space<hbm>>
      %dma_wait3A_21 = arith.constant 0 : i32
      %dma_wait3A_22 = tpu.memref_slice %arg6[%mul3A_0, %dma_wait3A_21] : memref<10000x128xf32, #tpu.memory_space<vmem_shared>> -> memref<624x128xf32, #tpu.memory_space<vmem_shared>>
      tpu.wait_dma2 semaphore(%run_scoped3A : memref<!tpu.dma_semaphore, #tpu.memory_space<semaphore_mem>>) src(%dma_wait3A_22 : memref<624x128xf32, #tpu.memory_space<vmem_shared>>) dst(%dma_wait3A_20 : memref<624x128xf32, #tpu.memory_space<hbm>>)
      tpu.yield
    }) : () -> ()
    %eq3A_10 = arith.constant 0 : i32
    %eq3A_11 = arith.cmpi eq, %arg1, %eq3A_10 : i32
    %convert_element_type3A_12 = arith.extui %eq3A_11 : i1 to i32
    %cond3A_13 = arith.constant 0 : i32
    %cond3A_14 = arith.cmpi ne, %convert_element_type3A_12, %cond3A_13 : i32
    scf.if %cond3A_14 {
      "tpu.region"() ({
        %run_scoped3A = tpu.sem_alloc : memref<!tpu.dma_semaphore, #tpu.memory_space<semaphore_mem>>
        %dma_start3A = arith.constant 9984 : i32
        %dma_start3A_15 = arith.constant 0 : i32
        %dma_start3A_16 = tpu.memref_slice %arg5[%arg0, %dma_start3A, %dma_start3A_15] : memref<2x10000x128xf32, #tpu.memory_space<hbm>> -> memref<1x16x128xf32, #tpu.memory_space<hbm>>
        %dma_start3A_17 = tpu.memref_squeeze %dma_start3A_16 : memref<1x16x128xf32, #tpu.memory_space<hbm>> -> memref<16x128xf32, #tpu.memory_space<hbm>>
        %dma_start3A_18 = arith.constant 9984 : i32
        %dma_start3A_19 = arith.constant 0 : i32
        %dma_start3A_20 = tpu.memref_slice %arg6[%dma_start3A_18, %dma_start3A_19] : memref<10000x128xf32, #tpu.memory_space<vmem_shared>> -> memref<16x128xf32, #tpu.memory_space<vmem_shared>>
        tpu.enqueue_dma source(%dma_start3A_20 : memref<16x128xf32, #tpu.memory_space<vmem_shared>>) target(%dma_start3A_17 : memref<16x128xf32, #tpu.memory_space<hbm>>) target_semaphore(%run_scoped3A : memref<!tpu.dma_semaphore, #tpu.memory_space<semaphore_mem>>)
        %dma_wait3A = arith.constant 9984 : i32
        %dma_wait3A_21 = arith.constant 0 : i32
        %dma_wait3A_22 = tpu.memref_slice %arg5[%arg0, %dma_wait3A, %dma_wait3A_21] : memref<2x10000x128xf32, #tpu.memory_space<hbm>> -> memref<1x16x128xf32, #tpu.memory_space<hbm>>
        %dma_wait3A_23 = tpu.memref_squeeze %dma_wait3A_22 : memref<1x16x128xf32, #tpu.memory_space<hbm>> -> memref<16x128xf32, #tpu.memory_space<hbm>>
        %dma_wait3A_24 = arith.constant 9984 : i32
        %dma_wait3A_25 = arith.constant 0 : i32
        %dma_wait3A_26 = tpu.memref_slice %arg6[%dma_wait3A_24, %dma_wait3A_25] : memref<10000x128xf32, #tpu.memory_space<vmem_shared>> -> memref<16x128xf32, #tpu.memory_space<vmem_shared>>
        tpu.wait_dma2 semaphore(%run_scoped3A : memref<!tpu.dma_semaphore, #tpu.memory_space<semaphore_mem>>) src(%dma_wait3A_26 : memref<16x128xf32, #tpu.memory_space<vmem_shared>>) dst(%dma_wait3A_23 : memref<16x128xf32, #tpu.memory_space<hbm>>)
        tpu.yield
      }) : () -> ()
    } else {
    }
    return
  }
}

#map = affine_map<(d0, d1) -> (0)>
module attributes {stable_mosaic.version = 14 : i64} {
  func.func @_extract_body(%arg0: i32, %arg1: i32, %arg2: memref<100000000xf32, #tpu.memory_space<hbm>>, %arg3: memref<5702912xi32, #tpu.memory_space<hbm>>, %arg4: memref<5702912xf32, #tpu.memory_space<hbm>>, %arg5: memref<5702912xi32, #tpu.memory_space<hbm>>, %arg6: memref<512xi32, #tpu.memory_space<hbm>>, %arg7: memref<20000xf32, #tpu.memory_space<vmem>>, %arg8: memref<20000xf32, #tpu.memory_space<vmem>>, %arg9: memref<18208xi32, #tpu.memory_space<vmem>>, %arg10: memref<18208xf32, #tpu.memory_space<vmem>>, %arg11: memref<18208xi32, #tpu.memory_space<vmem>>, %arg12: memref<16xi32, #tpu.memory_space<vmem>>, %arg13: memref<!tpu.dma_semaphore, #tpu.memory_space<semaphore_mem>>, %arg14: memref<!tpu.dma_semaphore, #tpu.memory_space<semaphore_mem>>) attributes {dimension_semantics = [#tpu.dimension_semantics<core_parallel>, #tpu.dimension_semantics<subcore_parallel>], iteration_bounds = array<i64: 2, 16>, scalar_prefetch = 0 : i64, scratch_operands = 8 : i64, tpu.core_type = #tpu.core_type<sc_vector_subcore>, window_params = [{transform_indices = #map}, {transform_indices = #map}, {transform_indices = #map}, {transform_indices = #map}, {transform_indices = #map}]} {
    %mul3A = arith.constant 2 : i32
    %mul3A_0 = arith.muli %arg1, %mul3A : i32
    %add3A = arith.addi %mul3A_0, %arg0 : i32
    %mul3A_1 = arith.constant 625 : i32
    %mul3A_2 = arith.muli %add3A, %mul3A_1 : i32
    %jit3A = arith.constant 2 : i32
    %div3A = arith.divsi %mul3A_2, %jit3A : i32
    %sign3A = arith.constant 0 : i32
    %sign3A_3 = arith.cmpi sgt, %mul3A_2, %sign3A : i32
    %sign3A_4 = arith.extui %sign3A_3 : i1 to i32
    %sign3A_5 = arith.constant 0 : i32
    %sign3A_6 = arith.cmpi slt, %mul3A_2, %sign3A_5 : i32
    %sign3A_7 = arith.extui %sign3A_6 : i1 to i32
    %sign3A_8 = arith.subi %sign3A_4, %sign3A_7 : i32
    %sign3A_9 = arith.constant 0 : i32
    %sign3A_10 = arith.cmpi sgt, %jit3A, %sign3A_9 : i32
    %sign3A_11 = arith.extui %sign3A_10 : i1 to i32
    %sign3A_12 = arith.constant 0 : i32
    %sign3A_13 = arith.cmpi slt, %jit3A, %sign3A_12 : i32
    %sign3A_14 = arith.extui %sign3A_13 : i1 to i32
    %sign3A_15 = arith.subi %sign3A_11, %sign3A_14 : i32
    %ne3A = arith.cmpi ne, %sign3A_8, %sign3A_15 : i32
    %rem3A = arith.remsi %mul3A_2, %jit3A : i32
    %ne3A_16 = arith.constant 0 : i32
    %ne3A_17 = arith.cmpi ne, %rem3A, %ne3A_16 : i32
    %and3A = arith.andi %ne3A, %ne3A_17 : i1
    %sub3A = arith.constant 1 : i32
    %sub3A_18 = arith.subi %div3A, %sub3A : i32
    %select_n3A = arith.select %and3A, %sub3A_18, %div3A : i32
    %add3A_19 = arith.constant 1 : i32
    %add3A_20 = arith.addi %add3A, %add3A_19 : i32
    %mul3A_21 = arith.constant 625 : i32
    %mul3A_22 = arith.muli %add3A_20, %mul3A_21 : i32
    %jit3A_23 = arith.constant 2 : i32
    %div3A_24 = arith.divsi %mul3A_22, %jit3A_23 : i32
    %sign3A_25 = arith.constant 0 : i32
    %sign3A_26 = arith.cmpi sgt, %mul3A_22, %sign3A_25 : i32
    %sign3A_27 = arith.extui %sign3A_26 : i1 to i32
    %sign3A_28 = arith.constant 0 : i32
    %sign3A_29 = arith.cmpi slt, %mul3A_22, %sign3A_28 : i32
    %sign3A_30 = arith.extui %sign3A_29 : i1 to i32
    %sign3A_31 = arith.subi %sign3A_27, %sign3A_30 : i32
    %sign3A_32 = arith.constant 0 : i32
    %sign3A_33 = arith.cmpi sgt, %jit3A_23, %sign3A_32 : i32
    %sign3A_34 = arith.extui %sign3A_33 : i1 to i32
    %sign3A_35 = arith.constant 0 : i32
    %sign3A_36 = arith.cmpi slt, %jit3A_23, %sign3A_35 : i32
    %sign3A_37 = arith.extui %sign3A_36 : i1 to i32
    %sign3A_38 = arith.subi %sign3A_34, %sign3A_37 : i32
    %ne3A_39 = arith.cmpi ne, %sign3A_31, %sign3A_38 : i32
    %rem3A_40 = arith.remsi %mul3A_22, %jit3A_23 : i32
    %ne3A_41 = arith.constant 0 : i32
    %ne3A_42 = arith.cmpi ne, %rem3A_40, %ne3A_41 : i32
    %and3A_43 = arith.andi %ne3A_39, %ne3A_42 : i1
    %sub3A_44 = arith.constant 1 : i32
    %sub3A_45 = arith.subi %div3A_24, %sub3A_44 : i32
    %select_n3A_46 = arith.select %and3A_43, %sub3A_45, %div3A_24 : i32
    %iota3A = tpu.iota {dimensions = array<i32: 0>} : vector<16xi32>
    %add3A_47 = arith.constant 0 : i32
    %add3A_48 = arith.addi %select_n3A, %add3A_47 : i32
    %min3A = arith.constant 9998 : i32
    %min3A_49 = arith.minsi %add3A_48, %min3A : i32
    %mul3A_50 = arith.constant 10000 : i32
    %mul3A_51 = arith.muli %min3A_49, %mul3A_50 : i32
    %multiple_of3A = tpu.assume_multiple %mul3A_51, 8 : i32
    %dma_start3A = tpu.memref_slice %arg2[%multiple_of3A] : memref<100000000xf32, #tpu.memory_space<hbm>> -> memref<20000xf32, #tpu.memory_space<hbm>>
    %dma_start3A_52 = tpu.memref_slice %arg2[%multiple_of3A] : memref<100000000xf32, #tpu.memory_space<hbm>> -> memref<20000xf32, #tpu.memory_space<hbm>>
    tpu.enqueue_dma source(%dma_start3A_52 : memref<20000xf32, #tpu.memory_space<hbm>>) target(%arg7 : memref<20000xf32, #tpu.memory_space<vmem>>) target_semaphore(%arg13 : memref<!tpu.dma_semaphore, #tpu.memory_space<semaphore_mem>>)
    %sub3A_53 = arith.subi %add3A_48, %min3A_49 : i32
    %scan3A = arith.constant 0 : i32
    %scan3A_54 = arith.constant 0 : i32
    %scan3A_55 = arith.constant 0 : i32
    %scan3A_56 = arith.constant 79 : i32
    %scan3A_57 = arith.addi %scan3A_55, %scan3A_56 : i32
    %scan3A_58 = arith.constant 1 : i32
    %scan3A_59:3 = scf.for %scan3A_86 = %scan3A_55 to %scan3A_57 step %scan3A_58 iter_args(%scan3A_87 = %scan3A, %scan3A_88 = %scan3A_54, %scan3A_89 = %sub3A_53) -> (i32, i32, i32)  : i32 {
      %mul3A_90 = arith.constant 2 : i32
      %mul3A_91 = arith.muli %mul3A_90, %scan3A_86 : i32
      %add3A_92 = arith.constant 1 : i32
      %add3A_93 = arith.addi %mul3A_91, %add3A_92 : i32
      %mul3A_94 = arith.constant 2 : i32
      %mul3A_95 = arith.muli %add3A_93, %mul3A_94 : i32
      %add3A_96 = arith.addi %select_n3A, %mul3A_95 : i32
      %min3A_97 = arith.constant 9998 : i32
      %min3A_98 = arith.minsi %add3A_96, %min3A_97 : i32
      %mul3A_99 = arith.constant 10000 : i32
      %mul3A_100 = arith.muli %min3A_98, %mul3A_99 : i32
      %multiple_of3A_101 = tpu.assume_multiple %mul3A_100, 8 : i32
      %dma_start3A_102 = tpu.memref_slice %arg2[%multiple_of3A_101] : memref<100000000xf32, #tpu.memory_space<hbm>> -> memref<20000xf32, #tpu.memory_space<hbm>>
      %dma_start3A_103 = tpu.memref_slice %arg2[%multiple_of3A_101] : memref<100000000xf32, #tpu.memory_space<hbm>> -> memref<20000xf32, #tpu.memory_space<hbm>>
      tpu.enqueue_dma source(%dma_start3A_103 : memref<20000xf32, #tpu.memory_space<hbm>>) target(%arg8 : memref<20000xf32, #tpu.memory_space<vmem>>) target_semaphore(%arg14 : memref<!tpu.dma_semaphore, #tpu.memory_space<semaphore_mem>>)
      %sub3A_104 = arith.subi %add3A_96, %min3A_98 : i32
      %dma_wait3A_105 = arith.constant 0 : i32
      %dma_wait3A_106 = tpu.memref_slice %arg2[%dma_wait3A_105] : memref<100000000xf32, #tpu.memory_space<hbm>> -> memref<20000xf32, #tpu.memory_space<hbm>>
      %dma_wait3A_107 = arith.constant 0 : i32
      %dma_wait3A_108 = tpu.memref_slice %arg2[%dma_wait3A_107] : memref<100000000xf32, #tpu.memory_space<hbm>> -> memref<20000xf32, #tpu.memory_space<hbm>>
      tpu.wait_dma2 semaphore(%arg13 : memref<!tpu.dma_semaphore, #tpu.memory_space<semaphore_mem>>) src(%dma_wait3A_108 : memref<20000xf32, #tpu.memory_space<hbm>>) dst(%arg7 : memref<20000xf32, #tpu.memory_space<vmem>>)
      %mul3A_109 = arith.constant 2 : i32
      %mul3A_110 = arith.muli %mul3A_109, %scan3A_86 : i32
      %mul3A_111 = arith.constant 2 : i32
      %mul3A_112 = arith.muli %mul3A_110, %mul3A_111 : i32
      %add3A_113 = arith.addi %select_n3A, %mul3A_112 : i32
      %add3A_114 = arith.constant 0 : i32
      %add3A_115 = arith.addi %add3A_113, %add3A_114 : i32
      %add3A_116 = arith.constant 0 : i32
      %add3A_117 = arith.addi %add3A_116, %scan3A_89 : i32
      %mul3A_118 = arith.constant 10000 : i32
      %mul3A_119 = arith.muli %add3A_117, %mul3A_118 : i32
      %broadcast_in_dim3A_120 = arith.constant 0 : i32
      %broadcast_in_dim3A_121 = vector.broadcast %broadcast_in_dim3A_120 : i32 to vector<16xi32>
      %add3A_122 = vector.broadcast %add3A_115 : i32 to vector<16xi32>
      %add3A_123 = arith.addi %broadcast_in_dim3A_121, %add3A_122 : vector<16xi32>
      %lt3A = arith.cmpi slt, %add3A_115, %select_n3A_46 : i32
      %convert_element_type3A = arith.extui %lt3A : i1 to i32
      %cond3A = arith.constant 0 : i32
      %cond3A_124 = arith.cmpi ne, %convert_element_type3A, %cond3A : i32
      %cond3A_125 = scf.if %cond3A_124 -> (i32) {
        %scan3A_210 = arith.constant 0 : i32
        %scan3A_211 = arith.constant 78 : i32
        %scan3A_212 = arith.addi %scan3A_210, %scan3A_211 : i32
        %scan3A_213 = arith.constant 1 : i32
        %scan3A_214 = scf.for %scan3A_232 = %scan3A_210 to %scan3A_212 step %scan3A_213 iter_args(%scan3A_233 = %scan3A_87) -> (i32)  : i32 {
          %mul3A_234 = arith.constant 128 : i32
          %mul3A_235 = arith.muli %scan3A_232, %mul3A_234 : i32
          %add3A_236 = arith.addi %mul3A_119, %mul3A_235 : i32
          %add3A_237 = arith.constant 0 : i32
          %add3A_238 = arith.addi %add3A_236, %add3A_237 : i32
          %get3A_239 = arith.index_cast %add3A_238 : i32 to index
          %get3A_240 = tpu.vector_load %arg7[%get3A_239] {strides = array<i32>} : memref<20000xf32, #tpu.memory_space<vmem>>, vector<16xf32>,
          %add3A_241 = arith.constant 16 : i32
          %add3A_242 = arith.addi %add3A_236, %add3A_241 : i32
          %get3A_243 = arith.index_cast %add3A_242 : i32 to index
          %get3A_244 = tpu.vector_load %arg7[%get3A_243] {strides = array<i32>} : memref<20000xf32, #tpu.memory_space<vmem>>, vector<16xf32>,
          %add3A_245 = arith.constant 32 : i32
          %add3A_246 = arith.addi %add3A_236, %add3A_245 : i32
          %get3A_247 = arith.index_cast %add3A_246 : i32 to index
          %get3A_248 = tpu.vector_load %arg7[%get3A_247] {strides = array<i32>} : memref<20000xf32, #tpu.memory_space<vmem>>, vector<16xf32>,
          %add3A_249 = arith.constant 48 : i32
          %add3A_250 = arith.addi %add3A_236, %add3A_249 : i32
          %get3A_251 = arith.index_cast %add3A_250 : i32 to index
          %get3A_252 = tpu.vector_load %arg7[%get3A_251] {strides = array<i32>} : memref<20000xf32, #tpu.memory_space<vmem>>, vector<16xf32>,
          %add3A_253 = arith.constant 64 : i32
          %add3A_254 = arith.addi %add3A_236, %add3A_253 : i32
          %get3A_255 = arith.index_cast %add3A_254 : i32 to index
          %get3A_256 = tpu.vector_load %arg7[%get3A_255] {strides = array<i32>} : memref<20000xf32, #tpu.memory_space<vmem>>, vector<16xf32>,
          %add3A_257 = arith.constant 80 : i32
          %add3A_258 = arith.addi %add3A_236, %add3A_257 : i32
          %get3A_259 = arith.index_cast %add3A_258 : i32 to index
          %get3A_260 = tpu.vector_load %arg7[%get3A_259] {strides = array<i32>} : memref<20000xf32, #tpu.memory_space<vmem>>, vector<16xf32>,
          %add3A_261 = arith.constant 96 : i32
          %add3A_262 = arith.addi %add3A_236, %add3A_261 : i32
          %get3A_263 = arith.index_cast %add3A_262 : i32 to index
          %get3A_264 = tpu.vector_load %arg7[%get3A_263] {strides = array<i32>} : memref<20000xf32, #tpu.memory_space<vmem>>, vector<16xf32>,
          %add3A_265 = arith.constant 112 : i32
          %add3A_266 = arith.addi %add3A_236, %add3A_265 : i32
          %get3A_267 = arith.index_cast %add3A_266 : i32 to index
          %get3A_268 = tpu.vector_load %arg7[%get3A_267] {strides = array<i32>} : memref<20000xf32, #tpu.memory_space<vmem>>, vector<16xf32>,
          %max3A = arith.maximumf %get3A_240, %get3A_244 : vector<16xf32>
          %max3A_269 = arith.maximumf %get3A_248, %get3A_252 : vector<16xf32>
          %max3A_270 = arith.maximumf %get3A_256, %get3A_260 : vector<16xf32>
          %max3A_271 = arith.maximumf %get3A_264, %get3A_268 : vector<16xf32>
          %max3A_272 = arith.maximumf %max3A, %max3A_269 : vector<16xf32>
          %max3A_273 = arith.maximumf %max3A_270, %max3A_271 : vector<16xf32>
          %max3A_274 = arith.maximumf %max3A_272, %max3A_273 : vector<16xf32>
          %ne3A_275 = arith.constant 0.000000e+00 : f32
          %ne3A_276 = vector.broadcast %ne3A_275 : f32 to vector<16xf32>
          %ne3A_277 = arith.cmpf one, %max3A_274, %ne3A_276 : vector<16xf32>
          %all_reduce_population_count3A_278 = tpu.all_reduce %ne3A_277 {dim = 0 : i64, kind = #tpu.reduction_kind<sum>} : vector<16xi1> -> vector<16xi32>
          %slice3A_279 = vector.extract_strided_slice %all_reduce_population_count3A_278 {offsets = [0], sizes = [1], strides = [1]} : vector<16xi32> to vector<1xi32>
          %squeeze3A_280 = vector.extract %slice3A_279[0] : i32 from vector<1xi32>
          %gt3A = arith.constant 0 : i32
          %gt3A_281 = arith.cmpi sgt, %squeeze3A_280, %gt3A : i32
          %convert_element_type3A_282 = arith.extui %gt3A_281 : i1 to i32
          %cond3A_283 = arith.constant 0 : i32
          %cond3A_284 = arith.cmpi ne, %convert_element_type3A_282, %cond3A_283 : i32
          %cond3A_285 = scf.if %cond3A_284 -> (i32) {
            %mul3A_286 = arith.constant 128 : i32
            %mul3A_287 = arith.muli %scan3A_232, %mul3A_286 : i32
            %add3A_288 = arith.constant 0 : i32
            %add3A_289 = arith.addi %mul3A_287, %add3A_288 : i32
            %ne3A_290 = arith.constant 0.000000e+00 : f32
            %ne3A_291 = vector.broadcast %ne3A_290 : f32 to vector<16xf32>
            %ne3A_292 = arith.cmpf one, %get3A_240, %ne3A_291 : vector<16xf32>
            %all_reduce_population_count3A_293 = tpu.all_reduce %ne3A_292 {dim = 0 : i64, kind = #tpu.reduction_kind<sum>} : vector<16xi1> -> vector<16xi32>
            %slice3A_294 = vector.extract_strided_slice %all_reduce_population_count3A_293 {offsets = [0], sizes = [1], strides = [1]} : vector<16xi32> to vector<1xi32>
            %squeeze3A_295 = vector.extract %slice3A_294[0] : i32 from vector<1xi32>
            %add3A_296 = vector.broadcast %add3A_289 : i32 to vector<16xi32>
            %add3A_297 = arith.addi %iota3A, %add3A_296 : vector<16xi32>
            %swap3A_298 = arith.index_cast %scan3A_233 : i32 to index
            %swap3A_299 = tpu.vector_load %arg9[%swap3A_298] masked %ne3A_292 {strides = array<i32>} : memref<18208xi32, #tpu.memory_space<vmem>>, vector<16xi32>, vector<16xi1>
            tpu.vector_store %arg9[%swap3A_298], %add3A_297 masked %ne3A_292 {strides = array<i32>} : memref<18208xi32, #tpu.memory_space<vmem>>, vector<16xi32>, vector<16xi1>
            %swap3A_300 = arith.index_cast %scan3A_233 : i32 to index
            %swap3A_301 = tpu.vector_load %arg10[%swap3A_300] masked %ne3A_292 {strides = array<i32>} : memref<18208xf32, #tpu.memory_space<vmem>>, vector<16xf32>, vector<16xi1>
            tpu.vector_store %arg10[%swap3A_300], %get3A_240 masked %ne3A_292 {strides = array<i32>} : memref<18208xf32, #tpu.memory_space<vmem>>, vector<16xf32>, vector<16xi1>
            %swap3A_302 = arith.index_cast %scan3A_233 : i32 to index
            %swap3A_303 = tpu.vector_load %arg11[%swap3A_302] masked %ne3A_292 {strides = array<i32>} : memref<18208xi32, #tpu.memory_space<vmem>>, vector<16xi32>, vector<16xi1>
            tpu.vector_store %arg11[%swap3A_302], %add3A_123 masked %ne3A_292 {strides = array<i32>} : memref<18208xi32, #tpu.memory_space<vmem>>, vector<16xi32>, vector<16xi1>
            %add3A_304 = arith.addi %scan3A_233, %squeeze3A_295 : i32
            %add3A_305 = arith.constant 16 : i32
            %add3A_306 = arith.addi %mul3A_287, %add3A_305 : i32
            %ne3A_307 = arith.constant 0.000000e+00 : f32
            %ne3A_308 = vector.broadcast %ne3A_307 : f32 to vector<16xf32>
            %ne3A_309 = arith.cmpf one, %get3A_244, %ne3A_308 : vector<16xf32>
            %all_reduce_population_count3A_310 = tpu.all_reduce %ne3A_309 {dim = 0 : i64, kind = #tpu.reduction_kind<sum>} : vector<16xi1> -> vector<16xi32>
            %slice3A_311 = vector.extract_strided_slice %all_reduce_population_count3A_310 {offsets = [0], sizes = [1], strides = [1]} : vector<16xi32> to vector<1xi32>
            %squeeze3A_312 = vector.extract %slice3A_311[0] : i32 from vector<1xi32>
            %add3A_313 = vector.broadcast %add3A_306 : i32 to vector<16xi32>
            %add3A_314 = arith.addi %iota3A, %add3A_313 : vector<16xi32>
            %swap3A_315 = arith.index_cast %add3A_304 : i32 to index
            %swap3A_316 = tpu.vector_load %arg9[%swap3A_315] masked %ne3A_309 {strides = array<i32>} : memref<18208xi32, #tpu.memory_space<vmem>>, vector<16xi32>, vector<16xi1>
            tpu.vector_store %arg9[%swap3A_315], %add3A_314 masked %ne3A_309 {strides = array<i32>} : memref<18208xi32, #tpu.memory_space<vmem>>, vector<16xi32>, vector<16xi1>
            %swap3A_317 = arith.index_cast %add3A_304 : i32 to index
            %swap3A_318 = tpu.vector_load %arg10[%swap3A_317] masked %ne3A_309 {strides = array<i32>} : memref<18208xf32, #tpu.memory_space<vmem>>, vector<16xf32>, vector<16xi1>
            tpu.vector_store %arg10[%swap3A_317], %get3A_244 masked %ne3A_309 {strides = array<i32>} : memref<18208xf32, #tpu.memory_space<vmem>>, vector<16xf32>, vector<16xi1>
            %swap3A_319 = arith.index_cast %add3A_304 : i32 to index
            %swap3A_320 = tpu.vector_load %arg11[%swap3A_319] masked %ne3A_309 {strides = array<i32>} : memref<18208xi32, #tpu.memory_space<vmem>>, vector<16xi32>, vector<16xi1>
            tpu.vector_store %arg11[%swap3A_319], %add3A_123 masked %ne3A_309 {strides = array<i32>} : memref<18208xi32, #tpu.memory_space<vmem>>, vector<16xi32>, vector<16xi1>
            %add3A_321 = arith.addi %add3A_304, %squeeze3A_312 : i32
            %add3A_322 = arith.constant 32 : i32
            %add3A_323 = arith.addi %mul3A_287, %add3A_322 : i32
            %ne3A_324 = arith.constant 0.000000e+00 : f32
            %ne3A_325 = vector.broadcast %ne3A_324 : f32 to vector<16xf32>
            %ne3A_326 = arith.cmpf one, %get3A_248, %ne3A_325 : vector<16xf32>
            %all_reduce_population_count3A_327 = tpu.all_reduce %ne3A_326 {dim = 0 : i64, kind = #tpu.reduction_kind<sum>} : vector<16xi1> -> vector<16xi32>
            %slice3A_328 = vector.extract_strided_slice %all_reduce_population_count3A_327 {offsets = [0], sizes = [1], strides = [1]} : vector<16xi32> to vector<1xi32>
            %squeeze3A_329 = vector.extract %slice3A_328[0] : i32 from vector<1xi32>
            %add3A_330 = vector.broadcast %add3A_323 : i32 to vector<16xi32>
            %add3A_331 = arith.addi %iota3A, %add3A_330 : vector<16xi32>
            %swap3A_332 = arith.index_cast %add3A_321 : i32 to index
            %swap3A_333 = tpu.vector_load %arg9[%swap3A_332] masked %ne3A_326 {strides = array<i32>} : memref<18208xi32, #tpu.memory_space<vmem>>, vector<16xi32>, vector<16xi1>
            tpu.vector_store %arg9[%swap3A_332], %add3A_331 masked %ne3A_326 {strides = array<i32>} : memref<18208xi32, #tpu.memory_space<vmem>>, vector<16xi32>, vector<16xi1>
            %swap3A_334 = arith.index_cast %add3A_321 : i32 to index
            %swap3A_335 = tpu.vector_load %arg10[%swap3A_334] masked %ne3A_326 {strides = array<i32>} : memref<18208xf32, #tpu.memory_space<vmem>>, vector<16xf32>, vector<16xi1>
            tpu.vector_store %arg10[%swap3A_334], %get3A_248 masked %ne3A_326 {strides = array<i32>} : memref<18208xf32, #tpu.memory_space<vmem>>, vector<16xf32>, vector<16xi1>
            %swap3A_336 = arith.index_cast %add3A_321 : i32 to index
            %swap3A_337 = tpu.vector_load %arg11[%swap3A_336] masked %ne3A_326 {strides = array<i32>} : memref<18208xi32, #tpu.memory_space<vmem>>, vector<16xi32>, vector<16xi1>
            tpu.vector_store %arg11[%swap3A_336], %add3A_123 masked %ne3A_326 {strides = array<i32>} : memref<18208xi32, #tpu.memory_space<vmem>>, vector<16xi32>, vector<16xi1>
            %add3A_338 = arith.addi %add3A_321, %squeeze3A_329 : i32
            %add3A_339 = arith.constant 48 : i32
            %add3A_340 = arith.addi %mul3A_287, %add3A_339 : i32
            %ne3A_341 = arith.constant 0.000000e+00 : f32
            %ne3A_342 = vector.broadcast %ne3A_341 : f32 to vector<16xf32>
            %ne3A_343 = arith.cmpf one, %get3A_252, %ne3A_342 : vector<16xf32>
            %all_reduce_population_count3A_344 = tpu.all_reduce %ne3A_343 {dim = 0 : i64, kind = #tpu.reduction_kind<sum>} : vector<16xi1> -> vector<16xi32>
            %slice3A_345 = vector.extract_strided_slice %all_reduce_population_count3A_344 {offsets = [0], sizes = [1], strides = [1]} : vector<16xi32> to vector<1xi32>
            %squeeze3A_346 = vector.extract %slice3A_345[0] : i32 from vector<1xi32>
            %add3A_347 = vector.broadcast %add3A_340 : i32 to vector<16xi32>
            %add3A_348 = arith.addi %iota3A, %add3A_347 : vector<16xi32>
            %swap3A_349 = arith.index_cast %add3A_338 : i32 to index
            %swap3A_350 = tpu.vector_load %arg9[%swap3A_349] masked %ne3A_343 {strides = array<i32>} : memref<18208xi32, #tpu.memory_space<vmem>>, vector<16xi32>, vector<16xi1>
            tpu.vector_store %arg9[%swap3A_349], %add3A_348 masked %ne3A_343 {strides = array<i32>} : memref<18208xi32, #tpu.memory_space<vmem>>, vector<16xi32>, vector<16xi1>
            %swap3A_351 = arith.index_cast %add3A_338 : i32 to index
            %swap3A_352 = tpu.vector_load %arg10[%swap3A_351] masked %ne3A_343 {strides = array<i32>} : memref<18208xf32, #tpu.memory_space<vmem>>, vector<16xf32>, vector<16xi1>
            tpu.vector_store %arg10[%swap3A_351], %get3A_252 masked %ne3A_343 {strides = array<i32>} : memref<18208xf32, #tpu.memory_space<vmem>>, vector<16xf32>, vector<16xi1>
            %swap3A_353 = arith.index_cast %add3A_338 : i32 to index
            %swap3A_354 = tpu.vector_load %arg11[%swap3A_353] masked %ne3A_343 {strides = array<i32>} : memref<18208xi32, #tpu.memory_space<vmem>>, vector<16xi32>, vector<16xi1>
            tpu.vector_store %arg11[%swap3A_353], %add3A_123 masked %ne3A_343 {strides = array<i32>} : memref<18208xi32, #tpu.memory_space<vmem>>, vector<16xi32>, vector<16xi1>
            %add3A_355 = arith.addi %add3A_338, %squeeze3A_346 : i32
            %add3A_356 = arith.constant 64 : i32
            %add3A_357 = arith.addi %mul3A_287, %add3A_356 : i32
            %ne3A_358 = arith.constant 0.000000e+00 : f32
            %ne3A_359 = vector.broadcast %ne3A_358 : f32 to vector<16xf32>
            %ne3A_360 = arith.cmpf one, %get3A_256, %ne3A_359 : vector<16xf32>
            %all_reduce_population_count3A_361 = tpu.all_reduce %ne3A_360 {dim = 0 : i64, kind = #tpu.reduction_kind<sum>} : vector<16xi1> -> vector<16xi32>
            %slice3A_362 = vector.extract_strided_slice %all_reduce_population_count3A_361 {offsets = [0], sizes = [1], strides = [1]} : vector<16xi32> to vector<1xi32>
            %squeeze3A_363 = vector.extract %slice3A_362[0] : i32 from vector<1xi32>
            %add3A_364 = vector.broadcast %add3A_357 : i32 to vector<16xi32>
            %add3A_365 = arith.addi %iota3A, %add3A_364 : vector<16xi32>
            %swap3A_366 = arith.index_cast %add3A_355 : i32 to index
            %swap3A_367 = tpu.vector_load %arg9[%swap3A_366] masked %ne3A_360 {strides = array<i32>} : memref<18208xi32, #tpu.memory_space<vmem>>, vector<16xi32>, vector<16xi1>
            tpu.vector_store %arg9[%swap3A_366], %add3A_365 masked %ne3A_360 {strides = array<i32>} : memref<18208xi32, #tpu.memory_space<vmem>>, vector<16xi32>, vector<16xi1>
            %swap3A_368 = arith.index_cast %add3A_355 : i32 to index
            %swap3A_369 = tpu.vector_load %arg10[%swap3A_368] masked %ne3A_360 {strides = array<i32>} : memref<18208xf32, #tpu.memory_space<vmem>>, vector<16xf32>, vector<16xi1>
            tpu.vector_store %arg10[%swap3A_368], %get3A_256 masked %ne3A_360 {strides = array<i32>} : memref<18208xf32, #tpu.memory_space<vmem>>, vector<16xf32>, vector<16xi1>
            %swap3A_370 = arith.index_cast %add3A_355 : i32 to index
            %swap3A_371 = tpu.vector_load %arg11[%swap3A_370] masked %ne3A_360 {strides = array<i32>} : memref<18208xi32, #tpu.memory_space<vmem>>, vector<16xi32>, vector<16xi1>
            tpu.vector_store %arg11[%swap3A_370], %add3A_123 masked %ne3A_360 {strides = array<i32>} : memref<18208xi32, #tpu.memory_space<vmem>>, vector<16xi32>, vector<16xi1>
            %add3A_372 = arith.addi %add3A_355, %squeeze3A_363 : i32
            %add3A_373 = arith.constant 80 : i32
            %add3A_374 = arith.addi %mul3A_287, %add3A_373 : i32
            %ne3A_375 = arith.constant 0.000000e+00 : f32
            %ne3A_376 = vector.broadcast %ne3A_375 : f32 to vector<16xf32>
            %ne3A_377 = arith.cmpf one, %get3A_260, %ne3A_376 : vector<16xf32>
            %all_reduce_population_count3A_378 = tpu.all_reduce %ne3A_377 {dim = 0 : i64, kind = #tpu.reduction_kind<sum>} : vector<16xi1> -> vector<16xi32>
            %slice3A_379 = vector.extract_strided_slice %all_reduce_population_count3A_378 {offsets = [0], sizes = [1], strides = [1]} : vector<16xi32> to vector<1xi32>
            %squeeze3A_380 = vector.extract %slice3A_379[0] : i32 from vector<1xi32>
            %add3A_381 = vector.broadcast %add3A_374 : i32 to vector<16xi32>
            %add3A_382 = arith.addi %iota3A, %add3A_381 : vector<16xi32>
            %swap3A_383 = arith.index_cast %add3A_372 : i32 to index
            %swap3A_384 = tpu.vector_load %arg9[%swap3A_383] masked %ne3A_377 {strides = array<i32>} : memref<18208xi32, #tpu.memory_space<vmem>>, vector<16xi32>, vector<16xi1>
            tpu.vector_store %arg9[%swap3A_383], %add3A_382 masked %ne3A_377 {strides = array<i32>} : memref<18208xi32, #tpu.memory_space<vmem>>, vector<16xi32>, vector<16xi1>
            %swap3A_385 = arith.index_cast %add3A_372 : i32 to index
            %swap3A_386 = tpu.vector_load %arg10[%swap3A_385] masked %ne3A_377 {strides = array<i32>} : memref<18208xf32, #tpu.memory_space<vmem>>, vector<16xf32>, vector<16xi1>
            tpu.vector_store %arg10[%swap3A_385], %get3A_260 masked %ne3A_377 {strides = array<i32>} : memref<18208xf32, #tpu.memory_space<vmem>>, vector<16xf32>, vector<16xi1>
            %swap3A_387 = arith.index_cast %add3A_372 : i32 to index
            %swap3A_388 = tpu.vector_load %arg11[%swap3A_387] masked %ne3A_377 {strides = array<i32>} : memref<18208xi32, #tpu.memory_space<vmem>>, vector<16xi32>, vector<16xi1>
            tpu.vector_store %arg11[%swap3A_387], %add3A_123 masked %ne3A_377 {strides = array<i32>} : memref<18208xi32, #tpu.memory_space<vmem>>, vector<16xi32>, vector<16xi1>
            %add3A_389 = arith.addi %add3A_372, %squeeze3A_380 : i32
            %add3A_390 = arith.constant 96 : i32
            %add3A_391 = arith.addi %mul3A_287, %add3A_390 : i32
            %ne3A_392 = arith.constant 0.000000e+00 : f32
            %ne3A_393 = vector.broadcast %ne3A_392 : f32 to vector<16xf32>
            %ne3A_394 = arith.cmpf one, %get3A_264, %ne3A_393 : vector<16xf32>
            %all_reduce_population_count3A_395 = tpu.all_reduce %ne3A_394 {dim = 0 : i64, kind = #tpu.reduction_kind<sum>} : vector<16xi1> -> vector<16xi32>
            %slice3A_396 = vector.extract_strided_slice %all_reduce_population_count3A_395 {offsets = [0], sizes = [1], strides = [1]} : vector<16xi32> to vector<1xi32>
            %squeeze3A_397 = vector.extract %slice3A_396[0] : i32 from vector<1xi32>
            %add3A_398 = vector.broadcast %add3A_391 : i32 to vector<16xi32>
            %add3A_399 = arith.addi %iota3A, %add3A_398 : vector<16xi32>
            %swap3A_400 = arith.index_cast %add3A_389 : i32 to index
            %swap3A_401 = tpu.vector_load %arg9[%swap3A_400] masked %ne3A_394 {strides = array<i32>} : memref<18208xi32, #tpu.memory_space<vmem>>, vector<16xi32>, vector<16xi1>
            tpu.vector_store %arg9[%swap3A_400], %add3A_399 masked %ne3A_394 {strides = array<i32>} : memref<18208xi32, #tpu.memory_space<vmem>>, vector<16xi32>, vector<16xi1>
            %swap3A_402 = arith.index_cast %add3A_389 : i32 to index
            %swap3A_403 = tpu.vector_load %arg10[%swap3A_402] masked %ne3A_394 {strides = array<i32>} : memref<18208xf32, #tpu.memory_space<vmem>>, vector<16xf32>, vector<16xi1>
            tpu.vector_store %arg10[%swap3A_402], %get3A_264 masked %ne3A_394 {strides = array<i32>} : memref<18208xf32, #tpu.memory_space<vmem>>, vector<16xf32>, vector<16xi1>
            %swap3A_404 = arith.index_cast %add3A_389 : i32 to index
            %swap3A_405 = tpu.vector_load %arg11[%swap3A_404] masked %ne3A_394 {strides = array<i32>} : memref<18208xi32, #tpu.memory_space<vmem>>, vector<16xi32>, vector<16xi1>
            tpu.vector_store %arg11[%swap3A_404], %add3A_123 masked %ne3A_394 {strides = array<i32>} : memref<18208xi32, #tpu.memory_space<vmem>>, vector<16xi32>, vector<16xi1>
            %add3A_406 = arith.addi %add3A_389, %squeeze3A_397 : i32
            %add3A_407 = arith.constant 112 : i32
            %add3A_408 = arith.addi %mul3A_287, %add3A_407 : i32
            %ne3A_409 = arith.constant 0.000000e+00 : f32
            %ne3A_410 = vector.broadcast %ne3A_409 : f32 to vector<16xf32>
            %ne3A_411 = arith.cmpf one, %get3A_268, %ne3A_410 : vector<16xf32>
            %all_reduce_population_count3A_412 = tpu.all_reduce %ne3A_411 {dim = 0 : i64, kind = #tpu.reduction_kind<sum>} : vector<16xi1> -> vector<16xi32>
            %slice3A_413 = vector.extract_strided_slice %all_reduce_population_count3A_412 {offsets = [0], sizes = [1], strides = [1]} : vector<16xi32> to vector<1xi32>
            %squeeze3A_414 = vector.extract %slice3A_413[0] : i32 from vector<1xi32>
            %add3A_415 = vector.broadcast %add3A_408 : i32 to vector<16xi32>
            %add3A_416 = arith.addi %iota3A, %add3A_415 : vector<16xi32>
            %swap3A_417 = arith.index_cast %add3A_406 : i32 to index
            %swap3A_418 = tpu.vector_load %arg9[%swap3A_417] masked %ne3A_411 {strides = array<i32>} : memref<18208xi32, #tpu.memory_space<vmem>>, vector<16xi32>, vector<16xi1>
            tpu.vector_store %arg9[%swap3A_417], %add3A_416 masked %ne3A_411 {strides = array<i32>} : memref<18208xi32, #tpu.memory_space<vmem>>, vector<16xi32>, vector<16xi1>
            %swap3A_419 = arith.index_cast %add3A_406 : i32 to index
            %swap3A_420 = tpu.vector_load %arg10[%swap3A_419] masked %ne3A_411 {strides = array<i32>} : memref<18208xf32, #tpu.memory_space<vmem>>, vector<16xf32>, vector<16xi1>
            tpu.vector_store %arg10[%swap3A_419], %get3A_268 masked %ne3A_411 {strides = array<i32>} : memref<18208xf32, #tpu.memory_space<vmem>>, vector<16xf32>, vector<16xi1>
            %swap3A_421 = arith.index_cast %add3A_406 : i32 to index
            %swap3A_422 = tpu.vector_load %arg11[%swap3A_421] masked %ne3A_411 {strides = array<i32>} : memref<18208xi32, #tpu.memory_space<vmem>>, vector<16xi32>, vector<16xi1>
            tpu.vector_store %arg11[%swap3A_421], %add3A_123 masked %ne3A_411 {strides = array<i32>} : memref<18208xi32, #tpu.memory_space<vmem>>, vector<16xi32>, vector<16xi1>
            %add3A_423 = arith.addi %add3A_406, %squeeze3A_414 : i32
            scf.yield %add3A_423 : i32
          } else {
            scf.yield %scan3A_233 : i32
          }
          scf.yield %cond3A_285 : i32
        }
        %scan3A_215 = arith.constant 78 : i32
        %add3A_216 = arith.constant 9984 : i32
        %add3A_217 = arith.addi %mul3A_119, %add3A_216 : i32
        %get3A = arith.index_cast %add3A_217 : i32 to index
        %get3A_218 = tpu.vector_load %arg7[%get3A] {strides = array<i32>} : memref<20000xf32, #tpu.memory_space<vmem>>, vector<16xf32>,
        %ne3A_219 = arith.constant 0.000000e+00 : f32
        %ne3A_220 = vector.broadcast %ne3A_219 : f32 to vector<16xf32>
        %ne3A_221 = arith.cmpf one, %get3A_218, %ne3A_220 : vector<16xf32>
        %all_reduce_population_count3A = tpu.all_reduce %ne3A_221 {dim = 0 : i64, kind = #tpu.reduction_kind<sum>} : vector<16xi1> -> vector<16xi32>
        %slice3A = vector.extract_strided_slice %all_reduce_population_count3A {offsets = [0], sizes = [1], strides = [1]} : vector<16xi32> to vector<1xi32>
        %squeeze3A = vector.extract %slice3A[0] : i32 from vector<1xi32>
        %add3A_222 = arith.constant 9984 : i32
        %add3A_223 = vector.broadcast %add3A_222 : i32 to vector<16xi32>
        %add3A_224 = arith.addi %iota3A, %add3A_223 : vector<16xi32>
        %swap3A_225 = arith.index_cast %scan3A_214 : i32 to index
        %swap3A_226 = tpu.vector_load %arg9[%swap3A_225] masked %ne3A_221 {strides = array<i32>} : memref<18208xi32, #tpu.memory_space<vmem>>, vector<16xi32>, vector<16xi1>
        tpu.vector_store %arg9[%swap3A_225], %add3A_224 masked %ne3A_221 {strides = array<i32>} : memref<18208xi32, #tpu.memory_space<vmem>>, vector<16xi32>, vector<16xi1>
        %swap3A_227 = arith.index_cast %scan3A_214 : i32 to index
        %swap3A_228 = tpu.vector_load %arg10[%swap3A_227] masked %ne3A_221 {strides = array<i32>} : memref<18208xf32, #tpu.memory_space<vmem>>, vector<16xf32>, vector<16xi1>
        tpu.vector_store %arg10[%swap3A_227], %get3A_218 masked %ne3A_221 {strides = array<i32>} : memref<18208xf32, #tpu.memory_space<vmem>>, vector<16xf32>, vector<16xi1>
        %swap3A_229 = arith.index_cast %scan3A_214 : i32 to index
        %swap3A_230 = tpu.vector_load %arg11[%swap3A_229] masked %ne3A_221 {strides = array<i32>} : memref<18208xi32, #tpu.memory_space<vmem>>, vector<16xi32>, vector<16xi1>
        tpu.vector_store %arg11[%swap3A_229], %add3A_123 masked %ne3A_221 {strides = array<i32>} : memref<18208xi32, #tpu.memory_space<vmem>>, vector<16xi32>, vector<16xi1>
        %add3A_231 = arith.addi %scan3A_214, %squeeze3A : i32
        scf.yield %add3A_231 : i32
      } else {
        scf.yield %scan3A_87 : i32
      }
      %add3A_126 = arith.constant 1 : i32
      %add3A_127 = arith.addi %add3A_113, %add3A_126 : i32
      %add3A_128 = arith.constant 1 : i32
      %add3A_129 = arith.addi %add3A_128, %scan3A_89 : i32
      %mul3A_130 = arith.constant 10000 : i32
      %mul3A_131 = arith.muli %add3A_129, %mul3A_130 : i32
      %broadcast_in_dim3A_132 = arith.constant 0 : i32
      %broadcast_in_dim3A_133 = vector.broadcast %broadcast_in_dim3A_132 : i32 to vector<16xi32>
      %add3A_134 = vector.broadcast %add3A_127 : i32 to vector<16xi32>
      %add3A_135 = arith.addi %broadcast_in_dim3A_133, %add3A_134 : vector<16xi32>
      %lt3A_136 = arith.cmpi slt, %add3A_127, %select_n3A_46 : i32
      %convert_element_type3A_137 = arith.extui %lt3A_136 : i1 to i32
      %cond3A_138 = arith.constant 0 : i32
      %cond3A_139 = arith.cmpi ne, %convert_element_type3A_137, %cond3A_138 : i32
      %cond3A_140 = scf.if %cond3A_139 -> (i32) {
        %scan3A_210 = arith.constant 0 : i32
        %scan3A_211 = arith.constant 78 : i32
        %scan3A_212 = arith.addi %scan3A_210, %scan3A_211 : i32
        %scan3A_213 = arith.constant 1 : i32
        %scan3A_214 = scf.for %scan3A_232 = %scan3A_210 to %scan3A_212 step %scan3A_213 iter_args(%scan3A_233 = %cond3A_125) -> (i32)  : i32 {
          %mul3A_234 = arith.constant 128 : i32
          %mul3A_235 = arith.muli %scan3A_232, %mul3A_234 : i32
          %add3A_236 = arith.addi %mul3A_131, %mul3A_235 : i32
          %add3A_237 = arith.constant 0 : i32
          %add3A_238 = arith.addi %add3A_236, %add3A_237 : i32
          %get3A_239 = arith.index_cast %add3A_238 : i32 to index
          %get3A_240 = tpu.vector_load %arg7[%get3A_239] {strides = array<i32>} : memref<20000xf32, #tpu.memory_space<vmem>>, vector<16xf32>,
          %add3A_241 = arith.constant 16 : i32
          %add3A_242 = arith.addi %add3A_236, %add3A_241 : i32
          %get3A_243 = arith.index_cast %add3A_242 : i32 to index
          %get3A_244 = tpu.vector_load %arg7[%get3A_243] {strides = array<i32>} : memref<20000xf32, #tpu.memory_space<vmem>>, vector<16xf32>,
          %add3A_245 = arith.constant 32 : i32
          %add3A_246 = arith.addi %add3A_236, %add3A_245 : i32
          %get3A_247 = arith.index_cast %add3A_246 : i32 to index
          %get3A_248 = tpu.vector_load %arg7[%get3A_247] {strides = array<i32>} : memref<20000xf32, #tpu.memory_space<vmem>>, vector<16xf32>,
          %add3A_249 = arith.constant 48 : i32
          %add3A_250 = arith.addi %add3A_236, %add3A_249 : i32
          %get3A_251 = arith.index_cast %add3A_250 : i32 to index
          %get3A_252 = tpu.vector_load %arg7[%get3A_251] {strides = array<i32>} : memref<20000xf32, #tpu.memory_space<vmem>>, vector<16xf32>,
          %add3A_253 = arith.constant 64 : i32
          %add3A_254 = arith.addi %add3A_236, %add3A_253 : i32
          %get3A_255 = arith.index_cast %add3A_254 : i32 to index
          %get3A_256 = tpu.vector_load %arg7[%get3A_255] {strides = array<i32>} : memref<20000xf32, #tpu.memory_space<vmem>>, vector<16xf32>,
          %add3A_257 = arith.constant 80 : i32
          %add3A_258 = arith.addi %add3A_236, %add3A_257 : i32
          %get3A_259 = arith.index_cast %add3A_258 : i32 to index
          %get3A_260 = tpu.vector_load %arg7[%get3A_259] {strides = array<i32>} : memref<20000xf32, #tpu.memory_space<vmem>>, vector<16xf32>,
          %add3A_261 = arith.constant 96 : i32
          %add3A_262 = arith.addi %add3A_236, %add3A_261 : i32
          %get3A_263 = arith.index_cast %add3A_262 : i32 to index
          %get3A_264 = tpu.vector_load %arg7[%get3A_263] {strides = array<i32>} : memref<20000xf32, #tpu.memory_space<vmem>>, vector<16xf32>,
          %add3A_265 = arith.constant 112 : i32
          %add3A_266 = arith.addi %add3A_236, %add3A_265 : i32
          %get3A_267 = arith.index_cast %add3A_266 : i32 to index
          %get3A_268 = tpu.vector_load %arg7[%get3A_267] {strides = array<i32>} : memref<20000xf32, #tpu.memory_space<vmem>>, vector<16xf32>,
          %max3A = arith.maximumf %get3A_240, %get3A_244 : vector<16xf32>
          %max3A_269 = arith.maximumf %get3A_248, %get3A_252 : vector<16xf32>
          %max3A_270 = arith.maximumf %get3A_256, %get3A_260 : vector<16xf32>
          %max3A_271 = arith.maximumf %get3A_264, %get3A_268 : vector<16xf32>
          %max3A_272 = arith.maximumf %max3A, %max3A_269 : vector<16xf32>
          %max3A_273 = arith.maximumf %max3A_270, %max3A_271 : vector<16xf32>
          %max3A_274 = arith.maximumf %max3A_272, %max3A_273 : vector<16xf32>
          %ne3A_275 = arith.constant 0.000000e+00 : f32
          %ne3A_276 = vector.broadcast %ne3A_275 : f32 to vector<16xf32>
          %ne3A_277 = arith.cmpf one, %max3A_274, %ne3A_276 : vector<16xf32>
          %all_reduce_population_count3A_278 = tpu.all_reduce %ne3A_277 {dim = 0 : i64, kind = #tpu.reduction_kind<sum>} : vector<16xi1> -> vector<16xi32>
          %slice3A_279 = vector.extract_strided_slice %all_reduce_population_count3A_278 {offsets = [0], sizes = [1], strides = [1]} : vector<16xi32> to vector<1xi32>
          %squeeze3A_280 = vector.extract %slice3A_279[0] : i32 from vector<1xi32>
          %gt3A = arith.constant 0 : i32
          %gt3A_281 = arith.cmpi sgt, %squeeze3A_280, %gt3A : i32
          %convert_element_type3A_282 = arith.extui %gt3A_281 : i1 to i32
          %cond3A_283 = arith.constant 0 : i32
          %cond3A_284 = arith.cmpi ne, %convert_element_type3A_282, %cond3A_283 : i32
          %cond3A_285 = scf.if %cond3A_284 -> (i32) {
            %mul3A_286 = arith.constant 128 : i32
            %mul3A_287 = arith.muli %scan3A_232, %mul3A_286 : i32
            %add3A_288 = arith.constant 0 : i32
            %add3A_289 = arith.addi %mul3A_287, %add3A_288 : i32
            %ne3A_290 = arith.constant 0.000000e+00 : f32
            %ne3A_291 = vector.broadcast %ne3A_290 : f32 to vector<16xf32>
            %ne3A_292 = arith.cmpf one, %get3A_240, %ne3A_291 : vector<16xf32>
            %all_reduce_population_count3A_293 = tpu.all_reduce %ne3A_292 {dim = 0 : i64, kind = #tpu.reduction_kind<sum>} : vector<16xi1> -> vector<16xi32>
            %slice3A_294 = vector.extract_strided_slice %all_reduce_population_count3A_293 {offsets = [0], sizes = [1], strides = [1]} : vector<16xi32> to vector<1xi32>
            %squeeze3A_295 = vector.extract %slice3A_294[0] : i32 from vector<1xi32>
            %add3A_296 = vector.broadcast %add3A_289 : i32 to vector<16xi32>
            %add3A_297 = arith.addi %iota3A, %add3A_296 : vector<16xi32>
            %swap3A_298 = arith.index_cast %scan3A_233 : i32 to index
            %swap3A_299 = tpu.vector_load %arg9[%swap3A_298] masked %ne3A_292 {strides = array<i32>} : memref<18208xi32, #tpu.memory_space<vmem>>, vector<16xi32>, vector<16xi1>
            tpu.vector_store %arg9[%swap3A_298], %add3A_297 masked %ne3A_292 {strides = array<i32>} : memref<18208xi32, #tpu.memory_space<vmem>>, vector<16xi32>, vector<16xi1>
            %swap3A_300 = arith.index_cast %scan3A_233 : i32 to index
            %swap3A_301 = tpu.vector_load %arg10[%swap3A_300] masked %ne3A_292 {strides = array<i32>} : memref<18208xf32, #tpu.memory_space<vmem>>, vector<16xf32>, vector<16xi1>
            tpu.vector_store %arg10[%swap3A_300], %get3A_240 masked %ne3A_292 {strides = array<i32>} : memref<18208xf32, #tpu.memory_space<vmem>>, vector<16xf32>, vector<16xi1>
            %swap3A_302 = arith.index_cast %scan3A_233 : i32 to index
            %swap3A_303 = tpu.vector_load %arg11[%swap3A_302] masked %ne3A_292 {strides = array<i32>} : memref<18208xi32, #tpu.memory_space<vmem>>, vector<16xi32>, vector<16xi1>
            tpu.vector_store %arg11[%swap3A_302], %add3A_135 masked %ne3A_292 {strides = array<i32>} : memref<18208xi32, #tpu.memory_space<vmem>>, vector<16xi32>, vector<16xi1>
            %add3A_304 = arith.addi %scan3A_233, %squeeze3A_295 : i32
            %add3A_305 = arith.constant 16 : i32
            %add3A_306 = arith.addi %mul3A_287, %add3A_305 : i32
            %ne3A_307 = arith.constant 0.000000e+00 : f32
            %ne3A_308 = vector.broadcast %ne3A_307 : f32 to vector<16xf32>
            %ne3A_309 = arith.cmpf one, %get3A_244, %ne3A_308 : vector<16xf32>
            %all_reduce_population_count3A_310 = tpu.all_reduce %ne3A_309 {dim = 0 : i64, kind = #tpu.reduction_kind<sum>} : vector<16xi1> -> vector<16xi32>
            %slice3A_311 = vector.extract_strided_slice %all_reduce_population_count3A_310 {offsets = [0], sizes = [1], strides = [1]} : vector<16xi32> to vector<1xi32>
            %squeeze3A_312 = vector.extract %slice3A_311[0] : i32 from vector<1xi32>
            %add3A_313 = vector.broadcast %add3A_306 : i32 to vector<16xi32>
            %add3A_314 = arith.addi %iota3A, %add3A_313 : vector<16xi32>
            %swap3A_315 = arith.index_cast %add3A_304 : i32 to index
            %swap3A_316 = tpu.vector_load %arg9[%swap3A_315] masked %ne3A_309 {strides = array<i32>} : memref<18208xi32, #tpu.memory_space<vmem>>, vector<16xi32>, vector<16xi1>
            tpu.vector_store %arg9[%swap3A_315], %add3A_314 masked %ne3A_309 {strides = array<i32>} : memref<18208xi32, #tpu.memory_space<vmem>>, vector<16xi32>, vector<16xi1>
            %swap3A_317 = arith.index_cast %add3A_304 : i32 to index
            %swap3A_318 = tpu.vector_load %arg10[%swap3A_317] masked %ne3A_309 {strides = array<i32>} : memref<18208xf32, #tpu.memory_space<vmem>>, vector<16xf32>, vector<16xi1>
            tpu.vector_store %arg10[%swap3A_317], %get3A_244 masked %ne3A_309 {strides = array<i32>} : memref<18208xf32, #tpu.memory_space<vmem>>, vector<16xf32>, vector<16xi1>
            %swap3A_319 = arith.index_cast %add3A_304 : i32 to index
            %swap3A_320 = tpu.vector_load %arg11[%swap3A_319] masked %ne3A_309 {strides = array<i32>} : memref<18208xi32, #tpu.memory_space<vmem>>, vector<16xi32>, vector<16xi1>
            tpu.vector_store %arg11[%swap3A_319], %add3A_135 masked %ne3A_309 {strides = array<i32>} : memref<18208xi32, #tpu.memory_space<vmem>>, vector<16xi32>, vector<16xi1>
            %add3A_321 = arith.addi %add3A_304, %squeeze3A_312 : i32
            %add3A_322 = arith.constant 32 : i32
            %add3A_323 = arith.addi %mul3A_287, %add3A_322 : i32
            %ne3A_324 = arith.constant 0.000000e+00 : f32
            %ne3A_325 = vector.broadcast %ne3A_324 : f32 to vector<16xf32>
            %ne3A_326 = arith.cmpf one, %get3A_248, %ne3A_325 : vector<16xf32>
            %all_reduce_population_count3A_327 = tpu.all_reduce %ne3A_326 {dim = 0 : i64, kind = #tpu.reduction_kind<sum>} : vector<16xi1> -> vector<16xi32>
            %slice3A_328 = vector.extract_strided_slice %all_reduce_population_count3A_327 {offsets = [0], sizes = [1], strides = [1]} : vector<16xi32> to vector<1xi32>
            %squeeze3A_329 = vector.extract %slice3A_328[0] : i32 from vector<1xi32>
            %add3A_330 = vector.broadcast %add3A_323 : i32 to vector<16xi32>
            %add3A_331 = arith.addi %iota3A, %add3A_330 : vector<16xi32>
            %swap3A_332 = arith.index_cast %add3A_321 : i32 to index
            %swap3A_333 = tpu.vector_load %arg9[%swap3A_332] masked %ne3A_326 {strides = array<i32>} : memref<18208xi32, #tpu.memory_space<vmem>>, vector<16xi32>, vector<16xi1>
            tpu.vector_store %arg9[%swap3A_332], %add3A_331 masked %ne3A_326 {strides = array<i32>} : memref<18208xi32, #tpu.memory_space<vmem>>, vector<16xi32>, vector<16xi1>
            %swap3A_334 = arith.index_cast %add3A_321 : i32 to index
            %swap3A_335 = tpu.vector_load %arg10[%swap3A_334] masked %ne3A_326 {strides = array<i32>} : memref<18208xf32, #tpu.memory_space<vmem>>, vector<16xf32>, vector<16xi1>
            tpu.vector_store %arg10[%swap3A_334], %get3A_248 masked %ne3A_326 {strides = array<i32>} : memref<18208xf32, #tpu.memory_space<vmem>>, vector<16xf32>, vector<16xi1>
            %swap3A_336 = arith.index_cast %add3A_321 : i32 to index
            %swap3A_337 = tpu.vector_load %arg11[%swap3A_336] masked %ne3A_326 {strides = array<i32>} : memref<18208xi32, #tpu.memory_space<vmem>>, vector<16xi32>, vector<16xi1>
            tpu.vector_store %arg11[%swap3A_336], %add3A_135 masked %ne3A_326 {strides = array<i32>} : memref<18208xi32, #tpu.memory_space<vmem>>, vector<16xi32>, vector<16xi1>
            %add3A_338 = arith.addi %add3A_321, %squeeze3A_329 : i32
            %add3A_339 = arith.constant 48 : i32
            %add3A_340 = arith.addi %mul3A_287, %add3A_339 : i32
            %ne3A_341 = arith.constant 0.000000e+00 : f32
            %ne3A_342 = vector.broadcast %ne3A_341 : f32 to vector<16xf32>
            %ne3A_343 = arith.cmpf one, %get3A_252, %ne3A_342 : vector<16xf32>
            %all_reduce_population_count3A_344 = tpu.all_reduce %ne3A_343 {dim = 0 : i64, kind = #tpu.reduction_kind<sum>} : vector<16xi1> -> vector<16xi32>
            %slice3A_345 = vector.extract_strided_slice %all_reduce_population_count3A_344 {offsets = [0], sizes = [1], strides = [1]} : vector<16xi32> to vector<1xi32>
            %squeeze3A_346 = vector.extract %slice3A_345[0] : i32 from vector<1xi32>
            %add3A_347 = vector.broadcast %add3A_340 : i32 to vector<16xi32>
            %add3A_348 = arith.addi %iota3A, %add3A_347 : vector<16xi32>
            %swap3A_349 = arith.index_cast %add3A_338 : i32 to index
            %swap3A_350 = tpu.vector_load %arg9[%swap3A_349] masked %ne3A_343 {strides = array<i32>} : memref<18208xi32, #tpu.memory_space<vmem>>, vector<16xi32>, vector<16xi1>
            tpu.vector_store %arg9[%swap3A_349], %add3A_348 masked %ne3A_343 {strides = array<i32>} : memref<18208xi32, #tpu.memory_space<vmem>>, vector<16xi32>, vector<16xi1>
            %swap3A_351 = arith.index_cast %add3A_338 : i32 to index
            %swap3A_352 = tpu.vector_load %arg10[%swap3A_351] masked %ne3A_343 {strides = array<i32>} : memref<18208xf32, #tpu.memory_space<vmem>>, vector<16xf32>, vector<16xi1>
            tpu.vector_store %arg10[%swap3A_351], %get3A_252 masked %ne3A_343 {strides = array<i32>} : memref<18208xf32, #tpu.memory_space<vmem>>, vector<16xf32>, vector<16xi1>
            %swap3A_353 = arith.index_cast %add3A_338 : i32 to index
            %swap3A_354 = tpu.vector_load %arg11[%swap3A_353] masked %ne3A_343 {strides = array<i32>} : memref<18208xi32, #tpu.memory_space<vmem>>, vector<16xi32>, vector<16xi1>
            tpu.vector_store %arg11[%swap3A_353], %add3A_135 masked %ne3A_343 {strides = array<i32>} : memref<18208xi32, #tpu.memory_space<vmem>>, vector<16xi32>, vector<16xi1>
            %add3A_355 = arith.addi %add3A_338, %squeeze3A_346 : i32
            %add3A_356 = arith.constant 64 : i32
            %add3A_357 = arith.addi %mul3A_287, %add3A_356 : i32
            %ne3A_358 = arith.constant 0.000000e+00 : f32
            %ne3A_359 = vector.broadcast %ne3A_358 : f32 to vector<16xf32>
            %ne3A_360 = arith.cmpf one, %get3A_256, %ne3A_359 : vector<16xf32>
            %all_reduce_population_count3A_361 = tpu.all_reduce %ne3A_360 {dim = 0 : i64, kind = #tpu.reduction_kind<sum>} : vector<16xi1> -> vector<16xi32>
            %slice3A_362 = vector.extract_strided_slice %all_reduce_population_count3A_361 {offsets = [0], sizes = [1], strides = [1]} : vector<16xi32> to vector<1xi32>
            %squeeze3A_363 = vector.extract %slice3A_362[0] : i32 from vector<1xi32>
            %add3A_364 = vector.broadcast %add3A_357 : i32 to vector<16xi32>
            %add3A_365 = arith.addi %iota3A, %add3A_364 : vector<16xi32>
            %swap3A_366 = arith.index_cast %add3A_355 : i32 to index
            %swap3A_367 = tpu.vector_load %arg9[%swap3A_366] masked %ne3A_360 {strides = array<i32>} : memref<18208xi32, #tpu.memory_space<vmem>>, vector<16xi32>, vector<16xi1>
            tpu.vector_store %arg9[%swap3A_366], %add3A_365 masked %ne3A_360 {strides = array<i32>} : memref<18208xi32, #tpu.memory_space<vmem>>, vector<16xi32>, vector<16xi1>
            %swap3A_368 = arith.index_cast %add3A_355 : i32 to index
            %swap3A_369 = tpu.vector_load %arg10[%swap3A_368] masked %ne3A_360 {strides = array<i32>} : memref<18208xf32, #tpu.memory_space<vmem>>, vector<16xf32>, vector<16xi1>
            tpu.vector_store %arg10[%swap3A_368], %get3A_256 masked %ne3A_360 {strides = array<i32>} : memref<18208xf32, #tpu.memory_space<vmem>>, vector<16xf32>, vector<16xi1>
            %swap3A_370 = arith.index_cast %add3A_355 : i32 to index
            %swap3A_371 = tpu.vector_load %arg11[%swap3A_370] masked %ne3A_360 {strides = array<i32>} : memref<18208xi32, #tpu.memory_space<vmem>>, vector<16xi32>, vector<16xi1>
            tpu.vector_store %arg11[%swap3A_370], %add3A_135 masked %ne3A_360 {strides = array<i32>} : memref<18208xi32, #tpu.memory_space<vmem>>, vector<16xi32>, vector<16xi1>
            %add3A_372 = arith.addi %add3A_355, %squeeze3A_363 : i32
            %add3A_373 = arith.constant 80 : i32
            %add3A_374 = arith.addi %mul3A_287, %add3A_373 : i32
            %ne3A_375 = arith.constant 0.000000e+00 : f32
            %ne3A_376 = vector.broadcast %ne3A_375 : f32 to vector<16xf32>
            %ne3A_377 = arith.cmpf one, %get3A_260, %ne3A_376 : vector<16xf32>
            %all_reduce_population_count3A_378 = tpu.all_reduce %ne3A_377 {dim = 0 : i64, kind = #tpu.reduction_kind<sum>} : vector<16xi1> -> vector<16xi32>
            %slice3A_379 = vector.extract_strided_slice %all_reduce_population_count3A_378 {offsets = [0], sizes = [1], strides = [1]} : vector<16xi32> to vector<1xi32>
            %squeeze3A_380 = vector.extract %slice3A_379[0] : i32 from vector<1xi32>
            %add3A_381 = vector.broadcast %add3A_374 : i32 to vector<16xi32>
            %add3A_382 = arith.addi %iota3A, %add3A_381 : vector<16xi32>
            %swap3A_383 = arith.index_cast %add3A_372 : i32 to index
            %swap3A_384 = tpu.vector_load %arg9[%swap3A_383] masked %ne3A_377 {strides = array<i32>} : memref<18208xi32, #tpu.memory_space<vmem>>, vector<16xi32>, vector<16xi1>
            tpu.vector_store %arg9[%swap3A_383], %add3A_382 masked %ne3A_377 {strides = array<i32>} : memref<18208xi32, #tpu.memory_space<vmem>>, vector<16xi32>, vector<16xi1>
            %swap3A_385 = arith.index_cast %add3A_372 : i32 to index
            %swap3A_386 = tpu.vector_load %arg10[%swap3A_385] masked %ne3A_377 {strides = array<i32>} : memref<18208xf32, #tpu.memory_space<vmem>>, vector<16xf32>, vector<16xi1>
            tpu.vector_store %arg10[%swap3A_385], %get3A_260 masked %ne3A_377 {strides = array<i32>} : memref<18208xf32, #tpu.memory_space<vmem>>, vector<16xf32>, vector<16xi1>
            %swap3A_387 = arith.index_cast %add3A_372 : i32 to index
            %swap3A_388 = tpu.vector_load %arg11[%swap3A_387] masked %ne3A_377 {strides = array<i32>} : memref<18208xi32, #tpu.memory_space<vmem>>, vector<16xi32>, vector<16xi1>
            tpu.vector_store %arg11[%swap3A_387], %add3A_135 masked %ne3A_377 {strides = array<i32>} : memref<18208xi32, #tpu.memory_space<vmem>>, vector<16xi32>, vector<16xi1>
            %add3A_389 = arith.addi %add3A_372, %squeeze3A_380 : i32
            %add3A_390 = arith.constant 96 : i32
            %add3A_391 = arith.addi %mul3A_287, %add3A_390 : i32
            %ne3A_392 = arith.constant 0.000000e+00 : f32
            %ne3A_393 = vector.broadcast %ne3A_392 : f32 to vector<16xf32>
            %ne3A_394 = arith.cmpf one, %get3A_264, %ne3A_393 : vector<16xf32>
            %all_reduce_population_count3A_395 = tpu.all_reduce %ne3A_394 {dim = 0 : i64, kind = #tpu.reduction_kind<sum>} : vector<16xi1> -> vector<16xi32>
            %slice3A_396 = vector.extract_strided_slice %all_reduce_population_count3A_395 {offsets = [0], sizes = [1], strides = [1]} : vector<16xi32> to vector<1xi32>
            %squeeze3A_397 = vector.extract %slice3A_396[0] : i32 from vector<1xi32>
            %add3A_398 = vector.broadcast %add3A_391 : i32 to vector<16xi32>
            %add3A_399 = arith.addi %iota3A, %add3A_398 : vector<16xi32>
            %swap3A_400 = arith.index_cast %add3A_389 : i32 to index
            %swap3A_401 = tpu.vector_load %arg9[%swap3A_400] masked %ne3A_394 {strides = array<i32>} : memref<18208xi32, #tpu.memory_space<vmem>>, vector<16xi32>, vector<16xi1>
            tpu.vector_store %arg9[%swap3A_400], %add3A_399 masked %ne3A_394 {strides = array<i32>} : memref<18208xi32, #tpu.memory_space<vmem>>, vector<16xi32>, vector<16xi1>
            %swap3A_402 = arith.index_cast %add3A_389 : i32 to index
            %swap3A_403 = tpu.vector_load %arg10[%swap3A_402] masked %ne3A_394 {strides = array<i32>} : memref<18208xf32, #tpu.memory_space<vmem>>, vector<16xf32>, vector<16xi1>
            tpu.vector_store %arg10[%swap3A_402], %get3A_264 masked %ne3A_394 {strides = array<i32>} : memref<18208xf32, #tpu.memory_space<vmem>>, vector<16xf32>, vector<16xi1>
            %swap3A_404 = arith.index_cast %add3A_389 : i32 to index
            %swap3A_405 = tpu.vector_load %arg11[%swap3A_404] masked %ne3A_394 {strides = array<i32>} : memref<18208xi32, #tpu.memory_space<vmem>>, vector<16xi32>, vector<16xi1>
            tpu.vector_store %arg11[%swap3A_404], %add3A_135 masked %ne3A_394 {strides = array<i32>} : memref<18208xi32, #tpu.memory_space<vmem>>, vector<16xi32>, vector<16xi1>
            %add3A_406 = arith.addi %add3A_389, %squeeze3A_397 : i32
            %add3A_407 = arith.constant 112 : i32
            %add3A_408 = arith.addi %mul3A_287, %add3A_407 : i32
            %ne3A_409 = arith.constant 0.000000e+00 : f32
            %ne3A_410 = vector.broadcast %ne3A_409 : f32 to vector<16xf32>
            %ne3A_411 = arith.cmpf one, %get3A_268, %ne3A_410 : vector<16xf32>
            %all_reduce_population_count3A_412 = tpu.all_reduce %ne3A_411 {dim = 0 : i64, kind = #tpu.reduction_kind<sum>} : vector<16xi1> -> vector<16xi32>
            %slice3A_413 = vector.extract_strided_slice %all_reduce_population_count3A_412 {offsets = [0], sizes = [1], strides = [1]} : vector<16xi32> to vector<1xi32>
            %squeeze3A_414 = vector.extract %slice3A_413[0] : i32 from vector<1xi32>
            %add3A_415 = vector.broadcast %add3A_408 : i32 to vector<16xi32>
            %add3A_416 = arith.addi %iota3A, %add3A_415 : vector<16xi32>
            %swap3A_417 = arith.index_cast %add3A_406 : i32 to index
            %swap3A_418 = tpu.vector_load %arg9[%swap3A_417] masked %ne3A_411 {strides = array<i32>} : memref<18208xi32, #tpu.memory_space<vmem>>, vector<16xi32>, vector<16xi1>
            tpu.vector_store %arg9[%swap3A_417], %add3A_416 masked %ne3A_411 {strides = array<i32>} : memref<18208xi32, #tpu.memory_space<vmem>>, vector<16xi32>, vector<16xi1>
            %swap3A_419 = arith.index_cast %add3A_406 : i32 to index
            %swap3A_420 = tpu.vector_load %arg10[%swap3A_419] masked %ne3A_411 {strides = array<i32>} : memref<18208xf32, #tpu.memory_space<vmem>>, vector<16xf32>, vector<16xi1>
            tpu.vector_store %arg10[%swap3A_419], %get3A_268 masked %ne3A_411 {strides = array<i32>} : memref<18208xf32, #tpu.memory_space<vmem>>, vector<16xf32>, vector<16xi1>
            %swap3A_421 = arith.index_cast %add3A_406 : i32 to index
            %swap3A_422 = tpu.vector_load %arg11[%swap3A_421] masked %ne3A_411 {strides = array<i32>} : memref<18208xi32, #tpu.memory_space<vmem>>, vector<16xi32>, vector<16xi1>
            tpu.vector_store %arg11[%swap3A_421], %add3A_135 masked %ne3A_411 {strides = array<i32>} : memref<18208xi32, #tpu.memory_space<vmem>>, vector<16xi32>, vector<16xi1>
            %add3A_423 = arith.addi %add3A_406, %squeeze3A_414 : i32
            scf.yield %add3A_423 : i32
          } else {
            scf.yield %scan3A_233 : i32
          }
          scf.yield %cond3A_285 : i32
        }
        %scan3A_215 = arith.constant 78 : i32
        %add3A_216 = arith.constant 9984 : i32
        %add3A_217 = arith.addi %mul3A_131, %add3A_216 : i32
        %get3A = arith.index_cast %add3A_217 : i32 to index
        %get3A_218 = tpu.vector_load %arg7[%get3A] {strides = array<i32>} : memref<20000xf32, #tpu.memory_space<vmem>>, vector<16xf32>,
        %ne3A_219 = arith.constant 0.000000e+00 : f32
        %ne3A_220 = vector.broadcast %ne3A_219 : f32 to vector<16xf32>
        %ne3A_221 = arith.cmpf one, %get3A_218, %ne3A_220 : vector<16xf32>
        %all_reduce_population_count3A = tpu.all_reduce %ne3A_221 {dim = 0 : i64, kind = #tpu.reduction_kind<sum>} : vector<16xi1> -> vector<16xi32>
        %slice3A = vector.extract_strided_slice %all_reduce_population_count3A {offsets = [0], sizes = [1], strides = [1]} : vector<16xi32> to vector<1xi32>
        %squeeze3A = vector.extract %slice3A[0] : i32 from vector<1xi32>
        %add3A_222 = arith.constant 9984 : i32
        %add3A_223 = vector.broadcast %add3A_222 : i32 to vector<16xi32>
        %add3A_224 = arith.addi %iota3A, %add3A_223 : vector<16xi32>
        %swap3A_225 = arith.index_cast %scan3A_214 : i32 to index
        %swap3A_226 = tpu.vector_load %arg9[%swap3A_225] masked %ne3A_221 {strides = array<i32>} : memref<18208xi32, #tpu.memory_space<vmem>>, vector<16xi32>, vector<16xi1>
        tpu.vector_store %arg9[%swap3A_225], %add3A_224 masked %ne3A_221 {strides = array<i32>} : memref<18208xi32, #tpu.memory_space<vmem>>, vector<16xi32>, vector<16xi1>
        %swap3A_227 = arith.index_cast %scan3A_214 : i32 to index
        %swap3A_228 = tpu.vector_load %arg10[%swap3A_227] masked %ne3A_221 {strides = array<i32>} : memref<18208xf32, #tpu.memory_space<vmem>>, vector<16xf32>, vector<16xi1>
        tpu.vector_store %arg10[%swap3A_227], %get3A_218 masked %ne3A_221 {strides = array<i32>} : memref<18208xf32, #tpu.memory_space<vmem>>, vector<16xf32>, vector<16xi1>
        %swap3A_229 = arith.index_cast %scan3A_214 : i32 to index
        %swap3A_230 = tpu.vector_load %arg11[%swap3A_229] masked %ne3A_221 {strides = array<i32>} : memref<18208xi32, #tpu.memory_space<vmem>>, vector<16xi32>, vector<16xi1>
        tpu.vector_store %arg11[%swap3A_229], %add3A_135 masked %ne3A_221 {strides = array<i32>} : memref<18208xi32, #tpu.memory_space<vmem>>, vector<16xi32>, vector<16xi1>
        %add3A_231 = arith.addi %scan3A_214, %squeeze3A : i32
        scf.yield %add3A_231 : i32
      } else {
        scf.yield %cond3A_125 : i32
      }
      %ge3A = arith.constant 8192 : i32
      %ge3A_141 = arith.cmpi sge, %cond3A_140, %ge3A : i32
      %convert_element_type3A_142 = arith.extui %ge3A_141 : i1 to i32
      %cond3A_143 = arith.constant 0 : i32
      %cond3A_144 = arith.cmpi ne, %convert_element_type3A_142, %cond3A_143 : i32
      %cond3A_145:2 = scf.if %cond3A_144 -> (i32, i32) {
        %mul3A_210 = arith.constant 178216 : i32
        %mul3A_211 = arith.muli %add3A, %mul3A_210 : i32
        %add3A_212 = arith.addi %mul3A_211, %scan3A_88 : i32
        %multiple_of3A_213 = tpu.assume_multiple %add3A_212, 8 : i32
        "tpu.region"() ({
          %run_scoped3A = tpu.sem_alloc : memref<!tpu.dma_semaphore, #tpu.memory_space<semaphore_mem>>
          %dma_start3A_265 = arith.constant 0 : i32
          %dma_start3A_266 = tpu.memref_slice %arg9[%dma_start3A_265] : memref<18208xi32, #tpu.memory_space<vmem>> -> memref<8192xi32, #tpu.memory_space<vmem>>
          %dma_start3A_267 = tpu.memref_slice %arg3[%multiple_of3A_213] : memref<5702912xi32, #tpu.memory_space<hbm>> -> memref<8192xi32, #tpu.memory_space<hbm>>
          %dma_start3A_268 = tpu.memref_slice %arg3[%multiple_of3A_213] : memref<5702912xi32, #tpu.memory_space<hbm>> -> memref<8192xi32, #tpu.memory_space<hbm>>
          %dma_start3A_269 = arith.constant 0 : i32
          %dma_start3A_270 = tpu.memref_slice %arg9[%dma_start3A_269] : memref<18208xi32, #tpu.memory_space<vmem>> -> memref<8192xi32, #tpu.memory_space<vmem>>
          tpu.enqueue_dma source(%dma_start3A_270 : memref<8192xi32, #tpu.memory_space<vmem>>) target(%dma_start3A_268 : memref<8192xi32, #tpu.memory_space<hbm>>) target_semaphore(%run_scoped3A : memref<!tpu.dma_semaphore, #tpu.memory_space<semaphore_mem>>)
          %dma_wait3A_271 = arith.constant 0 : i32
          %dma_wait3A_272 = tpu.memref_slice %arg9[%dma_wait3A_271] : memref<18208xi32, #tpu.memory_space<vmem>> -> memref<8192xi32, #tpu.memory_space<vmem>>
          %dma_wait3A_273 = tpu.memref_slice %arg3[%multiple_of3A_213] : memref<5702912xi32, #tpu.memory_space<hbm>> -> memref<8192xi32, #tpu.memory_space<hbm>>
          %dma_wait3A_274 = tpu.memref_slice %arg3[%multiple_of3A_213] : memref<5702912xi32, #tpu.memory_space<hbm>> -> memref<8192xi32, #tpu.memory_space<hbm>>
          %dma_wait3A_275 = arith.constant 0 : i32
          %dma_wait3A_276 = tpu.memref_slice %arg9[%dma_wait3A_275] : memref<18208xi32, #tpu.memory_space<vmem>> -> memref<8192xi32, #tpu.memory_space<vmem>>
          tpu.wait_dma2 semaphore(%run_scoped3A : memref<!tpu.dma_semaphore, #tpu.memory_space<semaphore_mem>>) src(%dma_wait3A_276 : memref<8192xi32, #tpu.memory_space<vmem>>) dst(%dma_wait3A_274 : memref<8192xi32, #tpu.memory_space<hbm>>)
          tpu.yield
        }) : () -> ()
        %mul3A_214 = arith.constant 178216 : i32
        %mul3A_215 = arith.muli %add3A, %mul3A_214 : i32
        %add3A_216 = arith.addi %mul3A_215, %scan3A_88 : i32
        %multiple_of3A_217 = tpu.assume_multiple %add3A_216, 8 : i32
        "tpu.region"() ({
          %run_scoped3A = tpu.sem_alloc : memref<!tpu.dma_semaphore, #tpu.memory_space<semaphore_mem>>
          %dma_start3A_265 = arith.constant 0 : i32
          %dma_start3A_266 = tpu.memref_slice %arg10[%dma_start3A_265] : memref<18208xf32, #tpu.memory_space<vmem>> -> memref<8192xf32, #tpu.memory_space<vmem>>
          %dma_start3A_267 = tpu.memref_slice %arg4[%multiple_of3A_217] : memref<5702912xf32, #tpu.memory_space<hbm>> -> memref<8192xf32, #tpu.memory_space<hbm>>
          %dma_start3A_268 = tpu.memref_slice %arg4[%multiple_of3A_217] : memref<5702912xf32, #tpu.memory_space<hbm>> -> memref<8192xf32, #tpu.memory_space<hbm>>
          %dma_start3A_269 = arith.constant 0 : i32
          %dma_start3A_270 = tpu.memref_slice %arg10[%dma_start3A_269] : memref<18208xf32, #tpu.memory_space<vmem>> -> memref<8192xf32, #tpu.memory_space<vmem>>
          tpu.enqueue_dma source(%dma_start3A_270 : memref<8192xf32, #tpu.memory_space<vmem>>) target(%dma_start3A_268 : memref<8192xf32, #tpu.memory_space<hbm>>) target_semaphore(%run_scoped3A : memref<!tpu.dma_semaphore, #tpu.memory_space<semaphore_mem>>)
          %dma_wait3A_271 = arith.constant 0 : i32
          %dma_wait3A_272 = tpu.memref_slice %arg10[%dma_wait3A_271] : memref<18208xf32, #tpu.memory_space<vmem>> -> memref<8192xf32, #tpu.memory_space<vmem>>
          %dma_wait3A_273 = tpu.memref_slice %arg4[%multiple_of3A_217] : memref<5702912xf32, #tpu.memory_space<hbm>> -> memref<8192xf32, #tpu.memory_space<hbm>>
          %dma_wait3A_274 = tpu.memref_slice %arg4[%multiple_of3A_217] : memref<5702912xf32, #tpu.memory_space<hbm>> -> memref<8192xf32, #tpu.memory_space<hbm>>
          %dma_wait3A_275 = arith.constant 0 : i32
          %dma_wait3A_276 = tpu.memref_slice %arg10[%dma_wait3A_275] : memref<18208xf32, #tpu.memory_space<vmem>> -> memref<8192xf32, #tpu.memory_space<vmem>>
          tpu.wait_dma2 semaphore(%run_scoped3A : memref<!tpu.dma_semaphore, #tpu.memory_space<semaphore_mem>>) src(%dma_wait3A_276 : memref<8192xf32, #tpu.memory_space<vmem>>) dst(%dma_wait3A_274 : memref<8192xf32, #tpu.memory_space<hbm>>)
          tpu.yield
        }) : () -> ()
        %mul3A_218 = arith.constant 178216 : i32
        %mul3A_219 = arith.muli %add3A, %mul3A_218 : i32
        %add3A_220 = arith.addi %mul3A_219, %scan3A_88 : i32
        %multiple_of3A_221 = tpu.assume_multiple %add3A_220, 8 : i32
        "tpu.region"() ({
          %run_scoped3A = tpu.sem_alloc : memref<!tpu.dma_semaphore, #tpu.memory_space<semaphore_mem>>
          %dma_start3A_265 = arith.constant 0 : i32
          %dma_start3A_266 = tpu.memref_slice %arg11[%dma_start3A_265] : memref<18208xi32, #tpu.memory_space<vmem>> -> memref<8192xi32, #tpu.memory_space<vmem>>
          %dma_start3A_267 = tpu.memref_slice %arg5[%multiple_of3A_221] : memref<5702912xi32, #tpu.memory_space<hbm>> -> memref<8192xi32, #tpu.memory_space<hbm>>
          %dma_start3A_268 = tpu.memref_slice %arg5[%multiple_of3A_221] : memref<5702912xi32, #tpu.memory_space<hbm>> -> memref<8192xi32, #tpu.memory_space<hbm>>
          %dma_start3A_269 = arith.constant 0 : i32
          %dma_start3A_270 = tpu.memref_slice %arg11[%dma_start3A_269] : memref<18208xi32, #tpu.memory_space<vmem>> -> memref<8192xi32, #tpu.memory_space<vmem>>
          tpu.enqueue_dma source(%dma_start3A_270 : memref<8192xi32, #tpu.memory_space<vmem>>) target(%dma_start3A_268 : memref<8192xi32, #tpu.memory_space<hbm>>) target_semaphore(%run_scoped3A : memref<!tpu.dma_semaphore, #tpu.memory_space<semaphore_mem>>)
          %dma_wait3A_271 = arith.constant 0 : i32
          %dma_wait3A_272 = tpu.memref_slice %arg11[%dma_wait3A_271] : memref<18208xi32, #tpu.memory_space<vmem>> -> memref<8192xi32, #tpu.memory_space<vmem>>
          %dma_wait3A_273 = tpu.memref_slice %arg5[%multiple_of3A_221] : memref<5702912xi32, #tpu.memory_space<hbm>> -> memref<8192xi32, #tpu.memory_space<hbm>>
          %dma_wait3A_274 = tpu.memref_slice %arg5[%multiple_of3A_221] : memref<5702912xi32, #tpu.memory_space<hbm>> -> memref<8192xi32, #tpu.memory_space<hbm>>
          %dma_wait3A_275 = arith.constant 0 : i32
          %dma_wait3A_276 = tpu.memref_slice %arg11[%dma_wait3A_275] : memref<18208xi32, #tpu.memory_space<vmem>> -> memref<8192xi32, #tpu.memory_space<vmem>>
          tpu.wait_dma2 semaphore(%run_scoped3A : memref<!tpu.dma_semaphore, #tpu.memory_space<semaphore_mem>>) src(%dma_wait3A_276 : memref<8192xi32, #tpu.memory_space<vmem>>) dst(%dma_wait3A_274 : memref<8192xi32, #tpu.memory_space<hbm>>)
          tpu.yield
        }) : () -> ()
        %sub3A_222 = arith.constant 8192 : i32
        %sub3A_223 = arith.subi %cond3A_140, %sub3A_222 : i32
        %add3A_224 = arith.constant 15 : i32
        %add3A_225 = arith.addi %sub3A_223, %add3A_224 : i32
        %jit3A_226 = arith.constant 16 : i32
        %div3A_227 = arith.divsi %add3A_225, %jit3A_226 : i32
        %sign3A_228 = arith.constant 0 : i32
        %sign3A_229 = arith.cmpi sgt, %add3A_225, %sign3A_228 : i32
        %sign3A_230 = arith.extui %sign3A_229 : i1 to i32
        %sign3A_231 = arith.constant 0 : i32
        %sign3A_232 = arith.cmpi slt, %add3A_225, %sign3A_231 : i32
        %sign3A_233 = arith.extui %sign3A_232 : i1 to i32
        %sign3A_234 = arith.subi %sign3A_230, %sign3A_233 : i32
        %sign3A_235 = arith.constant 0 : i32
        %sign3A_236 = arith.cmpi sgt, %jit3A_226, %sign3A_235 : i32
        %sign3A_237 = arith.extui %sign3A_236 : i1 to i32
        %sign3A_238 = arith.constant 0 : i32
        %sign3A_239 = arith.cmpi slt, %jit3A_226, %sign3A_238 : i32
        %sign3A_240 = arith.extui %sign3A_239 : i1 to i32
        %sign3A_241 = arith.subi %sign3A_237, %sign3A_240 : i32
        %ne3A_242 = arith.cmpi ne, %sign3A_234, %sign3A_241 : i32
        %rem3A_243 = arith.remsi %add3A_225, %jit3A_226 : i32
        %ne3A_244 = arith.constant 0 : i32
        %ne3A_245 = arith.cmpi ne, %rem3A_243, %ne3A_244 : i32
        %and3A_246 = arith.andi %ne3A_242, %ne3A_245 : i1
        %sub3A_247 = arith.constant 1 : i32
        %sub3A_248 = arith.subi %div3A_227, %sub3A_247 : i32
        %select_n3A_249 = arith.select %and3A_246, %sub3A_248, %div3A_227 : i32
        %while3A = arith.constant 0 : i32
        %while3A_250 = arith.constant 0 : i32
        %while3A_251 = arith.subi %select_n3A_249, %while3A : i32
        %while3A_252 = arith.addi %while3A, %while3A_251 : i32
        %while3A_253 = arith.constant 1 : i32
        %while3A_254 = arith.divsi %while3A_251, %while3A_253 : i32
        %while3A_255 = arith.muli %while3A_254, %while3A_253 : i32
        %while3A_256 = arith.addi %while3A, %while3A_255 : i32
        %while3A_257 = arith.constant 1 : i32
        %while3A_258 = scf.for %while3A_265 = %while3A to %while3A_256 step %while3A_257 iter_args(%while3A_266 = %while3A_250) -> (i32)  : i32 {
          %mul3A_267 = arith.constant 16 : i32
          %mul3A_268 = arith.muli %while3A_265, %mul3A_267 : i32
          %add3A_269 = arith.constant 8192 : i32
          %add3A_270 = arith.addi %add3A_269, %mul3A_268 : i32
          %get3A = arith.index_cast %add3A_270 : i32 to index
          %get3A_271 = tpu.vector_load %arg9[%get3A] {strides = array<i32>} : memref<18208xi32, #tpu.memory_space<vmem>>, vector<16xi32>,
          %mul3A_272 = arith.constant 16 : i32
          %mul3A_273 = arith.muli %while3A_265, %mul3A_272 : i32
          %swap3A_274 = arith.index_cast %mul3A_273 : i32 to index
          %swap3A_275 = tpu.vector_load %arg9[%swap3A_274] {strides = array<i32>} : memref<18208xi32, #tpu.memory_space<vmem>>, vector<16xi32>,
          tpu.vector_store %arg9[%swap3A_274], %get3A_271 {strides = array<i32>} : memref<18208xi32, #tpu.memory_space<vmem>>, vector<16xi32>,
          %mul3A_276 = arith.constant 16 : i32
          %mul3A_277 = arith.muli %while3A_265, %mul3A_276 : i32
          %add3A_278 = arith.constant 8192 : i32
          %add3A_279 = arith.addi %add3A_278, %mul3A_277 : i32
          %get3A_280 = arith.index_cast %add3A_279 : i32 to index
          %get3A_281 = tpu.vector_load %arg10[%get3A_280] {strides = array<i32>} : memref<18208xf32, #tpu.memory_space<vmem>>, vector<16xf32>,
          %mul3A_282 = arith.constant 16 : i32
          %mul3A_283 = arith.muli %while3A_265, %mul3A_282 : i32
          %swap3A_284 = arith.index_cast %mul3A_283 : i32 to index
          %swap3A_285 = tpu.vector_load %arg10[%swap3A_284] {strides = array<i32>} : memref<18208xf32, #tpu.memory_space<vmem>>, vector<16xf32>,
          tpu.vector_store %arg10[%swap3A_284], %get3A_281 {strides = array<i32>} : memref<18208xf32, #tpu.memory_space<vmem>>, vector<16xf32>,
          %mul3A_286 = arith.constant 16 : i32
          %mul3A_287 = arith.muli %while3A_265, %mul3A_286 : i32
          %add3A_288 = arith.constant 8192 : i32
          %add3A_289 = arith.addi %add3A_288, %mul3A_287 : i32
          %get3A_290 = arith.index_cast %add3A_289 : i32 to index
          %get3A_291 = tpu.vector_load %arg11[%get3A_290] {strides = array<i32>} : memref<18208xi32, #tpu.memory_space<vmem>>, vector<16xi32>,
          %mul3A_292 = arith.constant 16 : i32
          %mul3A_293 = arith.muli %while3A_265, %mul3A_292 : i32
          %swap3A_294 = arith.index_cast %mul3A_293 : i32 to index
          %swap3A_295 = tpu.vector_load %arg11[%swap3A_294] {strides = array<i32>} : memref<18208xi32, #tpu.memory_space<vmem>>, vector<16xi32>,
          tpu.vector_store %arg11[%swap3A_294], %get3A_291 {strides = array<i32>} : memref<18208xi32, #tpu.memory_space<vmem>>, vector<16xi32>,
          %while3A_296 = arith.constant 0 : i32
          scf.yield %while3A_296 : i32
        }
        %while3A_259 = arith.constant 1 : i32
        %while3A_260 = scf.for %while3A_265 = %while3A_256 to %while3A_252 step %while3A_259 iter_args(%while3A_266 = %while3A_258) -> (i32)  : i32 {
          %mul3A_267 = arith.constant 16 : i32
          %mul3A_268 = arith.muli %while3A_265, %mul3A_267 : i32
          %add3A_269 = arith.constant 8192 : i32
          %add3A_270 = arith.addi %add3A_269, %mul3A_268 : i32
          %get3A = arith.index_cast %add3A_270 : i32 to index
          %get3A_271 = tpu.vector_load %arg9[%get3A] {strides = array<i32>} : memref<18208xi32, #tpu.memory_space<vmem>>, vector<16xi32>,
          %mul3A_272 = arith.constant 16 : i32
          %mul3A_273 = arith.muli %while3A_265, %mul3A_272 : i32
          %swap3A_274 = arith.index_cast %mul3A_273 : i32 to index
          %swap3A_275 = tpu.vector_load %arg9[%swap3A_274] {strides = array<i32>} : memref<18208xi32, #tpu.memory_space<vmem>>, vector<16xi32>,
          tpu.vector_store %arg9[%swap3A_274], %get3A_271 {strides = array<i32>} : memref<18208xi32, #tpu.memory_space<vmem>>, vector<16xi32>,
          %mul3A_276 = arith.constant 16 : i32
          %mul3A_277 = arith.muli %while3A_265, %mul3A_276 : i32
          %add3A_278 = arith.constant 8192 : i32
          %add3A_279 = arith.addi %add3A_278, %mul3A_277 : i32
          %get3A_280 = arith.index_cast %add3A_279 : i32 to index
          %get3A_281 = tpu.vector_load %arg10[%get3A_280] {strides = array<i32>} : memref<18208xf32, #tpu.memory_space<vmem>>, vector<16xf32>,
          %mul3A_282 = arith.constant 16 : i32
          %mul3A_283 = arith.muli %while3A_265, %mul3A_282 : i32
          %swap3A_284 = arith.index_cast %mul3A_283 : i32 to index
          %swap3A_285 = tpu.vector_load %arg10[%swap3A_284] {strides = array<i32>} : memref<18208xf32, #tpu.memory_space<vmem>>, vector<16xf32>,
          tpu.vector_store %arg10[%swap3A_284], %get3A_281 {strides = array<i32>} : memref<18208xf32, #tpu.memory_space<vmem>>, vector<16xf32>,
          %mul3A_286 = arith.constant 16 : i32
          %mul3A_287 = arith.muli %while3A_265, %mul3A_286 : i32
          %add3A_288 = arith.constant 8192 : i32
          %add3A_289 = arith.addi %add3A_288, %mul3A_287 : i32
          %get3A_290 = arith.index_cast %add3A_289 : i32 to index
          %get3A_291 = tpu.vector_load %arg11[%get3A_290] {strides = array<i32>} : memref<18208xi32, #tpu.memory_space<vmem>>, vector<16xi32>,
          %mul3A_292 = arith.constant 16 : i32
          %mul3A_293 = arith.muli %while3A_265, %mul3A_292 : i32
          %swap3A_294 = arith.index_cast %mul3A_293 : i32 to index
          %swap3A_295 = tpu.vector_load %arg11[%swap3A_294] {strides = array<i32>} : memref<18208xi32, #tpu.memory_space<vmem>>, vector<16xi32>,
          tpu.vector_store %arg11[%swap3A_294], %get3A_291 {strides = array<i32>} : memref<18208xi32, #tpu.memory_space<vmem>>, vector<16xi32>,
          %while3A_296 = arith.constant 0 : i32
          scf.yield %while3A_296 : i32
        }
        %sub3A_261 = arith.constant 8192 : i32
        %sub3A_262 = arith.subi %cond3A_140, %sub3A_261 : i32
        %add3A_263 = arith.constant 8192 : i32
        %add3A_264 = arith.addi %scan3A_88, %add3A_263 : i32
        scf.yield %sub3A_262, %add3A_264 : i32, i32
      } else {
        scf.yield %cond3A_140, %scan3A_88 : i32, i32
      }
      %mul3A_146 = arith.constant 2 : i32
      %mul3A_147 = arith.muli %mul3A_146, %scan3A_86 : i32
      %add3A_148 = arith.constant 2 : i32
      %add3A_149 = arith.addi %mul3A_147, %add3A_148 : i32
      %min3A_150 = arith.constant 157 : i32
      %min3A_151 = arith.minsi %add3A_149, %min3A_150 : i32
      %mul3A_152 = arith.constant 2 : i32
      %mul3A_153 = arith.muli %min3A_151, %mul3A_152 : i32
      %add3A_154 = arith.addi %select_n3A, %mul3A_153 : i32
      %min3A_155 = arith.constant 9998 : i32
      %min3A_156 = arith.minsi %add3A_154, %min3A_155 : i32
      %mul3A_157 = arith.constant 10000 : i32
      %mul3A_158 = arith.muli %min3A_156, %mul3A_157 : i32
      %multiple_of3A_159 = tpu.assume_multiple %mul3A_158, 8 : i32
      %dma_start3A_160 = tpu.memref_slice %arg2[%multiple_of3A_159] : memref<100000000xf32, #tpu.memory_space<hbm>> -> memref<20000xf32, #tpu.memory_space<hbm>>
      %dma_start3A_161 = tpu.memref_slice %arg2[%multiple_of3A_159] : memref<100000000xf32, #tpu.memory_space<hbm>> -> memref<20000xf32, #tpu.memory_space<hbm>>
      tpu.enqueue_dma source(%dma_start3A_161 : memref<20000xf32, #tpu.memory_space<hbm>>) target(%arg7 : memref<20000xf32, #tpu.memory_space<vmem>>) target_semaphore(%arg13 : memref<!tpu.dma_semaphore, #tpu.memory_space<semaphore_mem>>)
      %sub3A_162 = arith.subi %add3A_154, %min3A_156 : i32
      %dma_wait3A_163 = arith.constant 0 : i32
      %dma_wait3A_164 = tpu.memref_slice %arg2[%dma_wait3A_163] : memref<100000000xf32, #tpu.memory_space<hbm>> -> memref<20000xf32, #tpu.memory_space<hbm>>
      %dma_wait3A_165 = arith.constant 0 : i32
      %dma_wait3A_166 = tpu.memref_slice %arg2[%dma_wait3A_165] : memref<100000000xf32, #tpu.memory_space<hbm>> -> memref<20000xf32, #tpu.memory_space<hbm>>
      tpu.wait_dma2 semaphore(%arg14 : memref<!tpu.dma_semaphore, #tpu.memory_space<semaphore_mem>>) src(%dma_wait3A_166 : memref<20000xf32, #tpu.memory_space<hbm>>) dst(%arg8 : memref<20000xf32, #tpu.memory_space<vmem>>)
      %mul3A_167 = arith.constant 2 : i32
      %mul3A_168 = arith.muli %mul3A_167, %scan3A_86 : i32
      %add3A_169 = arith.constant 1 : i32
      %add3A_170 = arith.addi %mul3A_168, %add3A_169 : i32
      %mul3A_171 = arith.constant 2 : i32
      %mul3A_172 = arith.muli %add3A_170, %mul3A_171 : i32
      %add3A_173 = arith.addi %select_n3A, %mul3A_172 : i32
      %add3A_174 = arith.constant 0 : i32
      %add3A_175 = arith.addi %add3A_173, %add3A_174 : i32
      %add3A_176 = arith.constant 0 : i32
      %add3A_177 = arith.addi %add3A_176, %sub3A_104 : i32
      %mul3A_178 = arith.constant 10000 : i32
      %mul3A_179 = arith.muli %add3A_177, %mul3A_178 : i32
      %broadcast_in_dim3A_180 = arith.constant 0 : i32
      %broadcast_in_dim3A_181 = vector.broadcast %broadcast_in_dim3A_180 : i32 to vector<16xi32>
      %add3A_182 = vector.broadcast %add3A_175 : i32 to vector<16xi32>
      %add3A_183 = arith.addi %broadcast_in_dim3A_181, %add3A_182 : vector<16xi32>
      %lt3A_184 = arith.cmpi slt, %add3A_175, %select_n3A_46 : i32
      %convert_element_type3A_185 = arith.extui %lt3A_184 : i1 to i32
      %cond3A_186 = arith.constant 0 : i32
      %cond3A_187 = arith.cmpi ne, %convert_element_type3A_185, %cond3A_186 : i32
      %cond3A_188 = scf.if %cond3A_187 -> (i32) {
        %scan3A_210 = arith.constant 0 : i32
        %scan3A_211 = arith.constant 78 : i32
        %scan3A_212 = arith.addi %scan3A_210, %scan3A_211 : i32
        %scan3A_213 = arith.constant 1 : i32
        %scan3A_214 = scf.for %scan3A_232 = %scan3A_210 to %scan3A_212 step %scan3A_213 iter_args(%scan3A_233 = %cond3A_145#0) -> (i32)  : i32 {
          %mul3A_234 = arith.constant 128 : i32
          %mul3A_235 = arith.muli %scan3A_232, %mul3A_234 : i32
          %add3A_236 = arith.addi %mul3A_179, %mul3A_235 : i32
          %add3A_237 = arith.constant 0 : i32
          %add3A_238 = arith.addi %add3A_236, %add3A_237 : i32
          %get3A_239 = arith.index_cast %add3A_238 : i32 to index
          %get3A_240 = tpu.vector_load %arg8[%get3A_239] {strides = array<i32>} : memref<20000xf32, #tpu.memory_space<vmem>>, vector<16xf32>,
          %add3A_241 = arith.constant 16 : i32
          %add3A_242 = arith.addi %add3A_236, %add3A_241 : i32
          %get3A_243 = arith.index_cast %add3A_242 : i32 to index
          %get3A_244 = tpu.vector_load %arg8[%get3A_243] {strides = array<i32>} : memref<20000xf32, #tpu.memory_space<vmem>>, vector<16xf32>,
          %add3A_245 = arith.constant 32 : i32
          %add3A_246 = arith.addi %add3A_236, %add3A_245 : i32
          %get3A_247 = arith.index_cast %add3A_246 : i32 to index
          %get3A_248 = tpu.vector_load %arg8[%get3A_247] {strides = array<i32>} : memref<20000xf32, #tpu.memory_space<vmem>>, vector<16xf32>,
          %add3A_249 = arith.constant 48 : i32
          %add3A_250 = arith.addi %add3A_236, %add3A_249 : i32
          %get3A_251 = arith.index_cast %add3A_250 : i32 to index
          %get3A_252 = tpu.vector_load %arg8[%get3A_251] {strides = array<i32>} : memref<20000xf32, #tpu.memory_space<vmem>>, vector<16xf32>,
          %add3A_253 = arith.constant 64 : i32
          %add3A_254 = arith.addi %add3A_236, %add3A_253 : i32
          %get3A_255 = arith.index_cast %add3A_254 : i32 to index
          %get3A_256 = tpu.vector_load %arg8[%get3A_255] {strides = array<i32>} : memref<20000xf32, #tpu.memory_space<vmem>>, vector<16xf32>,
          %add3A_257 = arith.constant 80 : i32
          %add3A_258 = arith.addi %add3A_236, %add3A_257 : i32
          %get3A_259 = arith.index_cast %add3A_258 : i32 to index
          %get3A_260 = tpu.vector_load %arg8[%get3A_259] {strides = array<i32>} : memref<20000xf32, #tpu.memory_space<vmem>>, vector<16xf32>,
          %add3A_261 = arith.constant 96 : i32
          %add3A_262 = arith.addi %add3A_236, %add3A_261 : i32
          %get3A_263 = arith.index_cast %add3A_262 : i32 to index
          %get3A_264 = tpu.vector_load %arg8[%get3A_263] {strides = array<i32>} : memref<20000xf32, #tpu.memory_space<vmem>>, vector<16xf32>,
          %add3A_265 = arith.constant 112 : i32
          %add3A_266 = arith.addi %add3A_236, %add3A_265 : i32
          %get3A_267 = arith.index_cast %add3A_266 : i32 to index
          %get3A_268 = tpu.vector_load %arg8[%get3A_267] {strides = array<i32>} : memref<20000xf32, #tpu.memory_space<vmem>>, vector<16xf32>,
          %max3A = arith.maximumf %get3A_240, %get3A_244 : vector<16xf32>
          %max3A_269 = arith.maximumf %get3A_248, %get3A_252 : vector<16xf32>
          %max3A_270 = arith.maximumf %get3A_256, %get3A_260 : vector<16xf32>
          %max3A_271 = arith.maximumf %get3A_264, %get3A_268 : vector<16xf32>
          %max3A_272 = arith.maximumf %max3A, %max3A_269 : vector<16xf32>
          %max3A_273 = arith.maximumf %max3A_270, %max3A_271 : vector<16xf32>
          %max3A_274 = arith.maximumf %max3A_272, %max3A_273 : vector<16xf32>
          %ne3A_275 = arith.constant 0.000000e+00 : f32
          %ne3A_276 = vector.broadcast %ne3A_275 : f32 to vector<16xf32>
          %ne3A_277 = arith.cmpf one, %max3A_274, %ne3A_276 : vector<16xf32>
          %all_reduce_population_count3A_278 = tpu.all_reduce %ne3A_277 {dim = 0 : i64, kind = #tpu.reduction_kind<sum>} : vector<16xi1> -> vector<16xi32>
          %slice3A_279 = vector.extract_strided_slice %all_reduce_population_count3A_278 {offsets = [0], sizes = [1], strides = [1]} : vector<16xi32> to vector<1xi32>
          %squeeze3A_280 = vector.extract %slice3A_279[0] : i32 from vector<1xi32>
          %gt3A = arith.constant 0 : i32
          %gt3A_281 = arith.cmpi sgt, %squeeze3A_280, %gt3A : i32
          %convert_element_type3A_282 = arith.extui %gt3A_281 : i1 to i32
          %cond3A_283 = arith.constant 0 : i32
          %cond3A_284 = arith.cmpi ne, %convert_element_type3A_282, %cond3A_283 : i32
          %cond3A_285 = scf.if %cond3A_284 -> (i32) {
            %mul3A_286 = arith.constant 128 : i32
            %mul3A_287 = arith.muli %scan3A_232, %mul3A_286 : i32
            %add3A_288 = arith.constant 0 : i32
            %add3A_289 = arith.addi %mul3A_287, %add3A_288 : i32
            %ne3A_290 = arith.constant 0.000000e+00 : f32
            %ne3A_291 = vector.broadcast %ne3A_290 : f32 to vector<16xf32>
            %ne3A_292 = arith.cmpf one, %get3A_240, %ne3A_291 : vector<16xf32>
            %all_reduce_population_count3A_293 = tpu.all_reduce %ne3A_292 {dim = 0 : i64, kind = #tpu.reduction_kind<sum>} : vector<16xi1> -> vector<16xi32>
            %slice3A_294 = vector.extract_strided_slice %all_reduce_population_count3A_293 {offsets = [0], sizes = [1], strides = [1]} : vector<16xi32> to vector<1xi32>
            %squeeze3A_295 = vector.extract %slice3A_294[0] : i32 from vector<1xi32>
            %add3A_296 = vector.broadcast %add3A_289 : i32 to vector<16xi32>
            %add3A_297 = arith.addi %iota3A, %add3A_296 : vector<16xi32>
            %swap3A_298 = arith.index_cast %scan3A_233 : i32 to index
            %swap3A_299 = tpu.vector_load %arg9[%swap3A_298] masked %ne3A_292 {strides = array<i32>} : memref<18208xi32, #tpu.memory_space<vmem>>, vector<16xi32>, vector<16xi1>
            tpu.vector_store %arg9[%swap3A_298], %add3A_297 masked %ne3A_292 {strides = array<i32>} : memref<18208xi32, #tpu.memory_space<vmem>>, vector<16xi32>, vector<16xi1>
            %swap3A_300 = arith.index_cast %scan3A_233 : i32 to index
            %swap3A_301 = tpu.vector_load %arg10[%swap3A_300] masked %ne3A_292 {strides = array<i32>} : memref<18208xf32, #tpu.memory_space<vmem>>, vector<16xf32>, vector<16xi1>
            tpu.vector_store %arg10[%swap3A_300], %get3A_240 masked %ne3A_292 {strides = array<i32>} : memref<18208xf32, #tpu.memory_space<vmem>>, vector<16xf32>, vector<16xi1>
            %swap3A_302 = arith.index_cast %scan3A_233 : i32 to index
            %swap3A_303 = tpu.vector_load %arg11[%swap3A_302] masked %ne3A_292 {strides = array<i32>} : memref<18208xi32, #tpu.memory_space<vmem>>, vector<16xi32>, vector<16xi1>
            tpu.vector_store %arg11[%swap3A_302], %add3A_183 masked %ne3A_292 {strides = array<i32>} : memref<18208xi32, #tpu.memory_space<vmem>>, vector<16xi32>, vector<16xi1>
            %add3A_304 = arith.addi %scan3A_233, %squeeze3A_295 : i32
            %add3A_305 = arith.constant 16 : i32
            %add3A_306 = arith.addi %mul3A_287, %add3A_305 : i32
            %ne3A_307 = arith.constant 0.000000e+00 : f32
            %ne3A_308 = vector.broadcast %ne3A_307 : f32 to vector<16xf32>
            %ne3A_309 = arith.cmpf one, %get3A_244, %ne3A_308 : vector<16xf32>
            %all_reduce_population_count3A_310 = tpu.all_reduce %ne3A_309 {dim = 0 : i64, kind = #tpu.reduction_kind<sum>} : vector<16xi1> -> vector<16xi32>
            %slice3A_311 = vector.extract_strided_slice %all_reduce_population_count3A_310 {offsets = [0], sizes = [1], strides = [1]} : vector<16xi32> to vector<1xi32>
            %squeeze3A_312 = vector.extract %slice3A_311[0] : i32 from vector<1xi32>
            %add3A_313 = vector.broadcast %add3A_306 : i32 to vector<16xi32>
            %add3A_314 = arith.addi %iota3A, %add3A_313 : vector<16xi32>
            %swap3A_315 = arith.index_cast %add3A_304 : i32 to index
            %swap3A_316 = tpu.vector_load %arg9[%swap3A_315] masked %ne3A_309 {strides = array<i32>} : memref<18208xi32, #tpu.memory_space<vmem>>, vector<16xi32>, vector<16xi1>
            tpu.vector_store %arg9[%swap3A_315], %add3A_314 masked %ne3A_309 {strides = array<i32>} : memref<18208xi32, #tpu.memory_space<vmem>>, vector<16xi32>, vector<16xi1>
            %swap3A_317 = arith.index_cast %add3A_304 : i32 to index
            %swap3A_318 = tpu.vector_load %arg10[%swap3A_317] masked %ne3A_309 {strides = array<i32>} : memref<18208xf32, #tpu.memory_space<vmem>>, vector<16xf32>, vector<16xi1>
            tpu.vector_store %arg10[%swap3A_317], %get3A_244 masked %ne3A_309 {strides = array<i32>} : memref<18208xf32, #tpu.memory_space<vmem>>, vector<16xf32>, vector<16xi1>
            %swap3A_319 = arith.index_cast %add3A_304 : i32 to index
            %swap3A_320 = tpu.vector_load %arg11[%swap3A_319] masked %ne3A_309 {strides = array<i32>} : memref<18208xi32, #tpu.memory_space<vmem>>, vector<16xi32>, vector<16xi1>
            tpu.vector_store %arg11[%swap3A_319], %add3A_183 masked %ne3A_309 {strides = array<i32>} : memref<18208xi32, #tpu.memory_space<vmem>>, vector<16xi32>, vector<16xi1>
            %add3A_321 = arith.addi %add3A_304, %squeeze3A_312 : i32
            %add3A_322 = arith.constant 32 : i32
            %add3A_323 = arith.addi %mul3A_287, %add3A_322 : i32
            %ne3A_324 = arith.constant 0.000000e+00 : f32
            %ne3A_325 = vector.broadcast %ne3A_324 : f32 to vector<16xf32>
            %ne3A_326 = arith.cmpf one, %get3A_248, %ne3A_325 : vector<16xf32>
            %all_reduce_population_count3A_327 = tpu.all_reduce %ne3A_326 {dim = 0 : i64, kind = #tpu.reduction_kind<sum>} : vector<16xi1> -> vector<16xi32>
            %slice3A_328 = vector.extract_strided_slice %all_reduce_population_count3A_327 {offsets = [0], sizes = [1], strides = [1]} : vector<16xi32> to vector<1xi32>
            %squeeze3A_329 = vector.extract %slice3A_328[0] : i32 from vector<1xi32>
            %add3A_330 = vector.broadcast %add3A_323 : i32 to vector<16xi32>
            %add3A_331 = arith.addi %iota3A, %add3A_330 : vector<16xi32>
            %swap3A_332 = arith.index_cast %add3A_321 : i32 to index
            %swap3A_333 = tpu.vector_load %arg9[%swap3A_332] masked %ne3A_326 {strides = array<i32>} : memref<18208xi32, #tpu.memory_space<vmem>>, vector<16xi32>, vector<16xi1>
            tpu.vector_store %arg9[%swap3A_332], %add3A_331 masked %ne3A_326 {strides = array<i32>} : memref<18208xi32, #tpu.memory_space<vmem>>, vector<16xi32>, vector<16xi1>
            %swap3A_334 = arith.index_cast %add3A_321 : i32 to index
            %swap3A_335 = tpu.vector_load %arg10[%swap3A_334] masked %ne3A_326 {strides = array<i32>} : memref<18208xf32, #tpu.memory_space<vmem>>, vector<16xf32>, vector<16xi1>
            tpu.vector_store %arg10[%swap3A_334], %get3A_248 masked %ne3A_326 {strides = array<i32>} : memref<18208xf32, #tpu.memory_space<vmem>>, vector<16xf32>, vector<16xi1>
            %swap3A_336 = arith.index_cast %add3A_321 : i32 to index
            %swap3A_337 = tpu.vector_load %arg11[%swap3A_336] masked %ne3A_326 {strides = array<i32>} : memref<18208xi32, #tpu.memory_space<vmem>>, vector<16xi32>, vector<16xi1>
            tpu.vector_store %arg11[%swap3A_336], %add3A_183 masked %ne3A_326 {strides = array<i32>} : memref<18208xi32, #tpu.memory_space<vmem>>, vector<16xi32>, vector<16xi1>
            %add3A_338 = arith.addi %add3A_321, %squeeze3A_329 : i32
            %add3A_339 = arith.constant 48 : i32
            %add3A_340 = arith.addi %mul3A_287, %add3A_339 : i32
            %ne3A_341 = arith.constant 0.000000e+00 : f32
            %ne3A_342 = vector.broadcast %ne3A_341 : f32 to vector<16xf32>
            %ne3A_343 = arith.cmpf one, %get3A_252, %ne3A_342 : vector<16xf32>
            %all_reduce_population_count3A_344 = tpu.all_reduce %ne3A_343 {dim = 0 : i64, kind = #tpu.reduction_kind<sum>} : vector<16xi1> -> vector<16xi32>
            %slice3A_345 = vector.extract_strided_slice %all_reduce_population_count3A_344 {offsets = [0], sizes = [1], strides = [1]} : vector<16xi32> to vector<1xi32>
            %squeeze3A_346 = vector.extract %slice3A_345[0] : i32 from vector<1xi32>
            %add3A_347 = vector.broadcast %add3A_340 : i32 to vector<16xi32>
            %add3A_348 = arith.addi %iota3A, %add3A_347 : vector<16xi32>
            %swap3A_349 = arith.index_cast %add3A_338 : i32 to index
            %swap3A_350 = tpu.vector_load %arg9[%swap3A_349] masked %ne3A_343 {strides = array<i32>} : memref<18208xi32, #tpu.memory_space<vmem>>, vector<16xi32>, vector<16xi1>
            tpu.vector_store %arg9[%swap3A_349], %add3A_348 masked %ne3A_343 {strides = array<i32>} : memref<18208xi32, #tpu.memory_space<vmem>>, vector<16xi32>, vector<16xi1>
            %swap3A_351 = arith.index_cast %add3A_338 : i32 to index
            %swap3A_352 = tpu.vector_load %arg10[%swap3A_351] masked %ne3A_343 {strides = array<i32>} : memref<18208xf32, #tpu.memory_space<vmem>>, vector<16xf32>, vector<16xi1>
            tpu.vector_store %arg10[%swap3A_351], %get3A_252 masked %ne3A_343 {strides = array<i32>} : memref<18208xf32, #tpu.memory_space<vmem>>, vector<16xf32>, vector<16xi1>
            %swap3A_353 = arith.index_cast %add3A_338 : i32 to index
            %swap3A_354 = tpu.vector_load %arg11[%swap3A_353] masked %ne3A_343 {strides = array<i32>} : memref<18208xi32, #tpu.memory_space<vmem>>, vector<16xi32>, vector<16xi1>
            tpu.vector_store %arg11[%swap3A_353], %add3A_183 masked %ne3A_343 {strides = array<i32>} : memref<18208xi32, #tpu.memory_space<vmem>>, vector<16xi32>, vector<16xi1>
            %add3A_355 = arith.addi %add3A_338, %squeeze3A_346 : i32
            %add3A_356 = arith.constant 64 : i32
            %add3A_357 = arith.addi %mul3A_287, %add3A_356 : i32
            %ne3A_358 = arith.constant 0.000000e+00 : f32
            %ne3A_359 = vector.broadcast %ne3A_358 : f32 to vector<16xf32>
            %ne3A_360 = arith.cmpf one, %get3A_256, %ne3A_359 : vector<16xf32>
            %all_reduce_population_count3A_361 = tpu.all_reduce %ne3A_360 {dim = 0 : i64, kind = #tpu.reduction_kind<sum>} : vector<16xi1> -> vector<16xi32>
            %slice3A_362 = vector.extract_strided_slice %all_reduce_population_count3A_361 {offsets = [0], sizes = [1], strides = [1]} : vector<16xi32> to vector<1xi32>
            %squeeze3A_363 = vector.extract %slice3A_362[0] : i32 from vector<1xi32>
            %add3A_364 = vector.broadcast %add3A_357 : i32 to vector<16xi32>
            %add3A_365 = arith.addi %iota3A, %add3A_364 : vector<16xi32>
            %swap3A_366 = arith.index_cast %add3A_355 : i32 to index
            %swap3A_367 = tpu.vector_load %arg9[%swap3A_366] masked %ne3A_360 {strides = array<i32>} : memref<18208xi32, #tpu.memory_space<vmem>>, vector<16xi32>, vector<16xi1>
            tpu.vector_store %arg9[%swap3A_366], %add3A_365 masked %ne3A_360 {strides = array<i32>} : memref<18208xi32, #tpu.memory_space<vmem>>, vector<16xi32>, vector<16xi1>
            %swap3A_368 = arith.index_cast %add3A_355 : i32 to index
            %swap3A_369 = tpu.vector_load %arg10[%swap3A_368] masked %ne3A_360 {strides = array<i32>} : memref<18208xf32, #tpu.memory_space<vmem>>, vector<16xf32>, vector<16xi1>
            tpu.vector_store %arg10[%swap3A_368], %get3A_256 masked %ne3A_360 {strides = array<i32>} : memref<18208xf32, #tpu.memory_space<vmem>>, vector<16xf32>, vector<16xi1>
            %swap3A_370 = arith.index_cast %add3A_355 : i32 to index
            %swap3A_371 = tpu.vector_load %arg11[%swap3A_370] masked %ne3A_360 {strides = array<i32>} : memref<18208xi32, #tpu.memory_space<vmem>>, vector<16xi32>, vector<16xi1>
            tpu.vector_store %arg11[%swap3A_370], %add3A_183 masked %ne3A_360 {strides = array<i32>} : memref<18208xi32, #tpu.memory_space<vmem>>, vector<16xi32>, vector<16xi1>
            %add3A_372 = arith.addi %add3A_355, %squeeze3A_363 : i32
            %add3A_373 = arith.constant 80 : i32
            %add3A_374 = arith.addi %mul3A_287, %add3A_373 : i32
            %ne3A_375 = arith.constant 0.000000e+00 : f32
            %ne3A_376 = vector.broadcast %ne3A_375 : f32 to vector<16xf32>
            %ne3A_377 = arith.cmpf one, %get3A_260, %ne3A_376 : vector<16xf32>
            %all_reduce_population_count3A_378 = tpu.all_reduce %ne3A_377 {dim = 0 : i64, kind = #tpu.reduction_kind<sum>} : vector<16xi1> -> vector<16xi32>
            %slice3A_379 = vector.extract_strided_slice %all_reduce_population_count3A_378 {offsets = [0], sizes = [1], strides = [1]} : vector<16xi32> to vector<1xi32>
            %squeeze3A_380 = vector.extract %slice3A_379[0] : i32 from vector<1xi32>
            %add3A_381 = vector.broadcast %add3A_374 : i32 to vector<16xi32>
            %add3A_382 = arith.addi %iota3A, %add3A_381 : vector<16xi32>
            %swap3A_383 = arith.index_cast %add3A_372 : i32 to index
            %swap3A_384 = tpu.vector_load %arg9[%swap3A_383] masked %ne3A_377 {strides = array<i32>} : memref<18208xi32, #tpu.memory_space<vmem>>, vector<16xi32>, vector<16xi1>
            tpu.vector_store %arg9[%swap3A_383], %add3A_382 masked %ne3A_377 {strides = array<i32>} : memref<18208xi32, #tpu.memory_space<vmem>>, vector<16xi32>, vector<16xi1>
            %swap3A_385 = arith.index_cast %add3A_372 : i32 to index
            %swap3A_386 = tpu.vector_load %arg10[%swap3A_385] masked %ne3A_377 {strides = array<i32>} : memref<18208xf32, #tpu.memory_space<vmem>>, vector<16xf32>, vector<16xi1>
            tpu.vector_store %arg10[%swap3A_385], %get3A_260 masked %ne3A_377 {strides = array<i32>} : memref<18208xf32, #tpu.memory_space<vmem>>, vector<16xf32>, vector<16xi1>
            %swap3A_387 = arith.index_cast %add3A_372 : i32 to index
            %swap3A_388 = tpu.vector_load %arg11[%swap3A_387] masked %ne3A_377 {strides = array<i32>} : memref<18208xi32, #tpu.memory_space<vmem>>, vector<16xi32>, vector<16xi1>
            tpu.vector_store %arg11[%swap3A_387], %add3A_183 masked %ne3A_377 {strides = array<i32>} : memref<18208xi32, #tpu.memory_space<vmem>>, vector<16xi32>, vector<16xi1>
            %add3A_389 = arith.addi %add3A_372, %squeeze3A_380 : i32
            %add3A_390 = arith.constant 96 : i32
            %add3A_391 = arith.addi %mul3A_287, %add3A_390 : i32
            %ne3A_392 = arith.constant 0.000000e+00 : f32
            %ne3A_393 = vector.broadcast %ne3A_392 : f32 to vector<16xf32>
            %ne3A_394 = arith.cmpf one, %get3A_264, %ne3A_393 : vector<16xf32>
            %all_reduce_population_count3A_395 = tpu.all_reduce %ne3A_394 {dim = 0 : i64, kind = #tpu.reduction_kind<sum>} : vector<16xi1> -> vector<16xi32>
            %slice3A_396 = vector.extract_strided_slice %all_reduce_population_count3A_395 {offsets = [0], sizes = [1], strides = [1]} : vector<16xi32> to vector<1xi32>
            %squeeze3A_397 = vector.extract %slice3A_396[0] : i32 from vector<1xi32>
            %add3A_398 = vector.broadcast %add3A_391 : i32 to vector<16xi32>
            %add3A_399 = arith.addi %iota3A, %add3A_398 : vector<16xi32>
            %swap3A_400 = arith.index_cast %add3A_389 : i32 to index
            %swap3A_401 = tpu.vector_load %arg9[%swap3A_400] masked %ne3A_394 {strides = array<i32>} : memref<18208xi32, #tpu.memory_space<vmem>>, vector<16xi32>, vector<16xi1>
            tpu.vector_store %arg9[%swap3A_400], %add3A_399 masked %ne3A_394 {strides = array<i32>} : memref<18208xi32, #tpu.memory_space<vmem>>, vector<16xi32>, vector<16xi1>
            %swap3A_402 = arith.index_cast %add3A_389 : i32 to index
            %swap3A_403 = tpu.vector_load %arg10[%swap3A_402] masked %ne3A_394 {strides = array<i32>} : memref<18208xf32, #tpu.memory_space<vmem>>, vector<16xf32>, vector<16xi1>
            tpu.vector_store %arg10[%swap3A_402], %get3A_264 masked %ne3A_394 {strides = array<i32>} : memref<18208xf32, #tpu.memory_space<vmem>>, vector<16xf32>, vector<16xi1>
            %swap3A_404 = arith.index_cast %add3A_389 : i32 to index
            %swap3A_405 = tpu.vector_load %arg11[%swap3A_404] masked %ne3A_394 {strides = array<i32>} : memref<18208xi32, #tpu.memory_space<vmem>>, vector<16xi32>, vector<16xi1>
            tpu.vector_store %arg11[%swap3A_404], %add3A_183 masked %ne3A_394 {strides = array<i32>} : memref<18208xi32, #tpu.memory_space<vmem>>, vector<16xi32>, vector<16xi1>
            %add3A_406 = arith.addi %add3A_389, %squeeze3A_397 : i32
            %add3A_407 = arith.constant 112 : i32
            %add3A_408 = arith.addi %mul3A_287, %add3A_407 : i32
            %ne3A_409 = arith.constant 0.000000e+00 : f32
            %ne3A_410 = vector.broadcast %ne3A_409 : f32 to vector<16xf32>
            %ne3A_411 = arith.cmpf one, %get3A_268, %ne3A_410 : vector<16xf32>
            %all_reduce_population_count3A_412 = tpu.all_reduce %ne3A_411 {dim = 0 : i64, kind = #tpu.reduction_kind<sum>} : vector<16xi1> -> vector<16xi32>
            %slice3A_413 = vector.extract_strided_slice %all_reduce_population_count3A_412 {offsets = [0], sizes = [1], strides = [1]} : vector<16xi32> to vector<1xi32>
            %squeeze3A_414 = vector.extract %slice3A_413[0] : i32 from vector<1xi32>
            %add3A_415 = vector.broadcast %add3A_408 : i32 to vector<16xi32>
            %add3A_416 = arith.addi %iota3A, %add3A_415 : vector<16xi32>
            %swap3A_417 = arith.index_cast %add3A_406 : i32 to index
            %swap3A_418 = tpu.vector_load %arg9[%swap3A_417] masked %ne3A_411 {strides = array<i32>} : memref<18208xi32, #tpu.memory_space<vmem>>, vector<16xi32>, vector<16xi1>
            tpu.vector_store %arg9[%swap3A_417], %add3A_416 masked %ne3A_411 {strides = array<i32>} : memref<18208xi32, #tpu.memory_space<vmem>>, vector<16xi32>, vector<16xi1>
            %swap3A_419 = arith.index_cast %add3A_406 : i32 to index
            %swap3A_420 = tpu.vector_load %arg10[%swap3A_419] masked %ne3A_411 {strides = array<i32>} : memref<18208xf32, #tpu.memory_space<vmem>>, vector<16xf32>, vector<16xi1>
            tpu.vector_store %arg10[%swap3A_419], %get3A_268 masked %ne3A_411 {strides = array<i32>} : memref<18208xf32, #tpu.memory_space<vmem>>, vector<16xf32>, vector<16xi1>
            %swap3A_421 = arith.index_cast %add3A_406 : i32 to index
            %swap3A_422 = tpu.vector_load %arg11[%swap3A_421] masked %ne3A_411 {strides = array<i32>} : memref<18208xi32, #tpu.memory_space<vmem>>, vector<16xi32>, vector<16xi1>
            tpu.vector_store %arg11[%swap3A_421], %add3A_183 masked %ne3A_411 {strides = array<i32>} : memref<18208xi32, #tpu.memory_space<vmem>>, vector<16xi32>, vector<16xi1>
            %add3A_423 = arith.addi %add3A_406, %squeeze3A_414 : i32
            scf.yield %add3A_423 : i32
          } else {
            scf.yield %scan3A_233 : i32
          }
          scf.yield %cond3A_285 : i32
        }
        %scan3A_215 = arith.constant 78 : i32
        %add3A_216 = arith.constant 9984 : i32
        %add3A_217 = arith.addi %mul3A_179, %add3A_216 : i32
        %get3A = arith.index_cast %add3A_217 : i32 to index
        %get3A_218 = tpu.vector_load %arg8[%get3A] {strides = array<i32>} : memref<20000xf32, #tpu.memory_space<vmem>>, vector<16xf32>,
        %ne3A_219 = arith.constant 0.000000e+00 : f32
        %ne3A_220 = vector.broadcast %ne3A_219 : f32 to vector<16xf32>
        %ne3A_221 = arith.cmpf one, %get3A_218, %ne3A_220 : vector<16xf32>
        %all_reduce_population_count3A = tpu.all_reduce %ne3A_221 {dim = 0 : i64, kind = #tpu.reduction_kind<sum>} : vector<16xi1> -> vector<16xi32>
        %slice3A = vector.extract_strided_slice %all_reduce_population_count3A {offsets = [0], sizes = [1], strides = [1]} : vector<16xi32> to vector<1xi32>
        %squeeze3A = vector.extract %slice3A[0] : i32 from vector<1xi32>
        %add3A_222 = arith.constant 9984 : i32
        %add3A_223 = vector.broadcast %add3A_222 : i32 to vector<16xi32>
        %add3A_224 = arith.addi %iota3A, %add3A_223 : vector<16xi32>
        %swap3A_225 = arith.index_cast %scan3A_214 : i32 to index
        %swap3A_226 = tpu.vector_load %arg9[%swap3A_225] masked %ne3A_221 {strides = array<i32>} : memref<18208xi32, #tpu.memory_space<vmem>>, vector<16xi32>, vector<16xi1>
        tpu.vector_store %arg9[%swap3A_225], %add3A_224 masked %ne3A_221 {strides = array<i32>} : memref<18208xi32, #tpu.memory_space<vmem>>, vector<16xi32>, vector<16xi1>
        %swap3A_227 = arith.index_cast %scan3A_214 : i32 to index
        %swap3A_228 = tpu.vector_load %arg10[%swap3A_227] masked %ne3A_221 {strides = array<i32>} : memref<18208xf32, #tpu.memory_space<vmem>>, vector<16xf32>, vector<16xi1>
        tpu.vector_store %arg10[%swap3A_227], %get3A_218 masked %ne3A_221 {strides = array<i32>} : memref<18208xf32, #tpu.memory_space<vmem>>, vector<16xf32>, vector<16xi1>
        %swap3A_229 = arith.index_cast %scan3A_214 : i32 to index
        %swap3A_230 = tpu.vector_load %arg11[%swap3A_229] masked %ne3A_221 {strides = array<i32>} : memref<18208xi32, #tpu.memory_space<vmem>>, vector<16xi32>, vector<16xi1>
        tpu.vector_store %arg11[%swap3A_229], %add3A_183 masked %ne3A_221 {strides = array<i32>} : memref<18208xi32, #tpu.memory_space<vmem>>, vector<16xi32>, vector<16xi1>
        %add3A_231 = arith.addi %scan3A_214, %squeeze3A : i32
        scf.yield %add3A_231 : i32
      } else {
        scf.yield %cond3A_145#0 : i32
      }
      %add3A_189 = arith.constant 1 : i32
      %add3A_190 = arith.addi %add3A_173, %add3A_189 : i32
      %add3A_191 = arith.constant 1 : i32
      %add3A_192 = arith.addi %add3A_191, %sub3A_104 : i32
      %mul3A_193 = arith.constant 10000 : i32
      %mul3A_194 = arith.muli %add3A_192, %mul3A_193 : i32
      %broadcast_in_dim3A_195 = arith.constant 0 : i32
      %broadcast_in_dim3A_196 = vector.broadcast %broadcast_in_dim3A_195 : i32 to vector<16xi32>
      %add3A_197 = vector.broadcast %add3A_190 : i32 to vector<16xi32>
      %add3A_198 = arith.addi %broadcast_in_dim3A_196, %add3A_197 : vector<16xi32>
      %lt3A_199 = arith.cmpi slt, %add3A_190, %select_n3A_46 : i32
      %convert_element_type3A_200 = arith.extui %lt3A_199 : i1 to i32
      %cond3A_201 = arith.constant 0 : i32
      %cond3A_202 = arith.cmpi ne, %convert_element_type3A_200, %cond3A_201 : i32
      %cond3A_203 = scf.if %cond3A_202 -> (i32) {
        %scan3A_210 = arith.constant 0 : i32
        %scan3A_211 = arith.constant 78 : i32
        %scan3A_212 = arith.addi %scan3A_210, %scan3A_211 : i32
        %scan3A_213 = arith.constant 1 : i32
        %scan3A_214 = scf.for %scan3A_232 = %scan3A_210 to %scan3A_212 step %scan3A_213 iter_args(%scan3A_233 = %cond3A_188) -> (i32)  : i32 {
          %mul3A_234 = arith.constant 128 : i32
          %mul3A_235 = arith.muli %scan3A_232, %mul3A_234 : i32
          %add3A_236 = arith.addi %mul3A_194, %mul3A_235 : i32
          %add3A_237 = arith.constant 0 : i32
          %add3A_238 = arith.addi %add3A_236, %add3A_237 : i32
          %get3A_239 = arith.index_cast %add3A_238 : i32 to index
          %get3A_240 = tpu.vector_load %arg8[%get3A_239] {strides = array<i32>} : memref<20000xf32, #tpu.memory_space<vmem>>, vector<16xf32>,
          %add3A_241 = arith.constant 16 : i32
          %add3A_242 = arith.addi %add3A_236, %add3A_241 : i32
          %get3A_243 = arith.index_cast %add3A_242 : i32 to index
          %get3A_244 = tpu.vector_load %arg8[%get3A_243] {strides = array<i32>} : memref<20000xf32, #tpu.memory_space<vmem>>, vector<16xf32>,
          %add3A_245 = arith.constant 32 : i32
          %add3A_246 = arith.addi %add3A_236, %add3A_245 : i32
          %get3A_247 = arith.index_cast %add3A_246 : i32 to index
          %get3A_248 = tpu.vector_load %arg8[%get3A_247] {strides = array<i32>} : memref<20000xf32, #tpu.memory_space<vmem>>, vector<16xf32>,
          %add3A_249 = arith.constant 48 : i32
          %add3A_250 = arith.addi %add3A_236, %add3A_249 : i32
          %get3A_251 = arith.index_cast %add3A_250 : i32 to index
          %get3A_252 = tpu.vector_load %arg8[%get3A_251] {strides = array<i32>} : memref<20000xf32, #tpu.memory_space<vmem>>, vector<16xf32>,
          %add3A_253 = arith.constant 64 : i32
          %add3A_254 = arith.addi %add3A_236, %add3A_253 : i32
          %get3A_255 = arith.index_cast %add3A_254 : i32 to index
          %get3A_256 = tpu.vector_load %arg8[%get3A_255] {strides = array<i32>} : memref<20000xf32, #tpu.memory_space<vmem>>, vector<16xf32>,
          %add3A_257 = arith.constant 80 : i32
          %add3A_258 = arith.addi %add3A_236, %add3A_257 : i32
          %get3A_259 = arith.index_cast %add3A_258 : i32 to index
          %get3A_260 = tpu.vector_load %arg8[%get3A_259] {strides = array<i32>} : memref<20000xf32, #tpu.memory_space<vmem>>, vector<16xf32>,
          %add3A_261 = arith.constant 96 : i32
          %add3A_262 = arith.addi %add3A_236, %add3A_261 : i32
          %get3A_263 = arith.index_cast %add3A_262 : i32 to index
          %get3A_264 = tpu.vector_load %arg8[%get3A_263] {strides = array<i32>} : memref<20000xf32, #tpu.memory_space<vmem>>, vector<16xf32>,
          %add3A_265 = arith.constant 112 : i32
          %add3A_266 = arith.addi %add3A_236, %add3A_265 : i32
          %get3A_267 = arith.index_cast %add3A_266 : i32 to index
          %get3A_268 = tpu.vector_load %arg8[%get3A_267] {strides = array<i32>} : memref<20000xf32, #tpu.memory_space<vmem>>, vector<16xf32>,
          %max3A = arith.maximumf %get3A_240, %get3A_244 : vector<16xf32>
          %max3A_269 = arith.maximumf %get3A_248, %get3A_252 : vector<16xf32>
          %max3A_270 = arith.maximumf %get3A_256, %get3A_260 : vector<16xf32>
          %max3A_271 = arith.maximumf %get3A_264, %get3A_268 : vector<16xf32>
          %max3A_272 = arith.maximumf %max3A, %max3A_269 : vector<16xf32>
          %max3A_273 = arith.maximumf %max3A_270, %max3A_271 : vector<16xf32>
          %max3A_274 = arith.maximumf %max3A_272, %max3A_273 : vector<16xf32>
          %ne3A_275 = arith.constant 0.000000e+00 : f32
          %ne3A_276 = vector.broadcast %ne3A_275 : f32 to vector<16xf32>
          %ne3A_277 = arith.cmpf one, %max3A_274, %ne3A_276 : vector<16xf32>
          %all_reduce_population_count3A_278 = tpu.all_reduce %ne3A_277 {dim = 0 : i64, kind = #tpu.reduction_kind<sum>} : vector<16xi1> -> vector<16xi32>
          %slice3A_279 = vector.extract_strided_slice %all_reduce_population_count3A_278 {offsets = [0], sizes = [1], strides = [1]} : vector<16xi32> to vector<1xi32>
          %squeeze3A_280 = vector.extract %slice3A_279[0] : i32 from vector<1xi32>
          %gt3A = arith.constant 0 : i32
          %gt3A_281 = arith.cmpi sgt, %squeeze3A_280, %gt3A : i32
          %convert_element_type3A_282 = arith.extui %gt3A_281 : i1 to i32
          %cond3A_283 = arith.constant 0 : i32
          %cond3A_284 = arith.cmpi ne, %convert_element_type3A_282, %cond3A_283 : i32
          %cond3A_285 = scf.if %cond3A_284 -> (i32) {
            %mul3A_286 = arith.constant 128 : i32
            %mul3A_287 = arith.muli %scan3A_232, %mul3A_286 : i32
            %add3A_288 = arith.constant 0 : i32
            %add3A_289 = arith.addi %mul3A_287, %add3A_288 : i32
            %ne3A_290 = arith.constant 0.000000e+00 : f32
            %ne3A_291 = vector.broadcast %ne3A_290 : f32 to vector<16xf32>
            %ne3A_292 = arith.cmpf one, %get3A_240, %ne3A_291 : vector<16xf32>
            %all_reduce_population_count3A_293 = tpu.all_reduce %ne3A_292 {dim = 0 : i64, kind = #tpu.reduction_kind<sum>} : vector<16xi1> -> vector<16xi32>
            %slice3A_294 = vector.extract_strided_slice %all_reduce_population_count3A_293 {offsets = [0], sizes = [1], strides = [1]} : vector<16xi32> to vector<1xi32>
            %squeeze3A_295 = vector.extract %slice3A_294[0] : i32 from vector<1xi32>
            %add3A_296 = vector.broadcast %add3A_289 : i32 to vector<16xi32>
            %add3A_297 = arith.addi %iota3A, %add3A_296 : vector<16xi32>
            %swap3A_298 = arith.index_cast %scan3A_233 : i32 to index
            %swap3A_299 = tpu.vector_load %arg9[%swap3A_298] masked %ne3A_292 {strides = array<i32>} : memref<18208xi32, #tpu.memory_space<vmem>>, vector<16xi32>, vector<16xi1>
            tpu.vector_store %arg9[%swap3A_298], %add3A_297 masked %ne3A_292 {strides = array<i32>} : memref<18208xi32, #tpu.memory_space<vmem>>, vector<16xi32>, vector<16xi1>
            %swap3A_300 = arith.index_cast %scan3A_233 : i32 to index
            %swap3A_301 = tpu.vector_load %arg10[%swap3A_300] masked %ne3A_292 {strides = array<i32>} : memref<18208xf32, #tpu.memory_space<vmem>>, vector<16xf32>, vector<16xi1>
            tpu.vector_store %arg10[%swap3A_300], %get3A_240 masked %ne3A_292 {strides = array<i32>} : memref<18208xf32, #tpu.memory_space<vmem>>, vector<16xf32>, vector<16xi1>
            %swap3A_302 = arith.index_cast %scan3A_233 : i32 to index
            %swap3A_303 = tpu.vector_load %arg11[%swap3A_302] masked %ne3A_292 {strides = array<i32>} : memref<18208xi32, #tpu.memory_space<vmem>>, vector<16xi32>, vector<16xi1>
            tpu.vector_store %arg11[%swap3A_302], %add3A_198 masked %ne3A_292 {strides = array<i32>} : memref<18208xi32, #tpu.memory_space<vmem>>, vector<16xi32>, vector<16xi1>
            %add3A_304 = arith.addi %scan3A_233, %squeeze3A_295 : i32
            %add3A_305 = arith.constant 16 : i32
            %add3A_306 = arith.addi %mul3A_287, %add3A_305 : i32
            %ne3A_307 = arith.constant 0.000000e+00 : f32
            %ne3A_308 = vector.broadcast %ne3A_307 : f32 to vector<16xf32>
            %ne3A_309 = arith.cmpf one, %get3A_244, %ne3A_308 : vector<16xf32>
            %all_reduce_population_count3A_310 = tpu.all_reduce %ne3A_309 {dim = 0 : i64, kind = #tpu.reduction_kind<sum>} : vector<16xi1> -> vector<16xi32>
            %slice3A_311 = vector.extract_strided_slice %all_reduce_population_count3A_310 {offsets = [0], sizes = [1], strides = [1]} : vector<16xi32> to vector<1xi32>
            %squeeze3A_312 = vector.extract %slice3A_311[0] : i32 from vector<1xi32>
            %add3A_313 = vector.broadcast %add3A_306 : i32 to vector<16xi32>
            %add3A_314 = arith.addi %iota3A, %add3A_313 : vector<16xi32>
            %swap3A_315 = arith.index_cast %add3A_304 : i32 to index
            %swap3A_316 = tpu.vector_load %arg9[%swap3A_315] masked %ne3A_309 {strides = array<i32>} : memref<18208xi32, #tpu.memory_space<vmem>>, vector<16xi32>, vector<16xi1>
            tpu.vector_store %arg9[%swap3A_315], %add3A_314 masked %ne3A_309 {strides = array<i32>} : memref<18208xi32, #tpu.memory_space<vmem>>, vector<16xi32>, vector<16xi1>
            %swap3A_317 = arith.index_cast %add3A_304 : i32 to index
            %swap3A_318 = tpu.vector_load %arg10[%swap3A_317] masked %ne3A_309 {strides = array<i32>} : memref<18208xf32, #tpu.memory_space<vmem>>, vector<16xf32>, vector<16xi1>
            tpu.vector_store %arg10[%swap3A_317], %get3A_244 masked %ne3A_309 {strides = array<i32>} : memref<18208xf32, #tpu.memory_space<vmem>>, vector<16xf32>, vector<16xi1>
            %swap3A_319 = arith.index_cast %add3A_304 : i32 to index
            %swap3A_320 = tpu.vector_load %arg11[%swap3A_319] masked %ne3A_309 {strides = array<i32>} : memref<18208xi32, #tpu.memory_space<vmem>>, vector<16xi32>, vector<16xi1>
            tpu.vector_store %arg11[%swap3A_319], %add3A_198 masked %ne3A_309 {strides = array<i32>} : memref<18208xi32, #tpu.memory_space<vmem>>, vector<16xi32>, vector<16xi1>
            %add3A_321 = arith.addi %add3A_304, %squeeze3A_312 : i32
            %add3A_322 = arith.constant 32 : i32
            %add3A_323 = arith.addi %mul3A_287, %add3A_322 : i32
            %ne3A_324 = arith.constant 0.000000e+00 : f32
            %ne3A_325 = vector.broadcast %ne3A_324 : f32 to vector<16xf32>
            %ne3A_326 = arith.cmpf one, %get3A_248, %ne3A_325 : vector<16xf32>
            %all_reduce_population_count3A_327 = tpu.all_reduce %ne3A_326 {dim = 0 : i64, kind = #tpu.reduction_kind<sum>} : vector<16xi1> -> vector<16xi32>
            %slice3A_328 = vector.extract_strided_slice %all_reduce_population_count3A_327 {offsets = [0], sizes = [1], strides = [1]} : vector<16xi32> to vector<1xi32>
            %squeeze3A_329 = vector.extract %slice3A_328[0] : i32 from vector<1xi32>
            %add3A_330 = vector.broadcast %add3A_323 : i32 to vector<16xi32>
            %add3A_331 = arith.addi %iota3A, %add3A_330 : vector<16xi32>
            %swap3A_332 = arith.index_cast %add3A_321 : i32 to index
            %swap3A_333 = tpu.vector_load %arg9[%swap3A_332] masked %ne3A_326 {strides = array<i32>} : memref<18208xi32, #tpu.memory_space<vmem>>, vector<16xi32>, vector<16xi1>
            tpu.vector_store %arg9[%swap3A_332], %add3A_331 masked %ne3A_326 {strides = array<i32>} : memref<18208xi32, #tpu.memory_space<vmem>>, vector<16xi32>, vector<16xi1>
            %swap3A_334 = arith.index_cast %add3A_321 : i32 to index
            %swap3A_335 = tpu.vector_load %arg10[%swap3A_334] masked %ne3A_326 {strides = array<i32>} : memref<18208xf32, #tpu.memory_space<vmem>>, vector<16xf32>, vector<16xi1>
            tpu.vector_store %arg10[%swap3A_334], %get3A_248 masked %ne3A_326 {strides = array<i32>} : memref<18208xf32, #tpu.memory_space<vmem>>, vector<16xf32>, vector<16xi1>
            %swap3A_336 = arith.index_cast %add3A_321 : i32 to index
            %swap3A_337 = tpu.vector_load %arg11[%swap3A_336] masked %ne3A_326 {strides = array<i32>} : memref<18208xi32, #tpu.memory_space<vmem>>, vector<16xi32>, vector<16xi1>
            tpu.vector_store %arg11[%swap3A_336], %add3A_198 masked %ne3A_326 {strides = array<i32>} : memref<18208xi32, #tpu.memory_space<vmem>>, vector<16xi32>, vector<16xi1>
            %add3A_338 = arith.addi %add3A_321, %squeeze3A_329 : i32
            %add3A_339 = arith.constant 48 : i32
            %add3A_340 = arith.addi %mul3A_287, %add3A_339 : i32
            %ne3A_341 = arith.constant 0.000000e+00 : f32
            %ne3A_342 = vector.broadcast %ne3A_341 : f32 to vector<16xf32>
            %ne3A_343 = arith.cmpf one, %get3A_252, %ne3A_342 : vector<16xf32>
            %all_reduce_population_count3A_344 = tpu.all_reduce %ne3A_343 {dim = 0 : i64, kind = #tpu.reduction_kind<sum>} : vector<16xi1> -> vector<16xi32>
            %slice3A_345 = vector.extract_strided_slice %all_reduce_population_count3A_344 {offsets = [0], sizes = [1], strides = [1]} : vector<16xi32> to vector<1xi32>
            %squeeze3A_346 = vector.extract %slice3A_345[0] : i32 from vector<1xi32>
            %add3A_347 = vector.broadcast %add3A_340 : i32 to vector<16xi32>
            %add3A_348 = arith.addi %iota3A, %add3A_347 : vector<16xi32>
            %swap3A_349 = arith.index_cast %add3A_338 : i32 to index
            %swap3A_350 = tpu.vector_load %arg9[%swap3A_349] masked %ne3A_343 {strides = array<i32>} : memref<18208xi32, #tpu.memory_space<vmem>>, vector<16xi32>, vector<16xi1>
            tpu.vector_store %arg9[%swap3A_349], %add3A_348 masked %ne3A_343 {strides = array<i32>} : memref<18208xi32, #tpu.memory_space<vmem>>, vector<16xi32>, vector<16xi1>
            %swap3A_351 = arith.index_cast %add3A_338 : i32 to index
            %swap3A_352 = tpu.vector_load %arg10[%swap3A_351] masked %ne3A_343 {strides = array<i32>} : memref<18208xf32, #tpu.memory_space<vmem>>, vector<16xf32>, vector<16xi1>
            tpu.vector_store %arg10[%swap3A_351], %get3A_252 masked %ne3A_343 {strides = array<i32>} : memref<18208xf32, #tpu.memory_space<vmem>>, vector<16xf32>, vector<16xi1>
            %swap3A_353 = arith.index_cast %add3A_338 : i32 to index
            %swap3A_354 = tpu.vector_load %arg11[%swap3A_353] masked %ne3A_343 {strides = array<i32>} : memref<18208xi32, #tpu.memory_space<vmem>>, vector<16xi32>, vector<16xi1>
            tpu.vector_store %arg11[%swap3A_353], %add3A_198 masked %ne3A_343 {strides = array<i32>} : memref<18208xi32, #tpu.memory_space<vmem>>, vector<16xi32>, vector<16xi1>
            %add3A_355 = arith.addi %add3A_338, %squeeze3A_346 : i32
            %add3A_356 = arith.constant 64 : i32
            %add3A_357 = arith.addi %mul3A_287, %add3A_356 : i32
            %ne3A_358 = arith.constant 0.000000e+00 : f32
            %ne3A_359 = vector.broadcast %ne3A_358 : f32 to vector<16xf32>
            %ne3A_360 = arith.cmpf one, %get3A_256, %ne3A_359 : vector<16xf32>
            %all_reduce_population_count3A_361 = tpu.all_reduce %ne3A_360 {dim = 0 : i64, kind = #tpu.reduction_kind<sum>} : vector<16xi1> -> vector<16xi32>
            %slice3A_362 = vector.extract_strided_slice %all_reduce_population_count3A_361 {offsets = [0], sizes = [1], strides = [1]} : vector<16xi32> to vector<1xi32>
            %squeeze3A_363 = vector.extract %slice3A_362[0] : i32 from vector<1xi32>
            %add3A_364 = vector.broadcast %add3A_357 : i32 to vector<16xi32>
            %add3A_365 = arith.addi %iota3A, %add3A_364 : vector<16xi32>
            %swap3A_366 = arith.index_cast %add3A_355 : i32 to index
            %swap3A_367 = tpu.vector_load %arg9[%swap3A_366] masked %ne3A_360 {strides = array<i32>} : memref<18208xi32, #tpu.memory_space<vmem>>, vector<16xi32>, vector<16xi1>
            tpu.vector_store %arg9[%swap3A_366], %add3A_365 masked %ne3A_360 {strides = array<i32>} : memref<18208xi32, #tpu.memory_space<vmem>>, vector<16xi32>, vector<16xi1>
            %swap3A_368 = arith.index_cast %add3A_355 : i32 to index
            %swap3A_369 = tpu.vector_load %arg10[%swap3A_368] masked %ne3A_360 {strides = array<i32>} : memref<18208xf32, #tpu.memory_space<vmem>>, vector<16xf32>, vector<16xi1>
            tpu.vector_store %arg10[%swap3A_368], %get3A_256 masked %ne3A_360 {strides = array<i32>} : memref<18208xf32, #tpu.memory_space<vmem>>, vector<16xf32>, vector<16xi1>
            %swap3A_370 = arith.index_cast %add3A_355 : i32 to index
            %swap3A_371 = tpu.vector_load %arg11[%swap3A_370] masked %ne3A_360 {strides = array<i32>} : memref<18208xi32, #tpu.memory_space<vmem>>, vector<16xi32>, vector<16xi1>
            tpu.vector_store %arg11[%swap3A_370], %add3A_198 masked %ne3A_360 {strides = array<i32>} : memref<18208xi32, #tpu.memory_space<vmem>>, vector<16xi32>, vector<16xi1>
            %add3A_372 = arith.addi %add3A_355, %squeeze3A_363 : i32
            %add3A_373 = arith.constant 80 : i32
            %add3A_374 = arith.addi %mul3A_287, %add3A_373 : i32
            %ne3A_375 = arith.constant 0.000000e+00 : f32
            %ne3A_376 = vector.broadcast %ne3A_375 : f32 to vector<16xf32>
            %ne3A_377 = arith.cmpf one, %get3A_260, %ne3A_376 : vector<16xf32>
            %all_reduce_population_count3A_378 = tpu.all_reduce %ne3A_377 {dim = 0 : i64, kind = #tpu.reduction_kind<sum>} : vector<16xi1> -> vector<16xi32>
            %slice3A_379 = vector.extract_strided_slice %all_reduce_population_count3A_378 {offsets = [0], sizes = [1], strides = [1]} : vector<16xi32> to vector<1xi32>
            %squeeze3A_380 = vector.extract %slice3A_379[0] : i32 from vector<1xi32>
            %add3A_381 = vector.broadcast %add3A_374 : i32 to vector<16xi32>
            %add3A_382 = arith.addi %iota3A, %add3A_381 : vector<16xi32>
            %swap3A_383 = arith.index_cast %add3A_372 : i32 to index
            %swap3A_384 = tpu.vector_load %arg9[%swap3A_383] masked %ne3A_377 {strides = array<i32>} : memref<18208xi32, #tpu.memory_space<vmem>>, vector<16xi32>, vector<16xi1>
            tpu.vector_store %arg9[%swap3A_383], %add3A_382 masked %ne3A_377 {strides = array<i32>} : memref<18208xi32, #tpu.memory_space<vmem>>, vector<16xi32>, vector<16xi1>
            %swap3A_385 = arith.index_cast %add3A_372 : i32 to index
            %swap3A_386 = tpu.vector_load %arg10[%swap3A_385] masked %ne3A_377 {strides = array<i32>} : memref<18208xf32, #tpu.memory_space<vmem>>, vector<16xf32>, vector<16xi1>
            tpu.vector_store %arg10[%swap3A_385], %get3A_260 masked %ne3A_377 {strides = array<i32>} : memref<18208xf32, #tpu.memory_space<vmem>>, vector<16xf32>, vector<16xi1>
            %swap3A_387 = arith.index_cast %add3A_372 : i32 to index
            %swap3A_388 = tpu.vector_load %arg11[%swap3A_387] masked %ne3A_377 {strides = array<i32>} : memref<18208xi32, #tpu.memory_space<vmem>>, vector<16xi32>, vector<16xi1>
            tpu.vector_store %arg11[%swap3A_387], %add3A_198 masked %ne3A_377 {strides = array<i32>} : memref<18208xi32, #tpu.memory_space<vmem>>, vector<16xi32>, vector<16xi1>
            %add3A_389 = arith.addi %add3A_372, %squeeze3A_380 : i32
            %add3A_390 = arith.constant 96 : i32
            %add3A_391 = arith.addi %mul3A_287, %add3A_390 : i32
            %ne3A_392 = arith.constant 0.000000e+00 : f32
            %ne3A_393 = vector.broadcast %ne3A_392 : f32 to vector<16xf32>
            %ne3A_394 = arith.cmpf one, %get3A_264, %ne3A_393 : vector<16xf32>
            %all_reduce_population_count3A_395 = tpu.all_reduce %ne3A_394 {dim = 0 : i64, kind = #tpu.reduction_kind<sum>} : vector<16xi1> -> vector<16xi32>
            %slice3A_396 = vector.extract_strided_slice %all_reduce_population_count3A_395 {offsets = [0], sizes = [1], strides = [1]} : vector<16xi32> to vector<1xi32>
            %squeeze3A_397 = vector.extract %slice3A_396[0] : i32 from vector<1xi32>
            %add3A_398 = vector.broadcast %add3A_391 : i32 to vector<16xi32>
            %add3A_399 = arith.addi %iota3A, %add3A_398 : vector<16xi32>
            %swap3A_400 = arith.index_cast %add3A_389 : i32 to index
            %swap3A_401 = tpu.vector_load %arg9[%swap3A_400] masked %ne3A_394 {strides = array<i32>} : memref<18208xi32, #tpu.memory_space<vmem>>, vector<16xi32>, vector<16xi1>
            tpu.vector_store %arg9[%swap3A_400], %add3A_399 masked %ne3A_394 {strides = array<i32>} : memref<18208xi32, #tpu.memory_space<vmem>>, vector<16xi32>, vector<16xi1>
            %swap3A_402 = arith.index_cast %add3A_389 : i32 to index
            %swap3A_403 = tpu.vector_load %arg10[%swap3A_402] masked %ne3A_394 {strides = array<i32>} : memref<18208xf32, #tpu.memory_space<vmem>>, vector<16xf32>, vector<16xi1>
            tpu.vector_store %arg10[%swap3A_402], %get3A_264 masked %ne3A_394 {strides = array<i32>} : memref<18208xf32, #tpu.memory_space<vmem>>, vector<16xf32>, vector<16xi1>
            %swap3A_404 = arith.index_cast %add3A_389 : i32 to index
            %swap3A_405 = tpu.vector_load %arg11[%swap3A_404] masked %ne3A_394 {strides = array<i32>} : memref<18208xi32, #tpu.memory_space<vmem>>, vector<16xi32>, vector<16xi1>
            tpu.vector_store %arg11[%swap3A_404], %add3A_198 masked %ne3A_394 {strides = array<i32>} : memref<18208xi32, #tpu.memory_space<vmem>>, vector<16xi32>, vector<16xi1>
            %add3A_406 = arith.addi %add3A_389, %squeeze3A_397 : i32
            %add3A_407 = arith.constant 112 : i32
            %add3A_408 = arith.addi %mul3A_287, %add3A_407 : i32
            %ne3A_409 = arith.constant 0.000000e+00 : f32
            %ne3A_410 = vector.broadcast %ne3A_409 : f32 to vector<16xf32>
            %ne3A_411 = arith.cmpf one, %get3A_268, %ne3A_410 : vector<16xf32>
            %all_reduce_population_count3A_412 = tpu.all_reduce %ne3A_411 {dim = 0 : i64, kind = #tpu.reduction_kind<sum>} : vector<16xi1> -> vector<16xi32>
            %slice3A_413 = vector.extract_strided_slice %all_reduce_population_count3A_412 {offsets = [0], sizes = [1], strides = [1]} : vector<16xi32> to vector<1xi32>
            %squeeze3A_414 = vector.extract %slice3A_413[0] : i32 from vector<1xi32>
            %add3A_415 = vector.broadcast %add3A_408 : i32 to vector<16xi32>
            %add3A_416 = arith.addi %iota3A, %add3A_415 : vector<16xi32>
            %swap3A_417 = arith.index_cast %add3A_406 : i32 to index
            %swap3A_418 = tpu.vector_load %arg9[%swap3A_417] masked %ne3A_411 {strides = array<i32>} : memref<18208xi32, #tpu.memory_space<vmem>>, vector<16xi32>, vector<16xi1>
            tpu.vector_store %arg9[%swap3A_417], %add3A_416 masked %ne3A_411 {strides = array<i32>} : memref<18208xi32, #tpu.memory_space<vmem>>, vector<16xi32>, vector<16xi1>
            %swap3A_419 = arith.index_cast %add3A_406 : i32 to index
            %swap3A_420 = tpu.vector_load %arg10[%swap3A_419] masked %ne3A_411 {strides = array<i32>} : memref<18208xf32, #tpu.memory_space<vmem>>, vector<16xf32>, vector<16xi1>
            tpu.vector_store %arg10[%swap3A_419], %get3A_268 masked %ne3A_411 {strides = array<i32>} : memref<18208xf32, #tpu.memory_space<vmem>>, vector<16xf32>, vector<16xi1>
            %swap3A_421 = arith.index_cast %add3A_406 : i32 to index
            %swap3A_422 = tpu.vector_load %arg11[%swap3A_421] masked %ne3A_411 {strides = array<i32>} : memref<18208xi32, #tpu.memory_space<vmem>>, vector<16xi32>, vector<16xi1>
            tpu.vector_store %arg11[%swap3A_421], %add3A_198 masked %ne3A_411 {strides = array<i32>} : memref<18208xi32, #tpu.memory_space<vmem>>, vector<16xi32>, vector<16xi1>
            %add3A_423 = arith.addi %add3A_406, %squeeze3A_414 : i32
            scf.yield %add3A_423 : i32
          } else {
            scf.yield %scan3A_233 : i32
          }
          scf.yield %cond3A_285 : i32
        }
        %scan3A_215 = arith.constant 78 : i32
        %add3A_216 = arith.constant 9984 : i32
        %add3A_217 = arith.addi %mul3A_194, %add3A_216 : i32
        %get3A = arith.index_cast %add3A_217 : i32 to index
        %get3A_218 = tpu.vector_load %arg8[%get3A] {strides = array<i32>} : memref<20000xf32, #tpu.memory_space<vmem>>, vector<16xf32>,
        %ne3A_219 = arith.constant 0.000000e+00 : f32
        %ne3A_220 = vector.broadcast %ne3A_219 : f32 to vector<16xf32>
        %ne3A_221 = arith.cmpf one, %get3A_218, %ne3A_220 : vector<16xf32>
        %all_reduce_population_count3A = tpu.all_reduce %ne3A_221 {dim = 0 : i64, kind = #tpu.reduction_kind<sum>} : vector<16xi1> -> vector<16xi32>
        %slice3A = vector.extract_strided_slice %all_reduce_population_count3A {offsets = [0], sizes = [1], strides = [1]} : vector<16xi32> to vector<1xi32>
        %squeeze3A = vector.extract %slice3A[0] : i32 from vector<1xi32>
        %add3A_222 = arith.constant 9984 : i32
        %add3A_223 = vector.broadcast %add3A_222 : i32 to vector<16xi32>
        %add3A_224 = arith.addi %iota3A, %add3A_223 : vector<16xi32>
        %swap3A_225 = arith.index_cast %scan3A_214 : i32 to index
        %swap3A_226 = tpu.vector_load %arg9[%swap3A_225] masked %ne3A_221 {strides = array<i32>} : memref<18208xi32, #tpu.memory_space<vmem>>, vector<16xi32>, vector<16xi1>
        tpu.vector_store %arg9[%swap3A_225], %add3A_224 masked %ne3A_221 {strides = array<i32>} : memref<18208xi32, #tpu.memory_space<vmem>>, vector<16xi32>, vector<16xi1>
        %swap3A_227 = arith.index_cast %scan3A_214 : i32 to index
        %swap3A_228 = tpu.vector_load %arg10[%swap3A_227] masked %ne3A_221 {strides = array<i32>} : memref<18208xf32, #tpu.memory_space<vmem>>, vector<16xf32>, vector<16xi1>
        tpu.vector_store %arg10[%swap3A_227], %get3A_218 masked %ne3A_221 {strides = array<i32>} : memref<18208xf32, #tpu.memory_space<vmem>>, vector<16xf32>, vector<16xi1>
        %swap3A_229 = arith.index_cast %scan3A_214 : i32 to index
        %swap3A_230 = tpu.vector_load %arg11[%swap3A_229] masked %ne3A_221 {strides = array<i32>} : memref<18208xi32, #tpu.memory_space<vmem>>, vector<16xi32>, vector<16xi1>
        tpu.vector_store %arg11[%swap3A_229], %add3A_198 masked %ne3A_221 {strides = array<i32>} : memref<18208xi32, #tpu.memory_space<vmem>>, vector<16xi32>, vector<16xi1>
        %add3A_231 = arith.addi %scan3A_214, %squeeze3A : i32
        scf.yield %add3A_231 : i32
      } else {
        scf.yield %cond3A_188 : i32
      }
      %ge3A_204 = arith.constant 8192 : i32
      %ge3A_205 = arith.cmpi sge, %cond3A_203, %ge3A_204 : i32
      %convert_element_type3A_206 = arith.extui %ge3A_205 : i1 to i32
      %cond3A_207 = arith.constant 0 : i32
      %cond3A_208 = arith.cmpi ne, %convert_element_type3A_206, %cond3A_207 : i32
      %cond3A_209:2 = scf.if %cond3A_208 -> (i32, i32) {
        %mul3A_210 = arith.constant 178216 : i32
        %mul3A_211 = arith.muli %add3A, %mul3A_210 : i32
        %add3A_212 = arith.addi %mul3A_211, %cond3A_145#1 : i32
        %multiple_of3A_213 = tpu.assume_multiple %add3A_212, 8 : i32
        "tpu.region"() ({
          %run_scoped3A = tpu.sem_alloc : memref<!tpu.dma_semaphore, #tpu.memory_space<semaphore_mem>>
          %dma_start3A_265 = arith.constant 0 : i32
          %dma_start3A_266 = tpu.memref_slice %arg9[%dma_start3A_265] : memref<18208xi32, #tpu.memory_space<vmem>> -> memref<8192xi32, #tpu.memory_space<vmem>>
          %dma_start3A_267 = tpu.memref_slice %arg3[%multiple_of3A_213] : memref<5702912xi32, #tpu.memory_space<hbm>> -> memref<8192xi32, #tpu.memory_space<hbm>>
          %dma_start3A_268 = tpu.memref_slice %arg3[%multiple_of3A_213] : memref<5702912xi32, #tpu.memory_space<hbm>> -> memref<8192xi32, #tpu.memory_space<hbm>>
          %dma_start3A_269 = arith.constant 0 : i32
          %dma_start3A_270 = tpu.memref_slice %arg9[%dma_start3A_269] : memref<18208xi32, #tpu.memory_space<vmem>> -> memref<8192xi32, #tpu.memory_space<vmem>>
          tpu.enqueue_dma source(%dma_start3A_270 : memref<8192xi32, #tpu.memory_space<vmem>>) target(%dma_start3A_268 : memref<8192xi32, #tpu.memory_space<hbm>>) target_semaphore(%run_scoped3A : memref<!tpu.dma_semaphore, #tpu.memory_space<semaphore_mem>>)
          %dma_wait3A_271 = arith.constant 0 : i32
          %dma_wait3A_272 = tpu.memref_slice %arg9[%dma_wait3A_271] : memref<18208xi32, #tpu.memory_space<vmem>> -> memref<8192xi32, #tpu.memory_space<vmem>>
          %dma_wait3A_273 = tpu.memref_slice %arg3[%multiple_of3A_213] : memref<5702912xi32, #tpu.memory_space<hbm>> -> memref<8192xi32, #tpu.memory_space<hbm>>
          %dma_wait3A_274 = tpu.memref_slice %arg3[%multiple_of3A_213] : memref<5702912xi32, #tpu.memory_space<hbm>> -> memref<8192xi32, #tpu.memory_space<hbm>>
          %dma_wait3A_275 = arith.constant 0 : i32
          %dma_wait3A_276 = tpu.memref_slice %arg9[%dma_wait3A_275] : memref<18208xi32, #tpu.memory_space<vmem>> -> memref<8192xi32, #tpu.memory_space<vmem>>
          tpu.wait_dma2 semaphore(%run_scoped3A : memref<!tpu.dma_semaphore, #tpu.memory_space<semaphore_mem>>) src(%dma_wait3A_276 : memref<8192xi32, #tpu.memory_space<vmem>>) dst(%dma_wait3A_274 : memref<8192xi32, #tpu.memory_space<hbm>>)
          tpu.yield
        }) : () -> ()
        %mul3A_214 = arith.constant 178216 : i32
        %mul3A_215 = arith.muli %add3A, %mul3A_214 : i32
        %add3A_216 = arith.addi %mul3A_215, %cond3A_145#1 : i32
        %multiple_of3A_217 = tpu.assume_multiple %add3A_216, 8 : i32
        "tpu.region"() ({
          %run_scoped3A = tpu.sem_alloc : memref<!tpu.dma_semaphore, #tpu.memory_space<semaphore_mem>>
          %dma_start3A_265 = arith.constant 0 : i32
          %dma_start3A_266 = tpu.memref_slice %arg10[%dma_start3A_265] : memref<18208xf32, #tpu.memory_space<vmem>> -> memref<8192xf32, #tpu.memory_space<vmem>>
          %dma_start3A_267 = tpu.memref_slice %arg4[%multiple_of3A_217] : memref<5702912xf32, #tpu.memory_space<hbm>> -> memref<8192xf32, #tpu.memory_space<hbm>>
          %dma_start3A_268 = tpu.memref_slice %arg4[%multiple_of3A_217] : memref<5702912xf32, #tpu.memory_space<hbm>> -> memref<8192xf32, #tpu.memory_space<hbm>>
          %dma_start3A_269 = arith.constant 0 : i32
          %dma_start3A_270 = tpu.memref_slice %arg10[%dma_start3A_269] : memref<18208xf32, #tpu.memory_space<vmem>> -> memref<8192xf32, #tpu.memory_space<vmem>>
          tpu.enqueue_dma source(%dma_start3A_270 : memref<8192xf32, #tpu.memory_space<vmem>>) target(%dma_start3A_268 : memref<8192xf32, #tpu.memory_space<hbm>>) target_semaphore(%run_scoped3A : memref<!tpu.dma_semaphore, #tpu.memory_space<semaphore_mem>>)
          %dma_wait3A_271 = arith.constant 0 : i32
          %dma_wait3A_272 = tpu.memref_slice %arg10[%dma_wait3A_271] : memref<18208xf32, #tpu.memory_space<vmem>> -> memref<8192xf32, #tpu.memory_space<vmem>>
          %dma_wait3A_273 = tpu.memref_slice %arg4[%multiple_of3A_217] : memref<5702912xf32, #tpu.memory_space<hbm>> -> memref<8192xf32, #tpu.memory_space<hbm>>
          %dma_wait3A_274 = tpu.memref_slice %arg4[%multiple_of3A_217] : memref<5702912xf32, #tpu.memory_space<hbm>> -> memref<8192xf32, #tpu.memory_space<hbm>>
          %dma_wait3A_275 = arith.constant 0 : i32
          %dma_wait3A_276 = tpu.memref_slice %arg10[%dma_wait3A_275] : memref<18208xf32, #tpu.memory_space<vmem>> -> memref<8192xf32, #tpu.memory_space<vmem>>
          tpu.wait_dma2 semaphore(%run_scoped3A : memref<!tpu.dma_semaphore, #tpu.memory_space<semaphore_mem>>) src(%dma_wait3A_276 : memref<8192xf32, #tpu.memory_space<vmem>>) dst(%dma_wait3A_274 : memref<8192xf32, #tpu.memory_space<hbm>>)
          tpu.yield
        }) : () -> ()
        %mul3A_218 = arith.constant 178216 : i32
        %mul3A_219 = arith.muli %add3A, %mul3A_218 : i32
        %add3A_220 = arith.addi %mul3A_219, %cond3A_145#1 : i32
        %multiple_of3A_221 = tpu.assume_multiple %add3A_220, 8 : i32
        "tpu.region"() ({
          %run_scoped3A = tpu.sem_alloc : memref<!tpu.dma_semaphore, #tpu.memory_space<semaphore_mem>>
          %dma_start3A_265 = arith.constant 0 : i32
          %dma_start3A_266 = tpu.memref_slice %arg11[%dma_start3A_265] : memref<18208xi32, #tpu.memory_space<vmem>> -> memref<8192xi32, #tpu.memory_space<vmem>>
          %dma_start3A_267 = tpu.memref_slice %arg5[%multiple_of3A_221] : memref<5702912xi32, #tpu.memory_space<hbm>> -> memref<8192xi32, #tpu.memory_space<hbm>>
          %dma_start3A_268 = tpu.memref_slice %arg5[%multiple_of3A_221] : memref<5702912xi32, #tpu.memory_space<hbm>> -> memref<8192xi32, #tpu.memory_space<hbm>>
          %dma_start3A_269 = arith.constant 0 : i32
          %dma_start3A_270 = tpu.memref_slice %arg11[%dma_start3A_269] : memref<18208xi32, #tpu.memory_space<vmem>> -> memref<8192xi32, #tpu.memory_space<vmem>>
          tpu.enqueue_dma source(%dma_start3A_270 : memref<8192xi32, #tpu.memory_space<vmem>>) target(%dma_start3A_268 : memref<8192xi32, #tpu.memory_space<hbm>>) target_semaphore(%run_scoped3A : memref<!tpu.dma_semaphore, #tpu.memory_space<semaphore_mem>>)
          %dma_wait3A_271 = arith.constant 0 : i32
          %dma_wait3A_272 = tpu.memref_slice %arg11[%dma_wait3A_271] : memref<18208xi32, #tpu.memory_space<vmem>> -> memref<8192xi32, #tpu.memory_space<vmem>>
          %dma_wait3A_273 = tpu.memref_slice %arg5[%multiple_of3A_221] : memref<5702912xi32, #tpu.memory_space<hbm>> -> memref<8192xi32, #tpu.memory_space<hbm>>
          %dma_wait3A_274 = tpu.memref_slice %arg5[%multiple_of3A_221] : memref<5702912xi32, #tpu.memory_space<hbm>> -> memref<8192xi32, #tpu.memory_space<hbm>>
          %dma_wait3A_275 = arith.constant 0 : i32
          %dma_wait3A_276 = tpu.memref_slice %arg11[%dma_wait3A_275] : memref<18208xi32, #tpu.memory_space<vmem>> -> memref<8192xi32, #tpu.memory_space<vmem>>
          tpu.wait_dma2 semaphore(%run_scoped3A : memref<!tpu.dma_semaphore, #tpu.memory_space<semaphore_mem>>) src(%dma_wait3A_276 : memref<8192xi32, #tpu.memory_space<vmem>>) dst(%dma_wait3A_274 : memref<8192xi32, #tpu.memory_space<hbm>>)
          tpu.yield
        }) : () -> ()
        %sub3A_222 = arith.constant 8192 : i32
        %sub3A_223 = arith.subi %cond3A_203, %sub3A_222 : i32
        %add3A_224 = arith.constant 15 : i32
        %add3A_225 = arith.addi %sub3A_223, %add3A_224 : i32
        %jit3A_226 = arith.constant 16 : i32
        %div3A_227 = arith.divsi %add3A_225, %jit3A_226 : i32
        %sign3A_228 = arith.constant 0 : i32
        %sign3A_229 = arith.cmpi sgt, %add3A_225, %sign3A_228 : i32
        %sign3A_230 = arith.extui %sign3A_229 : i1 to i32
        %sign3A_231 = arith.constant 0 : i32
        %sign3A_232 = arith.cmpi slt, %add3A_225, %sign3A_231 : i32
        %sign3A_233 = arith.extui %sign3A_232 : i1 to i32
        %sign3A_234 = arith.subi %sign3A_230, %sign3A_233 : i32
        %sign3A_235 = arith.constant 0 : i32
        %sign3A_236 = arith.cmpi sgt, %jit3A_226, %sign3A_235 : i32
        %sign3A_237 = arith.extui %sign3A_236 : i1 to i32
        %sign3A_238 = arith.constant 0 : i32
        %sign3A_239 = arith.cmpi slt, %jit3A_226, %sign3A_238 : i32
        %sign3A_240 = arith.extui %sign3A_239 : i1 to i32
        %sign3A_241 = arith.subi %sign3A_237, %sign3A_240 : i32
        %ne3A_242 = arith.cmpi ne, %sign3A_234, %sign3A_241 : i32
        %rem3A_243 = arith.remsi %add3A_225, %jit3A_226 : i32
        %ne3A_244 = arith.constant 0 : i32
        %ne3A_245 = arith.cmpi ne, %rem3A_243, %ne3A_244 : i32
        %and3A_246 = arith.andi %ne3A_242, %ne3A_245 : i1
        %sub3A_247 = arith.constant 1 : i32
        %sub3A_248 = arith.subi %div3A_227, %sub3A_247 : i32
        %select_n3A_249 = arith.select %and3A_246, %sub3A_248, %div3A_227 : i32
        %while3A = arith.constant 0 : i32
        %while3A_250 = arith.constant 0 : i32
        %while3A_251 = arith.subi %select_n3A_249, %while3A : i32
        %while3A_252 = arith.addi %while3A, %while3A_251 : i32
        %while3A_253 = arith.constant 1 : i32
        %while3A_254 = arith.divsi %while3A_251, %while3A_253 : i32
        %while3A_255 = arith.muli %while3A_254, %while3A_253 : i32
        %while3A_256 = arith.addi %while3A, %while3A_255 : i32
        %while3A_257 = arith.constant 1 : i32
        %while3A_258 = scf.for %while3A_265 = %while3A to %while3A_256 step %while3A_257 iter_args(%while3A_266 = %while3A_250) -> (i32)  : i32 {
          %mul3A_267 = arith.constant 16 : i32
          %mul3A_268 = arith.muli %while3A_265, %mul3A_267 : i32
          %add3A_269 = arith.constant 8192 : i32
          %add3A_270 = arith.addi %add3A_269, %mul3A_268 : i32
          %get3A = arith.index_cast %add3A_270 : i32 to index
          %get3A_271 = tpu.vector_load %arg9[%get3A] {strides = array<i32>} : memref<18208xi32, #tpu.memory_space<vmem>>, vector<16xi32>,
          %mul3A_272 = arith.constant 16 : i32
          %mul3A_273 = arith.muli %while3A_265, %mul3A_272 : i32
          %swap3A_274 = arith.index_cast %mul3A_273 : i32 to index
          %swap3A_275 = tpu.vector_load %arg9[%swap3A_274] {strides = array<i32>} : memref<18208xi32, #tpu.memory_space<vmem>>, vector<16xi32>,
          tpu.vector_store %arg9[%swap3A_274], %get3A_271 {strides = array<i32>} : memref<18208xi32, #tpu.memory_space<vmem>>, vector<16xi32>,
          %mul3A_276 = arith.constant 16 : i32
          %mul3A_277 = arith.muli %while3A_265, %mul3A_276 : i32
          %add3A_278 = arith.constant 8192 : i32
          %add3A_279 = arith.addi %add3A_278, %mul3A_277 : i32
          %get3A_280 = arith.index_cast %add3A_279 : i32 to index
          %get3A_281 = tpu.vector_load %arg10[%get3A_280] {strides = array<i32>} : memref<18208xf32, #tpu.memory_space<vmem>>, vector<16xf32>,
          %mul3A_282 = arith.constant 16 : i32
          %mul3A_283 = arith.muli %while3A_265, %mul3A_282 : i32
          %swap3A_284 = arith.index_cast %mul3A_283 : i32 to index
          %swap3A_285 = tpu.vector_load %arg10[%swap3A_284] {strides = array<i32>} : memref<18208xf32, #tpu.memory_space<vmem>>, vector<16xf32>,
          tpu.vector_store %arg10[%swap3A_284], %get3A_281 {strides = array<i32>} : memref<18208xf32, #tpu.memory_space<vmem>>, vector<16xf32>,
          %mul3A_286 = arith.constant 16 : i32
          %mul3A_287 = arith.muli %while3A_265, %mul3A_286 : i32
          %add3A_288 = arith.constant 8192 : i32
          %add3A_289 = arith.addi %add3A_288, %mul3A_287 : i32
          %get3A_290 = arith.index_cast %add3A_289 : i32 to index
          %get3A_291 = tpu.vector_load %arg11[%get3A_290] {strides = array<i32>} : memref<18208xi32, #tpu.memory_space<vmem>>, vector<16xi32>,
          %mul3A_292 = arith.constant 16 : i32
          %mul3A_293 = arith.muli %while3A_265, %mul3A_292 : i32
          %swap3A_294 = arith.index_cast %mul3A_293 : i32 to index
          %swap3A_295 = tpu.vector_load %arg11[%swap3A_294] {strides = array<i32>} : memref<18208xi32, #tpu.memory_space<vmem>>, vector<16xi32>,
          tpu.vector_store %arg11[%swap3A_294], %get3A_291 {strides = array<i32>} : memref<18208xi32, #tpu.memory_space<vmem>>, vector<16xi32>,
          %while3A_296 = arith.constant 0 : i32
          scf.yield %while3A_296 : i32
        }
        %while3A_259 = arith.constant 1 : i32
        %while3A_260 = scf.for %while3A_265 = %while3A_256 to %while3A_252 step %while3A_259 iter_args(%while3A_266 = %while3A_258) -> (i32)  : i32 {
          %mul3A_267 = arith.constant 16 : i32
          %mul3A_268 = arith.muli %while3A_265, %mul3A_267 : i32
          %add3A_269 = arith.constant 8192 : i32
          %add3A_270 = arith.addi %add3A_269, %mul3A_268 : i32
          %get3A = arith.index_cast %add3A_270 : i32 to index
          %get3A_271 = tpu.vector_load %arg9[%get3A] {strides = array<i32>} : memref<18208xi32, #tpu.memory_space<vmem>>, vector<16xi32>,
          %mul3A_272 = arith.constant 16 : i32
          %mul3A_273 = arith.muli %while3A_265, %mul3A_272 : i32
          %swap3A_274 = arith.index_cast %mul3A_273 : i32 to index
          %swap3A_275 = tpu.vector_load %arg9[%swap3A_274] {strides = array<i32>} : memref<18208xi32, #tpu.memory_space<vmem>>, vector<16xi32>,
          tpu.vector_store %arg9[%swap3A_274], %get3A_271 {strides = array<i32>} : memref<18208xi32, #tpu.memory_space<vmem>>, vector<16xi32>,
          %mul3A_276 = arith.constant 16 : i32
          %mul3A_277 = arith.muli %while3A_265, %mul3A_276 : i32
          %add3A_278 = arith.constant 8192 : i32
          %add3A_279 = arith.addi %add3A_278, %mul3A_277 : i32
          %get3A_280 = arith.index_cast %add3A_279 : i32 to index
          %get3A_281 = tpu.vector_load %arg10[%get3A_280] {strides = array<i32>} : memref<18208xf32, #tpu.memory_space<vmem>>, vector<16xf32>,
          %mul3A_282 = arith.constant 16 : i32
          %mul3A_283 = arith.muli %while3A_265, %mul3A_282 : i32
          %swap3A_284 = arith.index_cast %mul3A_283 : i32 to index
          %swap3A_285 = tpu.vector_load %arg10[%swap3A_284] {strides = array<i32>} : memref<18208xf32, #tpu.memory_space<vmem>>, vector<16xf32>,
          tpu.vector_store %arg10[%swap3A_284], %get3A_281 {strides = array<i32>} : memref<18208xf32, #tpu.memory_space<vmem>>, vector<16xf32>,
          %mul3A_286 = arith.constant 16 : i32
          %mul3A_287 = arith.muli %while3A_265, %mul3A_286 : i32
          %add3A_288 = arith.constant 8192 : i32
          %add3A_289 = arith.addi %add3A_288, %mul3A_287 : i32
          %get3A_290 = arith.index_cast %add3A_289 : i32 to index
          %get3A_291 = tpu.vector_load %arg11[%get3A_290] {strides = array<i32>} : memref<18208xi32, #tpu.memory_space<vmem>>, vector<16xi32>,
          %mul3A_292 = arith.constant 16 : i32
          %mul3A_293 = arith.muli %while3A_265, %mul3A_292 : i32
          %swap3A_294 = arith.index_cast %mul3A_293 : i32 to index
          %swap3A_295 = tpu.vector_load %arg11[%swap3A_294] {strides = array<i32>} : memref<18208xi32, #tpu.memory_space<vmem>>, vector<16xi32>,
          tpu.vector_store %arg11[%swap3A_294], %get3A_291 {strides = array<i32>} : memref<18208xi32, #tpu.memory_space<vmem>>, vector<16xi32>,
          %while3A_296 = arith.constant 0 : i32
          scf.yield %while3A_296 : i32
        }
        %sub3A_261 = arith.constant 8192 : i32
        %sub3A_262 = arith.subi %cond3A_203, %sub3A_261 : i32
        %add3A_263 = arith.constant 8192 : i32
        %add3A_264 = arith.addi %cond3A_145#1, %add3A_263 : i32
        scf.yield %sub3A_262, %add3A_264 : i32, i32
      } else {
        scf.yield %cond3A_203, %cond3A_145#1 : i32, i32
      }
      scf.yield %cond3A_209#0, %cond3A_209#1, %sub3A_162 : i32, i32, i32
    }
    %scan3A_60 = arith.constant 79 : i32
    %dma_wait3A = arith.constant 0 : i32
    %dma_wait3A_61 = tpu.memref_slice %arg2[%dma_wait3A] : memref<100000000xf32, #tpu.memory_space<hbm>> -> memref<20000xf32, #tpu.memory_space<hbm>>
    %dma_wait3A_62 = arith.constant 0 : i32
    %dma_wait3A_63 = tpu.memref_slice %arg2[%dma_wait3A_62] : memref<100000000xf32, #tpu.memory_space<hbm>> -> memref<20000xf32, #tpu.memory_space<hbm>>
    tpu.wait_dma2 semaphore(%arg13 : memref<!tpu.dma_semaphore, #tpu.memory_space<semaphore_mem>>) src(%dma_wait3A_63 : memref<20000xf32, #tpu.memory_space<hbm>>) dst(%arg7 : memref<20000xf32, #tpu.memory_space<vmem>>)
    %mul3A_64 = arith.constant 178216 : i32
    %mul3A_65 = arith.muli %add3A, %mul3A_64 : i32
    %add3A_66 = arith.addi %mul3A_65, %scan3A_59#1 : i32
    %multiple_of3A_67 = tpu.assume_multiple %add3A_66, 8 : i32
    "tpu.region"() ({
      %run_scoped3A = tpu.sem_alloc : memref<!tpu.dma_semaphore, #tpu.memory_space<semaphore_mem>>
      %dma_start3A_86 = tpu.memref_slice %arg3[%multiple_of3A_67] : memref<5702912xi32, #tpu.memory_space<hbm>> -> memref<18208xi32, #tpu.memory_space<hbm>>
      %dma_start3A_87 = tpu.memref_slice %arg3[%multiple_of3A_67] : memref<5702912xi32, #tpu.memory_space<hbm>> -> memref<18208xi32, #tpu.memory_space<hbm>>
      tpu.enqueue_dma source(%arg9 : memref<18208xi32, #tpu.memory_space<vmem>>) target(%dma_start3A_87 : memref<18208xi32, #tpu.memory_space<hbm>>) target_semaphore(%run_scoped3A : memref<!tpu.dma_semaphore, #tpu.memory_space<semaphore_mem>>)
      %dma_wait3A_88 = tpu.memref_slice %arg3[%multiple_of3A_67] : memref<5702912xi32, #tpu.memory_space<hbm>> -> memref<18208xi32, #tpu.memory_space<hbm>>
      %dma_wait3A_89 = tpu.memref_slice %arg3[%multiple_of3A_67] : memref<5702912xi32, #tpu.memory_space<hbm>> -> memref<18208xi32, #tpu.memory_space<hbm>>
      tpu.wait_dma2 semaphore(%run_scoped3A : memref<!tpu.dma_semaphore, #tpu.memory_space<semaphore_mem>>) src(%arg9 : memref<18208xi32, #tpu.memory_space<vmem>>) dst(%dma_wait3A_89 : memref<18208xi32, #tpu.memory_space<hbm>>)
      tpu.yield
    }) : () -> ()
    %mul3A_68 = arith.constant 178216 : i32
    %mul3A_69 = arith.muli %add3A, %mul3A_68 : i32
    %add3A_70 = arith.addi %mul3A_69, %scan3A_59#1 : i32
    %multiple_of3A_71 = tpu.assume_multiple %add3A_70, 8 : i32
    "tpu.region"() ({
      %run_scoped3A = tpu.sem_alloc : memref<!tpu.dma_semaphore, #tpu.memory_space<semaphore_mem>>
      %dma_start3A_86 = tpu.memref_slice %arg4[%multiple_of3A_71] : memref<5702912xf32, #tpu.memory_space<hbm>> -> memref<18208xf32, #tpu.memory_space<hbm>>
      %dma_start3A_87 = tpu.memref_slice %arg4[%multiple_of3A_71] : memref<5702912xf32, #tpu.memory_space<hbm>> -> memref<18208xf32, #tpu.memory_space<hbm>>
      tpu.enqueue_dma source(%arg10 : memref<18208xf32, #tpu.memory_space<vmem>>) target(%dma_start3A_87 : memref<18208xf32, #tpu.memory_space<hbm>>) target_semaphore(%run_scoped3A : memref<!tpu.dma_semaphore, #tpu.memory_space<semaphore_mem>>)
      %dma_wait3A_88 = tpu.memref_slice %arg4[%multiple_of3A_71] : memref<5702912xf32, #tpu.memory_space<hbm>> -> memref<18208xf32, #tpu.memory_space<hbm>>
      %dma_wait3A_89 = tpu.memref_slice %arg4[%multiple_of3A_71] : memref<5702912xf32, #tpu.memory_space<hbm>> -> memref<18208xf32, #tpu.memory_space<hbm>>
      tpu.wait_dma2 semaphore(%run_scoped3A : memref<!tpu.dma_semaphore, #tpu.memory_space<semaphore_mem>>) src(%arg10 : memref<18208xf32, #tpu.memory_space<vmem>>) dst(%dma_wait3A_89 : memref<18208xf32, #tpu.memory_space<hbm>>)
      tpu.yield
    }) : () -> ()
    %mul3A_72 = arith.constant 178216 : i32
    %mul3A_73 = arith.muli %add3A, %mul3A_72 : i32
    %add3A_74 = arith.addi %mul3A_73, %scan3A_59#1 : i32
    %multiple_of3A_75 = tpu.assume_multiple %add3A_74, 8 : i32
    "tpu.region"() ({
      %run_scoped3A = tpu.sem_alloc : memref<!tpu.dma_semaphore, #tpu.memory_space<semaphore_mem>>
      %dma_start3A_86 = tpu.memref_slice %arg5[%multiple_of3A_75] : memref<5702912xi32, #tpu.memory_space<hbm>> -> memref<18208xi32, #tpu.memory_space<hbm>>
      %dma_start3A_87 = tpu.memref_slice %arg5[%multiple_of3A_75] : memref<5702912xi32, #tpu.memory_space<hbm>> -> memref<18208xi32, #tpu.memory_space<hbm>>
      tpu.enqueue_dma source(%arg11 : memref<18208xi32, #tpu.memory_space<vmem>>) target(%dma_start3A_87 : memref<18208xi32, #tpu.memory_space<hbm>>) target_semaphore(%run_scoped3A : memref<!tpu.dma_semaphore, #tpu.memory_space<semaphore_mem>>)
      %dma_wait3A_88 = tpu.memref_slice %arg5[%multiple_of3A_75] : memref<5702912xi32, #tpu.memory_space<hbm>> -> memref<18208xi32, #tpu.memory_space<hbm>>
      %dma_wait3A_89 = tpu.memref_slice %arg5[%multiple_of3A_75] : memref<5702912xi32, #tpu.memory_space<hbm>> -> memref<18208xi32, #tpu.memory_space<hbm>>
      tpu.wait_dma2 semaphore(%run_scoped3A : memref<!tpu.dma_semaphore, #tpu.memory_space<semaphore_mem>>) src(%arg11 : memref<18208xi32, #tpu.memory_space<vmem>>) dst(%dma_wait3A_89 : memref<18208xi32, #tpu.memory_space<hbm>>)
      tpu.yield
    }) : () -> ()
    %add3A_76 = arith.addi %scan3A_59#1, %scan3A_59#0 : i32
    %eq3A = arith.constant 0 : i32
    %eq3A_77 = vector.broadcast %eq3A : i32 to vector<16xi32>
    %eq3A_78 = arith.cmpi eq, %iota3A, %eq3A_77 : vector<16xi32>
    %jit3A_79 = arith.constant 0 : i32
    %broadcast_in_dim3A = vector.broadcast %add3A_76 : i32 to vector<16xi32>
    %broadcast_in_dim3A_80 = vector.broadcast %jit3A_79 : i32 to vector<16xi32>
    %select_n3A_81 = arith.select %eq3A_78, %broadcast_in_dim3A, %broadcast_in_dim3A_80 : vector<16xi1>, vector<16xi32>
    %swap3A = arith.constant 0 : index
    %swap3A_82 = tpu.vector_load %arg12[%swap3A] {strides = array<i32>} : memref<16xi32, #tpu.memory_space<vmem>>, vector<16xi32>,
    tpu.vector_store %arg12[%swap3A], %select_n3A_81 {strides = array<i32>} : memref<16xi32, #tpu.memory_space<vmem>>, vector<16xi32>,
    %mul3A_83 = arith.constant 16 : i32
    %mul3A_84 = arith.muli %add3A, %mul3A_83 : i32
    %multiple_of3A_85 = tpu.assume_multiple %mul3A_84, 8 : i32
    "tpu.region"() ({
      %run_scoped3A = tpu.sem_alloc : memref<!tpu.dma_semaphore, #tpu.memory_space<semaphore_mem>>
      %dma_start3A_86 = tpu.memref_slice %arg6[%multiple_of3A_85] : memref<512xi32, #tpu.memory_space<hbm>> -> memref<16xi32, #tpu.memory_space<hbm>>
      %dma_start3A_87 = tpu.memref_slice %arg6[%multiple_of3A_85] : memref<512xi32, #tpu.memory_space<hbm>> -> memref<16xi32, #tpu.memory_space<hbm>>
      tpu.enqueue_dma source(%arg12 : memref<16xi32, #tpu.memory_space<vmem>>) target(%dma_start3A_87 : memref<16xi32, #tpu.memory_space<hbm>>) target_semaphore(%run_scoped3A : memref<!tpu.dma_semaphore, #tpu.memory_space<semaphore_mem>>)
      %dma_wait3A_88 = tpu.memref_slice %arg6[%multiple_of3A_85] : memref<512xi32, #tpu.memory_space<hbm>> -> memref<16xi32, #tpu.memory_space<hbm>>
      %dma_wait3A_89 = tpu.memref_slice %arg6[%multiple_of3A_85] : memref<512xi32, #tpu.memory_space<hbm>> -> memref<16xi32, #tpu.memory_space<hbm>>
      tpu.wait_dma2 semaphore(%run_scoped3A : memref<!tpu.dma_semaphore, #tpu.memory_space<semaphore_mem>>) src(%arg12 : memref<16xi32, #tpu.memory_space<vmem>>) dst(%dma_wait3A_89 : memref<16xi32, #tpu.memory_space<hbm>>)
      tpu.yield
    }) : () -> ()
    return
  }
}

module attributes {stable_mosaic.version = 14 : i64} {
  func.func @_stats_body(%arg0: i32, %arg1: memref<80x10000xf32, #tpu.memory_space<vmem>>, %arg2: memref<80x1xf32, #tpu.memory_space<vmem>>, %arg3: memref<80x1xf32, #tpu.memory_space<vmem>>, %arg4: memref<1x10000xf32, #tpu.memory_space<vmem>>, %arg5: memref<1x10000xf32, #tpu.memory_space<vmem>>) attributes {dimension_semantics = [#tpu.dimension_semantics<arbitrary>], iteration_bounds = array<i64: 125>, scalar_prefetch = 0 : i64, scratch_operands = 0 : i64, tpu.core_type = #tpu.core_type<tc>, window_params = [{transform_indices = @transform_0, window_bounds = array<i64: 80, 10000>}, {transform_indices = @transform_1, window_bounds = array<i64: 80, 1>}, {transform_indices = @transform_2, window_bounds = array<i64: 80, 1>}, {pipeline_mode = #tpu.pipeline_mode<synchronous>, transform_indices = @transform_3, window_bounds = array<i64: 1, 10000>}, {pipeline_mode = #tpu.pipeline_mode<synchronous>, transform_indices = @transform_4, window_bounds = array<i64: 1, 10000>}]} {
    %get3A = arith.constant 0 : index
    %get3A_0 = arith.constant 0 : index
    %get3A_1 = vector.load %arg1[%get3A, %get3A_0] : memref<80x10000xf32, #tpu.memory_space<vmem>>, vector<80x10000xf32>
    %convert_element_type3A = arith.truncf %get3A_1 : vector<80x10000xf32> to vector<80x10000xbf16>
    %convert_element_type3A_2 = arith.extf %convert_element_type3A : vector<80x10000xbf16> to vector<80x10000xf32>
    %ne3A = arith.constant 0.000000e+00 : f32
    %ne3A_3 = vector.broadcast %ne3A : f32 to vector<80x10000xf32>
    %ne3A_4 = arith.cmpf one, %get3A_1, %ne3A_3 : vector<80x10000xf32>
    %convert_element_type3A_5 = arith.extui %ne3A_4 : vector<80x10000xi1> to vector<80x10000xi32>
    %convert_element_type3A_6 = arith.sitofp %convert_element_type3A_5 : vector<80x10000xi32> to vector<80x10000xf32>
    %reduce_sum3A = arith.constant dense<0.000000e+00> : vector<80xf32>
    %reduce_sum3A_7 = vector.multi_reduction <add>, %convert_element_type3A_6, %reduce_sum3A [1] : vector<80x10000xf32> to vector<80xf32>
    %broadcast_in_dim3A = vector.shape_cast %reduce_sum3A_7 : vector<80xf32> to vector<80x1xf32>
    %swap3A = arith.constant 0 : index
    %swap3A_8 = arith.constant 0 : index
    %swap3A_9 = vector.load %arg2[%swap3A, %swap3A_8] : memref<80x1xf32, #tpu.memory_space<vmem>>, vector<80x1xf32>
    tpu.vector_store %arg2[%swap3A, %swap3A_8], %broadcast_in_dim3A {strides = array<i32>} : memref<80x1xf32, #tpu.memory_space<vmem>>, vector<80x1xf32>,
    %reduce_sum3A_10 = arith.constant dense<0.000000e+00> : vector<80xf32>
    %reduce_sum3A_11 = vector.multi_reduction <add>, %convert_element_type3A_2, %reduce_sum3A_10 [1] : vector<80x10000xf32> to vector<80xf32>
    %broadcast_in_dim3A_12 = vector.shape_cast %reduce_sum3A_11 : vector<80xf32> to vector<80x1xf32>
    %swap3A_13 = arith.constant 0 : index
    %swap3A_14 = arith.constant 0 : index
    %swap3A_15 = vector.load %arg3[%swap3A_13, %swap3A_14] : memref<80x1xf32, #tpu.memory_space<vmem>>, vector<80x1xf32>
    tpu.vector_store %arg3[%swap3A_13, %swap3A_14], %broadcast_in_dim3A_12 {strides = array<i32>} : memref<80x1xf32, #tpu.memory_space<vmem>>, vector<80x1xf32>,
    %eq3A = arith.constant 0 : i32
    %eq3A_16 = arith.cmpi eq, %arg0, %eq3A : i32
    %convert_element_type3A_17 = arith.extui %eq3A_16 : i1 to i32
    %cond3A = arith.constant 0 : i32
    %cond3A_18 = arith.cmpi ne, %convert_element_type3A_17, %cond3A : i32
    scf.if %cond3A_18 {
      %broadcast_in_dim3A_38 = arith.constant 0.000000e+00 : f32
      %broadcast_in_dim3A_39 = vector.broadcast %broadcast_in_dim3A_38 : f32 to vector<1x10000xf32>
      %swap3A_40 = arith.constant 0 : index
      %swap3A_41 = arith.constant 0 : index
      %swap3A_42 = vector.load %arg4[%swap3A_40, %swap3A_41] : memref<1x10000xf32, #tpu.memory_space<vmem>>, vector<1x10000xf32>
      tpu.vector_store %arg4[%swap3A_40, %swap3A_41], %broadcast_in_dim3A_39 {strides = array<i32>} : memref<1x10000xf32, #tpu.memory_space<vmem>>, vector<1x10000xf32>,
      %broadcast_in_dim3A_43 = arith.constant 0.000000e+00 : f32
      %broadcast_in_dim3A_44 = vector.broadcast %broadcast_in_dim3A_43 : f32 to vector<1x10000xf32>
      %swap3A_45 = arith.constant 0 : index
      %swap3A_46 = arith.constant 0 : index
      %swap3A_47 = vector.load %arg5[%swap3A_45, %swap3A_46] : memref<1x10000xf32, #tpu.memory_space<vmem>>, vector<1x10000xf32>
      tpu.vector_store %arg5[%swap3A_45, %swap3A_46], %broadcast_in_dim3A_44 {strides = array<i32>} : memref<1x10000xf32, #tpu.memory_space<vmem>>, vector<1x10000xf32>,
    } else {
    }
    %get3A_19 = arith.constant 0 : index
    %get3A_20 = arith.constant 0 : index
    %get3A_21 = vector.load %arg4[%get3A_19, %get3A_20] : memref<1x10000xf32, #tpu.memory_space<vmem>>, vector<1x10000xf32>
    %reduce_sum3A_22 = arith.constant dense<0.000000e+00> : vector<10000xf32>
    %reduce_sum3A_23 = vector.multi_reduction <add>, %convert_element_type3A_6, %reduce_sum3A_22 [0] : vector<80x10000xf32> to vector<10000xf32>
    %broadcast_in_dim3A_24 = vector.shape_cast %reduce_sum3A_23 : vector<10000xf32> to vector<1x10000xf32>
    %add3A = arith.addf %get3A_21, %broadcast_in_dim3A_24 : vector<1x10000xf32>
    %swap3A_25 = arith.constant 0 : index
    %swap3A_26 = arith.constant 0 : index
    %swap3A_27 = vector.load %arg4[%swap3A_25, %swap3A_26] : memref<1x10000xf32, #tpu.memory_space<vmem>>, vector<1x10000xf32>
    tpu.vector_store %arg4[%swap3A_25, %swap3A_26], %add3A {strides = array<i32>} : memref<1x10000xf32, #tpu.memory_space<vmem>>, vector<1x10000xf32>,
    %get3A_28 = arith.constant 0 : index
    %get3A_29 = arith.constant 0 : index
    %get3A_30 = vector.load %arg5[%get3A_28, %get3A_29] : memref<1x10000xf32, #tpu.memory_space<vmem>>, vector<1x10000xf32>
    %reduce_sum3A_31 = arith.constant dense<0.000000e+00> : vector<10000xf32>
    %reduce_sum3A_32 = vector.multi_reduction <add>, %convert_element_type3A_2, %reduce_sum3A_31 [0] : vector<80x10000xf32> to vector<10000xf32>
    %broadcast_in_dim3A_33 = vector.shape_cast %reduce_sum3A_32 : vector<10000xf32> to vector<1x10000xf32>
    %add3A_34 = arith.addf %get3A_30, %broadcast_in_dim3A_33 : vector<1x10000xf32>
    %swap3A_35 = arith.constant 0 : index
    %swap3A_36 = arith.constant 0 : index
    %swap3A_37 = vector.load %arg5[%swap3A_35, %swap3A_36] : memref<1x10000xf32, #tpu.memory_space<vmem>>, vector<1x10000xf32>
    tpu.vector_store %arg5[%swap3A_35, %swap3A_36], %add3A_34 {strides = array<i32>} : memref<1x10000xf32, #tpu.memory_space<vmem>>, vector<1x10000xf32>,
    return
  }
  func.func @transform_0(%arg0: i32) -> (i32, i32) {
    %c0_i32 = arith.constant 0 : i32
    %c0_i32_0 = arith.constant 0 : i32
    return %arg0, %c0_i32 : i32, i32
  }
  func.func @transform_1(%arg0: i32) -> (i32, i32) {
    %c0_i32 = arith.constant 0 : i32
    %c0_i32_0 = arith.constant 0 : i32
    return %arg0, %c0_i32 : i32, i32
  }
  func.func @transform_2(%arg0: i32) -> (i32, i32) {
    %c0_i32 = arith.constant 0 : i32
    %c0_i32_0 = arith.constant 0 : i32
    return %arg0, %c0_i32 : i32, i32
  }
  func.func @transform_3(%arg0: i32) -> (i32, i32) {
    %c0_i32 = arith.constant 0 : i32
    %c0_i32_0 = arith.constant 0 : i32
    %c0_i32_1 = arith.constant 0 : i32
    return %c0_i32, %c0_i32_0 : i32, i32
  }
  func.func @transform_4(%arg0: i32) -> (i32, i32) {
    %c0_i32 = arith.constant 0 : i32
    %c0_i32_0 = arith.constant 0 : i32
    %c0_i32_1 = arith.constant 0 : i32
    return %c0_i32, %c0_i32_0 : i32, i32
  }
}

module attributes {stable_mosaic.version = 14 : i64} {
  func.func @_node_body(%arg0: i32, %arg1: memref<200x1xf32, #tpu.memory_space<vmem>>, %arg2: memref<200x1xf32, #tpu.memory_space<vmem>>, %arg3: memref<200x1xf32, #tpu.memory_space<vmem>>, %arg4: memref<200x1xf32, #tpu.memory_space<vmem>>, %arg5: memref<2x128xf32, #tpu.memory_space<vmem>>, %arg6: memref<128x128xf32, #tpu.memory_space<vmem>>, %arg7: memref<128x384xf32, #tpu.memory_space<vmem>>, %arg8: memref<128x384xf32, #tpu.memory_space<vmem>>, %arg9: memref<1x384xf32, #tpu.memory_space<vmem>>, %arg10: memref<1x384xf32, #tpu.memory_space<vmem>>, %arg11: memref<200x128xf32, #tpu.memory_space<vmem>>) attributes {dimension_semantics = [#tpu.dimension_semantics<arbitrary>], iteration_bounds = array<i64: 50>, scalar_prefetch = 0 : i64, scratch_operands = 0 : i64, tpu.core_type = #tpu.core_type<tc>, window_params = [{transform_indices = @transform_0, window_bounds = array<i64: 200, 1>}, {transform_indices = @transform_1, window_bounds = array<i64: 200, 1>}, {transform_indices = @transform_2, window_bounds = array<i64: 200, 1>}, {transform_indices = @transform_3, window_bounds = array<i64: 200, 1>}, {pipeline_mode = #tpu.pipeline_mode<synchronous>, transform_indices = @transform_4, window_bounds = array<i64: 2, 128>}, {pipeline_mode = #tpu.pipeline_mode<synchronous>, transform_indices = @transform_5, window_bounds = array<i64: 128, 128>}, {pipeline_mode = #tpu.pipeline_mode<synchronous>, transform_indices = @transform_6, window_bounds = array<i64: 128, 384>}, {pipeline_mode = #tpu.pipeline_mode<synchronous>, transform_indices = @transform_7, window_bounds = array<i64: 128, 384>}, {pipeline_mode = #tpu.pipeline_mode<synchronous>, transform_indices = @transform_8, window_bounds = array<i64: 1, 384>}, {pipeline_mode = #tpu.pipeline_mode<synchronous>, transform_indices = @transform_9, window_bounds = array<i64: 1, 384>}, {transform_indices = @transform_10, window_bounds = array<i64: 200, 128>}]} {
    %get3A = arith.constant 0 : index
    %get3A_0 = arith.constant 0 : index
    %get3A_1 = vector.load %arg1[%get3A, %get3A_0] : memref<200x1xf32, #tpu.memory_space<vmem>>, vector<200x1xf32>
    %get3A_2 = arith.constant 0 : index
    %get3A_3 = arith.constant 0 : index
    %get3A_4 = vector.load %arg3[%get3A_2, %get3A_3] : memref<200x1xf32, #tpu.memory_space<vmem>>, vector<200x1xf32>
    %add3A = arith.addf %get3A_1, %get3A_4 : vector<200x1xf32>
    %get3A_5 = arith.constant 0 : index
    %get3A_6 = arith.constant 0 : index
    %get3A_7 = vector.load %arg2[%get3A_5, %get3A_6] : memref<200x1xf32, #tpu.memory_space<vmem>>, vector<200x1xf32>
    %get3A_8 = arith.constant 0 : index
    %get3A_9 = arith.constant 0 : index
    %get3A_10 = vector.load %arg4[%get3A_8, %get3A_9] : memref<200x1xf32, #tpu.memory_space<vmem>>, vector<200x1xf32>
    %add3A_11 = arith.addf %get3A_7, %get3A_10 : vector<200x1xf32>
    %get3A_12 = arith.constant 0 : index
    %get3A_13 = arith.constant 0 : index
    %get3A_14 = vector.load %arg5[%get3A_12, %get3A_13] : memref<2x128xf32, #tpu.memory_space<vmem>>, vector<2x128xf32>
    %convert_element_type3A = arith.truncf %get3A_14 : vector<2x128xf32> to vector<2x128xbf16>
    %convert_element_type3A_15 = arith.extf %convert_element_type3A : vector<2x128xbf16> to vector<2x128xf32>
    %slice3A = vector.extract_strided_slice %convert_element_type3A_15 {offsets = [0, 0], sizes = [1, 128], strides = [1, 1]} : vector<2x128xf32> to vector<1x128xf32>
    %mul3A = vector.broadcast %add3A : vector<200x1xf32> to vector<200x128xf32>
    %mul3A_16 = vector.broadcast %slice3A : vector<1x128xf32> to vector<200x128xf32>
    %mul3A_17 = arith.mulf %mul3A, %mul3A_16 : vector<200x128xf32>
    %slice3A_18 = vector.extract_strided_slice %convert_element_type3A_15 {offsets = [1, 0], sizes = [1, 128], strides = [1, 1]} : vector<2x128xf32> to vector<1x128xf32>
    %mul3A_19 = vector.broadcast %add3A_11 : vector<200x1xf32> to vector<200x128xf32>
    %mul3A_20 = vector.broadcast %slice3A_18 : vector<1x128xf32> to vector<200x128xf32>
    %mul3A_21 = arith.mulf %mul3A_19, %mul3A_20 : vector<200x128xf32>
    %add3A_22 = arith.addf %mul3A_17, %mul3A_21 : vector<200x128xf32>
    %get3A_23 = arith.constant 0 : index
    %get3A_24 = arith.constant 0 : index
    %get3A_25 = vector.load %arg7[%get3A_23, %get3A_24] : memref<128x384xf32, #tpu.memory_space<vmem>>, vector<128x384xf32>
    %convert_element_type3A_26 = arith.truncf %add3A_22 : vector<200x128xf32> to vector<200x128xbf16>
    %convert_element_type3A_27 = arith.truncf %get3A_25 : vector<128x384xf32> to vector<128x384xbf16>
    %dot_general3A = arith.constant dense<0.000000e+00> : vector<200x384xf32>
    %dot_general3A_28 = tpu.matmul %convert_element_type3A_26, %convert_element_type3A_27, %dot_general3A {dimension_numbers = #tpu.dot_dimension_numbers<[1], [0], [0], [1], [0, 0, 1, 1], [], []>, transpose_lhs_hint = false} : vector<200x128xbf16>, vector<128x384xbf16>, vector<200x384xf32> -> vector<200x384xf32>
    %get3A_29 = arith.constant 0 : index
    %get3A_30 = arith.constant 0 : index
    %get3A_31 = vector.load %arg9[%get3A_29, %get3A_30] : memref<1x384xf32, #tpu.memory_space<vmem>>, vector<1x384xf32>
    %add3A_32 = vector.broadcast %get3A_31 : vector<1x384xf32> to vector<200x384xf32>
    %add3A_33 = arith.addf %dot_general3A_28, %add3A_32 : vector<200x384xf32>
    %get3A_34 = arith.constant 0 : index
    %get3A_35 = arith.constant 0 : index
    %get3A_36 = vector.load %arg10[%get3A_34, %get3A_35] : memref<1x384xf32, #tpu.memory_space<vmem>>, vector<1x384xf32>
    %slice3A_37 = vector.extract_strided_slice %add3A_33 {offsets = [0, 0], sizes = [200, 128], strides = [1, 1]} : vector<200x384xf32> to vector<200x128xf32>
    %slice3A_38 = vector.extract_strided_slice %get3A_36 {offsets = [0, 0], sizes = [1, 128], strides = [1, 1]} : vector<1x384xf32> to vector<1x128xf32>
    %add3A_39 = vector.broadcast %slice3A_38 : vector<1x128xf32> to vector<200x128xf32>
    %add3A_40 = arith.addf %slice3A_37, %add3A_39 : vector<200x128xf32>
    %logistic3A = arith.negf %add3A_40 : vector<200x128xf32>
    %logistic3A_41 = math.exp %logistic3A : vector<200x128xf32>
    %logistic3A_42 = arith.constant 1.000000e+00 : f32
    %logistic3A_43 = vector.broadcast %logistic3A_42 : f32 to vector<200x128xf32>
    %logistic3A_44 = arith.addf %logistic3A_43, %logistic3A_41 : vector<200x128xf32>
    %logistic3A_45 = arith.divf %logistic3A_43, %logistic3A_44 : vector<200x128xf32>
    %slice3A_46 = vector.extract_strided_slice %add3A_33 {offsets = [0, 128], sizes = [200, 128], strides = [1, 1]} : vector<200x384xf32> to vector<200x128xf32>
    %slice3A_47 = vector.extract_strided_slice %get3A_36 {offsets = [0, 128], sizes = [1, 128], strides = [1, 1]} : vector<1x384xf32> to vector<1x128xf32>
    %add3A_48 = vector.broadcast %slice3A_47 : vector<1x128xf32> to vector<200x128xf32>
    %add3A_49 = arith.addf %slice3A_46, %add3A_48 : vector<200x128xf32>
    %logistic3A_50 = arith.negf %add3A_49 : vector<200x128xf32>
    %logistic3A_51 = math.exp %logistic3A_50 : vector<200x128xf32>
    %logistic3A_52 = arith.constant 1.000000e+00 : f32
    %logistic3A_53 = vector.broadcast %logistic3A_52 : f32 to vector<200x128xf32>
    %logistic3A_54 = arith.addf %logistic3A_53, %logistic3A_51 : vector<200x128xf32>
    %logistic3A_55 = arith.divf %logistic3A_53, %logistic3A_54 : vector<200x128xf32>
    %slice3A_56 = vector.extract_strided_slice %add3A_33 {offsets = [0, 256], sizes = [200, 128], strides = [1, 1]} : vector<200x384xf32> to vector<200x128xf32>
    %slice3A_57 = vector.extract_strided_slice %get3A_36 {offsets = [0, 256], sizes = [1, 128], strides = [1, 1]} : vector<1x384xf32> to vector<1x128xf32>
    %mul3A_58 = vector.broadcast %slice3A_57 : vector<1x128xf32> to vector<200x128xf32>
    %mul3A_59 = arith.mulf %logistic3A_45, %mul3A_58 : vector<200x128xf32>
    %add3A_60 = arith.addf %slice3A_56, %mul3A_59 : vector<200x128xf32>
    %tanh3A = math.tanh %add3A_60 : vector<200x128xf32>
    %sub3A = arith.constant 1.000000e+00 : f32
    %sub3A_61 = vector.broadcast %sub3A : f32 to vector<200x128xf32>
    %sub3A_62 = arith.subf %sub3A_61, %logistic3A_55 : vector<200x128xf32>
    %mul3A_63 = arith.mulf %sub3A_62, %tanh3A : vector<200x128xf32>
    %get3A_64 = arith.constant 0 : index
    %get3A_65 = arith.constant 0 : index
    %get3A_66 = vector.load %arg6[%get3A_64, %get3A_65] : memref<128x128xf32, #tpu.memory_space<vmem>>, vector<128x128xf32>
    %convert_element_type3A_67 = arith.truncf %mul3A_63 : vector<200x128xf32> to vector<200x128xbf16>
    %convert_element_type3A_68 = arith.truncf %get3A_66 : vector<128x128xf32> to vector<128x128xbf16>
    %dot_general3A_69 = arith.constant dense<0.000000e+00> : vector<200x128xf32>
    %dot_general3A_70 = tpu.matmul %convert_element_type3A_67, %convert_element_type3A_68, %dot_general3A_69 {dimension_numbers = #tpu.dot_dimension_numbers<[1], [0], [0], [1], [0, 0, 1, 1], [], []>, transpose_lhs_hint = false} : vector<200x128xbf16>, vector<128x128xbf16>, vector<200x128xf32> -> vector<200x128xf32>
    %swap3A = arith.constant 0 : index
    %swap3A_71 = arith.constant 0 : index
    %swap3A_72 = vector.load %arg11[%swap3A, %swap3A_71] : memref<200x128xf32, #tpu.memory_space<vmem>>, vector<200x128xf32>
    tpu.vector_store %arg11[%swap3A, %swap3A_71], %dot_general3A_70 {strides = array<i32>} : memref<200x128xf32, #tpu.memory_space<vmem>>, vector<200x128xf32>,
    return
  }
  func.func @transform_0(%arg0: i32) -> (i32, i32) {
    %c0_i32 = arith.constant 0 : i32
    %c0_i32_0 = arith.constant 0 : i32
    return %arg0, %c0_i32 : i32, i32
  }
  func.func @transform_1(%arg0: i32) -> (i32, i32) {
    %c0_i32 = arith.constant 0 : i32
    %c0_i32_0 = arith.constant 0 : i32
    return %arg0, %c0_i32 : i32, i32
  }
  func.func @transform_2(%arg0: i32) -> (i32, i32) {
    %c0_i32 = arith.constant 0 : i32
    %c0_i32_0 = arith.constant 0 : i32
    return %arg0, %c0_i32 : i32, i32
  }
  func.func @transform_3(%arg0: i32) -> (i32, i32) {
    %c0_i32 = arith.constant 0 : i32
    %c0_i32_0 = arith.constant 0 : i32
    return %arg0, %c0_i32 : i32, i32
  }
  func.func @transform_4(%arg0: i32) -> (i32, i32) {
    %c0_i32 = arith.constant 0 : i32
    %c0_i32_0 = arith.constant 0 : i32
    %c0_i32_1 = arith.constant 0 : i32
    return %c0_i32, %c0_i32_0 : i32, i32
  }
  func.func @transform_5(%arg0: i32) -> (i32, i32) {
    %c0_i32 = arith.constant 0 : i32
    %c0_i32_0 = arith.constant 0 : i32
    %c0_i32_1 = arith.constant 0 : i32
    return %c0_i32, %c0_i32_0 : i32, i32
  }
  func.func @transform_6(%arg0: i32) -> (i32, i32) {
    %c0_i32 = arith.constant 0 : i32
    %c0_i32_0 = arith.constant 0 : i32
    %c0_i32_1 = arith.constant 0 : i32
    return %c0_i32, %c0_i32_0 : i32, i32
  }
  func.func @transform_7(%arg0: i32) -> (i32, i32) {
    %c0_i32 = arith.constant 0 : i32
    %c0_i32_0 = arith.constant 0 : i32
    %c0_i32_1 = arith.constant 0 : i32
    return %c0_i32, %c0_i32_0 : i32, i32
  }
  func.func @transform_8(%arg0: i32) -> (i32, i32) {
    %c0_i32 = arith.constant 0 : i32
    %c0_i32_0 = arith.constant 0 : i32
    %c0_i32_1 = arith.constant 0 : i32
    return %c0_i32, %c0_i32_0 : i32, i32
  }
  func.func @transform_9(%arg0: i32) -> (i32, i32) {
    %c0_i32 = arith.constant 0 : i32
    %c0_i32_0 = arith.constant 0 : i32
    %c0_i32_1 = arith.constant 0 : i32
    return %c0_i32, %c0_i32_0 : i32, i32
  }
  func.func @transform_10(%arg0: i32) -> (i32, i32) {
    %c0_i32 = arith.constant 0 : i32
    %c0_i32_0 = arith.constant 0 : i32
    return %arg0, %c0_i32 : i32, i32
  }
}

module attributes {stable_mosaic.version = 14 : i64} {
  func.func @_edge_body(%arg0: i32, %arg1: memref<512x128xf32, #tpu.memory_space<vmem>>, %arg2: memref<512x128xf32, #tpu.memory_space<vmem>>, %arg3: memref<512x1xf32, #tpu.memory_space<vmem>>, %arg4: memref<1xi32, #tpu.memory_space<smem>>, %arg5: memref<128x384xf32, #tpu.memory_space<vmem>>, %arg6: memref<128x384xf32, #tpu.memory_space<vmem>>, %arg7: memref<1x384xf32, #tpu.memory_space<vmem>>, %arg8: memref<1x384xf32, #tpu.memory_space<vmem>>, %arg9: memref<128x128xf32, #tpu.memory_space<vmem>>, %arg10: memref<1x128xf32, #tpu.memory_space<vmem>>, %arg11: memref<128x128xf32, #tpu.memory_space<vmem>>, %arg12: memref<1x128xf32, #tpu.memory_space<vmem>>, %arg13: memref<128x128xf32, #tpu.memory_space<vmem>>, %arg14: memref<1x128xf32, #tpu.memory_space<vmem>>, %arg15: memref<512x128xf32, #tpu.memory_space<vmem>>) attributes {dimension_semantics = [#tpu.dimension_semantics<arbitrary>], iteration_bounds = array<i64: 320>, scalar_prefetch = 0 : i64, scratch_operands = 0 : i64, tpu.core_type = #tpu.core_type<tc>, window_params = [{transform_indices = @transform_0, window_bounds = array<i64: 512, 128>}, {transform_indices = @transform_1, window_bounds = array<i64: 512, 128>}, {transform_indices = @transform_2, window_bounds = array<i64: 512, 1>}, {transform_indices = @transform_3, window_bounds = array<i64: 1>}, {pipeline_mode = #tpu.pipeline_mode<synchronous>, transform_indices = @transform_4, window_bounds = array<i64: 128, 384>}, {pipeline_mode = #tpu.pipeline_mode<synchronous>, transform_indices = @transform_5, window_bounds = array<i64: 128, 384>}, {pipeline_mode = #tpu.pipeline_mode<synchronous>, transform_indices = @transform_6, window_bounds = array<i64: 1, 384>}, {pipeline_mode = #tpu.pipeline_mode<synchronous>, transform_indices = @transform_7, window_bounds = array<i64: 1, 384>}, {pipeline_mode = #tpu.pipeline_mode<synchronous>, transform_indices = @transform_8, window_bounds = array<i64: 128, 128>}, {pipeline_mode = #tpu.pipeline_mode<synchronous>, transform_indices = @transform_9, window_bounds = array<i64: 1, 128>}, {pipeline_mode = #tpu.pipeline_mode<synchronous>, transform_indices = @transform_10, window_bounds = array<i64: 128, 128>}, {pipeline_mode = #tpu.pipeline_mode<synchronous>, transform_indices = @transform_11, window_bounds = array<i64: 1, 128>}, {pipeline_mode = #tpu.pipeline_mode<synchronous>, transform_indices = @transform_12, window_bounds = array<i64: 128, 128>}, {pipeline_mode = #tpu.pipeline_mode<synchronous>, transform_indices = @transform_13, window_bounds = array<i64: 1, 128>}, {transform_indices = @transform_14, window_bounds = array<i64: 512, 128>}]} {
    %get3A = arith.constant 0 : index
    %get3A_0 = memref.load %arg4[%get3A] : memref<1xi32, #tpu.memory_space<smem>>
    %get3A_1 = arith.constant 0 : index
    %get3A_2 = arith.constant 0 : index
    %get3A_3 = vector.load %arg3[%get3A_1, %get3A_2] : memref<512x1xf32, #tpu.memory_space<vmem>>, vector<512x1xf32>
    %get3A_4 = arith.constant 0 : index
    %get3A_5 = arith.constant 0 : index
    %get3A_6 = vector.load %arg7[%get3A_4, %get3A_5] : memref<1x384xf32, #tpu.memory_space<vmem>>, vector<1x384xf32>
    %get3A_7 = arith.constant 0 : index
    %get3A_8 = arith.constant 0 : index
    %get3A_9 = vector.load %arg8[%get3A_7, %get3A_8] : memref<1x384xf32, #tpu.memory_space<vmem>>, vector<1x384xf32>
    %get3A_10 = arith.constant 0 : index
    %get3A_11 = arith.constant 0 : index
    %get3A_12 = vector.load %arg6[%get3A_10, %get3A_11] : memref<128x384xf32, #tpu.memory_space<vmem>>, vector<128x384xf32>
    %convert_element_type3A = arith.truncf %get3A_12 : vector<128x384xf32> to vector<128x384xbf16>
    %convert_element_type3A_13 = arith.extf %convert_element_type3A : vector<128x384xbf16> to vector<128x384xf32>
    %slice3A = vector.extract_strided_slice %convert_element_type3A_13 {offsets = [0, 0], sizes = [1, 384], strides = [1, 1]} : vector<128x384xf32> to vector<1x384xf32>
    %convert_element_type3A_14 = arith.truncf %get3A_3 : vector<512x1xf32> to vector<512x1xbf16>
    %convert_element_type3A_15 = arith.extf %convert_element_type3A_14 : vector<512x1xbf16> to vector<512x1xf32>
    %slice3A_16 = vector.extract_strided_slice %convert_element_type3A_13 {offsets = [1, 0], sizes = [1, 384], strides = [1, 1]} : vector<128x384xf32> to vector<1x384xf32>
    %mul3A = vector.broadcast %convert_element_type3A_15 : vector<512x1xf32> to vector<512x384xf32>
    %mul3A_17 = vector.broadcast %slice3A_16 : vector<1x384xf32> to vector<512x384xf32>
    %mul3A_18 = arith.mulf %mul3A, %mul3A_17 : vector<512x384xf32>
    %add3A = vector.broadcast %slice3A : vector<1x384xf32> to vector<512x384xf32>
    %add3A_19 = arith.addf %add3A, %mul3A_18 : vector<512x384xf32>
    %add3A_20 = vector.broadcast %get3A_9 : vector<1x384xf32> to vector<512x384xf32>
    %add3A_21 = arith.addf %add3A_19, %add3A_20 : vector<512x384xf32>
    %slice3A_22 = vector.extract_strided_slice %get3A_6 {offsets = [0, 0], sizes = [1, 128], strides = [1, 1]} : vector<1x384xf32> to vector<1x128xf32>
    %slice3A_23 = vector.extract_strided_slice %add3A_21 {offsets = [0, 0], sizes = [512, 128], strides = [1, 1]} : vector<512x384xf32> to vector<512x128xf32>
    %add3A_24 = vector.broadcast %slice3A_22 : vector<1x128xf32> to vector<512x128xf32>
    %add3A_25 = arith.addf %add3A_24, %slice3A_23 : vector<512x128xf32>
    %logistic3A = arith.negf %add3A_25 : vector<512x128xf32>
    %logistic3A_26 = math.exp %logistic3A : vector<512x128xf32>
    %logistic3A_27 = arith.constant 1.000000e+00 : f32
    %logistic3A_28 = vector.broadcast %logistic3A_27 : f32 to vector<512x128xf32>
    %logistic3A_29 = arith.addf %logistic3A_28, %logistic3A_26 : vector<512x128xf32>
    %logistic3A_30 = arith.divf %logistic3A_28, %logistic3A_29 : vector<512x128xf32>
    %slice3A_31 = vector.extract_strided_slice %get3A_6 {offsets = [0, 128], sizes = [1, 128], strides = [1, 1]} : vector<1x384xf32> to vector<1x128xf32>
    %slice3A_32 = vector.extract_strided_slice %add3A_21 {offsets = [0, 128], sizes = [512, 128], strides = [1, 1]} : vector<512x384xf32> to vector<512x128xf32>
    %add3A_33 = vector.broadcast %slice3A_31 : vector<1x128xf32> to vector<512x128xf32>
    %add3A_34 = arith.addf %add3A_33, %slice3A_32 : vector<512x128xf32>
    %logistic3A_35 = arith.negf %add3A_34 : vector<512x128xf32>
    %logistic3A_36 = math.exp %logistic3A_35 : vector<512x128xf32>
    %logistic3A_37 = arith.constant 1.000000e+00 : f32
    %logistic3A_38 = vector.broadcast %logistic3A_37 : f32 to vector<512x128xf32>
    %logistic3A_39 = arith.addf %logistic3A_38, %logistic3A_36 : vector<512x128xf32>
    %logistic3A_40 = arith.divf %logistic3A_38, %logistic3A_39 : vector<512x128xf32>
    %slice3A_41 = vector.extract_strided_slice %get3A_6 {offsets = [0, 256], sizes = [1, 128], strides = [1, 1]} : vector<1x384xf32> to vector<1x128xf32>
    %slice3A_42 = vector.extract_strided_slice %add3A_21 {offsets = [0, 256], sizes = [512, 128], strides = [1, 1]} : vector<512x384xf32> to vector<512x128xf32>
    %mul3A_43 = arith.mulf %logistic3A_30, %slice3A_42 : vector<512x128xf32>
    %add3A_44 = vector.broadcast %slice3A_41 : vector<1x128xf32> to vector<512x128xf32>
    %add3A_45 = arith.addf %add3A_44, %mul3A_43 : vector<512x128xf32>
    %tanh3A = math.tanh %add3A_45 : vector<512x128xf32>
    %iota3A = tpu.iota {dimensions = array<i32: 1>} : vector<512x128xi32>
    %eq3A = arith.constant 0 : i32
    %eq3A_46 = vector.broadcast %eq3A : i32 to vector<512x128xi32>
    %eq3A_47 = arith.cmpi eq, %iota3A, %eq3A_46 : vector<512x128xi32>
    %jit3A = arith.constant 1.000000e+00 : f32
    %jit3A_48 = arith.constant 0.000000e+00 : f32
    %broadcast_in_dim3A = vector.broadcast %jit3A : f32 to vector<512x128xf32>
    %broadcast_in_dim3A_49 = vector.broadcast %jit3A_48 : f32 to vector<512x128xf32>
    %select_n3A = arith.select %eq3A_47, %broadcast_in_dim3A, %broadcast_in_dim3A_49 : vector<512x128xi1>, vector<512x128xf32>
    %eq3A_50 = arith.constant 1 : i32
    %eq3A_51 = vector.broadcast %eq3A_50 : i32 to vector<512x128xi32>
    %eq3A_52 = arith.cmpi eq, %iota3A, %eq3A_51 : vector<512x128xi32>
    %jit3A_53 = arith.constant 0.000000e+00 : f32
    %broadcast_in_dim3A_54 = vector.shape_cast %get3A_3 : vector<512x1xf32> to vector<512x1xf32>
    %broadcast_in_dim3A_55 = vector.broadcast %broadcast_in_dim3A_54 : vector<512x1xf32> to vector<512x128xf32>
    %broadcast_in_dim3A_56 = vector.broadcast %jit3A_53 : f32 to vector<512x128xf32>
    %select_n3A_57 = arith.select %eq3A_52, %broadcast_in_dim3A_55, %broadcast_in_dim3A_56 : vector<512x128xi1>, vector<512x128xf32>
    %add3A_58 = arith.addf %select_n3A, %select_n3A_57 : vector<512x128xf32>
    %sub3A = arith.constant 1.000000e+00 : f32
    %sub3A_59 = vector.broadcast %sub3A : f32 to vector<512x128xf32>
    %sub3A_60 = arith.subf %sub3A_59, %logistic3A_40 : vector<512x128xf32>
    %mul3A_61 = arith.mulf %sub3A_60, %tanh3A : vector<512x128xf32>
    %mul3A_62 = arith.mulf %logistic3A_40, %add3A_58 : vector<512x128xf32>
    %add3A_63 = arith.addf %mul3A_61, %mul3A_62 : vector<512x128xf32>
    %get3A_64 = arith.constant 0 : index
    %get3A_65 = arith.constant 0 : index
    %get3A_66 = vector.load %arg1[%get3A_64, %get3A_65] : memref<512x128xf32, #tpu.memory_space<vmem>>, vector<512x128xf32>
    %get3A_67 = arith.constant 0 : index
    %get3A_68 = arith.constant 0 : index
    %get3A_69 = vector.load %arg2[%get3A_67, %get3A_68] : memref<512x128xf32, #tpu.memory_space<vmem>>, vector<512x128xf32>
    %add3A_70 = arith.addf %get3A_66, %get3A_69 : vector<512x128xf32>
    %get3A_71 = arith.constant 0 : index
    %get3A_72 = arith.constant 0 : index
    %get3A_73 = vector.load %arg5[%get3A_71, %get3A_72] : memref<128x384xf32, #tpu.memory_space<vmem>>, vector<128x384xf32>
    %convert_element_type3A_74 = arith.truncf %add3A_70 : vector<512x128xf32> to vector<512x128xbf16>
    %convert_element_type3A_75 = arith.truncf %get3A_73 : vector<128x384xf32> to vector<128x384xbf16>
    %dot_general3A = arith.constant dense<0.000000e+00> : vector<512x384xf32>
    %dot_general3A_76 = tpu.matmul %convert_element_type3A_74, %convert_element_type3A_75, %dot_general3A {dimension_numbers = #tpu.dot_dimension_numbers<[1], [0], [0], [1], [0, 0, 1, 1], [], []>, transpose_lhs_hint = false} : vector<512x128xbf16>, vector<128x384xbf16>, vector<512x384xf32> -> vector<512x384xf32>
    %add3A_77 = vector.broadcast %get3A_6 : vector<1x384xf32> to vector<512x384xf32>
    %add3A_78 = arith.addf %dot_general3A_76, %add3A_77 : vector<512x384xf32>
    %convert_element_type3A_79 = arith.truncf %add3A_63 : vector<512x128xf32> to vector<512x128xbf16>
    %convert_element_type3A_80 = arith.truncf %get3A_12 : vector<128x384xf32> to vector<128x384xbf16>
    %dot_general3A_81 = arith.constant dense<0.000000e+00> : vector<512x384xf32>
    %dot_general3A_82 = tpu.matmul %convert_element_type3A_79, %convert_element_type3A_80, %dot_general3A_81 {dimension_numbers = #tpu.dot_dimension_numbers<[1], [0], [0], [1], [0, 0, 1, 1], [], []>, transpose_lhs_hint = false} : vector<512x128xbf16>, vector<128x384xbf16>, vector<512x384xf32> -> vector<512x384xf32>
    %add3A_83 = vector.broadcast %get3A_9 : vector<1x384xf32> to vector<512x384xf32>
    %add3A_84 = arith.addf %dot_general3A_82, %add3A_83 : vector<512x384xf32>
    %slice3A_85 = vector.extract_strided_slice %add3A_78 {offsets = [0, 0], sizes = [512, 128], strides = [1, 1]} : vector<512x384xf32> to vector<512x128xf32>
    %slice3A_86 = vector.extract_strided_slice %add3A_84 {offsets = [0, 0], sizes = [512, 128], strides = [1, 1]} : vector<512x384xf32> to vector<512x128xf32>
    %add3A_87 = arith.addf %slice3A_85, %slice3A_86 : vector<512x128xf32>
    %logistic3A_88 = arith.negf %add3A_87 : vector<512x128xf32>
    %logistic3A_89 = math.exp %logistic3A_88 : vector<512x128xf32>
    %logistic3A_90 = arith.constant 1.000000e+00 : f32
    %logistic3A_91 = vector.broadcast %logistic3A_90 : f32 to vector<512x128xf32>
    %logistic3A_92 = arith.addf %logistic3A_91, %logistic3A_89 : vector<512x128xf32>
    %logistic3A_93 = arith.divf %logistic3A_91, %logistic3A_92 : vector<512x128xf32>
    %slice3A_94 = vector.extract_strided_slice %add3A_78 {offsets = [0, 128], sizes = [512, 128], strides = [1, 1]} : vector<512x384xf32> to vector<512x128xf32>
    %slice3A_95 = vector.extract_strided_slice %add3A_84 {offsets = [0, 128], sizes = [512, 128], strides = [1, 1]} : vector<512x384xf32> to vector<512x128xf32>
    %add3A_96 = arith.addf %slice3A_94, %slice3A_95 : vector<512x128xf32>
    %logistic3A_97 = arith.negf %add3A_96 : vector<512x128xf32>
    %logistic3A_98 = math.exp %logistic3A_97 : vector<512x128xf32>
    %logistic3A_99 = arith.constant 1.000000e+00 : f32
    %logistic3A_100 = vector.broadcast %logistic3A_99 : f32 to vector<512x128xf32>
    %logistic3A_101 = arith.addf %logistic3A_100, %logistic3A_98 : vector<512x128xf32>
    %logistic3A_102 = arith.divf %logistic3A_100, %logistic3A_101 : vector<512x128xf32>
    %slice3A_103 = vector.extract_strided_slice %add3A_78 {offsets = [0, 256], sizes = [512, 128], strides = [1, 1]} : vector<512x384xf32> to vector<512x128xf32>
    %slice3A_104 = vector.extract_strided_slice %add3A_84 {offsets = [0, 256], sizes = [512, 128], strides = [1, 1]} : vector<512x384xf32> to vector<512x128xf32>
    %mul3A_105 = arith.mulf %logistic3A_93, %slice3A_104 : vector<512x128xf32>
    %add3A_106 = arith.addf %slice3A_103, %mul3A_105 : vector<512x128xf32>
    %tanh3A_107 = math.tanh %add3A_106 : vector<512x128xf32>
    %sub3A_108 = arith.constant 1.000000e+00 : f32
    %sub3A_109 = vector.broadcast %sub3A_108 : f32 to vector<512x128xf32>
    %sub3A_110 = arith.subf %sub3A_109, %logistic3A_102 : vector<512x128xf32>
    %mul3A_111 = arith.mulf %sub3A_110, %tanh3A_107 : vector<512x128xf32>
    %mul3A_112 = arith.mulf %logistic3A_102, %add3A_63 : vector<512x128xf32>
    %add3A_113 = arith.addf %mul3A_111, %mul3A_112 : vector<512x128xf32>
    %get3A_114 = arith.constant 0 : index
    %get3A_115 = arith.constant 0 : index
    %get3A_116 = vector.load %arg9[%get3A_114, %get3A_115] : memref<128x128xf32, #tpu.memory_space<vmem>>, vector<128x128xf32>
    %convert_element_type3A_117 = arith.truncf %add3A_113 : vector<512x128xf32> to vector<512x128xbf16>
    %convert_element_type3A_118 = arith.truncf %get3A_116 : vector<128x128xf32> to vector<128x128xbf16>
    %dot_general3A_119 = arith.constant dense<0.000000e+00> : vector<512x128xf32>
    %dot_general3A_120 = tpu.matmul %convert_element_type3A_117, %convert_element_type3A_118, %dot_general3A_119 {dimension_numbers = #tpu.dot_dimension_numbers<[1], [0], [0], [1], [0, 0, 1, 1], [], []>, transpose_lhs_hint = false} : vector<512x128xbf16>, vector<128x128xbf16>, vector<512x128xf32> -> vector<512x128xf32>
    %get3A_121 = arith.constant 0 : index
    %get3A_122 = arith.constant 0 : index
    %get3A_123 = vector.load %arg10[%get3A_121, %get3A_122] : memref<1x128xf32, #tpu.memory_space<vmem>>, vector<1x128xf32>
    %add3A_124 = vector.broadcast %get3A_123 : vector<1x128xf32> to vector<512x128xf32>
    %add3A_125 = arith.addf %dot_general3A_120, %add3A_124 : vector<512x128xf32>
    %max3A = arith.constant 0.000000e+00 : f32
    %max3A_126 = vector.broadcast %max3A : f32 to vector<512x128xf32>
    %max3A_127 = arith.maximumf %add3A_125, %max3A_126 : vector<512x128xf32>
    %get3A_128 = arith.constant 0 : index
    %get3A_129 = arith.constant 0 : index
    %get3A_130 = vector.load %arg11[%get3A_128, %get3A_129] : memref<128x128xf32, #tpu.memory_space<vmem>>, vector<128x128xf32>
    %convert_element_type3A_131 = arith.truncf %max3A_127 : vector<512x128xf32> to vector<512x128xbf16>
    %convert_element_type3A_132 = arith.truncf %get3A_130 : vector<128x128xf32> to vector<128x128xbf16>
    %dot_general3A_133 = arith.constant dense<0.000000e+00> : vector<512x128xf32>
    %dot_general3A_134 = tpu.matmul %convert_element_type3A_131, %convert_element_type3A_132, %dot_general3A_133 {dimension_numbers = #tpu.dot_dimension_numbers<[1], [0], [0], [1], [0, 0, 1, 1], [], []>, transpose_lhs_hint = false} : vector<512x128xbf16>, vector<128x128xbf16>, vector<512x128xf32> -> vector<512x128xf32>
    %get3A_135 = arith.constant 0 : index
    %get3A_136 = arith.constant 0 : index
    %get3A_137 = vector.load %arg12[%get3A_135, %get3A_136] : memref<1x128xf32, #tpu.memory_space<vmem>>, vector<1x128xf32>
    %add3A_138 = vector.broadcast %get3A_137 : vector<1x128xf32> to vector<512x128xf32>
    %add3A_139 = arith.addf %dot_general3A_134, %add3A_138 : vector<512x128xf32>
    %max3A_140 = arith.constant 0.000000e+00 : f32
    %max3A_141 = vector.broadcast %max3A_140 : f32 to vector<512x128xf32>
    %max3A_142 = arith.maximumf %add3A_139, %max3A_141 : vector<512x128xf32>
    %get3A_143 = arith.constant 0 : index
    %get3A_144 = arith.constant 0 : index
    %get3A_145 = vector.load %arg13[%get3A_143, %get3A_144] : memref<128x128xf32, #tpu.memory_space<vmem>>, vector<128x128xf32>
    %convert_element_type3A_146 = arith.truncf %max3A_142 : vector<512x128xf32> to vector<512x128xbf16>
    %convert_element_type3A_147 = arith.truncf %get3A_145 : vector<128x128xf32> to vector<128x128xbf16>
    %dot_general3A_148 = arith.constant dense<0.000000e+00> : vector<512x128xf32>
    %dot_general3A_149 = tpu.matmul %convert_element_type3A_146, %convert_element_type3A_147, %dot_general3A_148 {dimension_numbers = #tpu.dot_dimension_numbers<[1], [0], [0], [1], [0, 0, 1, 1], [], []>, transpose_lhs_hint = false} : vector<512x128xbf16>, vector<128x128xbf16>, vector<512x128xf32> -> vector<512x128xf32>
    %get3A_150 = arith.constant 0 : index
    %get3A_151 = arith.constant 0 : index
    %get3A_152 = vector.load %arg14[%get3A_150, %get3A_151] : memref<1x128xf32, #tpu.memory_space<vmem>>, vector<1x128xf32>
    %add3A_153 = vector.broadcast %get3A_152 : vector<1x128xf32> to vector<512x128xf32>
    %add3A_154 = arith.addf %dot_general3A_149, %add3A_153 : vector<512x128xf32>
    %mul3A_155 = arith.constant 512 : i32
    %mul3A_156 = arith.muli %arg0, %mul3A_155 : i32
    %iota3A_157 = tpu.iota {dimensions = array<i32: 0>} : vector<512x1xi32>
    %add3A_158 = vector.broadcast %mul3A_156 : i32 to vector<512x1xi32>
    %add3A_159 = arith.addi %add3A_158, %iota3A_157 : vector<512x1xi32>
    %lt3A = vector.broadcast %get3A_0 : i32 to vector<512x1xi32>
    %lt3A_160 = arith.cmpi slt, %add3A_159, %lt3A : vector<512x1xi32>
    %jit3A_161 = arith.constant 0.000000e+00 : f32
    %broadcast_in_dim3A_162 = vector.shape_cast %lt3A_160 : vector<512x1xi1> to vector<512x1xi1>
    %broadcast_in_dim3A_163 = vector.broadcast %broadcast_in_dim3A_162 : vector<512x1xi1> to vector<512x128xi1>
    %broadcast_in_dim3A_164 = vector.broadcast %jit3A_161 : f32 to vector<512x128xf32>
    %select_n3A_165 = arith.select %broadcast_in_dim3A_163, %add3A_154, %broadcast_in_dim3A_164 : vector<512x128xi1>, vector<512x128xf32>
    %swap3A = arith.constant 0 : index
    %swap3A_166 = arith.constant 0 : index
    %swap3A_167 = vector.load %arg15[%swap3A, %swap3A_166] : memref<512x128xf32, #tpu.memory_space<vmem>>, vector<512x128xf32>
    tpu.vector_store %arg15[%swap3A, %swap3A_166], %select_n3A_165 {strides = array<i32>} : memref<512x128xf32, #tpu.memory_space<vmem>>, vector<512x128xf32>,
    return
  }
  func.func @transform_0(%arg0: i32) -> (i32, i32) {
    %c0_i32 = arith.constant 0 : i32
    %c0_i32_0 = arith.constant 0 : i32
    return %arg0, %c0_i32 : i32, i32
  }
  func.func @transform_1(%arg0: i32) -> (i32, i32) {
    %c0_i32 = arith.constant 0 : i32
    %c0_i32_0 = arith.constant 0 : i32
    return %arg0, %c0_i32 : i32, i32
  }
  func.func @transform_2(%arg0: i32) -> (i32, i32) {
    %c0_i32 = arith.constant 0 : i32
    %c0_i32_0 = arith.constant 0 : i32
    return %arg0, %c0_i32 : i32, i32
  }
  func.func @transform_3(%arg0: i32) -> i32 {
    %c0_i32 = arith.constant 0 : i32
    %c0_i32_0 = arith.constant 0 : i32
    return %c0_i32 : i32
  }
  func.func @transform_4(%arg0: i32) -> (i32, i32) {
    %c0_i32 = arith.constant 0 : i32
    %c0_i32_0 = arith.constant 0 : i32
    %c0_i32_1 = arith.constant 0 : i32
    return %c0_i32, %c0_i32_0 : i32, i32
  }
  func.func @transform_5(%arg0: i32) -> (i32, i32) {
    %c0_i32 = arith.constant 0 : i32
    %c0_i32_0 = arith.constant 0 : i32
    %c0_i32_1 = arith.constant 0 : i32
    return %c0_i32, %c0_i32_0 : i32, i32
  }
  func.func @transform_6(%arg0: i32) -> (i32, i32) {
    %c0_i32 = arith.constant 0 : i32
    %c0_i32_0 = arith.constant 0 : i32
    %c0_i32_1 = arith.constant 0 : i32
    return %c0_i32, %c0_i32_0 : i32, i32
  }
  func.func @transform_7(%arg0: i32) -> (i32, i32) {
    %c0_i32 = arith.constant 0 : i32
    %c0_i32_0 = arith.constant 0 : i32
    %c0_i32_1 = arith.constant 0 : i32
    return %c0_i32, %c0_i32_0 : i32, i32
  }
  func.func @transform_8(%arg0: i32) -> (i32, i32) {
    %c0_i32 = arith.constant 0 : i32
    %c0_i32_0 = arith.constant 0 : i32
    %c0_i32_1 = arith.constant 0 : i32
    return %c0_i32, %c0_i32_0 : i32, i32
  }
  func.func @transform_9(%arg0: i32) -> (i32, i32) {
    %c0_i32 = arith.constant 0 : i32
    %c0_i32_0 = arith.constant 0 : i32
    %c0_i32_1 = arith.constant 0 : i32
    return %c0_i32, %c0_i32_0 : i32, i32
  }
  func.func @transform_10(%arg0: i32) -> (i32, i32) {
    %c0_i32 = arith.constant 0 : i32
    %c0_i32_0 = arith.constant 0 : i32
    %c0_i32_1 = arith.constant 0 : i32
    return %c0_i32, %c0_i32_0 : i32, i32
  }
  func.func @transform_11(%arg0: i32) -> (i32, i32) {
    %c0_i32 = arith.constant 0 : i32
    %c0_i32_0 = arith.constant 0 : i32
    %c0_i32_1 = arith.constant 0 : i32
    return %c0_i32, %c0_i32_0 : i32, i32
  }
  func.func @transform_12(%arg0: i32) -> (i32, i32) {
    %c0_i32 = arith.constant 0 : i32
    %c0_i32_0 = arith.constant 0 : i32
    %c0_i32_1 = arith.constant 0 : i32
    return %c0_i32, %c0_i32_0 : i32, i32
  }
  func.func @transform_13(%arg0: i32) -> (i32, i32) {
    %c0_i32 = arith.constant 0 : i32
    %c0_i32_0 = arith.constant 0 : i32
    %c0_i32_1 = arith.constant 0 : i32
    return %c0_i32, %c0_i32_0 : i32, i32
  }
  func.func @transform_14(%arg0: i32) -> (i32, i32) {
    %c0_i32 = arith.constant 0 : i32
    %c0_i32_0 = arith.constant 0 : i32
    return %arg0, %c0_i32 : i32, i32
  }
}

module attributes {stable_mosaic.version = 14 : i64} {
  func.func @_readout_body(%arg0: i32, %arg1: memref<200x128xf32, #tpu.memory_space<vmem>>, %arg2: memref<200x128xf32, #tpu.memory_space<vmem>>, %arg3: memref<128x128xf32, #tpu.memory_space<vmem>>, %arg4: memref<1x128xf32, #tpu.memory_space<vmem>>, %arg5: memref<128x128xf32, #tpu.memory_space<vmem>>, %arg6: memref<1x128xf32, #tpu.memory_space<vmem>>, %arg7: memref<128x2xf32, #tpu.memory_space<vmem>>, %arg8: memref<1x2xf32, #tpu.memory_space<vmem>>, %arg9: memref<200x2xf32, #tpu.memory_space<vmem>>) attributes {dimension_semantics = [#tpu.dimension_semantics<arbitrary>], iteration_bounds = array<i64: 50>, scalar_prefetch = 0 : i64, scratch_operands = 0 : i64, tpu.core_type = #tpu.core_type<tc>, window_params = [{transform_indices = @transform_0, window_bounds = array<i64: 200, 128>}, {transform_indices = @transform_1, window_bounds = array<i64: 200, 128>}, {pipeline_mode = #tpu.pipeline_mode<synchronous>, transform_indices = @transform_2, window_bounds = array<i64: 128, 128>}, {pipeline_mode = #tpu.pipeline_mode<synchronous>, transform_indices = @transform_3, window_bounds = array<i64: 1, 128>}, {pipeline_mode = #tpu.pipeline_mode<synchronous>, transform_indices = @transform_4, window_bounds = array<i64: 128, 128>}, {pipeline_mode = #tpu.pipeline_mode<synchronous>, transform_indices = @transform_5, window_bounds = array<i64: 1, 128>}, {pipeline_mode = #tpu.pipeline_mode<synchronous>, transform_indices = @transform_6, window_bounds = array<i64: 128, 2>}, {pipeline_mode = #tpu.pipeline_mode<synchronous>, transform_indices = @transform_7, window_bounds = array<i64: 1, 2>}, {transform_indices = @transform_8, window_bounds = array<i64: 200, 2>}]} {
    %get3A = arith.constant 0 : index
    %get3A_0 = arith.constant 0 : index
    %get3A_1 = vector.load %arg1[%get3A, %get3A_0] : memref<200x128xf32, #tpu.memory_space<vmem>>, vector<200x128xf32>
    %get3A_2 = arith.constant 0 : index
    %get3A_3 = arith.constant 0 : index
    %get3A_4 = vector.load %arg2[%get3A_2, %get3A_3] : memref<200x128xf32, #tpu.memory_space<vmem>>, vector<200x128xf32>
    %add3A = arith.addf %get3A_1, %get3A_4 : vector<200x128xf32>
    %get3A_5 = arith.constant 0 : index
    %get3A_6 = arith.constant 0 : index
    %get3A_7 = vector.load %arg3[%get3A_5, %get3A_6] : memref<128x128xf32, #tpu.memory_space<vmem>>, vector<128x128xf32>
    %convert_element_type3A = arith.truncf %add3A : vector<200x128xf32> to vector<200x128xbf16>
    %convert_element_type3A_8 = arith.truncf %get3A_7 : vector<128x128xf32> to vector<128x128xbf16>
    %dot_general3A = arith.constant dense<0.000000e+00> : vector<200x128xf32>
    %dot_general3A_9 = tpu.matmul %convert_element_type3A, %convert_element_type3A_8, %dot_general3A {dimension_numbers = #tpu.dot_dimension_numbers<[1], [0], [0], [1], [0, 0, 1, 1], [], []>, transpose_lhs_hint = false} : vector<200x128xbf16>, vector<128x128xbf16>, vector<200x128xf32> -> vector<200x128xf32>
    %get3A_10 = arith.constant 0 : index
    %get3A_11 = arith.constant 0 : index
    %get3A_12 = vector.load %arg4[%get3A_10, %get3A_11] : memref<1x128xf32, #tpu.memory_space<vmem>>, vector<1x128xf32>
    %add3A_13 = vector.broadcast %get3A_12 : vector<1x128xf32> to vector<200x128xf32>
    %add3A_14 = arith.addf %dot_general3A_9, %add3A_13 : vector<200x128xf32>
    %max3A = arith.constant 0.000000e+00 : f32
    %max3A_15 = vector.broadcast %max3A : f32 to vector<200x128xf32>
    %max3A_16 = arith.maximumf %add3A_14, %max3A_15 : vector<200x128xf32>
    %get3A_17 = arith.constant 0 : index
    %get3A_18 = arith.constant 0 : index
    %get3A_19 = vector.load %arg5[%get3A_17, %get3A_18] : memref<128x128xf32, #tpu.memory_space<vmem>>, vector<128x128xf32>
    %convert_element_type3A_20 = arith.truncf %max3A_16 : vector<200x128xf32> to vector<200x128xbf16>
    %convert_element_type3A_21 = arith.truncf %get3A_19 : vector<128x128xf32> to vector<128x128xbf16>
    %dot_general3A_22 = arith.constant dense<0.000000e+00> : vector<200x128xf32>
    %dot_general3A_23 = tpu.matmul %convert_element_type3A_20, %convert_element_type3A_21, %dot_general3A_22 {dimension_numbers = #tpu.dot_dimension_numbers<[1], [0], [0], [1], [0, 0, 1, 1], [], []>, transpose_lhs_hint = false} : vector<200x128xbf16>, vector<128x128xbf16>, vector<200x128xf32> -> vector<200x128xf32>
    %get3A_24 = arith.constant 0 : index
    %get3A_25 = arith.constant 0 : index
    %get3A_26 = vector.load %arg6[%get3A_24, %get3A_25] : memref<1x128xf32, #tpu.memory_space<vmem>>, vector<1x128xf32>
    %add3A_27 = vector.broadcast %get3A_26 : vector<1x128xf32> to vector<200x128xf32>
    %add3A_28 = arith.addf %dot_general3A_23, %add3A_27 : vector<200x128xf32>
    %max3A_29 = arith.constant 0.000000e+00 : f32
    %max3A_30 = vector.broadcast %max3A_29 : f32 to vector<200x128xf32>
    %max3A_31 = arith.maximumf %add3A_28, %max3A_30 : vector<200x128xf32>
    %get3A_32 = arith.constant 0 : index
    %get3A_33 = arith.constant 0 : index
    %get3A_34 = vector.load %arg7[%get3A_32, %get3A_33] : memref<128x2xf32, #tpu.memory_space<vmem>>, vector<128x2xf32>
    %convert_element_type3A_35 = arith.truncf %max3A_31 : vector<200x128xf32> to vector<200x128xbf16>
    %convert_element_type3A_36 = arith.truncf %get3A_34 : vector<128x2xf32> to vector<128x2xbf16>
    %dot_general3A_37 = arith.constant dense<0.000000e+00> : vector<200x2xf32>
    %dot_general3A_38 = tpu.matmul %convert_element_type3A_35, %convert_element_type3A_36, %dot_general3A_37 {dimension_numbers = #tpu.dot_dimension_numbers<[1], [0], [0], [1], [0, 0, 1, 1], [], []>, transpose_lhs_hint = false} : vector<200x128xbf16>, vector<128x2xbf16>, vector<200x2xf32> -> vector<200x2xf32>
    %get3A_39 = arith.constant 0 : index
    %get3A_40 = arith.constant 0 : index
    %get3A_41 = vector.load %arg8[%get3A_39, %get3A_40] : memref<1x2xf32, #tpu.memory_space<vmem>>, vector<1x2xf32>
    %add3A_42 = vector.broadcast %get3A_41 : vector<1x2xf32> to vector<200x2xf32>
    %add3A_43 = arith.addf %dot_general3A_38, %add3A_42 : vector<200x2xf32>
    %reduce_max3A = arith.constant dense<0xFF800000> : vector<200xf32>
    %reduce_max3A_44 = vector.multi_reduction <maximumf>, %add3A_43, %reduce_max3A [1] : vector<200x2xf32> to vector<200xf32>
    %broadcast_in_dim3A = vector.shape_cast %reduce_max3A_44 : vector<200xf32> to vector<200x1xf32>
    %sub3A = vector.broadcast %broadcast_in_dim3A : vector<200x1xf32> to vector<200x2xf32>
    %sub3A_45 = arith.subf %add3A_43, %sub3A : vector<200x2xf32>
    %exp3A = math.exp %sub3A_45 : vector<200x2xf32>
    %reduce_sum3A = arith.constant dense<0.000000e+00> : vector<200xf32>
    %reduce_sum3A_46 = vector.multi_reduction <add>, %exp3A, %reduce_sum3A [1] : vector<200x2xf32> to vector<200xf32>
    %broadcast_in_dim3A_47 = vector.shape_cast %reduce_sum3A_46 : vector<200xf32> to vector<200x1xf32>
    %div3A = vector.broadcast %broadcast_in_dim3A_47 : vector<200x1xf32> to vector<200x2xf32>
    %div3A_48 = arith.divf %exp3A, %div3A : vector<200x2xf32>
    %swap3A = arith.constant 0 : index
    %swap3A_49 = arith.constant 0 : index
    %swap3A_50 = vector.load %arg9[%swap3A, %swap3A_49] : memref<200x2xf32, #tpu.memory_space<vmem>>, vector<200x2xf32>
    tpu.vector_store %arg9[%swap3A, %swap3A_49], %div3A_48 {strides = array<i32>} : memref<200x2xf32, #tpu.memory_space<vmem>>, vector<200x2xf32>,
    return
  }
  func.func @transform_0(%arg0: i32) -> (i32, i32) {
    %c0_i32 = arith.constant 0 : i32
    %c0_i32_0 = arith.constant 0 : i32
    return %arg0, %c0_i32 : i32, i32
  }
  func.func @transform_1(%arg0: i32) -> (i32, i32) {
    %c0_i32 = arith.constant 0 : i32
    %c0_i32_0 = arith.constant 0 : i32
    return %arg0, %c0_i32 : i32, i32
  }
  func.func @transform_2(%arg0: i32) -> (i32, i32) {
    %c0_i32 = arith.constant 0 : i32
    %c0_i32_0 = arith.constant 0 : i32
    %c0_i32_1 = arith.constant 0 : i32
    return %c0_i32, %c0_i32_0 : i32, i32
  }
  func.func @transform_3(%arg0: i32) -> (i32, i32) {
    %c0_i32 = arith.constant 0 : i32
    %c0_i32_0 = arith.constant 0 : i32
    %c0_i32_1 = arith.constant 0 : i32
    return %c0_i32, %c0_i32_0 : i32, i32
  }
  func.func @transform_4(%arg0: i32) -> (i32, i32) {
    %c0_i32 = arith.constant 0 : i32
    %c0_i32_0 = arith.constant 0 : i32
    %c0_i32_1 = arith.constant 0 : i32
    return %c0_i32, %c0_i32_0 : i32, i32
  }
  func.func @transform_5(%arg0: i32) -> (i32, i32) {
    %c0_i32 = arith.constant 0 : i32
    %c0_i32_0 = arith.constant 0 : i32
    %c0_i32_1 = arith.constant 0 : i32
    return %c0_i32, %c0_i32_0 : i32, i32
  }
  func.func @transform_6(%arg0: i32) -> (i32, i32) {
    %c0_i32 = arith.constant 0 : i32
    %c0_i32_0 = arith.constant 0 : i32
    %c0_i32_1 = arith.constant 0 : i32
    return %c0_i32, %c0_i32_0 : i32, i32
  }
  func.func @transform_7(%arg0: i32) -> (i32, i32) {
    %c0_i32 = arith.constant 0 : i32
    %c0_i32_0 = arith.constant 0 : i32
    %c0_i32_1 = arith.constant 0 : i32
    return %c0_i32, %c0_i32_0 : i32, i32
  }
  func.func @transform_8(%arg0: i32) -> (i32, i32) {
    %c0_i32 = arith.constant 0 : i32
    %c0_i32_0 = arith.constant 0 : i32
    return %arg0, %c0_i32 : i32, i32
  }
}

</mosaic_0001>

<sc_bundles>
// kernel: kernel.12.cloned.1.call-start
scs
__scs_entry_jumppad:
0x0: {  	(pc) =	sbr.rel $0x88, $3  }
0x1: {  	(tag) =	ssettag $0x0;
	lr =	simm.s32 $0x1  }
0x2: {  	[smem:$0x3F8F] =	sst lr;
	_ =	strace $0xD0000000  }
0x3: {  	_ = 	snop  }
0x4: {  	_ = 	snop  }
0x5: {  	_ = 	snop  }
0x6: {  	_ = 	snop  }
0x7: {  	_ = 	snop  }
__scs_overlays_trampoline_lowered:
0x8: {  	[smem:$0x3F9E] =	sst s0  }
0x9: {  	[smem:$0x3F9F] =	sst s1  }
0xa: {  	[smem:$0x3FA0] =	sst s2  }
0xb: {  	[smem:$0x3FA1] =	sst s3  }
0xc: {  	[smem:$0x3FA2] =	sst s4  }
0xd: {  	[smem:$0x3FA3] =	sst s5  }
0xe: {  	[smem:$0x3FA4] =	sst s6  }
0xf: {  	[smem:$0x3FA5] =	sst s7  }
0x10: {  	[smem:$0x3FA6] =	sst s8  }
0x11: {  	[smem:$0x3FA7] =	sst s9;
	s0 =	simm.s32 @!p0 $0x0  }
0x12: {  	s1 =	sld [smem:$0x3F8D];
	s0 =	simm.s32 @p0 $0x1  }
0x13: {  	[smem:$0x3FA8] =	sst s0;
	s0 =	simm.s32 @!p1 $0x0  }
0x14: {  	s2 =	sld [smem:$0x3F8C];
	s0 =	simm.s32 @p1 $0x1  }
0x15: {  	[smem:$0x3FA9] =	sst s0;
	s0 =	simm.s32 @!p2 $0x0  }
0x16: {  	s3 =	sld [smem:$0x3FDB];
	s0 =	simm.s32 @p2 $0x1  }
0x17: {  	s4 =	simm.s32 $0x1BF5;
	[smem:$0x3FAB] =	sst s0  }
0x18: {  	s0 =	sld [smem:$0x3F8E];
	_ =	swait.ge [sflag:s4], $0x0  }
0x19: {  	s7 =	sld [smem:$0x3F8F]  }
0x1a: {  	s8 =	sadd.s32 $0xFFFFE003, lr  }
0x1b: {  	s9 =	sadd.s32 $0xFFFFFEF7, lr;
	s5 =	simm.s32 $0xFFFFFFFF;
	p2 =	slt.u32 s8, $0xFFFFF086  }
0x1c: {  	p1 =	slt.u32 s9, $0xF7A;
	s5 =	simm.s32 @!p2 $0x0  }
0x1d: {  	s5 =	simm.s32 @p1 $0x1;
	p0 =	seq.s32 s7, s2  }
0x1e: {  	s7 =	smul.u32 @!p0 $0xF7A, s2;
	p2 =	seq.s32 @!p0 s5, $0x0  }
0x1f: {  	s9 =	smul.u32 $0xF7A, s1;
	s8 =	simm.s32 @!p0 $0x1BF5;
	p2 =	por !p2, p0  }
0x20: {  	[sflag:s8] =	ssyncset.s32 @!p0 $0xFFFFF086;
	s6 =	sadd.s32 @!p0 s3, s7;
	s7 =	simm.s32 @!p0 $0x108  }
0x21: {  	s3 =	sadd.s32 s3, s9;
	s6 =	sadd.s32 @!p0 $0x88, s6;
	s7 =	simm.s32 @p2 $0x1082  }
0x22: {  	[simem:s7], [sflag:s8] =	dma.local @!p0 [hbm:s6], $0xF7A  }
0x23: {  	s9 =	sor.u32 $0xD0000000, s2;
	s6 =	simm.s32 $0x108;
	_ =	swait.ge @!p0 [sflag:s8], $0x0  }
0x24: {  	s3 =	sadd.s32 $0x88, s3;
	s6 =	simm.s32 @!p1 $0x1082;
	[sflag:s4] =	ssyncset.s32 $0xFFFFF086  }
0x25: {  	[simem:s6], [sflag:s4] =	dma.local [hbm:s3], $0xF7A  }
0x26: {  	[smem:$0x3F8F] =	sst s1;
	(tag) =	ssettag s2;
	_ =	strace s9  }
0x27: {  	s1 =	sld [smem:$0x3F9F]  }
0x28: {  	s2 =	sld [smem:$0x3FA0]  }
0x29: {  	s4 =	sld [smem:$0x3FA2]  }
0x2a: {  	p0 =	seq.s32 s5, $0x0;
	s5 =	sld [smem:$0x3FA3]  }
0x2b: {  	s6 =	sld [smem:$0x3FA4]  }
0x2c: {  	s7 =	sld [smem:$0x3FA5]  }
0x2d: {  	s3 =	simm.s32 $0x108;
	s8 =	sld [smem:$0x3FA6]  }
0x2e: {  	s3 =	simm.s32 @!p0 $0x1082;
	s9 =	sld [smem:$0x3FA7]  }
0x2f: {  	lr =	sadd.s32 s0, s3;
	s0 =	sld [smem:$0x3F9E]  }
0x30: {  	s3 =	sld [smem:$0x3FA1]  }
0x31: {  	[smem:$0x3FAA] =	sst s10  }
0x32: {  	s10 =	sld [smem:$0x3FA8];
	_ =	sdelay $0x3  }
0x33: {  	p0 =	seq.s32 s10, $0x1;
	s10 =	sld [smem:$0x3FAA];
	_ =	sdelay $0x3  }
0x34: {  	[smem:$0x3FAA] =	sst s10  }
0x35: {  	s10 =	sld [smem:$0x3FA9];
	_ =	sdelay $0x3  }
0x36: {  	p1 =	seq.s32 s10, $0x1;
	s10 =	sld [smem:$0x3FAA];
	_ =	sdelay $0x3  }
0x37: {  	[smem:$0x3FAA] =	sst s10  }
0x38: {  	s10 =	sld [smem:$0x3FAB]  }
0x39: {  	_ = 	snop;
	(pc) =	sbr.ind lr, $3  }
0x3a: {  	_ = 	snop  }
0x3b: {  	_ = 	snop  }
0x3c: {  	p2 =	seq.s32 s10, $0x1;
	s10 =	sld [smem:$0x3FAA]  }
0x3d: {  	_ =	shalt  }
0x3e: {  	_ =	shalt  }
0x3f: {  	_ =	shalt  }
0x40: {  	_ =	shalt  }
0x41: {  	_ =	shalt  }
0x42: {  	_ =	shalt  }
0x43: {  	_ =	shalt  }
0x44: {  	_ =	shalt  }
0x45: {  	_ =	shalt  }
0x46: {  	_ =	shalt  }
0x47: {  	_ =	shalt  }
0x48: {  	_ =	shalt  }
0x49: {  	_ =	shalt  }
0x4a: {  	_ =	shalt  }
0x4b: {  	_ =	shalt  }
0x4c: {  	_ =	shalt  }
0x4d: {  	_ =	shalt  }
0x4e: {  	_ =	shalt  }
0x4f: {  	_ =	shalt  }
0x50: {  	_ =	shalt  }
0x51: {  	_ =	shalt  }
0x52: {  	_ =	shalt  }
0x53: {  	_ =	shalt  }
0x54: {  	_ =	shalt  }
0x55: {  	_ =	shalt  }
0x56: {  	_ =	shalt  }
0x57: {  	_ =	shalt  }
0x58: {  	_ =	shalt  }
0x59: {  	_ =	shalt  }
0x5a: {  	_ =	shalt  }
0x5b: {  	_ =	shalt  }
0x5c: {  	_ =	shalt  }
0x5d: {  	_ =	shalt  }
0x5e: {  	_ =	shalt  }
0x5f: {  	_ =	shalt  }
0x60: {  	_ =	shalt  }
0x61: {  	_ =	shalt  }
0x62: {  	_ =	shalt  }
0x63: {  	_ =	shalt  }
0x64: {  	_ =	shalt  }
0x65: {  	_ =	shalt  }
0x66: {  	_ =	shalt  }
0x67: {  	_ =	shalt  }
0x68: {  	_ =	shalt  }
0x69: {  	_ =	shalt  }
0x6a: {  	_ =	shalt  }
0x6b: {  	_ =	shalt  }
0x6c: {  	_ =	shalt  }
0x6d: {  	_ =	shalt  }
0x6e: {  	_ =	shalt  }
0x6f: {  	_ =	shalt  }
0x70: {  	_ =	shalt  }
0x71: {  	_ =	shalt  }
0x72: {  	_ =	shalt  }
0x73: {  	_ =	shalt  }
0x74: {  	_ =	shalt  }
0x75: {  	_ =	shalt  }
0x76: {  	_ =	shalt  }
0x77: {  	_ =	shalt  }
0x78: {  	_ =	shalt  }
0x79: {  	_ =	shalt  }
0x7a: {  	_ =	shalt  }
0x7b: {  	_ =	shalt  }
0x7c: {  	_ =	shalt  }
0x7d: {  	_ =	shalt  }
0x7e: {  	_ =	shalt  }
0x7f: {  	_ =	shalt  }
0x80: {  	_ =	shalt  }
0x81: {  	_ =	shalt  }
0x82: {  	_ =	shalt  }
0x83: {  	_ =	shalt  }
0x84: {  	_ =	shalt  }
0x85: {  	_ =	shalt  }
0x86: {  	_ =	shalt  }
0x87: {  	_ =	shalt  }
.Lfunc_end0:
.L_simem_size_0:
called_computation.1_lowered:
.L_overlay_start_0:
0x88: {  	s2 =	sld [smem:$0x3FD9]  }
0x89: {  	s3 =	sld [smem:$0x3FFE];
	_ =	sdelay $0x1  }
0x8a: {  	s1 =	srdreg.scid  }
0x8b: {  	s0 =	sand.u32 $0x1, s1  }
0x8c: {  	s17 =	sshll.u32 s0, $0xA;
	s2 =	sadd.s32 s3, s2  }
0x8d: {  	s2 =	sadd.s32 s2, s17  }
0x8e: {  	[smem:$0x3FB6] =	sst s2  }
0x8f: {  	_ = 	snop  }
0x90: {  	s2 =	sld [smem:$0x3FD0];
	(tm) =	ssettm $0x1  }
0x91: {  	s18 =	sld [smem:$0x3FFB];
	_ =	sdelay $0x3  }
0x92: {  	_ =	strace s18  }
0x93: {  	s3 =	sld [smem:$0x3FFC];
	_ =	sdelay $0x3  }
0x94: {  	_ =	strace s3  }
0x95: {  	s3 =	sld [smem:$0x3FFD];
	_ =	sdelay $0x3  }
0x96: {  	_ =	strace s3  }
0x97: {  	_ =	strace $0x8FFFFFFF  }
0x98: {  	s19 =	sld [smem:$0x3FDB];
	_ =	sdelay $0x1  }
0x99: {  	s4 =	simm.s32 $_scs_section_size  }
0x9a: {  	s5 =	simm.s32 $_size__tile_overlayer_lowered;
	s6 =	simm.s32 $_tile_overlayer_lowered  }
0x9b: {  	s22 =	simm.s32 $0x1BFF;
	s21 =	sshll.u32 s6, $0x1;
	s3 =	sadd.s32 s4, s19  }
0x9c: {  	s7 =	simm.s32 $0x0;
	s20 =	sshll.u32 s5, $0x1;
	s5 =	sadd.s32 s21, s3  }
0x9d: {  	[timem:s7], [sflag:s22] =	dma.local [hbm:s5], s20  }
0x9e: {  	_ =	swait.ge [sflag:s22], s20  }
0x9f: {  	s4 =	ssub.s32 $0x0, s20;
	[sflag:s22] =	ssyncset.done $0x0  }
0xa0: {  	[sflag:s22] =	ssyncadd.s32 s4;
	_ =	sdelay $0x1  }
0xa1: {  	s23 =	simm.s32 $0x1B8B  }
0xa2: {  	_ =	swait.ge [sflag:s23], $0x1  }
0xa3: {  	[sflag:s23] =	ssyncset.done $0x0  }
0xa4: {  	s25 =	simm.s32 $0x1B8E;
	s24 =	sld [smem:$0x3FFE];
	[sflag:s23] =	ssyncadd.s32 $0xFFFFFFFF  }
0xa5: {  	s26 =	simm.s32 $execute0_lowered;
	[smem:$0x3FD2] =	sst s25  }
0xa6: {  	s5 =	sshll.u32 s26, $0x1;
	_ =	strace $0x80000049;
	[dreg:$0x1] =	wrdreg $0xFFFFFFFF  }
0xa7: {  	s28 =	simm.s32 $_size_execute0_lowered;
	s3 =	sadd.s32 s3, s5;
	[dreg:$0x0] =	wrdreg $0x0  }
0xa8: {  	s5 =	sshll.u32 s28, $0x1;
	[dreg:$0x2] =	wrdreg s3  }
0xa9: {  	[dreg:$0x3] =	wrdreg s5  }
0xaa: {  	[dreg:$0x4] =	wrdreg $0xC0  }
0xab: {  	_ =	task [dreg:s7], $0x5FFFF  }
0xac: {  	[dreg:$0x1] =	wrdreg $0xFFFFFFFF  }
0xad: {  	[dreg:$0x0] =	wrdreg $0x60  }
0xae: {  	[dreg:$0x2] =	wrdreg s24  }
0xaf: {  	[dreg:$0x3] =	wrdreg s2  }
0xb0: {  	[dreg:$0x4] =	wrdreg $0x9  }
0xb1: {  	_ =	task.clear_ibuf [dreg:s7], $0x5FFFF;
	_ =	strace $0x90000049  }
0xb2: {  	s29 =	simm.s32 $0x9;
	_ =	strace $0x8000004B  }
0xb3: {  	_ =	swait.ge [sflag:s29], $0x1  }
0xb4: {  	[sflag:s29] =	ssyncadd.s32 $0xFFFFFFFF  }
0xb5: {  	_ =	strace $0x9000004B  }
0xb6: {  	_ =	sfence  }
0xb7: {  	s30 =	sld [smem:$0x0];
	_ =	sdelay $0x2  }
0xb8: {  	s31 =	sshll.u32 s1, $0xD;
	s1 =	sshrl.u32 s1, $0x2  }
0xb9: {  	s3 =	sand.u32 $0x4000, s31;
	s1 =	sadd.s32 s1, s30  }
0xba: {  	s0 =	sor.u32 s3, s0;
	s1 =	sshll.u32 s1, $0x11  }
0xbb: {  	s0 =	sor.u32 s1, s0  }
0xbc: {  	s0 =	sadd.s32 $0x8F2B, s0  }
0xbd: {  	[sflag:s0] =	ssyncadd.remote.s32 $0x1  }
0xbe: {  	_ =	sfence.sel $0xFFFF  }
0xbf: {  	[dreg:$0x0] =	wrdreg $0xFFFFFFFF;
	(pc) =	sbr.abs _section_cstart, $3  }
0xc0: {  	[dreg:$0x1] =	wrdreg $0xFFFFFFFF  }
0xc1: {  	_ =	task.clear_ibuf [dreg:s7], $0x2FFFF;
	_ =	strace $0x9FFFFFFF  }
0xc2: {  	(tm) =	ssettm $0x7FFFFFFF  }
0xc3: {  	_ =	shalt  }
tec
execute0_lowered:
.L_overlay_start_1:
0x0: {  	(tag) =	ssettag $0x1  }
0x1: {  	s6 =	rddreg [dreg:$0x0]  }
0x2: {  	s1 =	rddreg [dreg:$0x1];
	s3 =	simm.s32 $0x0;
	s2 =	stileid.u32  }
0x3: {  	s4 =	srdreg.scid;
	s14 =	simm.s32 $0x80;
	s15 =	simm.s32 $0x280  }
0x4: {  	s16 =	simm.s32 $0x380;
	s17 =	simm.s32 $0x300;
	s18 =	simm.s32 $0x400  }
0x5: {  	s19 =	simm.s32 $0x1;
	s20 =	simm.s32 $0x2;
	s21 =	simm.s32 $0x3  }
0x6: {  	s22 =	simm.s32 $0x480;
	[smem:$0x7FF] =	sst s3;
	s5 =	sadd.s32 $0xBEFC00, s6  }
0x7: {  	s7 =	sand.u32 $0x1, s4;
	s8 =	smul.u32 $0x2800, s2;
	s23 =	sadd.s32 $0xC9DE00, s6  }
0x8: {  	s25 =	sadd.s32 $0xD4C000, s6;
	_ =	strace $0x8000004A;
	[dreg:$0x3] =	wrdreg s5  }
0x9: {  	s9 =	smul.u32 $0x28000, s2;
	s4 =	sadd.s32 $0xDFA200, s6;
	[dreg:$0x4] =	wrdreg s23  }
0xa: {  	s30 =	sshll.u32 s2, $0x1;
	s24 =	smul.u32 $0x1400, s7;
	[dreg:$0x5] =	wrdreg s25  }
0xb: {  	s10 =	ssub.s32 $0x2, s7;
	s12 =	smul.u32 $0x14000, s7;
	s13 =	sor.u32 s7, s30  }
0xc: {  	s23 =	simm.s32 $0x4480;
	s26 =	sadd.s32 s9, s6;
	s29 =	sshrl.u32 s10, $0x1  }
0xd: {  	p0 =	sne.s32 s13, $0x0;
	s13 =	simm.s32 $0x200;
	s5 =	sadd.s32 s24, s8  }
0xe: {  	v0 =	vlaneseq.u32;
	s9 =	ssub.s32 s10, s29;
	s31 =	sadd.s32 s12, s26;
	s12 =	simm.s32 $0x4  }
0xf: {  	v1 =	vmul.u32 $0x10, v0;
	s24 =	simm.s32 $0x0;
	s28 =	sshrl.u32 s5, $0x3;
	s7 =	smax.u32 s9, $0x1  }
0x10: {  	s8 =	sadd.s32 $0x9000, s31;
	s9 =	sadd.s32 $0x289000, s31;
	s11 =	sadd.s32 s28, s6  }
0x11: {  	v3 =	vimm.s32 $0x0;
	v2 =	vor.u32 $0x100, v1;
	vm0 =	vcmask @!p0 $0x300;
	s6 =	sadd.s32 $0x8E00, s6;
	s10 =	sadd.s32 $0x509000, s11;
	s11 =	sadd.s32 $0x3E00, s11  }
.LBB2_1:
0x12: {  	[tilespmem:s3], [sflag:$0x4] =	stream.linear.gather [hbm4b:s1+s3], $0x200, $0x38;
	[tilespmem:$0x8500] =	vst v63  }
0x13: {  	_ =	swait.ge [sflag:s12], $0x200  }
0x14: {  	[sflag:s12] =	ssyncset.done $0x0  }
0x15: {  	[sflag:s12] =	ssyncadd.s32 $0xFFFFFE00  }
0x16: {  	v4 =	vld.idx.msk [tilespmem:v1+s3+$0x0], $0xffff;
	_ =	sdelay $0x4  }
0x17: {  	(xrf0) =	vadd.scan.msk.s32 $0xffff, v4;
	_ =	sdelay $0x3  }
0x18: {  	v16 =	vld.idx.msk [tilespmem:v2+s3+$0x0], $0xffff;
	_ =	sdelay $0x1  }
0x19: {  	v5, _, _ =	vpop (xrf0)  }
0x1a: {  	v6 =	vxor.u32 $0x80000000, v5  }
0x1b: {  	(xrf0) =	vmax.scan.msk.u32 $0xffff, v6  }
0x1c: {  	(xrf0) =	vadd.scan.msk.s32 $0xffff, v16;
	_ =	sdelay $0x4  }
0x1d: {  	v6, _, _ =	vpop (xrf0)  }
0x1e: {  	v17, _, _ =	vpop (xrf0)  }
0x1f: {  	v7 =	vxor.u32 $0x80000000, v17  }
0x20: {  	(xrf0) =	vmax.scan.msk.u32 $0xffff, v7;
	_ =	sdelay $0x5  }
0x21: {  	(v2sf) =	vpush v6, $0xF;
	v6, _, _ =	vpop (xrf0)  }
0x22: {  	(v2sf) =	vpush v6, $0xF;
	_ =	sdelay $0x8  }
0x23: {  	v20 =	vsub.s32 v5, v4  }
0x24: {  	v4 =	vbroadcast v20, $0x0;
	v5 =	vbroadcast v20, $0x1  }
0x25: {  	v8 =	vbroadcast v20, $0x4;
	v9 =	vbroadcast v20, $0x5  }
0x26: {  	v10 =	vbroadcast v20, $0x6;
	v11 =	vbroadcast v20, $0x7  }
0x27: {  	v12 =	vbroadcast v20, $0x8;
	v13 =	vbroadcast v20, $0x9  }
0x28: {  	v14 =	vbroadcast v20, $0xA;
	v15 =	vbroadcast v20, $0xB;
	s25 =	spop (v2sf)  }
0x29: {  	v19 =	vbroadcast v20, $0xF;
	v18 =	vsub.s32 v17, v16;
	v16 =	vbroadcast v20, $0xC;
	s25 =	sxor.u32 $0x80000000, s25;
	s26 =	spop (v2sf)  }
0x2a: {  	v17 =	vbroadcast v20, $0xD;
	v7 =	vbroadcast v20, $0x3;
	s26 =	sadd.s32 s26, s25  }
0x2b: {  	v6 =	vbroadcast v20, $0x2;
	v35 =	vadd.s32 s25, v18;
	v18 =	vbroadcast v20, $0xE;
	s26 =	sadd.s32 $0x80000000, s26  }
0x2c: {  	[tilespmem:$0x200] =	vst v20;
	v20 =	vbroadcast v35, $0x0;
	v21 =	vbroadcast v35, $0x1;
	v22 =	vmov @!p0 s26  }
0x2d: {  	[tilespmem:$0x210] =	vst v35;
	v23 =	vbroadcast v35, $0x3;
	v25 =	vbroadcast v35, $0x5;
	v24 =	vnsel @!p0 vm0, $0x0, v22  }
0x2e: {  	s28 =	simm.s32 @!p0 $0x8480;
	v26 =	vbroadcast v35, $0x6;
	v27 =	vbroadcast v35, $0x7;
	s25 =	simm.s32 @!p0 $0x0;
	[tilespmem:$0x8480] =	vst @!p0 v24  }
0x2f: {  	v28 =	vbroadcast v35, $0x8;
	v29 =	vbroadcast v35, $0x9;
	[hbm4b:s6+s25] =	stream.linear.scatter @!p0 [tilespmem:s28], [sflag:$0x4], $0x80, $0x38;
	[tilespmem:$0x8500] =	vst v63  }
0x30: {  	v30 =	vbroadcast v35, $0xA;
	v31 =	vbroadcast v35, $0xB;
	s25 =	simm.s32 @!p0 $0x4  }
0x31: {  	s29 =	smov.u32 s8;
	v32 =	vbroadcast v35, $0xC;
	v33 =	vbroadcast v35, $0xD;
	_ =	swait.ge @!p0 [sflag:s25], $0x80  }
0x32: {  	s30 =	simm.s32 $0x0;
	v34 =	vbroadcast v35, $0xE;
	v36 =	vmov s26;
	s26 =	smov.u32 s10;
	v22 =	vbroadcast v35, $0x2;
	[sflag:s25] =	ssyncset.done @!p0 $0x0  }
0x33: {  	v24 =	vbroadcast v35, $0x4;
	v35 =	vbroadcast v35, $0xF;
	s28 =	smov.u32 s9;
	[sflag:s25] =	ssyncadd.s32 @!p0 $0xFFFFFF80;
	s25 =	smov.u32 s11  }
.LBB2_2:
0x34: {  	s31 =	sadd.s32 s30, s5  }
0x35: {  	v37 =	vor.u32 s31, v0  }
0x36: {  	s0 =	sadd.s32 $0x10, s31;
	vm1 =	vlt.s32 v37, v4;
	vm2 =	vge.s32 v37, v5  }
0x37: {  	v40 =	vor.u32 s0, v0;
	v38 =	vsel vm1, $0xFFFFFFFF, v3;
	v39 =	vsel vm2, $0x1, v3  }
0x38: {  	vm1 =	vge.s32 v37, v6;
	vm2 =	vge.s32 v40, v5;
	v38 =	vadd.s32 v39, v38  }
0x39: {  	v59 =	vsel vm1, $0x1, v3;
	vm1 =	vge.s32 v37, v7;
	v41 =	vsel vm2, $0x1, v3  }
0x3a: {  	v38 =	vadd.s32 v59, v38;
	v60 =	vsel vm1, $0x1, v3;
	vm1 =	vge.s32 v37, v8  }
0x3b: {  	v38 =	vadd.s32 v60, v38;
	v61 =	vsel vm1, $0x1, v3;
	vm1 =	vge.s32 v37, v9  }
0x3c: {  	v38 =	vadd.s32 v61, v38;
	v62 =	vsel vm1, $0x1, v3;
	vm1 =	vge.s32 v37, v10  }
0x3d: {  	v38 =	vadd.s32 v62, v38;
	v63 =	vsel vm1, $0x1, v3;
	vm1 =	vge.s32 v37, v11  }
0x3e: {  	v38 =	vadd.s32 v63, v38;
	v42 =	vsel vm1, $0x1, v3;
	vm1 =	vge.s32 v37, v12  }
0x3f: {  	v38 =	vadd.s32 v42, v38;
	v43 =	vsel vm1, $0x1, v3;
	vm1 =	vge.s32 v37, v13  }
0x40: {  	v38 =	vadd.s32 v43, v38;
	v44 =	vsel vm1, $0x1, v3;
	vm1 =	vge.s32 v37, v14  }
0x41: {  	v38 =	vadd.s32 v44, v38;
	v45 =	vsel vm1, $0x1, v3;
	vm1 =	vge.s32 v37, v15  }
0x42: {  	v38 =	vadd.s32 v45, v38;
	v46 =	vsel vm1, $0x1, v3;
	vm1 =	vge.s32 v37, v16  }
0x43: {  	v38 =	vadd.s32 v46, v38;
	v47 =	vsel vm1, $0x1, v3;
	vm1 =	vge.s32 v37, v17  }
0x44: {  	v38 =	vadd.s32 v47, v38;
	v48 =	vsel vm1, $0x1, v3;
	vm1 =	vge.s32 v37, v18  }
0x45: {  	v38 =	vadd.s32 v48, v38;
	v49 =	vsel vm1, $0x1, v3;
	vm1 =	vge.s32 v37, v19  }
0x46: {  	v38 =	vadd.s32 v49, v38;
	v50 =	vsel vm1, $0x1, v3;
	vm1 =	vge.s32 v37, v20  }
0x47: {  	v38 =	vadd.s32 v50, v38;
	v51 =	vsel vm1, $0x1, v3;
	vm1 =	vge.s32 v37, v21  }
0x48: {  	v38 =	vadd.s32 v51, v38;
	v52 =	vsel vm1, $0x1, v3;
	vm1 =	vge.s32 v37, v22  }
0x49: {  	v38 =	vadd.s32 v52, v38;
	v53 =	vsel vm1, $0x1, v3;
	vm1 =	vge.s32 v37, v23  }
0x4a: {  	v38 =	vadd.s32 v53, v38;
	v54 =	vsel vm1, $0x1, v3;
	vm1 =	vge.s32 v37, v24  }
0x4b: {  	v38 =	vadd.s32 v54, v38;
	v55 =	vsel vm1, $0x1, v3;
	vm1 =	vge.s32 v37, v25  }
0x4c: {  	v38 =	vadd.s32 v55, v38;
	v56 =	vsel vm1, $0x1, v3;
	vm1 =	vge.s32 v37, v26  }
0x4d: {  	v38 =	vadd.s32 v56, v38;
	v57 =	vsel vm1, $0x1, v3;
	vm1 =	vge.s32 v37, v27  }
0x4e: {  	v38 =	vadd.s32 v57, v38;
	v58 =	vsel vm1, $0x1, v3;
	vm1 =	vge.s32 v37, v28  }
0x4f: {  	v38 =	vadd.s32 v58, v38;
	v59 =	vsel vm1, $0x1, v3;
	vm1 =	vge.s32 v37, v29  }
0x50: {  	v38 =	vadd.s32 v59, v38;
	v60 =	vsel vm1, $0x1, v3;
	vm1 =	vge.s32 v37, v30  }
0x51: {  	v38 =	vadd.s32 v60, v38;
	v61 =	vsel vm1, $0x1, v3;
	vm1 =	vge.s32 v37, v31  }
0x52: {  	v38 =	vadd.s32 v61, v38;
	v62 =	vsel vm1, $0x1, v3;
	vm1 =	vge.s32 v37, v32  }
0x53: {  	v38 =	vadd.s32 v62, v38;
	v63 =	vsel vm1, $0x1, v3;
	vm1 =	vge.s32 v37, v33  }
0x54: {  	v38 =	vadd.s32 v63, v38;
	v42 =	vsel vm1, $0x1, v3;
	vm1 =	vge.s32 v37, v34  }
0x55: {  	v38 =	vadd.s32 v42, v38;
	v43 =	vsel vm1, $0x1, v3;
	vm1 =	vge.s32 v37, v35  }
0x56: {  	v38 =	vadd.s32 v43, v38;
	v44 =	vsel vm1, $0x1, v3;
	vm1 =	vlt.s32 v40, v4  }
0x57: {  	v38 =	vadd.s32 v44, v38;
	v45 =	vsel vm1, $0xFFFFFFFF, v3;
	vm1 =	vge.s32 v40, v6  }
0x58: {  	v39 =	vadd.s32 v41, v45;
	v46 =	vsel vm1, $0x1, v3;
	vm1 =	vge.s32 v40, v7  }
0x59: {  	v39 =	vadd.s32 v46, v39;
	v47 =	vsel vm1, $0x1, v3;
	vm1 =	vge.s32 v40, v8  }
0x5a: {  	v39 =	vadd.s32 v47, v39;
	v48 =	vsel vm1, $0x1, v3;
	vm1 =	vge.s32 v40, v9  }
0x5b: {  	v39 =	vadd.s32 v48, v39;
	v49 =	vsel vm1, $0x1, v3;
	vm1 =	vge.s32 v40, v10  }
0x5c: {  	v39 =	vadd.s32 v49, v39;
	v50 =	vsel vm1, $0x1, v3;
	vm1 =	vge.s32 v40, v11  }
0x5d: {  	v39 =	vadd.s32 v50, v39;
	v51 =	vsel vm1, $0x1, v3;
	vm1 =	vge.s32 v40, v12  }
0x5e: {  	v39 =	vadd.s32 v51, v39;
	v52 =	vsel vm1, $0x1, v3;
	vm1 =	vge.s32 v40, v13  }
0x5f: {  	v39 =	vadd.s32 v52, v39;
	v53 =	vsel vm1, $0x1, v3;
	vm1 =	vge.s32 v40, v14  }
0x60: {  	v39 =	vadd.s32 v53, v39;
	v54 =	vsel vm1, $0x1, v3;
	vm1 =	vge.s32 v40, v15  }
0x61: {  	v39 =	vadd.s32 v54, v39;
	v55 =	vsel vm1, $0x1, v3;
	vm1 =	vge.s32 v40, v16  }
0x62: {  	v39 =	vadd.s32 v55, v39;
	v56 =	vsel vm1, $0x1, v3;
	vm1 =	vge.s32 v40, v17  }
0x63: {  	v39 =	vadd.s32 v56, v39;
	v57 =	vsel vm1, $0x1, v3;
	vm1 =	vge.s32 v40, v18  }
0x64: {  	v39 =	vadd.s32 v57, v39;
	v58 =	vsel vm1, $0x1, v3;
	vm1 =	vge.s32 v40, v19  }
0x65: {  	v39 =	vadd.s32 v58, v39;
	v59 =	vsel vm1, $0x1, v3;
	vm1 =	vge.s32 v40, v20  }
0x66: {  	v39 =	vadd.s32 v59, v39;
	v60 =	vsel vm1, $0x1, v3;
	vm1 =	vge.s32 v40, v21  }
0x67: {  	v39 =	vadd.s32 v60, v39;
	v61 =	vsel vm1, $0x1, v3;
	vm1 =	vge.s32 v40, v22  }
0x68: {  	v39 =	vadd.s32 v61, v39;
	v62 =	vsel vm1, $0x1, v3;
	vm1 =	vge.s32 v40, v23  }
0x69: {  	v39 =	vadd.s32 v62, v39;
	v63 =	vsel vm1, $0x1, v3;
	vm1 =	vge.s32 v40, v24  }
0x6a: {  	v39 =	vadd.s32 v63, v39;
	v44 =	vsel vm1, $0x1, v3;
	vm1 =	vge.s32 v40, v25  }
0x6b: {  	v39 =	vadd.s32 v44, v39;
	v45 =	vsel vm1, $0x1, v3;
	vm1 =	vge.s32 v40, v26  }
0x6c: {  	v39 =	vadd.s32 v45, v39;
	v46 =	vsel vm1, $0x1, v3;
	vm1 =	vge.s32 v40, v27  }
0x6d: {  	v39 =	vadd.s32 v46, v39;
	v47 =	vsel vm1, $0x1, v3;
	vm1 =	vge.s32 v40, v28  }
0x6e: {  	v39 =	vadd.s32 v47, v39;
	v48 =	vsel vm1, $0x1, v3;
	vm1 =	vge.s32 v40, v29  }
0x6f: {  	v39 =	vadd.s32 v48, v39;
	v49 =	vsel vm1, $0x1, v3;
	vm1 =	vge.s32 v40, v30  }
0x70: {  	v39 =	vadd.s32 v49, v39;
	v50 =	vsel vm1, $0x1, v3;
	vm1 =	vge.s32 v40, v31  }
0x71: {  	v39 =	vadd.s32 v50, v39;
	v51 =	vsel vm1, $0x1, v3;
	vm1 =	vge.s32 v40, v32  }
0x72: {  	v39 =	vadd.s32 v51, v39;
	v52 =	vsel vm1, $0x1, v3;
	vm1 =	vge.s32 v40, v33  }
0x73: {  	v42 =	vld.idx.msk [tilespmem:v38+s13+$0x0], $0xffff;
	v39 =	vadd.s32 v52, v39;
	v53 =	vsel vm1, $0x1, v3;
	vm1 =	vge.s32 v40, v34  }
0x74: {  	v39 =	vadd.s32 v53, v39;
	v54 =	vsel vm1, $0x1, v3;
	vm1 =	vge.s32 v40, v35  }
0x75: {  	v38 =	vmul.u32 $0x2B828, v38;
	v39 =	vadd.s32 v54, v39;
	v55 =	vsel vm1, $0x1, v3  }
0x76: {  	v39 =	vadd.s32 v55, v39  }
0x77: {  	v38 =	vadd.s32 v37, v38  }
0x78: {  	v38 =	vsub.s32 v38, v42;
	vm1 =	vlt.s32 v37, v36  }
0x79: {  	v37 =	vnsel vm1, $0x0, v38  }
0x7a: {  	[tilespmem:$0x280] =	vst v37  }
0x7b: {  	v37 =	vld.idx.msk [tilespmem:v39+s13+$0x0], $0xffff;
	_ =	sdelay $0x1  }
0x7c: {  	v56 =	vmul.u32 $0x2B828, v39;
	_ =	sdelay $0x1  }
0x7d: {  	s0 =	sadd.s32 $0x20, s31;
	v38 =	vadd.s32 v40, v56  }
0x7e: {  	vm1 =	vlt.s32 v40, v36;
	v38 =	vsub.s32 v38, v37;
	v37 =	vor.u32 s0, v0  }
0x7f: {  	v38 =	vnsel vm1, $0x0, v38;
	vm1 =	vlt.s32 v37, v4;
	vm2 =	vge.s32 v37, v5  }
0x80: {  	v57 =	vsel vm1, $0xFFFFFFFF, v3;
	v58 =	vsel vm2, $0x1, v3;
	vm1 =	vge.s32 v37, v6  }
0x81: {  	v39 =	vadd.s32 v58, v57;
	v59 =	vsel vm1, $0x1, v3;
	vm1 =	vge.s32 v37, v7  }
0x82: {  	v39 =	vadd.s32 v59, v39;
	v60 =	vsel vm1, $0x1, v3;
	vm1 =	vge.s32 v37, v8  }
0x83: {  	v39 =	vadd.s32 v60, v39;
	v61 =	vsel vm1, $0x1, v3;
	vm1 =	vge.s32 v37, v9  }
0x84: {  	v39 =	vadd.s32 v61, v39;
	v62 =	vsel vm1, $0x1, v3;
	vm1 =	vge.s32 v37, v10  }
0x85: {  	v39 =	vadd.s32 v62, v39;
	v63 =	vsel vm1, $0x1, v3;
	vm1 =	vge.s32 v37, v11  }
0x86: {  	v39 =	vadd.s32 v63, v39;
	v44 =	vsel vm1, $0x1, v3;
	vm1 =	vge.s32 v37, v12  }
0x87: {  	v39 =	vadd.s32 v44, v39;
	v45 =	vsel vm1, $0x1, v3;
	vm1 =	vge.s32 v37, v13  }
0x88: {  	v39 =	vadd.s32 v45, v39;
	v46 =	vsel vm1, $0x1, v3;
	vm1 =	vge.s32 v37, v14  }
0x89: {  	v39 =	vadd.s32 v46, v39;
	v47 =	vsel vm1, $0x1, v3;
	vm1 =	vge.s32 v37, v15  }
0x8a: {  	v39 =	vadd.s32 v47, v39;
	v48 =	vsel vm1, $0x1, v3;
	vm1 =	vge.s32 v37, v16  }
0x8b: {  	s0 =	sadd.s32 $0x30, s31;
	v39 =	vadd.s32 v48, v39;
	v49 =	vsel vm1, $0x1, v3;
	vm1 =	vge.s32 v37, v17  }
0x8c: {  	v41 =	vor.u32 s0, v0;
	v39 =	vadd.s32 v49, v39;
	v50 =	vsel vm1, $0x1, v3  }
0x8d: {  	vm2 =	vge.s32 v41, v5;
	vm1 =	vge.s32 v37, v18;
	v39 =	vadd.s32 v50, v39  }
0x8e: {  	v51 =	vsel vm1, $0x1, v3;
	vm1 =	vge.s32 v37, v19;
	v50 =	vsel vm2, $0x1, v3  }
0x8f: {  	v39 =	vadd.s32 v51, v39;
	v52 =	vsel vm1, $0x1, v3;
	vm1 =	vge.s32 v37, v20  }
0x90: {  	v39 =	vadd.s32 v52, v39;
	v53 =	vsel vm1, $0x1, v3;
	vm1 =	vge.s32 v37, v21  }
0x91: {  	v39 =	vadd.s32 v53, v39;
	v54 =	vsel vm1, $0x1, v3;
	vm1 =	vge.s32 v37, v22  }
0x92: {  	v39 =	vadd.s32 v54, v39;
	v55 =	vsel vm1, $0x1, v3;
	vm1 =	vge.s32 v37, v23  }
0x93: {  	v39 =	vadd.s32 v55, v39;
	v56 =	vsel vm1, $0x1, v3;
	vm1 =	vge.s32 v37, v24  }
0x94: {  	v39 =	vadd.s32 v56, v39;
	v57 =	vsel vm1, $0x1, v3;
	vm1 =	vge.s32 v37, v25  }
0x95: {  	v39 =	vadd.s32 v57, v39;
	v58 =	vsel vm1, $0x1, v3;
	vm1 =	vge.s32 v37, v26  }
0x96: {  	v39 =	vadd.s32 v58, v39;
	v59 =	vsel vm1, $0x1, v3;
	vm1 =	vge.s32 v37, v27  }
0x97: {  	v39 =	vadd.s32 v59, v39;
	v60 =	vsel vm1, $0x1, v3;
	vm1 =	vge.s32 v37, v28  }
0x98: {  	v39 =	vadd.s32 v60, v39;
	v61 =	vsel vm1, $0x1, v3;
	vm1 =	vge.s32 v37, v29  }
0x99: {  	v39 =	vadd.s32 v61, v39;
	v62 =	vsel vm1, $0x1, v3;
	vm1 =	vge.s32 v37, v30  }
0x9a: {  	v39 =	vadd.s32 v62, v39;
	v63 =	vsel vm1, $0x1, v3;
	vm1 =	vge.s32 v37, v31  }
0x9b: {  	v39 =	vadd.s32 v63, v39;
	v44 =	vsel vm1, $0x1, v3;
	vm1 =	vge.s32 v37, v32  }
0x9c: {  	v39 =	vadd.s32 v44, v39;
	v45 =	vsel vm1, $0x1, v3;
	vm1 =	vge.s32 v37, v33  }
0x9d: {  	v39 =	vadd.s32 v45, v39;
	v46 =	vsel vm1, $0x1, v3;
	vm1 =	vge.s32 v37, v34  }
0x9e: {  	v39 =	vadd.s32 v46, v39;
	v47 =	vsel vm1, $0x1, v3;
	vm1 =	vge.s32 v37, v35  }
0x9f: {  	v39 =	vadd.s32 v47, v39;
	v48 =	vsel vm1, $0x1, v3;
	vm1 =	vlt.s32 v41, v4  }
0xa0: {  	v39 =	vadd.s32 v48, v39;
	v49 =	vsel vm1, $0xFFFFFFFF, v3;
	vm1 =	vge.s32 v41, v6  }
0xa1: {  	v40 =	vadd.s32 v50, v49;
	v51 =	vsel vm1, $0x1, v3;
	vm1 =	vge.s32 v41, v7  }
0xa2: {  	v40 =	vadd.s32 v51, v40;
	v52 =	vsel vm1, $0x1, v3;
	vm1 =	vge.s32 v41, v8  }
0xa3: {  	v40 =	vadd.s32 v52, v40;
	v53 =	vsel vm1, $0x1, v3;
	vm1 =	vge.s32 v41, v9  }
0xa4: {  	v40 =	vadd.s32 v53, v40;
	v54 =	vsel vm1, $0x1, v3;
	vm1 =	vge.s32 v41, v10  }
0xa5: {  	v40 =	vadd.s32 v54, v40;
	v55 =	vsel vm1, $0x1, v3;
	vm1 =	vge.s32 v41, v11  }
0xa6: {  	v40 =	vadd.s32 v55, v40;
	v56 =	vsel vm1, $0x1, v3;
	vm1 =	vge.s32 v41, v12  }
0xa7: {  	v40 =	vadd.s32 v56, v40;
	v57 =	vsel vm1, $0x1, v3;
	vm1 =	vge.s32 v41, v13  }
0xa8: {  	v40 =	vadd.s32 v57, v40;
	v58 =	vsel vm1, $0x1, v3;
	vm1 =	vge.s32 v41, v14  }
0xa9: {  	v40 =	vadd.s32 v58, v40;
	v59 =	vsel vm1, $0x1, v3;
	vm1 =	vge.s32 v41, v15  }
0xaa: {  	v40 =	vadd.s32 v59, v40;
	v60 =	vsel vm1, $0x1, v3;
	vm1 =	vge.s32 v41, v16  }
0xab: {  	v40 =	vadd.s32 v60, v40;
	v61 =	vsel vm1, $0x1, v3;
	vm1 =	vge.s32 v41, v17  }
0xac: {  	v40 =	vadd.s32 v61, v40;
	v62 =	vsel vm1, $0x1, v3;
	vm1 =	vge.s32 v41, v18  }
0xad: {  	v40 =	vadd.s32 v62, v40;
	v63 =	vsel vm1, $0x1, v3;
	vm1 =	vge.s32 v41, v19  }
0xae: {  	v40 =	vadd.s32 v63, v40;
	v45 =	vsel vm1, $0x1, v3;
	vm1 =	vge.s32 v41, v20  }
0xaf: {  	v40 =	vadd.s32 v45, v40;
	v46 =	vsel vm1, $0x1, v3;
	vm1 =	vge.s32 v41, v21  }
0xb0: {  	v40 =	vadd.s32 v46, v40;
	v47 =	vsel vm1, $0x1, v3;
	vm1 =	vge.s32 v41, v22  }
0xb1: {  	v40 =	vadd.s32 v47, v40;
	v48 =	vsel vm1, $0x1, v3;
	vm1 =	vge.s32 v41, v23  }
0xb2: {  	v40 =	vadd.s32 v48, v40;
	v49 =	vsel vm1, $0x1, v3;
	vm1 =	vge.s32 v41, v24  }
0xb3: {  	v40 =	vadd.s32 v49, v40;
	v50 =	vsel vm1, $0x1, v3;
	vm1 =	vge.s32 v41, v25  }
0xb4: {  	v40 =	vadd.s32 v50, v40;
	v51 =	vsel vm1, $0x1, v3;
	vm1 =	vge.s32 v41, v26  }
0xb5: {  	v40 =	vadd.s32 v51, v40;
	v52 =	vsel vm1, $0x1, v3;
	vm1 =	vge.s32 v41, v27  }
0xb6: {  	v40 =	vadd.s32 v52, v40;
	v53 =	vsel vm1, $0x1, v3;
	vm1 =	vge.s32 v41, v28  }
0xb7: {  	v40 =	vadd.s32 v53, v40;
	v54 =	vsel vm1, $0x1, v3;
	vm1 =	vge.s32 v41, v29  }
0xb8: {  	v40 =	vadd.s32 v54, v40;
	v55 =	vsel vm1, $0x1, v3;
	vm1 =	vge.s32 v41, v30  }
0xb9: {  	v40 =	vadd.s32 v55, v40;
	v56 =	vsel vm1, $0x1, v3;
	vm1 =	vge.s32 v41, v31  }
0xba: {  	v40 =	vadd.s32 v56, v40;
	v57 =	vsel vm1, $0x1, v3;
	vm1 =	vge.s32 v41, v32  }
0xbb: {  	[tilespmem:$0x290] =	vst v38;
	v58 =	vadd.s32 v57, v40;
	v59 =	vsel vm1, $0x1, v3;
	vm1 =	vge.s32 v41, v33  }
0xbc: {  	v60 =	vld.idx.msk [tilespmem:v39+s13+$0x0], $0xffff;
	v38 =	vadd.s32 v59, v58;
	v61 =	vsel vm1, $0x1, v3;
	vm1 =	vge.s32 v41, v34  }
0xbd: {  	v38 =	vadd.s32 v61, v38;
	v62 =	vsel vm1, $0x1, v3;
	vm1 =	vge.s32 v41, v35  }
0xbe: {  	v39 =	vmul.u32 $0x2B828, v39;
	v38 =	vadd.s32 v62, v38;
	v63 =	vsel vm1, $0x1, v3  }
0xbf: {  	v38 =	vadd.s32 v63, v38  }
0xc0: {  	v39 =	vadd.s32 v37, v39  }
0xc1: {  	v39 =	vsub.s32 v39, v60;
	vm1 =	vlt.s32 v37, v36  }
0xc2: {  	v37 =	vnsel vm1, $0x0, v39  }
0xc3: {  	[tilespmem:$0x2A0] =	vst v37  }
0xc4: {  	v37 =	vld.idx.msk [tilespmem:v38+s13+$0x0], $0xffff;
	_ =	sdelay $0x1  }
0xc5: {  	v38 =	vmul.u32 $0x2B828, v38;
	_ =	sdelay $0x1  }
0xc6: {  	s0 =	sadd.s32 $0x40, s31;
	v38 =	vadd.s32 v41, v38  }
0xc7: {  	vm1 =	vlt.s32 v41, v36;
	v38 =	vsub.s32 v38, v37;
	v37 =	vor.u32 s0, v0  }
0xc8: {  	v38 =	vnsel vm1, $0x0, v38;
	vm1 =	vlt.s32 v37, v4;
	vm2 =	vge.s32 v37, v5  }
0xc9: {  	v44 =	vsel vm1, $0xFFFFFFFF, v3;
	v45 =	vsel vm2, $0x1, v3;
	vm1 =	vge.s32 v37, v6  }
0xca: {  	v39 =	vadd.s32 v45, v44;
	v46 =	vsel vm1, $0x1, v3;
	vm1 =	vge.s32 v37, v7  }
0xcb: {  	v39 =	vadd.s32 v46, v39;
	v47 =	vsel vm1, $0x1, v3;
	vm1 =	vge.s32 v37, v8  }
0xcc: {  	v39 =	vadd.s32 v47, v39;
	v48 =	vsel vm1, $0x1, v3;
	vm1 =	vge.s32 v37, v9  }
0xcd: {  	v39 =	vadd.s32 v48, v39;
	v49 =	vsel vm1, $0x1, v3;
	vm1 =	vge.s32 v37, v10  }
0xce: {  	v39 =	vadd.s32 v49, v39;
	v50 =	vsel vm1, $0x1, v3;
	vm1 =	vge.s32 v37, v11  }
0xcf: {  	v39 =	vadd.s32 v50, v39;
	v51 =	vsel vm1, $0x1, v3;
	vm1 =	vge.s32 v37, v12  }
0xd0: {  	v39 =	vadd.s32 v51, v39;
	v52 =	vsel vm1, $0x1, v3;
	vm1 =	vge.s32 v37, v13  }
0xd1: {  	v39 =	vadd.s32 v52, v39;
	v53 =	vsel vm1, $0x1, v3;
	vm1 =	vge.s32 v37, v14  }
0xd2: {  	v39 =	vadd.s32 v53, v39;
	v54 =	vsel vm1, $0x1, v3;
	vm1 =	vge.s32 v37, v15  }
0xd3: {  	v39 =	vadd.s32 v54, v39;
	v55 =	vsel vm1, $0x1, v3;
	vm1 =	vge.s32 v37, v16  }
0xd4: {  	s0 =	sadd.s32 $0x50, s31;
	v39 =	vadd.s32 v55, v39;
	v56 =	vsel vm1, $0x1, v3;
	vm1 =	vge.s32 v37, v17  }
0xd5: {  	v41 =	vor.u32 s0, v0;
	v39 =	vadd.s32 v56, v39;
	v57 =	vsel vm1, $0x1, v3  }
0xd6: {  	vm2 =	vge.s32 v41, v5;
	vm1 =	vge.s32 v37, v18;
	v39 =	vadd.s32 v57, v39  }
0xd7: {  	v58 =	vsel vm1, $0x1, v3;
	vm1 =	vge.s32 v37, v19;
	v57 =	vsel vm2, $0x1, v3  }
0xd8: {  	v39 =	vadd.s32 v58, v39;
	v59 =	vsel vm1, $0x1, v3;
	vm1 =	vge.s32 v37, v20  }
0xd9: {  	v39 =	vadd.s32 v59, v39;
	v60 =	vsel vm1, $0x1, v3;
	vm1 =	vge.s32 v37, v21  }
0xda: {  	v39 =	vadd.s32 v60, v39;
	v61 =	vsel vm1, $0x1, v3;
	vm1 =	vge.s32 v37, v22  }
0xdb: {  	v39 =	vadd.s32 v61, v39;
	v62 =	vsel vm1, $0x1, v3;
	vm1 =	vge.s32 v37, v23  }
0xdc: {  	v39 =	vadd.s32 v62, v39;
	v63 =	vsel vm1, $0x1, v3;
	vm1 =	vge.s32 v37, v24  }
0xdd: {  	v39 =	vadd.s32 v63, v39;
	v44 =	vsel vm1, $0x1, v3;
	vm1 =	vge.s32 v37, v25  }
0xde: {  	v39 =	vadd.s32 v44, v39;
	v45 =	vsel vm1, $0x1, v3;
	vm1 =	vge.s32 v37, v26  }
0xdf: {  	v39 =	vadd.s32 v45, v39;
	v46 =	vsel vm1, $0x1, v3;
	vm1 =	vge.s32 v37, v27  }
0xe0: {  	v39 =	vadd.s32 v46, v39;
	v47 =	vsel vm1, $0x1, v3;
	vm1 =	vge.s32 v37, v28  }
0xe1: {  	v39 =	vadd.s32 v47, v39;
	v48 =	vsel vm1, $0x1, v3;
	vm1 =	vge.s32 v37, v29  }
0xe2: {  	v39 =	vadd.s32 v48, v39;
	v49 =	vsel vm1, $0x1, v3;
	vm1 =	vge.s32 v37, v30  }
0xe3: {  	v39 =	vadd.s32 v49, v39;
	v50 =	vsel vm1, $0x1, v3;
	vm1 =	vge.s32 v37, v31  }
0xe4: {  	v39 =	vadd.s32 v50, v39;
	v51 =	vsel vm1, $0x1, v3;
	vm1 =	vge.s32 v37, v32  }
0xe5: {  	v39 =	vadd.s32 v51, v39;
	v52 =	vsel vm1, $0x1, v3;
	vm1 =	vge.s32 v37, v33  }
0xe6: {  	v39 =	vadd.s32 v52, v39;
	v53 =	vsel vm1, $0x1, v3;
	vm1 =	vge.s32 v37, v34  }
0xe7: {  	v39 =	vadd.s32 v53, v39;
	v54 =	vsel vm1, $0x1, v3;
	vm1 =	vge.s32 v37, v35  }
0xe8: {  	v39 =	vadd.s32 v54, v39;
	v55 =	vsel vm1, $0x1, v3;
	vm1 =	vlt.s32 v41, v4  }
0xe9: {  	v39 =	vadd.s32 v55, v39;
	v56 =	vsel vm1, $0xFFFFFFFF, v3;
	vm1 =	vge.s32 v41, v6  }
0xea: {  	v40 =	vadd.s32 v57, v56;
	v58 =	vsel vm1, $0x1, v3;
	vm1 =	vge.s32 v41, v7  }
0xeb: {  	v40 =	vadd.s32 v58, v40;
	v59 =	vsel vm1, $0x1, v3;
	vm1 =	vge.s32 v41, v8  }
0xec: {  	v40 =	vadd.s32 v59, v40;
	v60 =	vsel vm1, $0x1, v3;
	vm1 =	vge.s32 v41, v9  }
0xed: {  	v40 =	vadd.s32 v60, v40;
	v61 =	vsel vm1, $0x1, v3;
	vm1 =	vge.s32 v41, v10  }
0xee: {  	v40 =	vadd.s32 v61, v40;
	v62 =	vsel vm1, $0x1, v3;
	vm1 =	vge.s32 v41, v11  }
0xef: {  	v40 =	vadd.s32 v62, v40;
	v63 =	vsel vm1, $0x1, v3;
	vm1 =	vge.s32 v41, v12  }
0xf0: {  	v40 =	vadd.s32 v63, v40;
	v45 =	vsel vm1, $0x1, v3;
	vm1 =	vge.s32 v41, v13  }
0xf1: {  	v40 =	vadd.s32 v45, v40;
	v46 =	vsel vm1, $0x1, v3;
	vm1 =	vge.s32 v41, v14  }
0xf2: {  	v40 =	vadd.s32 v46, v40;
	v47 =	vsel vm1, $0x1, v3;
	vm1 =	vge.s32 v41, v15  }
0xf3: {  	v40 =	vadd.s32 v47, v40;
	v48 =	vsel vm1, $0x1, v3;
	vm1 =	vge.s32 v41, v16  }
0xf4: {  	v40 =	vadd.s32 v48, v40;
	v49 =	vsel vm1, $0x1, v3;
	vm1 =	vge.s32 v41, v17  }
0xf5: {  	v40 =	vadd.s32 v49, v40;
	v50 =	vsel vm1, $0x1, v3;
	vm1 =	vge.s32 v41, v18  }
0xf6: {  	v40 =	vadd.s32 v50, v40;
	v51 =	vsel vm1, $0x1, v3;
	vm1 =	vge.s32 v41, v19  }
0xf7: {  	v40 =	vadd.s32 v51, v40;
	v52 =	vsel vm1, $0x1, v3;
	vm1 =	vge.s32 v41, v20  }
0xf8: {  	v40 =	vadd.s32 v52, v40;
	v53 =	vsel vm1, $0x1, v3;
	vm1 =	vge.s32 v41, v21  }
0xf9: {  	v40 =	vadd.s32 v53, v40;
	v54 =	vsel vm1, $0x1, v3;
	vm1 =	vge.s32 v41, v22  }
0xfa: {  	v40 =	vadd.s32 v54, v40;
	v55 =	vsel vm1, $0x1, v3;
	vm1 =	vge.s32 v41, v23  }
0xfb: {  	v40 =	vadd.s32 v55, v40;
	v56 =	vsel vm1, $0x1, v3;
	vm1 =	vge.s32 v41, v24  }
0xfc: {  	v40 =	vadd.s32 v56, v40;
	v57 =	vsel vm1, $0x1, v3;
	vm1 =	vge.s32 v41, v25  }
0xfd: {  	v40 =	vadd.s32 v57, v40;
	v58 =	vsel vm1, $0x1, v3;
	vm1 =	vge.s32 v41, v26  }
0xfe: {  	v40 =	vadd.s32 v58, v40;
	v59 =	vsel vm1, $0x1, v3;
	vm1 =	vge.s32 v41, v27  }
0xff: {  	v40 =	vadd.s32 v59, v40;
	v60 =	vsel vm1, $0x1, v3;
	vm1 =	vge.s32 v41, v28  }
0x100: {  	v40 =	vadd.s32 v60, v40;
	v61 =	vsel vm1, $0x1, v3;
	vm1 =	vge.s32 v41, v29  }
0x101: {  	v40 =	vadd.s32 v61, v40;
	v62 =	vsel vm1, $0x1, v3;
	vm1 =	vge.s32 v41, v30  }
0x102: {  	v40 =	vadd.s32 v62, v40;
	v63 =	vsel vm1, $0x1, v3;
	vm1 =	vge.s32 v41, v31  }
0x103: {  	v40 =	vadd.s32 v63, v40;
	v45 =	vsel vm1, $0x1, v3;
	vm1 =	vge.s32 v41, v32  }
0x104: {  	[tilespmem:$0x2B0] =	vst v38;
	v46 =	vadd.s32 v45, v40;
	v47 =	vsel vm1, $0x1, v3;
	vm1 =	vge.s32 v41, v33  }
0x105: {  	v48 =	vld.idx.msk [tilespmem:v39+s13+$0x0], $0xffff;
	v38 =	vadd.s32 v47, v46;
	v49 =	vsel vm1, $0x1, v3;
	vm1 =	vge.s32 v41, v34  }
0x106: {  	v38 =	vadd.s32 v49, v38;
	v50 =	vsel vm1, $0x1, v3;
	vm1 =	vge.s32 v41, v35  }
0x107: {  	v39 =	vmul.u32 $0x2B828, v39;
	v38 =	vadd.s32 v50, v38;
	v51 =	vsel vm1, $0x1, v3  }
0x108: {  	v38 =	vadd.s32 v51, v38  }
0x109: {  	v39 =	vadd.s32 v37, v39  }
0x10a: {  	v39 =	vsub.s32 v39, v48;
	vm1 =	vlt.s32 v37, v36  }
0x10b: {  	v37 =	vnsel vm1, $0x0, v39  }
0x10c: {  	[tilespmem:$0x2C0] =	vst v37  }
0x10d: {  	v37 =	vld.idx.msk [tilespmem:v38+s13+$0x0], $0xffff;
	_ =	sdelay $0x1  }
0x10e: {  	v38 =	vmul.u32 $0x2B828, v38;
	_ =	sdelay $0x1  }
0x10f: {  	s0 =	sadd.s32 $0x60, s31;
	v38 =	vadd.s32 v41, v38  }
0x110: {  	s31 =	sadd.s32 $0x70, s31;
	vm1 =	vlt.s32 v41, v36;
	v38 =	vsub.s32 v38, v37;
	v37 =	vor.u32 s0, v0  }
0x111: {  	v42 =	vor.u32 s31, v0;
	v38 =	vnsel vm1, $0x0, v38;
	vm1 =	vlt.s32 v37, v4  }
0x112: {  	vm2 =	vge.s32 v37, v5;
	v52 =	vsel vm1, $0xFFFFFFFF, v3;
	vm1 =	vge.s32 v37, v6  }
0x113: {  	v53 =	vsel vm2, $0x1, v3;
	v54 =	vsel vm1, $0x1, v3;
	vm1 =	vge.s32 v37, v7  }
0x114: {  	v39 =	vadd.s32 v53, v52;
	v55 =	vsel vm1, $0x1, v3;
	vm1 =	vge.s32 v37, v8  }
0x115: {  	v39 =	vadd.s32 v54, v39;
	v56 =	vsel vm1, $0x1, v3;
	vm1 =	vge.s32 v37, v9  }
0x116: {  	v39 =	vadd.s32 v55, v39;
	v57 =	vsel vm1, $0x1, v3;
	vm1 =	vge.s32 v37, v10  }
0x117: {  	v39 =	vadd.s32 v56, v39;
	v58 =	vsel vm1, $0x1, v3;
	vm1 =	vge.s32 v37, v11  }
0x118: {  	v39 =	vadd.s32 v57, v39;
	v59 =	vsel vm1, $0x1, v3;
	vm1 =	vge.s32 v37, v12  }
0x119: {  	v39 =	vadd.s32 v58, v39;
	v60 =	vsel vm1, $0x1, v3;
	vm1 =	vge.s32 v37, v13  }
0x11a: {  	v39 =	vadd.s32 v59, v39;
	v61 =	vsel vm1, $0x1, v3;
	vm1 =	vge.s32 v37, v14  }
0x11b: {  	v39 =	vadd.s32 v60, v39;
	v62 =	vsel vm1, $0x1, v3;
	vm1 =	vge.s32 v37, v15  }
0x11c: {  	v39 =	vadd.s32 v61, v39;
	v63 =	vsel vm1, $0x1, v3;
	vm1 =	vge.s32 v37, v16  }
0x11d: {  	v39 =	vadd.s32 v62, v39;
	v44 =	vsel vm1, $0x1, v3;
	vm1 =	vge.s32 v37, v17  }
0x11e: {  	v39 =	vadd.s32 v63, v39;
	v45 =	vsel vm1, $0x1, v3;
	vm1 =	vge.s32 v37, v18  }
0x11f: {  	v39 =	vadd.s32 v44, v39;
	v46 =	vsel vm1, $0x1, v3;
	vm1 =	vge.s32 v37, v19  }
0x120: {  	v39 =	vadd.s32 v45, v39;
	v47 =	vsel vm1, $0x1, v3;
	vm1 =	vge.s32 v37, v20  }
0x121: {  	v39 =	vadd.s32 v46, v39;
	v48 =	vsel vm1, $0x1, v3;
	vm1 =	vge.s32 v37, v21  }
0x122: {  	v39 =	vadd.s32 v47, v39;
	v49 =	vsel vm1, $0x1, v3;
	vm1 =	vge.s32 v37, v22  }
0x123: {  	v39 =	vadd.s32 v48, v39;
	v50 =	vsel vm1, $0x1, v3;
	vm1 =	vge.s32 v37, v23  }
0x124: {  	v39 =	vadd.s32 v49, v39;
	v51 =	vsel vm1, $0x1, v3;
	vm1 =	vge.s32 v37, v24  }
0x125: {  	v39 =	vadd.s32 v50, v39;
	v52 =	vsel vm1, $0x1, v3;
	vm1 =	vge.s32 v37, v25  }
0x126: {  	v39 =	vadd.s32 v51, v39;
	v53 =	vsel vm1, $0x1, v3;
	vm1 =	vge.s32 v37, v26  }
0x127: {  	v39 =	vadd.s32 v52, v39;
	v54 =	vsel vm1, $0x1, v3;
	vm1 =	vge.s32 v37, v27  }
0x128: {  	v39 =	vadd.s32 v53, v39;
	v55 =	vsel vm1, $0x1, v3;
	vm1 =	vge.s32 v37, v28  }
0x129: {  	v39 =	vadd.s32 v54, v39;
	v56 =	vsel vm1, $0x1, v3;
	vm1 =	vge.s32 v37, v29  }
0x12a: {  	v39 =	vadd.s32 v55, v39;
	v57 =	vsel vm1, $0x1, v3;
	vm1 =	vge.s32 v37, v30  }
0x12b: {  	v39 =	vadd.s32 v56, v39;
	v58 =	vsel vm1, $0x1, v3;
	vm1 =	vge.s32 v37, v31  }
0x12c: {  	v39 =	vadd.s32 v57, v39;
	v59 =	vsel vm1, $0x1, v3;
	vm1 =	vge.s32 v37, v32  }
0x12d: {  	v39 =	vadd.s32 v58, v39;
	v60 =	vsel vm1, $0x1, v3;
	vm1 =	vge.s32 v37, v33  }
0x12e: {  	v39 =	vadd.s32 v59, v39;
	v61 =	vsel vm1, $0x1, v3;
	vm1 =	vge.s32 v37, v34  }
0x12f: {  	v39 =	vadd.s32 v60, v39;
	v62 =	vsel vm1, $0x1, v3;
	vm1 =	vge.s32 v37, v35  }
0x130: {  	v39 =	vadd.s32 v61, v39;
	v63 =	vsel vm1, $0x1, v3;
	vm1 =	vlt.s32 v42, v4  }
0x131: {  	v39 =	vadd.s32 v62, v39;
	v44 =	vsel vm1, $0xFFFFFFFF, v3;
	vm1 =	vge.s32 v42, v5  }
0x132: {  	v39 =	vadd.s32 v63, v39;
	v45 =	vsel vm1, $0x1, v3;
	vm1 =	vge.s32 v42, v6  }
0x133: {  	v40 =	vadd.s32 v45, v44;
	v46 =	vsel vm1, $0x1, v3;
	vm1 =	vge.s32 v42, v7  }
0x134: {  	v40 =	vadd.s32 v46, v40;
	v47 =	vsel vm1, $0x1, v3;
	vm1 =	vge.s32 v42, v8  }
0x135: {  	v40 =	vadd.s32 v47, v40;
	v48 =	vsel vm1, $0x1, v3;
	vm1 =	vge.s32 v42, v9  }
0x136: {  	v40 =	vadd.s32 v48, v40;
	v49 =	vsel vm1, $0x1, v3;
	vm1 =	vge.s32 v42, v10  }
0x137: {  	v40 =	vadd.s32 v49, v40;
	v50 =	vsel vm1, $0x1, v3;
	vm1 =	vge.s32 v42, v11  }
0x138: {  	v40 =	vadd.s32 v50, v40;
	v51 =	vsel vm1, $0x1, v3;
	vm1 =	vge.s32 v42, v12  }
0x139: {  	v40 =	vadd.s32 v51, v40;
	v52 =	vsel vm1, $0x1, v3;
	vm1 =	vge.s32 v42, v13  }
0x13a: {  	v40 =	vadd.s32 v52, v40;
	v53 =	vsel vm1, $0x1, v3;
	vm1 =	vge.s32 v42, v14  }
0x13b: {  	v40 =	vadd.s32 v53, v40;
	v54 =	vsel vm1, $0x1, v3;
	vm1 =	vge.s32 v42, v15  }
0x13c: {  	v40 =	vadd.s32 v54, v40;
	v55 =	vsel vm1, $0x1, v3;
	vm1 =	vge.s32 v42, v16  }
0x13d: {  	v40 =	vadd.s32 v55, v40;
	v56 =	vsel vm1, $0x1, v3;
	vm1 =	vge.s32 v42, v17  }
0x13e: {  	v40 =	vadd.s32 v56, v40;
	v57 =	vsel vm1, $0x1, v3;
	vm1 =	vge.s32 v42, v18  }
0x13f: {  	v40 =	vadd.s32 v57, v40;
	v58 =	vsel vm1, $0x1, v3;
	vm1 =	vge.s32 v42, v19  }
0x140: {  	v40 =	vadd.s32 v58, v40;
	v59 =	vsel vm1, $0x1, v3;
	vm1 =	vge.s32 v42, v20  }
0x141: {  	v40 =	vadd.s32 v59, v40;
	v60 =	vsel vm1, $0x1, v3;
	vm1 =	vge.s32 v42, v21  }
0x142: {  	v40 =	vadd.s32 v60, v40;
	v61 =	vsel vm1, $0x1, v3;
	vm1 =	vge.s32 v42, v22  }
0x143: {  	v40 =	vadd.s32 v61, v40;
	v62 =	vsel vm1, $0x1, v3;
	vm1 =	vge.s32 v42, v23  }
0x144: {  	v40 =	vadd.s32 v62, v40;
	v63 =	vsel vm1, $0x1, v3;
	vm1 =	vge.s32 v42, v24  }
0x145: {  	v40 =	vadd.s32 v63, v40;
	v44 =	vsel vm1, $0x1, v3;
	vm1 =	vge.s32 v42, v25  }
0x146: {  	v40 =	vadd.s32 v44, v40;
	v45 =	vsel vm1, $0x1, v3;
	vm1 =	vge.s32 v42, v26  }
0x147: {  	v40 =	vadd.s32 v45, v40;
	v46 =	vsel vm1, $0x1, v3;
	vm1 =	vge.s32 v42, v27  }
0x148: {  	v40 =	vadd.s32 v46, v40;
	v47 =	vsel vm1, $0x1, v3;
	vm1 =	vge.s32 v42, v28  }
0x149: {  	v40 =	vadd.s32 v47, v40;
	v48 =	vsel vm1, $0x1, v3;
	vm1 =	vge.s32 v42, v29  }
0x14a: {  	v40 =	vadd.s32 v48, v40;
	v49 =	vsel vm1, $0x1, v3;
	vm1 =	vge.s32 v42, v30  }
0x14b: {  	v40 =	vadd.s32 v49, v40;
	v50 =	vsel vm1, $0x1, v3;
	vm1 =	vge.s32 v42, v31  }
0x14c: {  	v40 =	vadd.s32 v50, v40;
	v51 =	vsel vm1, $0x1, v3;
	vm1 =	vge.s32 v42, v32  }
0x14d: {  	[tilespmem:$0x2D0] =	vst v38;
	v52 =	vadd.s32 v51, v40;
	v53 =	vsel vm1, $0x1, v3;
	vm1 =	vge.s32 v42, v33  }
0x14e: {  	v54 =	vld.idx.msk [tilespmem:v39+s13+$0x0], $0xffff;
	v38 =	vadd.s32 v53, v52;
	v55 =	vsel vm1, $0x1, v3;
	vm1 =	vge.s32 v42, v34  }
0x14f: {  	v38 =	vadd.s32 v55, v38;
	v56 =	vsel vm1, $0x1, v3;
	vm1 =	vge.s32 v42, v35  }
0x150: {  	v39 =	vmul.u32 $0x2B828, v39;
	v38 =	vadd.s32 v56, v38;
	v57 =	vsel vm1, $0x1, v3  }
0x151: {  	v38 =	vadd.s32 v57, v38  }
0x152: {  	v39 =	vadd.s32 v37, v39  }
0x153: {  	v39 =	vsub.s32 v39, v54;
	vm1 =	vlt.s32 v37, v36  }
0x154: {  	v37 =	vnsel vm1, $0x0, v39  }
0x155: {  	[tilespmem:$0x2E0] =	vst v37  }
0x156: {  	v37 =	vld.idx.msk [tilespmem:v38+s13+$0x0], $0xffff;
	_ =	sdelay $0x1  }
0x157: {  	v38 =	vmul.u32 $0x2B828, v38;
	_ =	sdelay $0x1  }
0x158: {  	v38 =	vadd.s32 v42, v38  }
0x159: {  	vm1 =	vlt.s32 v42, v36;
	v37 =	vsub.s32 v38, v37  }
0x15a: {  	v37 =	vnsel vm1, $0x0, v37  }
0x15b: {  	s0 =	rddreg [dreg:$0x3];
	[tilespmem:$0x2F0] =	vst v37  }
0x15c: {  	[tilespmem:s16], [sflag:$0x1] =	stream.indirect.gather [hbm4b:s0+s14], $0x1, s15, s14, $0xb8;
	[tilespmem:$0x8500] =	vst v63  }
0x15d: {  	s31 =	rddreg [dreg:$0x5]  }
0x15e: {  	[tilespmem:s17], [sflag:$0x2] =	stream.indirect.gather [hbm4b:s31+s14], $0x1, s15, s14, $0xb8;
	[tilespmem:$0x8500] =	vst v63  }
0x15f: {  	s0 =	rddreg [dreg:$0x4]  }
0x160: {  	[tilespmem:s18], [sflag:$0x3] =	stream.indirect.gather [hbm4b:s0+s14], $0x1, s15, s14, $0xb8;
	[tilespmem:$0x8500] =	vst v63  }
0x161: {  	_ =	swait.ge [sflag:s19], $0x80  }
0x162: {  	[sflag:s19] =	ssyncset.done $0x0  }
0x163: {  	[sflag:s19] =	ssyncadd.s32 $0xFFFFFF80  }
0x164: {  	_ =	swait.ge [sflag:s20], $0x80  }
0x165: {  	[sflag:s20] =	ssyncset.done $0x0  }
0x166: {  	[sflag:s20] =	ssyncadd.s32 $0xFFFFFF80  }
0x167: {  	_ =	swait.ge [sflag:s21], $0x80  }
0x168: {  	[sflag:s21] =	ssyncset.done $0x0  }
0x169: {  	[sflag:s21] =	ssyncadd.s32 $0xFFFFFF80  }
0x16a: {  	v58 =	vld [tilespmem:$0x380]  }
0x16b: {  	v59 =	vld [tilespmem:$0x300]  }
0x16c: {  	v60 =	vld [tilespmem:$0x390]  }
0x16d: {  	v61 =	vld [tilespmem:$0x310]  }
0x16e: {  	v62 =	vld [tilespmem:$0x3A0]  }
0x16f: {  	v63 =	vld [tilespmem:$0x320];
	vm1 =	vgt.s32 v58, $0x0  }
0x170: {  	v43 =	vld [tilespmem:$0x3B0];
	v37 =	vnsel vm1, $0x0, v58;
	vm1 =	vgt.s32 v59, $0x0  }
0x171: {  	v44 =	vld [tilespmem:$0x330];
	v37 =	vmin.u32 v37, $0x270F;
	v38 =	vnsel vm1, $0x0, v59;
	vm1 =	vgt.s32 v60, $0x0  }
0x172: {  	v48 =	vld [tilespmem:$0x3C0];
	[tilespmem:$0x380] =	vst v37;
	v46 =	vmin.u32 v38, $0x270F;
	v47 =	vnsel vm1, $0x0, v60;
	vm1 =	vgt.s32 v61, $0x0  }
0x173: {  	v51 =	vld [tilespmem:$0x340];
	[tilespmem:$0x300] =	vst v46;
	v49 =	vmin.u32 v47, $0x270F;
	v50 =	vnsel vm1, $0x0, v61;
	vm1 =	vgt.s32 v62, $0x0  }
0x174: {  	v54 =	vld [tilespmem:$0x3D0];
	[tilespmem:$0x390] =	vst v49;
	v52 =	vmin.u32 v50, $0x270F;
	v53 =	vnsel vm1, $0x0, v62;
	vm1 =	vgt.s32 v63, $0x0  }
0x175: {  	v57 =	vld [tilespmem:$0x350];
	[tilespmem:$0x310] =	vst v52;
	v55 =	vmin.u32 v53, $0x270F;
	v56 =	vnsel vm1, $0x0, v63;
	vm1 =	vgt.s32 v43, $0x0  }
0x176: {  	v60 =	vld [tilespmem:$0x3E0];
	[tilespmem:$0x3A0] =	vst v55;
	v58 =	vmin.u32 v56, $0x270F;
	v59 =	vnsel vm1, $0x0, v43;
	vm1 =	vgt.s32 v44, $0x0  }
0x177: {  	v63 =	vld [tilespmem:$0x360];
	[tilespmem:$0x320] =	vst v58;
	v61 =	vmin.u32 v59, $0x270F;
	v62 =	vnsel vm1, $0x0, v44;
	vm1 =	vgt.s32 v48, $0x0  }
0x178: {  	v47 =	vld [tilespmem:$0x3F0];
	[tilespmem:$0x3B0] =	vst v61;
	v45 =	vmin.u32 v62, $0x270F;
	v46 =	vnsel vm1, $0x0, v48;
	vm1 =	vgt.s32 v51, $0x0  }
0x179: {  	v50 =	vld [tilespmem:$0x370];
	[tilespmem:$0x330] =	vst v45;
	v48 =	vmin.u32 v46, $0x270F;
	v49 =	vnsel vm1, $0x0, v51;
	vm1 =	vgt.s32 v54, $0x0  }
0x17a: {  	[tilespmem:$0x3C0] =	vst v48;
	v51 =	vmin.u32 v49, $0x270F;
	v52 =	vnsel vm1, $0x0, v54;
	vm1 =	vgt.s32 v57, $0x0  }
0x17b: {  	[tilespmem:$0x340] =	vst v51;
	v53 =	vmin.u32 v52, $0x270F;
	v54 =	vnsel vm1, $0x0, v57;
	vm1 =	vgt.s32 v60, $0x0  }
0x17c: {  	[tilespmem:$0x3D0] =	vst v53;
	v55 =	vmin.u32 v54, $0x270F;
	v56 =	vnsel vm1, $0x0, v60;
	vm1 =	vgt.s32 v63, $0x0  }
0x17d: {  	[tilespmem:$0x350] =	vst v55;
	v57 =	vmin.u32 v56, $0x270F;
	v58 =	vnsel vm1, $0x0, v63;
	vm1 =	vgt.s32 v47, $0x0  }
0x17e: {  	[tilespmem:$0x3E0] =	vst v57;
	v59 =	vmin.u32 v58, $0x270F;
	v60 =	vnsel vm1, $0x0, v47;
	vm1 =	vgt.s32 v50, $0x0  }
0x17f: {  	[tilespmem:$0x360] =	vst v59;
	v61 =	vmin.u32 v60, $0x270F;
	v62 =	vnsel vm1, $0x0, v50  }
0x180: {  	[tilespmem:$0x3F0] =	vst v61;
	v63 =	vmin.u32 v62, $0x270F  }
0x181: {  	[tilespmem:$0x370] =	vst v63  }
0x182: {  	[tilespmem:s22], [sflag:$0x1] =	stream.indirect.gather [hbm4b:s4+s14], $0x80, s17, s14, $0xb8;
	[tilespmem:$0x8500] =	vst v63  }
0x183: {  	_ = 	snop  }
0x184: {  	[tilespmem:s23], [sflag:$0x2] =	stream.indirect.gather [hbm4b:s4+s14], $0x80, s16, s14, $0xb8;
	[tilespmem:$0x8500] =	vst v63  }
0x185: {  	_ = 	snop  }
0x186: {  	[hbm4b:s25+s3] =	stream.linear.scatter [tilespmem:s18], [sflag:$0x4], $0x80, $0x38;
	[tilespmem:$0x8500] =	vst v63  }
0x187: {  	_ =	swait.ge [sflag:s12], $0x80  }
0x188: {  	[sflag:s12] =	ssyncset.done $0x0  }
0x189: {  	[sflag:s12] =	ssyncadd.s32 $0xFFFFFF80  }
0x18a: {  	[hbm4b:s26+s3] =	stream.linear.scatter [tilespmem:s17], [sflag:$0x4], $0x80, $0x38;
	[tilespmem:$0x8500] =	vst v63  }
0x18b: {  	_ =	swait.ge [sflag:s12], $0x80  }
0x18c: {  	[sflag:s12] =	ssyncset.done $0x0  }
0x18d: {  	[sflag:s12] =	ssyncadd.s32 $0xFFFFFF80  }
0x18e: {  	_ =	swait.ge [sflag:s19], $0x4000  }
0x18f: {  	[sflag:s19] =	ssyncset.done $0x0  }
0x190: {  	[sflag:s19] =	ssyncadd.s32 $0xFFFFC000  }
0x191: {  	[hbm4b:s29+s3] =	stream.linear.scatter [tilespmem:s22], [sflag:$0x4], $0x4000, $0x38;
	[tilespmem:$0x8500] =	vst v63  }
0x192: {  	_ =	swait.ge [sflag:s12], $0x4000  }
0x193: {  	[sflag:s12] =	ssyncset.done $0x0  }
0x194: {  	[sflag:s12] =	ssyncadd.s32 $0xFFFFC000  }
0x195: {  	_ =	swait.ge [sflag:s20], $0x4000  }
0x196: {  	p1 =	sne.s32 s30, $0x1380;
	[sflag:s20] =	ssyncset.done $0x0  }
.Ltmp0:
0x197: {  	[sflag:s20] =	ssyncadd.s32 $0xFFFFC000;
	(pc) =	sbr.rel @p1 .LBB2_2-.Ltmp0, $4  }
0x198: {  	[hbm4b:s28+s3] =	stream.linear.scatter [tilespmem:s23], [sflag:$0x4], $0x4000, $0x38;
	[tilespmem:$0x8500] =	vst v63  }
0x199: {  	s30 =	sadd.s32 $0x80, s30;
	_ =	swait.ge [sflag:s12], $0x4000  }
0x19a: {  	s25 =	sadd.s32 $0x10, s25;
	s26 =	sadd.s32 $0x10, s26;
	[sflag:s12] =	ssyncset.done $0x0  }
0x19b: {  	s29 =	sadd.s32 $0x800, s29;
	s28 =	sadd.s32 $0x800, s28;
	[sflag:s12] =	ssyncadd.s32 $0xFFFFC000  }
0x19c: {  	s24 =	sadd.s32 $0x1, s24  }
0x19d: {  	p1 =	sne.s32 s24, s7  }
.Ltmp1:
0x19e: {  	_ = 	snop;
	(pc) =	sbr.rel @p1 .LBB2_1-.Ltmp1, $1  }
0x19f: {  	_ =	sdelay $0x3  }
0x1a0: {  	_ =	sfence.sel $0x180000  }
0x1a1: {  	[bflag:$0x0] =	sbarrier.arrive $0xFFFF  }
0x1a2: {  	_ =	strace $0x9000004A  }
0x1a3: {  	[bflag:$0x2] =	sbarrier.arrive $0xFFFF  }
0x1a4: {  	p0 =	sne.s32 s2, $0x0;
	s0 =	rddreg [dreg:$0x2]  }
0x1a5: {  	s0 =	sadd.s32 @!p0 $0x100000, s0  }
0x1a6: {  	[sflag:s0] =	ssyncadd.tile.s32 @!p0 $0x1;
	_ =	shalt  }
.Lfunc_end2:
_tile_overlayer_lowered:
.L_overlay_start_2:
0x1a7: {  	(tag) =	ssettag $0x2  }
0x1a8: {  	s0 =	rddreg [dreg:$0x0];
	s2 =	stileid.u32  }
0x1a9: {  	s1 =	rddreg [dreg:$0x1];
	p0 =	sne.s32 s2, $0x0  }
0x1aa: {  	s3 =	rddreg [dreg:$0x2];
	[bflag:$0x3] =	sbarrier.arrive $0xFFFF;
	s2 =	simm.s32 @!p0 $0x1C04  }
0x1ab: {  	[timem:s3], [sflag:s2] =	dma.local @!p0 [hbm:s0], s1  }
0x1ac: {  	s0 =	simm.s32 @!p0 $0x4  }
0x1ad: {  	_ =	swait.ge @!p0 [sflag:s0], s1  }
0x1ae: {  	s1 =	ssub.s32 @!p0 $0x0, s1;
	[sflag:s0] =	ssyncset.done @!p0 $0x0  }
0x1af: {  	[sflag:s0] =	ssyncadd.s32 @!p0 s1  }
0x1b0: {  	[bflag:$0x3] =	sbarrier.arrive $0xFFFF  }
0x1b1: {  	_ =	shalt  }

// kernel: kernel.15.cloned.1.call-start
scs
__scs_entry_jumppad:
0x0: {  	(pc) =	sbr.rel $0x88, $3  }
0x1: {  	(tag) =	ssettag $0x0;
	lr =	simm.s32 $0x1  }
0x2: {  	[smem:$0x3F8F] =	sst lr;
	_ =	strace $0xD0000000  }
0x3: {  	_ = 	snop  }
0x4: {  	_ = 	snop  }
0x5: {  	_ = 	snop  }
0x6: {  	_ = 	snop  }
0x7: {  	_ = 	snop  }
__scs_overlays_trampoline_lowered:
0x8: {  	[smem:$0x3F9E] =	sst s0  }
0x9: {  	[smem:$0x3F9F] =	sst s1  }
0xa: {  	[smem:$0x3FA0] =	sst s2  }
0xb: {  	[smem:$0x3FA1] =	sst s3  }
0xc: {  	[smem:$0x3FA2] =	sst s4  }
0xd: {  	[smem:$0x3FA3] =	sst s5  }
0xe: {  	[smem:$0x3FA4] =	sst s6  }
0xf: {  	[smem:$0x3FA5] =	sst s7  }
0x10: {  	[smem:$0x3FA6] =	sst s8  }
0x11: {  	[smem:$0x3FA7] =	sst s9;
	s0 =	simm.s32 @!p0 $0x0  }
0x12: {  	s1 =	sld [smem:$0x3F8D];
	s0 =	simm.s32 @p0 $0x1  }
0x13: {  	[smem:$0x3FA8] =	sst s0;
	s0 =	simm.s32 @!p1 $0x0  }
0x14: {  	s2 =	sld [smem:$0x3F8C];
	s0 =	simm.s32 @p1 $0x1  }
0x15: {  	[smem:$0x3FA9] =	sst s0;
	s0 =	simm.s32 @!p2 $0x0  }
0x16: {  	s3 =	sld [smem:$0x3FDB];
	s0 =	simm.s32 @p2 $0x1  }
0x17: {  	s4 =	simm.s32 $0x1BF5;
	[smem:$0x3FAB] =	sst s0  }
0x18: {  	s0 =	sld [smem:$0x3F8E];
	_ =	swait.ge [sflag:s4], $0x0  }
0x19: {  	s7 =	sld [smem:$0x3F8F]  }
0x1a: {  	s8 =	sadd.s32 $0xFFFFE003, lr  }
0x1b: {  	s9 =	sadd.s32 $0xFFFFFEF7, lr;
	s5 =	simm.s32 $0xFFFFFFFF;
	p2 =	slt.u32 s8, $0xFFFFF086  }
0x1c: {  	p1 =	slt.u32 s9, $0xF7A;
	s5 =	simm.s32 @!p2 $0x0  }
0x1d: {  	s5 =	simm.s32 @p1 $0x1;
	p0 =	seq.s32 s7, s2  }
0x1e: {  	s7 =	smul.u32 @!p0 $0xF7A, s2;
	p2 =	seq.s32 @!p0 s5, $0x0  }
0x1f: {  	s9 =	smul.u32 $0xF7A, s1;
	s8 =	simm.s32 @!p0 $0x1BF5;
	p2 =	por !p2, p0  }
0x20: {  	[sflag:s8] =	ssyncset.s32 @!p0 $0xFFFFF086;
	s6 =	sadd.s32 @!p0 s3, s7;
	s7 =	simm.s32 @!p0 $0x108  }
0x21: {  	s3 =	sadd.s32 s3, s9;
	s6 =	sadd.s32 @!p0 $0x88, s6;
	s7 =	simm.s32 @p2 $0x1082  }
0x22: {  	[simem:s7], [sflag:s8] =	dma.local @!p0 [hbm:s6], $0xF7A  }
0x23: {  	s9 =	sor.u32 $0xD0000000, s2;
	s6 =	simm.s32 $0x108;
	_ =	swait.ge @!p0 [sflag:s8], $0x0  }
0x24: {  	s3 =	sadd.s32 $0x88, s3;
	s6 =	simm.s32 @!p1 $0x1082;
	[sflag:s4] =	ssyncset.s32 $0xFFFFF086  }
0x25: {  	[simem:s6], [sflag:s4] =	dma.local [hbm:s3], $0xF7A  }
0x26: {  	[smem:$0x3F8F] =	sst s1;
	(tag) =	ssettag s2;
	_ =	strace s9  }
0x27: {  	s1 =	sld [smem:$0x3F9F]  }
0x28: {  	s2 =	sld [smem:$0x3FA0]  }
0x29: {  	s4 =	sld [smem:$0x3FA2]  }
0x2a: {  	p0 =	seq.s32 s5, $0x0;
	s5 =	sld [smem:$0x3FA3]  }
0x2b: {  	s6 =	sld [smem:$0x3FA4]  }
0x2c: {  	s7 =	sld [smem:$0x3FA5]  }
0x2d: {  	s3 =	simm.s32 $0x108;
	s8 =	sld [smem:$0x3FA6]  }
0x2e: {  	s3 =	simm.s32 @!p0 $0x1082;
	s9 =	sld [smem:$0x3FA7]  }
0x2f: {  	lr =	sadd.s32 s0, s3;
	s0 =	sld [smem:$0x3F9E]  }
0x30: {  	s3 =	sld [smem:$0x3FA1]  }
0x31: {  	[smem:$0x3FAA] =	sst s10  }
0x32: {  	s10 =	sld [smem:$0x3FA8];
	_ =	sdelay $0x3  }
0x33: {  	p0 =	seq.s32 s10, $0x1;
	s10 =	sld [smem:$0x3FAA];
	_ =	sdelay $0x3  }
0x34: {  	[smem:$0x3FAA] =	sst s10  }
0x35: {  	s10 =	sld [smem:$0x3FA9];
	_ =	sdelay $0x3  }
0x36: {  	p1 =	seq.s32 s10, $0x1;
	s10 =	sld [smem:$0x3FAA];
	_ =	sdelay $0x3  }
0x37: {  	[smem:$0x3FAA] =	sst s10  }
0x38: {  	s10 =	sld [smem:$0x3FAB]  }
0x39: {  	_ = 	snop;
	(pc) =	sbr.ind lr, $3  }
0x3a: {  	_ = 	snop  }
0x3b: {  	_ = 	snop  }
0x3c: {  	p2 =	seq.s32 s10, $0x1;
	s10 =	sld [smem:$0x3FAA]  }
0x3d: {  	_ =	shalt  }
0x3e: {  	_ =	shalt  }
0x3f: {  	_ =	shalt  }
0x40: {  	_ =	shalt  }
0x41: {  	_ =	shalt  }
0x42: {  	_ =	shalt  }
0x43: {  	_ =	shalt  }
0x44: {  	_ =	shalt  }
0x45: {  	_ =	shalt  }
0x46: {  	_ =	shalt  }
0x47: {  	_ =	shalt  }
0x48: {  	_ =	shalt  }
0x49: {  	_ =	shalt  }
0x4a: {  	_ =	shalt  }
0x4b: {  	_ =	shalt  }
0x4c: {  	_ =	shalt  }
0x4d: {  	_ =	shalt  }
0x4e: {  	_ =	shalt  }
0x4f: {  	_ =	shalt  }
0x50: {  	_ =	shalt  }
0x51: {  	_ =	shalt  }
0x52: {  	_ =	shalt  }
0x53: {  	_ =	shalt  }
0x54: {  	_ =	shalt  }
0x55: {  	_ =	shalt  }
0x56: {  	_ =	shalt  }
0x57: {  	_ =	shalt  }
0x58: {  	_ =	shalt  }
0x59: {  	_ =	shalt  }
0x5a: {  	_ =	shalt  }
0x5b: {  	_ =	shalt  }
0x5c: {  	_ =	shalt  }
0x5d: {  	_ =	shalt  }
0x5e: {  	_ =	shalt  }
0x5f: {  	_ =	shalt  }
0x60: {  	_ =	shalt  }
0x61: {  	_ =	shalt  }
0x62: {  	_ =	shalt  }
0x63: {  	_ =	shalt  }
0x64: {  	_ =	shalt  }
0x65: {  	_ =	shalt  }
0x66: {  	_ =	shalt  }
0x67: {  	_ =	shalt  }
0x68: {  	_ =	shalt  }
0x69: {  	_ =	shalt  }
0x6a: {  	_ =	shalt  }
0x6b: {  	_ =	shalt  }
0x6c: {  	_ =	shalt  }
0x6d: {  	_ =	shalt  }
0x6e: {  	_ =	shalt  }
0x6f: {  	_ =	shalt  }
0x70: {  	_ =	shalt  }
0x71: {  	_ =	shalt  }
0x72: {  	_ =	shalt  }
0x73: {  	_ =	shalt  }
0x74: {  	_ =	shalt  }
0x75: {  	_ =	shalt  }
0x76: {  	_ =	shalt  }
0x77: {  	_ =	shalt  }
0x78: {  	_ =	shalt  }
0x79: {  	_ =	shalt  }
0x7a: {  	_ =	shalt  }
0x7b: {  	_ =	shalt  }
0x7c: {  	_ =	shalt  }
0x7d: {  	_ =	shalt  }
0x7e: {  	_ =	shalt  }
0x7f: {  	_ =	shalt  }
0x80: {  	_ =	shalt  }
0x81: {  	_ =	shalt  }
0x82: {  	_ =	shalt  }
0x83: {  	_ =	shalt  }
0x84: {  	_ =	shalt  }
0x85: {  	_ =	shalt  }
0x86: {  	_ =	shalt  }
0x87: {  	_ =	shalt  }
.Lfunc_end0:
.L_simem_size_0:
called_computation.2_lowered:
.L_overlay_start_0:
0x88: {  	s2 =	sld [smem:$0x3FD9]  }
0x89: {  	s3 =	sld [smem:$0x3FFE];
	_ =	sdelay $0x1  }
0x8a: {  	s1 =	srdreg.scid  }
0x8b: {  	s0 =	sand.u32 $0x1, s1  }
0x8c: {  	s16 =	sshll.u32 s0, $0xA;
	s2 =	sadd.s32 s3, s2  }
0x8d: {  	s2 =	sadd.s32 s2, s16  }
0x8e: {  	[smem:$0x3FB6] =	sst s2  }
0x8f: {  	_ = 	snop  }
0x90: {  	(tm) =	ssettm $0x1  }
0x91: {  	s17 =	sld [smem:$0x3FFB];
	_ =	sdelay $0x3  }
0x92: {  	_ =	strace s17  }
0x93: {  	s2 =	sld [smem:$0x3FFC];
	_ =	sdelay $0x3  }
0x94: {  	_ =	strace s2  }
0x95: {  	s2 =	sld [smem:$0x3FFD];
	_ =	sdelay $0x3  }
0x96: {  	_ =	strace s2  }
0x97: {  	_ =	strace $0x8FFFFFFF  }
0x98: {  	s18 =	sld [smem:$0x3FDB];
	_ =	sdelay $0x1  }
0x99: {  	s19 =	simm.s32 $_scs_section_size  }
0x9a: {  	s4 =	simm.s32 $_size__tile_overlayer_lowered;
	s5 =	simm.s32 $_tile_overlayer_lowered  }
0x9b: {  	s22 =	simm.s32 $0x1BFF;
	s21 =	sshll.u32 s5, $0x1;
	s2 =	sadd.s32 s19, s18  }
0x9c: {  	s6 =	simm.s32 $0x0;
	s20 =	sshll.u32 s4, $0x1;
	s4 =	sadd.s32 s21, s2  }
0x9d: {  	[timem:s6], [sflag:s22] =	dma.local [hbm:s4], s20  }
0x9e: {  	_ =	swait.ge [sflag:s22], s20  }
0x9f: {  	s3 =	ssub.s32 $0x0, s20;
	[sflag:s22] =	ssyncset.done $0x0  }
0xa0: {  	[sflag:s22] =	ssyncadd.s32 s3;
	_ =	sdelay $0x1  }
0xa1: {  	s23 =	simm.s32 $0x1B8B  }
0xa2: {  	_ =	swait.ge [sflag:s23], $0x1  }
0xa3: {  	[sflag:s23] =	ssyncset.done $0x0  }
0xa4: {  	s25 =	simm.s32 $0x1B8E;
	s24 =	sld [smem:$0x3FFE];
	[sflag:s23] =	ssyncadd.s32 $0xFFFFFFFF  }
0xa5: {  	s26 =	simm.s32 $execute0_lowered;
	[smem:$0x3FD2] =	sst s25  }
0xa6: {  	s4 =	sshll.u32 s26, $0x1;
	_ =	strace $0x8000004C;
	[dreg:$0x1] =	wrdreg $0xFFFFFFFF  }
0xa7: {  	s28 =	simm.s32 $_size_execute0_lowered;
	s2 =	sadd.s32 s2, s4;
	[dreg:$0x0] =	wrdreg $0x0  }
0xa8: {  	s4 =	sshll.u32 s28, $0x1;
	[dreg:$0x2] =	wrdreg s2  }
0xa9: {  	[dreg:$0x3] =	wrdreg s4  }
0xaa: {  	[dreg:$0x4] =	wrdreg $0xC0  }
0xab: {  	_ =	task [dreg:s6], $0x5FFFF  }
0xac: {  	[dreg:$0x1] =	wrdreg $0xFFFFFFFF  }
0xad: {  	[dreg:$0x0] =	wrdreg $0x60  }
0xae: {  	[dreg:$0x2] =	wrdreg s24  }
0xaf: {  	[dreg:$0x3] =	wrdreg $0x0  }
0xb0: {  	[dreg:$0x4] =	wrdreg $0x9  }
0xb1: {  	_ =	task.clear_ibuf [dreg:s6], $0x5FFFF;
	_ =	strace $0x9000004C  }
0xb2: {  	s29 =	simm.s32 $0x9;
	_ =	strace $0x8000004E  }
0xb3: {  	_ =	swait.ge [sflag:s29], $0x1  }
0xb4: {  	[sflag:s29] =	ssyncadd.s32 $0xFFFFFFFF  }
0xb5: {  	_ =	strace $0x9000004E  }
0xb6: {  	_ =	sfence  }
0xb7: {  	s30 =	sld [smem:$0x0];
	_ =	sdelay $0x2  }
0xb8: {  	s31 =	sshll.u32 s1, $0xD;
	s1 =	sshrl.u32 s1, $0x2  }
0xb9: {  	s3 =	sand.u32 $0x4000, s31;
	s1 =	sadd.s32 s1, s30  }
0xba: {  	s0 =	sor.u32 s3, s0;
	s1 =	sshll.u32 s1, $0x11  }
0xbb: {  	s0 =	sor.u32 s1, s0  }
0xbc: {  	s0 =	sadd.s32 $0x8F2B, s0  }
0xbd: {  	[sflag:s0] =	ssyncadd.remote.s32 $0x1  }
0xbe: {  	_ =	sfence.sel $0xFFFF  }
0xbf: {  	[dreg:$0x0] =	wrdreg $0xFFFFFFFF;
	(pc) =	sbr.abs _section_cstart, $3  }
0xc0: {  	[dreg:$0x1] =	wrdreg $0xFFFFFFFF  }
0xc1: {  	_ =	task.clear_ibuf [dreg:s6], $0x2FFFF;
	_ =	strace $0x9FFFFFFF  }
0xc2: {  	(tm) =	ssettm $0x7FFFFFFF  }
0xc3: {  	_ =	shalt  }
tec
execute0_lowered:
.L_overlay_start_1:
0x0: {  	(tag) =	ssettag $0x1  }
0x1: {  	s0 =	srdreg.scid  }
0x2: {  	s5 =	rddreg [dreg:$0x0];
	s11 =	stileid.u32  }
0x3: {  	s1 =	rddreg [dreg:$0x1];
	s2 =	simm.s32 $0x0;
	s6 =	smul.u32 $0x1400, s11  }
0x4: {  	s3 =	sand.u32 $0x1, s0;
	s0 =	rddreg [dreg:$0x2];
	s24 =	smul.u32 $0x13800, s11  }
0x5: {  	s17 =	simm.s32 $0x0;
	[smem:$0x7FF] =	sst s2;
	s12 =	smul.u32 $0x4E000, s11  }
0x6: {  	s13 =	sadd.s32 $0x535200, s5;
	s28 =	sshll.u32 s11, $0x6;
	s29 =	smul.u32 $0x14000, s11  }
0x7: {  	s16 =	sadd.s32 $0x138000, s1;
	p0 =	sne.s32 s11, $0x0;
	s4 =	smul.u32 $0x14000, s3  }
0x8: {  	s7 =	smul.u32 $0x140000, s3;
	_ =	strace $0x8000004D;
	s25 =	ssub.s32 $0x2, s3  }
0x9: {  	s14 =	smul.u32 $0x138800, s3;
	s8 =	sshrl.u32 s24, $0x3;
	s9 =	sshrl.u32 s25, $0x1  }
0xa: {  	s26 =	sshrl.u32 s12, $0x2;
	s4 =	sadd.s32 s6, s4;
	s7 =	sadd.s32 s7, s5  }
0xb: {  	s8 =	sadd.s32 s8, s5;
	s9 =	ssub.s32 s25, s9;
	s15 =	sadd.s32 s26, s1  }
0xc: {  	s6 =	sadd.s32 s24, s14;
	s30 =	sshrl.u32 s14, $0x3;
	s14 =	simm.s32 $0x13880  }
0xd: {  	s4 =	sshrl.u32 s4, $0x3;
	s3 =	sadd.s32 $0x50E000, s8;
	s6 =	sshrl.u32 s6, $0x3  }
0xe: {  	s12 =	sadd.s32 s13, s30;
	s31 =	sadd.s32 s29, s7;
	s8 =	smax.u32 s9, $0x1  }
0xf: {  	s11 =	sshrl.u32 s15, $0x3;
	s15 =	simm.s32 $0x17880;
	s10 =	sadd.s32 s4, s5  }
0x10: {  	s4 =	sor.u32 $0x1C01, s28;
	s5 =	sadd.s32 $0x535000, s5;
	s6 =	sadd.s32 s13, s6  }
0x11: {  	s7 =	sadd.s32 $0x27000, s12;
	s9 =	sadd.s32 $0x78E000, s31;
	s12 =	simm.s32 $0x1  }
0x12: {  	s13 =	sshrl.u32 @!p0 s16, $0x3;
	s16 =	simm.s32 $0x80;
	s10 =	sadd.s32 $0x509000, s10  }
.LBB2_1:
0x13: {  	[spmem:s11], [sflag:s4] =	dma.local [hbm:s3], $0x2700  }
0x14: {  	_ =	swait.ge [sflag:s12], $0x2700  }
0x15: {  	[sflag:s12] =	ssyncset.done $0x0  }
0x16: {  	s18 =	simm.s32 @!p0 $0x1;
	[sflag:s12] =	ssyncadd.s32 $0xFFFFD900  }
0x17: {  	[spmem:s13], [sflag:s4] =	dma.local @!p0 [hbm:s5], $0x100  }
0x18: {  	_ =	swait.ge @!p0 [sflag:s18], $0x100  }
0x19: {  	[sflag:s18] =	ssyncset.done @!p0 $0x0  }
0x1a: {  	[sflag:s18] =	ssyncadd.s32 @!p0 $0xFFFFFF00  }
0x1b: {  	[bflag:$0x0] =	sbarrier.arrive $0xFFFF  }
0x1c: {  	[tilespmem:s14], [sflag:$0x1] =	stream.linear.gather [hbm4b:s9+s2], $0x4000, $0x38;
	[tilespmem:$0x17900] =	vst v63  }
0x1d: {  	_ =	swait.ge [sflag:s12], $0x4000  }
0x1e: {  	[sflag:s12] =	ssyncset.done $0x0  }
0x1f: {  	s31 =	sadd.s32 $0x0, s10;
	[sflag:s12] =	ssyncadd.s32 $0xFFFFC000  }
0x20: {  	[tilespmem:s15], [sflag:$0x1] =	stream.linear.gather [hbm4b:s31+s2], $0x80, $0x38;
	[tilespmem:$0x17900] =	vst v63  }
0x21: {  	_ =	swait.ge [sflag:s12], $0x80  }
0x22: {  	[sflag:s12] =	ssyncset.done $0x0  }
0x23: {  	[sflag:s12] =	ssyncadd.s32 $0xFFFFFF80  }
0x24: {  	[spmem:s1] =	stream.indirect.scatter.add.f32 [tilespmem:s14], [sflag:$0x1], $0x80, s15, s16, $0xb8;
	[tilespmem:$0x17900] =	vst v63  }
0x25: {  	_ =	swait.ge [sflag:s12], $0x4000  }
0x26: {  	s19 =	smov.u32 s9;
	s18 =	simm.s32 $0x10;
	[sflag:s12] =	ssyncset.done $0x0  }
.LBB2_2:
0x27: {  	p1 =	sne.s32 s18, $0x270;
	[sflag:s12] =	ssyncadd.s32 $0xFFFFC000;
	s19 =	sadd.s32 $0x800, s19  }
0x28: {  	[tilespmem:s14], [sflag:$0x1] =	stream.linear.gather [hbm4b:s19+s2], $0x4000, $0x38;
	[tilespmem:$0x17900] =	vst v63  }
0x29: {  	s20 =	smov.u32 s18;
	s18 =	sadd.s32 $0x10, s18;
	_ =	swait.ge [sflag:s12], $0x4000  }
0x2a: {  	[sflag:s12] =	ssyncset.done $0x0  }
0x2b: {  	s20 =	sadd.s32 s20, s10;
	[sflag:s12] =	ssyncadd.s32 $0xFFFFC000  }
0x2c: {  	[tilespmem:s15], [sflag:$0x1] =	stream.linear.gather [hbm4b:s20+s2], $0x80, $0x38;
	[tilespmem:$0x17900] =	vst v63  }
0x2d: {  	_ =	swait.ge [sflag:s12], $0x80  }
.Ltmp0:
0x2e: {  	[sflag:s12] =	ssyncset.done $0x0;
	(pc) =	sbr.rel @p1 .LBB2_2-.Ltmp0, $4  }
0x2f: {  	[sflag:s12] =	ssyncadd.s32 $0xFFFFFF80  }
0x30: {  	[spmem:s1] =	stream.indirect.scatter.add.f32 [tilespmem:s14], [sflag:$0x1], $0x80, s15, s16, $0xb8;
	[tilespmem:$0x17900] =	vst v63  }
0x31: {  	_ =	swait.ge [sflag:s12], $0x4000  }
0x32: {  	[sflag:s12] =	ssyncset.done $0x0  }
0x33: {  	[sflag:s12] =	ssyncadd.s32 $0xFFFFC000  }
0x34: {  	[bflag:$0x0] =	sbarrier.arrive $0xFFFF  }
0x35: {  	[hbm:s6], [sflag:s4] =	dma.local [spmem:s11], $0x2700  }
0x36: {  	s17 =	sadd.s32 $0x1, s17;
	_ =	swait.ge [sflag:s12], $0x2700  }
0x37: {  	p1 =	sne.s32 s17, s8;
	[sflag:s12] =	ssyncset.done $0x0  }
.Ltmp1:
0x38: {  	s18 =	simm.s32 @!p0 $0x1;
	[sflag:s12] =	ssyncadd.s32 $0xFFFFD900;
	(pc) =	sbr.rel @p1 .LBB2_1-.Ltmp1, $4  }
0x39: {  	[hbm:s7], [sflag:s4] =	dma.local @!p0 [spmem:s13], $0x100  }
0x3a: {  	_ =	swait.ge @!p0 [sflag:s18], $0x100  }
0x3b: {  	[sflag:s18] =	ssyncset.done @!p0 $0x0  }
0x3c: {  	[sflag:s18] =	ssyncadd.s32 @!p0 $0xFFFFFF00  }
0x3d: {  	_ =	sfence.sel $0x180000  }
0x3e: {  	[bflag:$0x0] =	sbarrier.arrive $0xFFFF  }
0x3f: {  	_ =	strace $0x9000004D  }
0x40: {  	s0 =	sadd.s32 @!p0 $0x100000, s0;
	[bflag:$0x2] =	sbarrier.arrive $0xFFFF  }
0x41: {  	[sflag:s0] =	ssyncadd.tile.s32 @!p0 $0x1;
	_ =	shalt  }
.Lfunc_end2:
_tile_overlayer_lowered:
.L_overlay_start_2:
0x42: {  	(tag) =	ssettag $0x2  }
0x43: {  	s0 =	rddreg [dreg:$0x0];
	s2 =	stileid.u32  }
0x44: {  	s1 =	rddreg [dreg:$0x1];
	p0 =	sne.s32 s2, $0x0  }
0x45: {  	s3 =	rddreg [dreg:$0x2];
	[bflag:$0x3] =	sbarrier.arrive $0xFFFF;
	s2 =	simm.s32 @!p0 $0x1C01  }
0x46: {  	[timem:s3], [sflag:s2] =	dma.local @!p0 [hbm:s0], s1  }
0x47: {  	s0 =	simm.s32 @!p0 $0x1  }
0x48: {  	_ =	swait.ge @!p0 [sflag:s0], s1  }
0x49: {  	s1 =	ssub.s32 @!p0 $0x0, s1;
	[sflag:s0] =	ssyncset.done @!p0 $0x0  }
0x4a: {  	[sflag:s0] =	ssyncadd.s32 @!p0 s1  }
0x4b: {  	[bflag:$0x3] =	sbarrier.arrive $0xFFFF  }
0x4c: {  	_ =	shalt  }

// kernel: kernel.9.cloned.1.call-start
scs
__scs_entry_jumppad:
0x0: {  	(pc) =	sbr.rel $0x88, $3  }
0x1: {  	(tag) =	ssettag $0x0;
	lr =	simm.s32 $0x1  }
0x2: {  	[smem:$0x3F8F] =	sst lr;
	_ =	strace $0xD0000000  }
0x3: {  	_ = 	snop  }
0x4: {  	_ = 	snop  }
0x5: {  	_ = 	snop  }
0x6: {  	_ = 	snop  }
0x7: {  	_ = 	snop  }
__scs_overlays_trampoline_lowered:
0x8: {  	[smem:$0x3F9E] =	sst s0  }
0x9: {  	[smem:$0x3F9F] =	sst s1  }
0xa: {  	[smem:$0x3FA0] =	sst s2  }
0xb: {  	[smem:$0x3FA1] =	sst s3  }
0xc: {  	[smem:$0x3FA2] =	sst s4  }
0xd: {  	[smem:$0x3FA3] =	sst s5  }
0xe: {  	[smem:$0x3FA4] =	sst s6  }
0xf: {  	[smem:$0x3FA5] =	sst s7  }
0x10: {  	[smem:$0x3FA6] =	sst s8  }
0x11: {  	[smem:$0x3FA7] =	sst s9;
	s0 =	simm.s32 @!p0 $0x0  }
0x12: {  	s1 =	sld [smem:$0x3F8D];
	s0 =	simm.s32 @p0 $0x1  }
0x13: {  	[smem:$0x3FA8] =	sst s0;
	s0 =	simm.s32 @!p1 $0x0  }
0x14: {  	s2 =	sld [smem:$0x3F8C];
	s0 =	simm.s32 @p1 $0x1  }
0x15: {  	[smem:$0x3FA9] =	sst s0;
	s0 =	simm.s32 @!p2 $0x0  }
0x16: {  	s3 =	sld [smem:$0x3FDB];
	s0 =	simm.s32 @p2 $0x1  }
0x17: {  	s4 =	simm.s32 $0x1BF5;
	[smem:$0x3FAB] =	sst s0  }
0x18: {  	s0 =	sld [smem:$0x3F8E];
	_ =	swait.ge [sflag:s4], $0x0  }
0x19: {  	s7 =	sld [smem:$0x3F8F]  }
0x1a: {  	s8 =	sadd.s32 $0xFFFFE003, lr  }
0x1b: {  	s9 =	sadd.s32 $0xFFFFFEF7, lr;
	s5 =	simm.s32 $0xFFFFFFFF;
	p2 =	slt.u32 s8, $0xFFFFF086  }
0x1c: {  	p1 =	slt.u32 s9, $0xF7A;
	s5 =	simm.s32 @!p2 $0x0  }
0x1d: {  	s5 =	simm.s32 @p1 $0x1;
	p0 =	seq.s32 s7, s2  }
0x1e: {  	s7 =	smul.u32 @!p0 $0xF7A, s2;
	p2 =	seq.s32 @!p0 s5, $0x0  }
0x1f: {  	s9 =	smul.u32 $0xF7A, s1;
	s8 =	simm.s32 @!p0 $0x1BF5;
	p2 =	por !p2, p0  }
0x20: {  	[sflag:s8] =	ssyncset.s32 @!p0 $0xFFFFF086;
	s6 =	sadd.s32 @!p0 s3, s7;
	s7 =	simm.s32 @!p0 $0x108  }
0x21: {  	s3 =	sadd.s32 s3, s9;
	s6 =	sadd.s32 @!p0 $0x88, s6;
	s7 =	simm.s32 @p2 $0x1082  }
0x22: {  	[simem:s7], [sflag:s8] =	dma.local @!p0 [hbm:s6], $0xF7A  }
0x23: {  	s9 =	sor.u32 $0xD0000000, s2;
	s6 =	simm.s32 $0x108;
	_ =	swait.ge @!p0 [sflag:s8], $0x0  }
0x24: {  	s3 =	sadd.s32 $0x88, s3;
	s6 =	simm.s32 @!p1 $0x1082;
	[sflag:s4] =	ssyncset.s32 $0xFFFFF086  }
0x25: {  	[simem:s6], [sflag:s4] =	dma.local [hbm:s3], $0xF7A  }
0x26: {  	[smem:$0x3F8F] =	sst s1;
	(tag) =	ssettag s2;
	_ =	strace s9  }
0x27: {  	s1 =	sld [smem:$0x3F9F]  }
0x28: {  	s2 =	sld [smem:$0x3FA0]  }
0x29: {  	s4 =	sld [smem:$0x3FA2]  }
0x2a: {  	p0 =	seq.s32 s5, $0x0;
	s5 =	sld [smem:$0x3FA3]  }
0x2b: {  	s6 =	sld [smem:$0x3FA4]  }
0x2c: {  	s7 =	sld [smem:$0x3FA5]  }
0x2d: {  	s3 =	simm.s32 $0x108;
	s8 =	sld [smem:$0x3FA6]  }
0x2e: {  	s3 =	simm.s32 @!p0 $0x1082;
	s9 =	sld [smem:$0x3FA7]  }
0x2f: {  	lr =	sadd.s32 s0, s3;
	s0 =	sld [smem:$0x3F9E]  }
0x30: {  	s3 =	sld [smem:$0x3FA1]  }
0x31: {  	[smem:$0x3FAA] =	sst s10  }
0x32: {  	s10 =	sld [smem:$0x3FA8];
	_ =	sdelay $0x3  }
0x33: {  	p0 =	seq.s32 s10, $0x1;
	s10 =	sld [smem:$0x3FAA];
	_ =	sdelay $0x3  }
0x34: {  	[smem:$0x3FAA] =	sst s10  }
0x35: {  	s10 =	sld [smem:$0x3FA9];
	_ =	sdelay $0x3  }
0x36: {  	p1 =	seq.s32 s10, $0x1;
	s10 =	sld [smem:$0x3FAA];
	_ =	sdelay $0x3  }
0x37: {  	[smem:$0x3FAA] =	sst s10  }
0x38: {  	s10 =	sld [smem:$0x3FAB]  }
0x39: {  	_ = 	snop;
	(pc) =	sbr.ind lr, $3  }
0x3a: {  	_ = 	snop  }
0x3b: {  	_ = 	snop  }
0x3c: {  	p2 =	seq.s32 s10, $0x1;
	s10 =	sld [smem:$0x3FAA]  }
0x3d: {  	_ =	shalt  }
0x3e: {  	_ =	shalt  }
0x3f: {  	_ =	shalt  }
0x40: {  	_ =	shalt  }
0x41: {  	_ =	shalt  }
0x42: {  	_ =	shalt  }
0x43: {  	_ =	shalt  }
0x44: {  	_ =	shalt  }
0x45: {  	_ =	shalt  }
0x46: {  	_ =	shalt  }
0x47: {  	_ =	shalt  }
0x48: {  	_ =	shalt  }
0x49: {  	_ =	shalt  }
0x4a: {  	_ =	shalt  }
0x4b: {  	_ =	shalt  }
0x4c: {  	_ =	shalt  }
0x4d: {  	_ =	shalt  }
0x4e: {  	_ =	shalt  }
0x4f: {  	_ =	shalt  }
0x50: {  	_ =	shalt  }
0x51: {  	_ =	shalt  }
0x52: {  	_ =	shalt  }
0x53: {  	_ =	shalt  }
0x54: {  	_ =	shalt  }
0x55: {  	_ =	shalt  }
0x56: {  	_ =	shalt  }
0x57: {  	_ =	shalt  }
0x58: {  	_ =	shalt  }
0x59: {  	_ =	shalt  }
0x5a: {  	_ =	shalt  }
0x5b: {  	_ =	shalt  }
0x5c: {  	_ =	shalt  }
0x5d: {  	_ =	shalt  }
0x5e: {  	_ =	shalt  }
0x5f: {  	_ =	shalt  }
0x60: {  	_ =	shalt  }
0x61: {  	_ =	shalt  }
0x62: {  	_ =	shalt  }
0x63: {  	_ =	shalt  }
0x64: {  	_ =	shalt  }
0x65: {  	_ =	shalt  }
0x66: {  	_ =	shalt  }
0x67: {  	_ =	shalt  }
0x68: {  	_ =	shalt  }
0x69: {  	_ =	shalt  }
0x6a: {  	_ =	shalt  }
0x6b: {  	_ =	shalt  }
0x6c: {  	_ =	shalt  }
0x6d: {  	_ =	shalt  }
0x6e: {  	_ =	shalt  }
0x6f: {  	_ =	shalt  }
0x70: {  	_ =	shalt  }
0x71: {  	_ =	shalt  }
0x72: {  	_ =	shalt  }
0x73: {  	_ =	shalt  }
0x74: {  	_ =	shalt  }
0x75: {  	_ =	shalt  }
0x76: {  	_ =	shalt  }
0x77: {  	_ =	shalt  }
0x78: {  	_ =	shalt  }
0x79: {  	_ =	shalt  }
0x7a: {  	_ =	shalt  }
0x7b: {  	_ =	shalt  }
0x7c: {  	_ =	shalt  }
0x7d: {  	_ =	shalt  }
0x7e: {  	_ =	shalt  }
0x7f: {  	_ =	shalt  }
0x80: {  	_ =	shalt  }
0x81: {  	_ =	shalt  }
0x82: {  	_ =	shalt  }
0x83: {  	_ =	shalt  }
0x84: {  	_ =	shalt  }
0x85: {  	_ =	shalt  }
0x86: {  	_ =	shalt  }
0x87: {  	_ =	shalt  }
.Lfunc_end0:
.L_simem_size_0:
called_computation_lowered:
.L_overlay_start_0:
0x88: {  	s2 =	sld [smem:$0x3FD9]  }
0x89: {  	s3 =	sld [smem:$0x3FFE];
	_ =	sdelay $0x1  }
0x8a: {  	s1 =	srdreg.scid  }
0x8b: {  	s0 =	sand.u32 $0x1, s1  }
0x8c: {  	s17 =	sshll.u32 s0, $0xA;
	s2 =	sadd.s32 s3, s2  }
0x8d: {  	s2 =	sadd.s32 s2, s17  }
0x8e: {  	[smem:$0x3FB6] =	sst s2  }
0x8f: {  	_ = 	snop  }
0x90: {  	s2 =	sld [smem:$0x3FD0];
	(tm) =	ssettm $0x1  }
0x91: {  	s18 =	sld [smem:$0x3FFB];
	_ =	sdelay $0x3  }
0x92: {  	_ =	strace s18  }
0x93: {  	s3 =	sld [smem:$0x3FFC];
	_ =	sdelay $0x3  }
0x94: {  	_ =	strace s3  }
0x95: {  	s3 =	sld [smem:$0x3FFD];
	_ =	sdelay $0x3  }
0x96: {  	_ =	strace s3  }
0x97: {  	_ =	strace $0x8FFFFFFF  }
0x98: {  	s19 =	sld [smem:$0x3FDB];
	_ =	sdelay $0x1  }
0x99: {  	s4 =	simm.s32 $_scs_section_size  }
0x9a: {  	s5 =	simm.s32 $_size__tile_overlayer_lowered;
	s6 =	simm.s32 $_tile_overlayer_lowered  }
0x9b: {  	s22 =	simm.s32 $0x1BFF;
	s21 =	sshll.u32 s6, $0x1;
	s3 =	sadd.s32 s4, s19  }
0x9c: {  	s7 =	simm.s32 $0x0;
	s20 =	sshll.u32 s5, $0x1;
	s5 =	sadd.s32 s21, s3  }
0x9d: {  	[timem:s7], [sflag:s22] =	dma.local [hbm:s5], s20  }
0x9e: {  	_ =	swait.ge [sflag:s22], s20  }
0x9f: {  	s4 =	ssub.s32 $0x0, s20;
	[sflag:s22] =	ssyncset.done $0x0  }
0xa0: {  	[sflag:s22] =	ssyncadd.s32 s4;
	_ =	sdelay $0x1  }
0xa1: {  	s23 =	simm.s32 $0x1B8B  }
0xa2: {  	_ =	swait.ge [sflag:s23], $0x1  }
0xa3: {  	[sflag:s23] =	ssyncset.done $0x0  }
0xa4: {  	s25 =	simm.s32 $0x1B8E;
	s24 =	sld [smem:$0x3FFE];
	[sflag:s23] =	ssyncadd.s32 $0xFFFFFFFF  }
0xa5: {  	s26 =	simm.s32 $execute0_lowered;
	[smem:$0x3FD2] =	sst s25  }
0xa6: {  	s5 =	sshll.u32 s26, $0x1;
	_ =	strace $0x80000046;
	[dreg:$0x1] =	wrdreg $0xFFFFFFFF  }
0xa7: {  	s28 =	simm.s32 $_size_execute0_lowered;
	s3 =	sadd.s32 s3, s5;
	[dreg:$0x0] =	wrdreg $0x0  }
0xa8: {  	s5 =	sshll.u32 s28, $0x1;
	[dreg:$0x2] =	wrdreg s3  }
0xa9: {  	[dreg:$0x3] =	wrdreg s5  }
0xaa: {  	[dreg:$0x4] =	wrdreg $0xC0  }
0xab: {  	_ =	task [dreg:s7], $0x5FFFF  }
0xac: {  	[dreg:$0x1] =	wrdreg $0xFFFFFFFF  }
0xad: {  	[dreg:$0x0] =	wrdreg $0x60  }
0xae: {  	[dreg:$0x2] =	wrdreg s24  }
0xaf: {  	[dreg:$0x3] =	wrdreg s2  }
0xb0: {  	[dreg:$0x4] =	wrdreg $0x9  }
0xb1: {  	_ =	task.clear_ibuf [dreg:s7], $0x5FFFF;
	_ =	strace $0x90000046  }
0xb2: {  	s29 =	simm.s32 $0x9;
	_ =	strace $0x80000048  }
0xb3: {  	_ =	swait.ge [sflag:s29], $0x1  }
0xb4: {  	[sflag:s29] =	ssyncadd.s32 $0xFFFFFFFF  }
0xb5: {  	_ =	strace $0x90000048  }
0xb6: {  	_ =	sfence  }
0xb7: {  	s30 =	sld [smem:$0x0];
	_ =	sdelay $0x2  }
0xb8: {  	s31 =	sshll.u32 s1, $0xD;
	s1 =	sshrl.u32 s1, $0x2  }
0xb9: {  	s3 =	sand.u32 $0x4000, s31;
	s1 =	sadd.s32 s1, s30  }
0xba: {  	s0 =	sor.u32 s3, s0;
	s1 =	sshll.u32 s1, $0x11  }
0xbb: {  	s0 =	sor.u32 s1, s0  }
0xbc: {  	s0 =	sadd.s32 $0x8F2B, s0  }
0xbd: {  	[sflag:s0] =	ssyncadd.remote.s32 $0x1  }
0xbe: {  	_ =	sfence.sel $0xFFFF  }
0xbf: {  	[dreg:$0x0] =	wrdreg $0xFFFFFFFF;
	(pc) =	sbr.abs _section_cstart, $3  }
0xc0: {  	[dreg:$0x1] =	wrdreg $0xFFFFFFFF  }
0xc1: {  	_ =	task.clear_ibuf [dreg:s7], $0x2FFFF;
	_ =	strace $0x9FFFFFFF  }
0xc2: {  	(tm) =	ssettm $0x7FFFFFFF  }
0xc3: {  	_ =	shalt  }
tec
execute0_lowered:
.L_overlay_start_1:
0x0: {  	(tag) =	ssettag $0x1  }
0x1: {  	s0 =	rddreg [dreg:$0x0]  }
0x2: {  	s1 =	rddreg [dreg:$0x1]  }
0x3: {  	s3 =	srdreg.scid;
	s4 =	stileid.u32  }
0x4: {  	s2 =	simm.s32 $0x0;
	s7 =	sand.u32 $0x1, s3;
	s19 =	sshll.u32 s4, $0x1  }
0x5: {  	[smem:$0x7FF] =	sst s2;
	s3 =	sadd.s32 $0xBEFC00, s0;
	s9 =	smul.u32 $0x4E2, s4  }
0x6: {  	s4 =	sadd.s32 $0x3E00, s0;
	s5 =	sadd.s32 $0xC9DE00, s0;
	s6 =	sadd.s32 $0xD4C000, s0  }
0x7: {  	s10 =	sor.u32 s7, s19;
	s11 =	smul.u32 $0x271, s7;
	s20 =	ssub.s32 $0x2, s7  }
0x8: {  	_ =	strace $0x80000047;
	s8 =	smul.u32 $0x271, s10;
	s12 =	sshrl.u32 s20, $0x1  }
0x9: {  	s9 =	sadd.s32 s11, s9;
	s0 =	ssub.s32 s20, s12;
	s20 =	simm.s32 $0x1  }
0xa: {  	s21 =	sshrl.u32 s8, $0x1;
	s22 =	sadd.s32 $0x271, s8;
	s8 =	smul.u32 $0x2B828, s10  }
0xb: {  	s14 =	sshrl.u32 s9, $0x1;
	s10 =	sshll.u32 s10, $0x1;
	s0 =	smax.u32 s0, $0x1  }
0xc: {  	s13 =	smul.u32 $0x4E2, s21;
	s7 =	sadd.s32 $0x4, s21;
	[dreg:$0x6] =	wrdreg s0  }
0xd: {  	s9 =	sshrl.u32 s22, $0x1;
	s1 =	sadd.s32 s1, s10;
	[dreg:$0x4] =	wrdreg s7  }
0xe: {  	s23 =	smul.u32 $0x2710, s14;
	s28 =	sadd.s32 $0x2, s14;
	[dreg:$0x5] =	wrdreg s1  }
0xf: {  	s25 =	smul.u32 $0x9C40, s14;
	[dreg:$0x8] =	wrdreg s28;
	s24 =	sadd.s32 s4, s13  }
.Ltmp0:
0x10: {  	s26 =	sadd.s32 $0x4E20, s23;
	[dreg:$0x3] =	wrdreg s24;
	(pc) =	sbr.rel .LBB2_1-.Ltmp0, $4  }
0x11: {  	s29 =	sshrl.u32 s25, $0x2;
	s31 =	sadd.s32 $0x7530, s23;
	[dreg:$0x7] =	wrdreg s26  }
0x12: {  	s11 =	smov.u32 s21;
	s30 =	sadd.s32 $0x9CE0, s29;
	[dreg:$0xa] =	wrdreg s31  }
0x13: {  	v0 =	vlaneseq.u32;
	s21 =	simm.s32 $0x3;
	s0 =	sadd.s32 $0xC3F0, s29;
	[dreg:$0x9] =	wrdreg s30  }
0x14: {  	vm0 =	vcmask $0x300;
	v1 =	vor.u32 $0x2700, v0;
	s22 =	simm.s32 $0x2;
	s1 =	simm.s32 $0x0;
	[dreg:$0xb] =	wrdreg s0  }
.LBB2_45:
0x15: {  	_ =	swait.ge [sflag:s20], $0x4E20;
	s0 =	sadd.s32 s8, s29  }
0x16: {  	[sflag:s20] =	ssyncset.done $0x0;
	s0 =	sshrl.u32 s0, $0x3  }
0x17: {  	s7 =	simm.s32 $0x9D00;
	[sflag:s20] =	ssyncadd.s32 $0xFFFFB1E0;
	s1 =	sadd.s32 s3, s0  }
0x18: {  	[hbm4b:s1+s2] =	stream.linear.scatter [tilespmem:s7], [sflag:$0x3], $0x4720, $0x38;
	[tilespmem:$0x17400] =	vst v63  }
0x19: {  	_ =	swait.ge [sflag:s21], $0x4720  }
0x1a: {  	[sflag:s21] =	ssyncset.done $0x0  }
0x1b: {  	s23 =	simm.s32 $0xE480;
	s19 =	sadd.s32 s5, s0;
	[sflag:s21] =	ssyncadd.s32 $0xFFFFB8E0  }
0x1c: {  	[hbm4b:s19+s2] =	stream.linear.scatter [tilespmem:s23], [sflag:$0x3], $0x4720, $0x38;
	[tilespmem:$0x17400] =	vst v63  }
0x1d: {  	_ =	swait.ge [sflag:s21], $0x4720  }
0x1e: {  	[sflag:s21] =	ssyncset.done $0x0  }
0x1f: {  	s24 =	simm.s32 $0x12C00;
	s0 =	sadd.s32 s6, s0;
	[sflag:s21] =	ssyncadd.s32 $0xFFFFB8E0  }
0x20: {  	[hbm4b:s0+s2] =	stream.linear.scatter [tilespmem:s24], [sflag:$0x3], $0x4720, $0x38;
	[tilespmem:$0x17400] =	vst v63  }
0x21: {  	s26 =	sadd.s32 s25, s29;
	_ =	swait.ge [sflag:s21], $0x4720  }
0x22: {  	v2 =	vmov s26;
	[sflag:s21] =	ssyncset.done $0x0  }
0x23: {  	v2 =	vnsel vm0, $0x0, v2;
	[sflag:s21] =	ssyncadd.s32 $0xFFFFB8E0  }
0x24: {  	s29 =	simm.s32 $0x17380;
	s28 =	rddreg [dreg:$0x5];
	[tilespmem:$0x17380] =	vst v2  }
0x25: {  	[hbm4b:s28+s2] =	stream.linear.scatter [tilespmem:s29], [sflag:$0x3], $0x10, $0x38;
	[tilespmem:$0x17400] =	vst v63  }
0x26: {  	_ =	swait.ge [sflag:s21], $0x10  }
0x27: {  	s30 =	rddreg [dreg:$0xc]  }
0x28: {  	s31 =	rddreg [dreg:$0x6];
	s1 =	sadd.s32 $0x1, s30  }
0x29: {  	p0 =	sne.s32 s1, s31  }
.Ltmp1:
0x2a: {  	_ = 	snop;
	(pc) =	sbr.rel @!p0 .LBB2_46-.Ltmp1, $3  }
0x2b: {  	_ =	sdelay $0x1  }
0x2c: {  	[sflag:s21] =	ssyncset.done $0x0  }
0x2d: {  	[sflag:s21] =	ssyncadd.s32 $0xFFFFFFF0  }
.LBB2_1:
0x2e: {  	[dreg:$0xc] =	wrdreg s1  }
0x2f: {  	s0 =	rddreg [dreg:$0x3]  }
0x30: {  	s30 =	rddreg [dreg:$0xb]  }
0x31: {  	s31 =	rddreg [dreg:$0xa]  }
.Ltmp2:
0x32: {  	s16 =	rddreg [dreg:$0x9];
	(pc) =	sbr.rel .LBB2_2-.Ltmp2, $4  }
0x33: {  	s15 =	rddreg [dreg:$0x8]  }
0x34: {  	s14 =	rddreg [dreg:$0x7];
	s29 =	simm.s32 $0x0  }
0x35: {  	[tilespmem:s2], [sflag:$0x1] =	stream.linear.gather [hbm4b:s0+s2], $0x4E20, $0x38;
	[tilespmem:$0x17400] =	vst v63  }
0x36: {  	s25 =	simm.s32 $0x0;
	s24 =	simm.s32 $0x0;
	s0 =	simm.s32 $0x0  }
.LBB2_38:
0x37: {  	s26 =	simm.s32 $0x9D00;
	s23 =	simm.s32 $0xE480;
	s18 =	simm.s32 $0x12C00  }
.LBB2_42:
0x38: {  	v2 =	vld [tilespmem:s17+$0xBD00];
	_ =	sdelay $0x2  }
0x39: {  	s7 =	sadd.s32 @p0 $0x10, s26  }
0x3a: {  	s0 =	smov.u32 @p0 s7  }
0x3b: {  	[tilespmem:s0+$0x0] =	vst v2  }
0x3c: {  	v2 =	vld [tilespmem:s17+$0x10480];
	_ =	sdelay $0x2  }
0x3d: {  	s0 =	sadd.s32 @p0 $0x10, s23  }
0x3e: {  	s1 =	smov.u32 @p0 s0  }
0x3f: {  	[tilespmem:s1+$0x0] =	vst v2  }
0x40: {  	v2 =	vld [tilespmem:s17+$0x14C00];
	_ =	sdelay $0x2  }
0x41: {  	s0 =	sadd.s32 @p0 $0x10, s18  }
0x42: {  	s10 =	smov.u32 @p0 s0  }
0x43: {  	[tilespmem:s10+$0x0] =	vst v2  }
.LBB2_43:
0x44: {  	s25 =	sadd.s32 $0xFFFFE000, s25;
	s29 =	sadd.s32 $0x2000, s29  }
.LBB2_44:
0x45: {  	s24 =	sadd.s32 $0x1, s24  }
0x46: {  	p0 =	sne.s32 s24, $0x4F  }
.Ltmp3:
0x47: {  	_ = 	snop;
	(pc) =	sbr.rel @!p0 .LBB2_45-.Ltmp3, $3  }
0x48: {  	_ =	sdelay $0x1  }
0x49: {  	s0 =	ssub.s32 s12, s13;
	s14 =	sadd.s32 $0x9C40, s14;
	s15 =	sadd.s32 $0x4, s15  }
0x4a: {  	s16 =	sadd.s32 $0x9C40, s16;
	s31 =	sadd.s32 $0x9C40, s31;
	s30 =	sadd.s32 $0x9C40, s30  }
.LBB2_2:
0x4b: {  	s1 =	sshll.u32 s24, $0x2  }
0x4c: {  	s13 =	sadd.s32 s11, s1  }
0x4d: {  	s26 =	sadd.s32 $0x2, s13  }
0x4e: {  	s10 =	smin.u32 s26, $0x270E  }
0x4f: {  	s23 =	smul.u32 $0x4E2, s10  }
0x50: {  	p0 =	sge.u32 s13, s9  }
.Ltmp4:
0x51: {  	s7 =	simm.s32 $0x4E80;
	s1 =	sadd.s32 s4, s23;
	(pc) =	sbr.rel @p0 .LBB2_8-.Ltmp4, $4  }
0x52: {  	[tilespmem:s7], [sflag:$0x2] =	stream.linear.gather [hbm4b:s1+s2], $0x4E20, $0x38;
	[tilespmem:$0x17400] =	vst v63  }
0x53: {  	s28 =	smul.u32 $0x9C40, s0;
	_ =	swait.ge [sflag:s20], $0x4E20  }
0x54: {  	[sflag:s20] =	ssyncset.done $0x0  }
0x55: {  	s12 =	smul.u32 $0x2710, s0;
	s1 =	sshra.s32 s28, $0x2;
	[sflag:s20] =	ssyncadd.s32 $0xFFFFB1E0  }
.Ltmp5:
0x56: {  	(pc) =	sbr.rel .LBB2_4-.Ltmp5, $2  }
0x57: {  	_ =	sdelay $0x2  }
0x58: {  	v2 =	vmov s13;
	s17 =	sadd.s32 $0x40, s1;
	s18 =	simm.s32 $0x70;
	s0 =	sand.u32 $0x70, s12  }
.LBB2_6:
0x59: {  	s18 =	sadd.s32 $0x80, s18  }
0x5a: {  	p0 =	sne.s32 s18, $0x2770  }
.Ltmp6:
0x5b: {  	_ = 	snop;
	(pc) =	sbr.rel @!p0 .LBB2_7-.Ltmp6, $2  }
0x5c: {  	_ =	sdelay $0x2  }
0x5d: {  	s17 =	sadd.s32 $0x80, s17  }
.LBB2_4:
0x5e: {  	v9 =	vld [tilespmem:s17+$0xFFFFFFD0]  }
0x5f: {  	v8 =	vld [tilespmem:s17+$0xFFFFFFE0]  }
0x60: {  	v7 =	vld [tilespmem:s17+$0xFFFFFFF0]  }
0x61: {  	s23 =	sadd.s32 $0xFFFFFF90, s18;
	v6 =	vld [tilespmem:s17+$0x0]  }
0x62: {  	v5 =	vld [tilespmem:s17+$0x10];
	s19 =	sadd.s32 s12, s23  }
0x63: {  	v4 =	vld [tilespmem:s17+$0x20];
	s19 =	sand.u32 $0xFFFFFF80, s19  }
0x64: {  	v3 =	vld [tilespmem:s17+$0x30];
	s19 =	sor.u32 s19, s0  }
0x65: {  	v10 =	vld [tilespmem:s19+$0x0];
	_ =	sdelay $0x3  }
0x66: {  	v12 =	vmax.f32 v8, v7  }
0x67: {  	v13 =	vmax.f32 v6, v5;
	v14 =	vmax.f32 v4, v3;
	v11 =	vmax.f32 v10, v9  }
0x68: {  	v63 =	vmax.f32 v13, v14;
	v11 =	vmax.f32 v11, v12  }
0x69: {  	v11 =	vmax.f32 v11, v63  }
0x6a: {  	vm1 =	vlt.f32 v11, $0.0e+00;
	vm2 =	vgt.f32 v11, $0.0e+00  }
0x6b: {  	vm1 =	vmor vm2, vm1  }
0x6c: {  	v11 =	vmpcnt.ones.xlane vm1;
	_ =	sdelay $0x1  }
0x6d: {  	(v2sf) =	vpush v11, $0x0;
	_ =	sdelay $0xe  }
0x6e: {  	s28 =	spop (v2sf)  }
0x6f: {  	p0 =	slt.s32 s28, $0x1  }
.Ltmp7:
0x70: {  	_ = 	snop;
	(pc) =	sbr.rel @p0 .LBB2_6-.Ltmp7, $1  }
0x71: {  	_ =	sdelay $0x3  }
0x72: {  	vm1 =	vlt.f32 v10, $0.0e+00;
	vm2 =	vgt.f32 v10, $0.0e+00  }
0x73: {  	vm6 =	vmor vm2, vm1  }
0x74: {  	v11 =	vmpcnt.ones.xlane vm6  }
0x75: {  	vm1 =	vlt.f32 v9, $0.0e+00;
	vm2 =	vgt.f32 v9, $0.0e+00  }
0x76: {  	vm7 =	vmor vm2, vm1;
	(v2sf) =	vpush v11, $0x0  }
0x77: {  	v50 =	vmpcnt.ones.xlane vm7  }
0x78: {  	vm1 =	vlt.f32 v8, $0.0e+00;
	vm2 =	vgt.f32 v8, $0.0e+00  }
0x79: {  	vm5 =	vmor vm2, vm1;
	(v2sf) =	vpush v50, $0x0  }
0x7a: {  	v51 =	vmpcnt.ones.xlane vm5  }
0x7b: {  	vm1 =	vlt.f32 v7, $0.0e+00;
	vm2 =	vgt.f32 v7, $0.0e+00  }
0x7c: {  	vm3 =	vmor vm2, vm1;
	(v2sf) =	vpush v51, $0x0  }
0x7d: {  	v52 =	vmpcnt.ones.xlane vm3  }
0x7e: {  	vm1 =	vlt.f32 v6, $0.0e+00;
	vm2 =	vgt.f32 v6, $0.0e+00  }
0x7f: {  	vm2 =	vmor vm2, vm1;
	(v2sf) =	vpush v52, $0x0  }
0x80: {  	v53 =	vmpcnt.ones.xlane vm2  }
0x81: {  	vm4 =	vgt.f32 v5, $0.0e+00;
	vm1 =	vlt.f32 v5, $0.0e+00  }
0x82: {  	vm1 =	vmor vm4, vm1;
	(v2sf) =	vpush v53, $0x0  }
0x83: {  	v54 =	vor.u32 s23, v0;
	v12 =	vmpcnt.ones.xlane vm1  }
0x84: {  	vm13 =	vlt.f32 v4, $0.0e+00;
	vm8 =	vgt.f32 v4, $0.0e+00;
	[tilespmem:s25+$0x9D00] =	vst.msk vm6, v54  }
0x85: {  	s7 =	sadd.s32 $0xFFFFFFA0, s18;
	[tilespmem:s25+$0xE480] =	vst.msk vm6, v10;
	vm4 =	vmor vm8, vm13;
	s19 =	spop (v2sf);
	(v2sf) =	vpush v12, $0x0  }
0x86: {  	v55 =	vor.u32 s7, v0;
	[tilespmem:s25+$0x12C00] =	vst.msk vm6, v2;
	v56 =	vmpcnt.ones.xlane vm4;
	s19 =	sadd.s32 s25, s19  }
0x87: {  	vm14 =	vlt.f32 v3, $0.0e+00;
	vm15 =	vgt.f32 v3, $0.0e+00;
	[tilespmem:s19+$0x9D00] =	vst.msk vm7, v55  }
0x88: {  	s7 =	sadd.s32 $0xFFFFFFB0, s18;
	vm6 =	vmor vm15, vm14;
	s28 =	spop (v2sf);
	(v2sf) =	vpush v56, $0x0;
	[tilespmem:s19+$0xE480] =	vst.msk vm7, v9  }
0x89: {  	v57 =	vor.u32 s7, v0;
	v58 =	vmpcnt.ones.xlane vm6;
	[tilespmem:s19+$0x12C00] =	vst.msk vm7, v2;
	s19 =	sadd.s32 s19, s28  }
0x8a: {  	[tilespmem:s19+$0x9D00] =	vst.msk vm5, v57  }
0x8b: {  	s7 =	sadd.s32 $0xFFFFFFC0, s18;
	s28 =	spop (v2sf);
	(v2sf) =	vpush v58, $0x0;
	[tilespmem:s19+$0xE480] =	vst.msk vm5, v8  }
0x8c: {  	v59 =	vor.u32 s7, v0;
	[tilespmem:s19+$0x12C00] =	vst.msk vm5, v2;
	s19 =	sadd.s32 s19, s28  }
0x8d: {  	[tilespmem:s19+$0x9D00] =	vst.msk vm3, v59  }
0x8e: {  	s7 =	sadd.s32 $0xFFFFFFD0, s18;
	s28 =	spop (v2sf);
	[tilespmem:s19+$0xE480] =	vst.msk vm3, v7  }
0x8f: {  	v60 =	vor.u32 s7, v0;
	[tilespmem:s19+$0x12C00] =	vst.msk vm3, v2;
	s19 =	sadd.s32 s19, s28  }
0x90: {  	[tilespmem:s19+$0x9D00] =	vst.msk vm2, v60  }
0x91: {  	s7 =	sadd.s32 $0xFFFFFFE0, s18;
	s28 =	spop (v2sf);
	[tilespmem:s19+$0xE480] =	vst.msk vm2, v6  }
0x92: {  	v61 =	vor.u32 s7, v0;
	[tilespmem:s19+$0x12C00] =	vst.msk vm2, v2;
	s19 =	sadd.s32 s19, s28  }
0x93: {  	[tilespmem:s19+$0x9D00] =	vst.msk vm1, v61  }
0x94: {  	s7 =	sadd.s32 $0xFFFFFFF0, s18;
	s28 =	spop (v2sf);
	[tilespmem:s19+$0xE480] =	vst.msk vm1, v5  }
0x95: {  	v62 =	vor.u32 s7, v0;
	[tilespmem:s19+$0x12C00] =	vst.msk vm1, v2;
	s19 =	sadd.s32 s19, s28  }
0x96: {  	[tilespmem:s19+$0x9D00] =	vst.msk vm4, v62  }
.Ltmp8:
0x97: {  	s25 =	spop (v2sf);
	[tilespmem:s19+$0xE480] =	vst.msk vm4, v4;
	(pc) =	sbr.rel .LBB2_6-.Ltmp8, $4  }
0x98: {  	v63 =	vor.u32 s18, v0;
	[tilespmem:s19+$0x12C00] =	vst.msk vm4, v2;
	s19 =	sadd.s32 s19, s25  }
0x99: {  	[tilespmem:s19+$0x9D00] =	vst.msk vm6, v63  }
0x9a: {  	s28 =	spop (v2sf);
	[tilespmem:s19+$0xE480] =	vst.msk vm6, v3  }
0x9b: {  	s25 =	sadd.s32 s19, s28;
	[tilespmem:s19+$0x12C00] =	vst.msk vm6, v2  }
.LBB2_7:
0x9c: {  	s17 =	sand.u32 $0xFFFFFF80, s12  }
0x9d: {  	s0 =	sor.u32 s0, s17  }
0x9e: {  	v3 =	vld [tilespmem:s0+$0x2700];
	_ =	sdelay $0x4  }
0x9f: {  	vm1 =	vlt.f32 v3, $0.0e+00;
	vm2 =	vgt.f32 v3, $0.0e+00  }
0xa0: {  	vm1 =	vmor vm2, vm1  }
0xa1: {  	v4 =	vmpcnt.ones.xlane vm1;
	_ =	sdelay $0x1  }
0xa2: {  	(v2sf) =	vpush v4, $0x0;
	_ =	sdelay $0xd  }
0xa3: {  	[tilespmem:s25+$0x9D00] =	vst.msk vm1, v1  }
0xa4: {  	[tilespmem:s25+$0xE480] =	vst.msk vm1, v3;
	s28 =	spop (v2sf)  }
0xa5: {  	[tilespmem:s25+$0x12C00] =	vst.msk vm1, v2;
	s25 =	sadd.s32 s25, s28  }
.LBB2_8:
0xa6: {  	s13 =	sadd.s32 $0x1, s13  }
0xa7: {  	p0 =	sge.u32 s13, s9  }
.Ltmp9:
0xa8: {  	_ = 	snop;
	(pc) =	sbr.rel @p0 .LBB2_14-.Ltmp9, $1  }
0xa9: {  	_ =	sdelay $0x3  }
.Ltmp10:
0xaa: {  	(pc) =	sbr.rel .LBB2_10-.Ltmp10, $3  }
0xab: {  	_ =	sdelay $0x1  }
0xac: {  	s0 =	sadd.s32 $0x2710, s12  }
0xad: {  	v2 =	vmov s13;
	s1 =	sadd.s32 $0x2780, s1;
	s17 =	simm.s32 $0x10;
	s13 =	sand.u32 $0x70, s0  }
.LBB2_12:
0xae: {  	s17 =	sadd.s32 $0x80, s17  }
0xaf: {  	p0 =	sne.s32 s17, $0x2710  }
.Ltmp11:
0xb0: {  	_ = 	snop;
	(pc) =	sbr.rel @!p0 .LBB2_13-.Ltmp11, $2  }
0xb1: {  	_ =	sdelay $0x2  }
0xb2: {  	s1 =	sadd.s32 $0x80, s1  }
.LBB2_10:
0xb3: {  	v9 =	vld [tilespmem:s1+$0xFFFFFFA0]  }
0xb4: {  	v8 =	vld [tilespmem:s1+$0xFFFFFFB0]  }
0xb5: {  	v7 =	vld [tilespmem:s1+$0xFFFFFFC0]  }
0xb6: {  	s18 =	sadd.s32 $0xFFFFFFF0, s17;
	v6 =	vld [tilespmem:s1+$0xFFFFFFD0]  }
0xb7: {  	v5 =	vld [tilespmem:s1+$0xFFFFFFE0];
	s19 =	sadd.s32 s0, s18  }
0xb8: {  	v4 =	vld [tilespmem:s1+$0xFFFFFFF0];
	s19 =	sand.u32 $0xFFFFFF80, s19  }
0xb9: {  	v3 =	vld [tilespmem:s1+$0x0];
	s19 =	sor.u32 s19, s13  }
0xba: {  	v10 =	vld [tilespmem:s19+$0x0];
	_ =	sdelay $0x3  }
0xbb: {  	v12 =	vmax.f32 v8, v7  }
0xbc: {  	v13 =	vmax.f32 v6, v5;
	v14 =	vmax.f32 v4, v3;
	v11 =	vmax.f32 v10, v9  }
0xbd: {  	v63 =	vmax.f32 v13, v14;
	v11 =	vmax.f32 v11, v12  }
0xbe: {  	v11 =	vmax.f32 v11, v63  }
0xbf: {  	vm1 =	vlt.f32 v11, $0.0e+00;
	vm2 =	vgt.f32 v11, $0.0e+00  }
0xc0: {  	vm1 =	vmor vm2, vm1  }
0xc1: {  	v11 =	vmpcnt.ones.xlane vm1;
	_ =	sdelay $0x1  }
0xc2: {  	(v2sf) =	vpush v11, $0x0;
	_ =	sdelay $0xe  }
0xc3: {  	s28 =	spop (v2sf)  }
0xc4: {  	p0 =	slt.s32 s28, $0x1  }
.Ltmp12:
0xc5: {  	_ = 	snop;
	(pc) =	sbr.rel @p0 .LBB2_12-.Ltmp12, $1  }
0xc6: {  	_ =	sdelay $0x3  }
0xc7: {  	vm1 =	vlt.f32 v10, $0.0e+00;
	vm2 =	vgt.f32 v10, $0.0e+00  }
0xc8: {  	vm5 =	vmor vm2, vm1  }
0xc9: {  	v11 =	vmpcnt.ones.xlane vm5  }
0xca: {  	vm1 =	vlt.f32 v9, $0.0e+00;
	vm2 =	vgt.f32 v9, $0.0e+00  }
0xcb: {  	vm7 =	vmor vm2, vm1;
	(v2sf) =	vpush v11, $0x0  }
0xcc: {  	v50 =	vmpcnt.ones.xlane vm7  }
0xcd: {  	vm1 =	vlt.f32 v8, $0.0e+00;
	vm2 =	vgt.f32 v8, $0.0e+00  }
0xce: {  	vm6 =	vmor vm2, vm1;
	(v2sf) =	vpush v50, $0x0  }
0xcf: {  	v51 =	vmpcnt.ones.xlane vm6  }
0xd0: {  	vm1 =	vlt.f32 v7, $0.0e+00;
	vm2 =	vgt.f32 v7, $0.0e+00  }
0xd1: {  	vm4 =	vmor vm2, vm1;
	(v2sf) =	vpush v51, $0x0  }
0xd2: {  	v52 =	vmpcnt.ones.xlane vm4  }
0xd3: {  	vm1 =	vlt.f32 v6, $0.0e+00;
	vm2 =	vgt.f32 v6, $0.0e+00  }
0xd4: {  	vm2 =	vmor vm2, vm1;
	(v2sf) =	vpush v52, $0x0  }
0xd5: {  	v53 =	vmpcnt.ones.xlane vm2  }
0xd6: {  	vm3 =	vgt.f32 v5, $0.0e+00;
	vm1 =	vlt.f32 v5, $0.0e+00  }
0xd7: {  	vm1 =	vmor vm3, vm1;
	(v2sf) =	vpush v53, $0x0  }
0xd8: {  	v54 =	vor.u32 s18, v0;
	v12 =	vmpcnt.ones.xlane vm1  }
0xd9: {  	vm8 =	vgt.f32 v4, $0.0e+00;
	[tilespmem:s25+$0x9D00] =	vst.msk vm5, v54;
	vm3 =	vlt.f32 v4, $0.0e+00  }
0xda: {  	[tilespmem:s25+$0xE480] =	vst.msk vm5, v10;
	vm3 =	vmor vm8, vm3;
	s19 =	spop (v2sf);
	(v2sf) =	vpush v12, $0x0  }
0xdb: {  	v55 =	vor.u32 s17, v0;
	[tilespmem:s25+$0x12C00] =	vst.msk vm5, v2;
	v56 =	vmpcnt.ones.xlane vm3;
	s18 =	sadd.s32 s25, s19  }
0xdc: {  	vm14 =	vlt.f32 v3, $0.0e+00;
	vm15 =	vgt.f32 v3, $0.0e+00;
	[tilespmem:s18+$0x9D00] =	vst.msk vm7, v55  }
0xdd: {  	s23 =	sadd.s32 $0x10, s17;
	vm5 =	vmor vm15, vm14;
	s19 =	spop (v2sf);
	(v2sf) =	vpush v56, $0x0;
	[tilespmem:s18+$0xE480] =	vst.msk vm7, v9  }
0xde: {  	v57 =	vor.u32 s23, v0;
	v58 =	vmpcnt.ones.xlane vm5;
	[tilespmem:s18+$0x12C00] =	vst.msk vm7, v2;
	s18 =	sadd.s32 s18, s19  }
0xdf: {  	[tilespmem:s18+$0x9D00] =	vst.msk vm6, v57  }
0xe0: {  	s25 =	sadd.s32 $0x20, s17;
	s23 =	spop (v2sf);
	(v2sf) =	vpush v58, $0x0;
	[tilespmem:s18+$0xE480] =	vst.msk vm6, v8  }
0xe1: {  	v59 =	vor.u32 s25, v0;
	[tilespmem:s18+$0x12C00] =	vst.msk vm6, v2;
	s18 =	sadd.s32 s18, s23  }
0xe2: {  	[tilespmem:s18+$0x9D00] =	vst.msk vm4, v59  }
0xe3: {  	s7 =	sadd.s32 $0x30, s17;
	s28 =	spop (v2sf);
	[tilespmem:s18+$0xE480] =	vst.msk vm4, v7  }
0xe4: {  	v60 =	vor.u32 s7, v0;
	[tilespmem:s18+$0x12C00] =	vst.msk vm4, v2;
	s18 =	sadd.s32 s18, s28  }
0xe5: {  	[tilespmem:s18+$0x9D00] =	vst.msk vm2, v60  }
0xe6: {  	s25 =	sadd.s32 $0x40, s17;
	s23 =	spop (v2sf);
	[tilespmem:s18+$0xE480] =	vst.msk vm2, v6  }
0xe7: {  	v61 =	vor.u32 s25, v0;
	[tilespmem:s18+$0x12C00] =	vst.msk vm2, v2;
	s18 =	sadd.s32 s18, s23  }
0xe8: {  	[tilespmem:s18+$0x9D00] =	vst.msk vm1, v61  }
0xe9: {  	s7 =	sadd.s32 $0x50, s17;
	s28 =	spop (v2sf);
	[tilespmem:s18+$0xE480] =	vst.msk vm1, v5  }
0xea: {  	v62 =	vor.u32 s7, v0;
	[tilespmem:s18+$0x12C00] =	vst.msk vm1, v2;
	s18 =	sadd.s32 s18, s28  }
0xeb: {  	[tilespmem:s18+$0x9D00] =	vst.msk vm3, v62  }
.Ltmp13:
0xec: {  	s25 =	sadd.s32 $0x60, s17;
	s23 =	spop (v2sf);
	[tilespmem:s18+$0xE480] =	vst.msk vm3, v4;
	(pc) =	sbr.rel .LBB2_12-.Ltmp13, $4  }
0xed: {  	v63 =	vor.u32 s25, v0;
	[tilespmem:s18+$0x12C00] =	vst.msk vm3, v2;
	s18 =	sadd.s32 s18, s23  }
0xee: {  	[tilespmem:s18+$0x9D00] =	vst.msk vm5, v63  }
0xef: {  	s28 =	spop (v2sf);
	[tilespmem:s18+$0xE480] =	vst.msk vm5, v3  }
0xf0: {  	s25 =	sadd.s32 s18, s28;
	[tilespmem:s18+$0x12C00] =	vst.msk vm5, v2  }
.LBB2_13:
0xf1: {  	v3 =	vld [tilespmem:s12+$0x4E10];
	_ =	sdelay $0x4  }
0xf2: {  	vm1 =	vlt.f32 v3, $0.0e+00;
	vm2 =	vgt.f32 v3, $0.0e+00  }
0xf3: {  	vm1 =	vmor vm2, vm1  }
0xf4: {  	v4 =	vmpcnt.ones.xlane vm1;
	_ =	sdelay $0x1  }
0xf5: {  	(v2sf) =	vpush v4, $0x0;
	_ =	sdelay $0xd  }
0xf6: {  	[tilespmem:s25+$0x9D00] =	vst.msk vm1, v1  }
0xf7: {  	[tilespmem:s25+$0xE480] =	vst.msk vm1, v3;
	s0 =	spop (v2sf)  }
0xf8: {  	[tilespmem:s25+$0x12C00] =	vst.msk vm1, v2;
	s25 =	sadd.s32 s25, s0  }
.LBB2_14:
0xf9: {  	p0 =	slt.s32 s25, $0x2000  }
.Ltmp14:
0xfa: {  	_ = 	snop;
	(pc) =	sbr.rel @p0 .LBB2_23-.Ltmp14, $1  }
0xfb: {  	_ =	sdelay $0x3  }
0xfc: {  	s0 =	sadd.s32 s8, s29  }
0xfd: {  	s12 =	sshrl.u32 s0, $0x3  }
0xfe: {  	s17 =	simm.s32 $0x0;
	s0 =	simm.s32 $0x9D00;
	s1 =	sadd.s32 s3, s12  }
0xff: {  	[hbm4b:s1+s17] =	stream.linear.scatter [tilespmem:s0], [sflag:$0x3], $0x2000, $0x38;
	[tilespmem:$0x17400] =	vst v63  }
0x100: {  	_ =	swait.ge [sflag:s21], $0x2000  }
0x101: {  	s28 =	sadd.s32 $0xFFFFE00F, s25;
	[sflag:s21] =	ssyncset.done $0x0  }
0x102: {  	s13 =	sadd.s32 s5, s12;
	s1 =	simm.s32 $0xE480;
	[sflag:s21] =	ssyncadd.s32 $0xFFFFE000  }
0x103: {  	[hbm4b:s13+s17] =	stream.linear.scatter [tilespmem:s1], [sflag:$0x3], $0x2000, $0x38;
	[tilespmem:$0x17400] =	vst v63  }
0x104: {  	s18 =	sshrl.u32 s28, $0x4;
	_ =	swait.ge [sflag:s21], $0x2000  }
0x105: {  	s23 =	sadd.s32 s6, s12;
	p0 =	seq.s32 s18, $0x0;
	[sflag:s21] =	ssyncset.done $0x0  }
.Ltmp15:
0x106: {  	s12 =	simm.s32 $0x12C00;
	[sflag:s21] =	ssyncadd.s32 $0xFFFFE000;
	(pc) =	sbr.rel @p0 .LBB2_22-.Ltmp15, $4  }
0x107: {  	[hbm4b:s23+s17] =	stream.linear.scatter [tilespmem:s12], [sflag:$0x3], $0x2000, $0x38;
	[tilespmem:$0x17400] =	vst v63  }
0x108: {  	_ =	swait.ge [sflag:s21], $0x2000  }
0x109: {  	[sflag:s21] =	ssyncset.done $0x0  }
0x10a: {  	[sflag:s21] =	ssyncadd.s32 $0xFFFFE000  }
0x10b: {  	p1 =	sne.s32 s18, $0x1  }
.Ltmp16:
0x10c: {  	_ = 	snop;
	(pc) =	sbr.rel @!p1 .LBB2_17-.Ltmp16, $2  }
0x10d: {  	_ =	sdelay $0x2  }
0x10e: {  	s13 =	sand.u32 $0xFFFFFFF0, s17;
	s18 =	sadd.s32 $0xFFFFFFFF, s18;
	p0 =	por $0x0, $0x0  }
0x10f: {  	v2 =	vld [tilespmem:s13+$0xBD00];
	_ =	sdelay $0x4  }
0x110: {  	[tilespmem:s0+$0x0] =	vst v2  }
0x111: {  	v2 =	vld [tilespmem:s13+$0x10480];
	_ =	sdelay $0x4  }
0x112: {  	[tilespmem:s1+$0x0] =	vst v2  }
0x113: {  	p1 =	sne.s32 s18, $0x1;
	v2 =	vld [tilespmem:s13+$0x14C00]  }
.Ltmp17:
0x114: {  	_ = 	snop;
	(pc) =	sbr.rel @!p1 .LBB2_19-.Ltmp17, $4  }
0x115: {  	_ = 	snop  }
0x116: {  	s28 =	sadd.s32 $0x10, s17  }
0x117: {  	s19 =	sadd.s32 $0xFFFFFFFF, s18;
	p0 =	por $0x1, $0x1;
	s23 =	simm.s32 $0x9D00  }
0x118: {  	s18 =	simm.s32 $0xE480;
	s17 =	simm.s32 $0x12C00;
	s13 =	sand.u32 $0xFFFFFFF0, s28;
	[tilespmem:s12+$0x0] =	vst v2  }
.LBB2_20:
0x119: {  	p1 =	sne.s32 s19, $0x1;
	v2 =	vld [tilespmem:s13+$0xBD00];
	_ =	sdelay $0x3  }
0x11a: {  	s23 =	sadd.s32 $0x10, s23  }
0x11b: {  	[tilespmem:s23+$0x0] =	vst v2  }
0x11c: {  	v2 =	vld [tilespmem:s13+$0x10480];
	_ =	sdelay $0x3  }
0x11d: {  	s18 =	sadd.s32 $0x10, s18  }
0x11e: {  	[tilespmem:s18+$0x0] =	vst v2  }
0x11f: {  	v2 =	vld [tilespmem:s13+$0x14C00]  }
.Ltmp18:
0x120: {  	(pc) =	sbr.rel @p1 .LBB2_20-.Ltmp18, $3  }
0x121: {  	_ =	sdelay $0x1  }
0x122: {  	s28 =	sadd.s32 $0x10, s28;
	s17 =	sadd.s32 $0x10, s17  }
0x123: {  	s19 =	sadd.s32 $0xFFFFFFFF, s19;
	s13 =	sand.u32 $0xFFFFFFF0, s28;
	[tilespmem:s17+$0x0] =	vst v2  }
.LBB2_21:
0x124: {  	v2 =	vld [tilespmem:s13+$0xBD00];
	_ =	sdelay $0x2  }
0x125: {  	s19 =	sadd.s32 @p0 $0x10, s23  }
0x126: {  	s0 =	smov.u32 @p0 s19  }
0x127: {  	[tilespmem:s0+$0x0] =	vst v2  }
0x128: {  	v2 =	vld [tilespmem:s13+$0x10480];
	_ =	sdelay $0x2  }
0x129: {  	s0 =	sadd.s32 @p0 $0x10, s18  }
0x12a: {  	s1 =	smov.u32 @p0 s0  }
0x12b: {  	[tilespmem:s1+$0x0] =	vst v2  }
0x12c: {  	v2 =	vld [tilespmem:s13+$0x14C00];
	_ =	sdelay $0x2  }
0x12d: {  	s0 =	sadd.s32 @p0 $0x10, s17  }
0x12e: {  	s12 =	smov.u32 @p0 s0  }
0x12f: {  	[tilespmem:s12+$0x0] =	vst v2  }
.LBB2_22:
0x130: {  	s25 =	sadd.s32 $0xFFFFE000, s25;
	s29 =	sadd.s32 $0x2000, s29  }
.LBB2_23:
0x131: {  	s0 =	sshll.u32 s24, $0x1  }
0x132: {  	s0 =	smin.u32 s0, $0x9B  }
0x133: {  	s1 =	rddreg [dreg:$0x4];
	s0 =	sshll.u32 s0, $0x1  }
0x134: {  	s12 =	sadd.s32 s0, s1  }
0x135: {  	p0 =	slt.s32 s15, $0x270E;
	s0 =	smov.u32 s15;
	s13 =	smin.u32 s12, $0x270E  }
0x136: {  	s0 =	simm.s32 @!p0 $0x270E;
	s28 =	smul.u32 $0x4E2, s13  }
0x137: {  	p0 =	sge.u32 s26, s9;
	s23 =	smul.u32 $0x2710, s0  }
.Ltmp19:
0x138: {  	s1 =	sadd.s32 s4, s28;
	(pc) =	sbr.rel @p0 .LBB2_29-.Ltmp19, $4  }
0x139: {  	[tilespmem:s2], [sflag:$0x1] =	stream.linear.gather [hbm4b:s1+s2], $0x4E20, $0x38;
	[tilespmem:$0x17400] =	vst v63  }
0x13a: {  	s0 =	smul.u32 $0xFFFF63C0, s0;
	_ =	swait.ge [sflag:s22], $0x4E20  }
0x13b: {  	s10 =	ssub.s32 s26, s10;
	[sflag:s22] =	ssyncset.done $0x0  }
0x13c: {  	s10 =	smul.u32 $0x2710, s10;
	s1 =	sshra.s32 s0, $0x2;
	[sflag:s22] =	ssyncadd.s32 $0xFFFFB1E0  }
.Ltmp20:
0x13d: {  	(pc) =	sbr.rel .LBB2_25-.Ltmp20, $4  }
0x13e: {  	_ = 	snop  }
0x13f: {  	s0 =	sand.u32 $0x70, s10  }
0x140: {  	s19 =	sor.u32 $0x4E80, s0  }
0x141: {  	s17 =	ssub.s32 s14, s23;
	s18 =	sadd.s32 s1, s16;
	v2 =	vmov s26;
	s28 =	simm.s32 $0x0;
	v3 =	vmov s19  }
.LBB2_27:
0x142: {  	s28 =	sadd.s32 $0x80, s28  }
0x143: {  	p0 =	sne.s32 s28, $0x2700  }
.Ltmp21:
0x144: {  	_ = 	snop;
	(pc) =	sbr.rel @!p0 .LBB2_28-.Ltmp21, $2  }
0x145: {  	_ =	sdelay $0x2  }
0x146: {  	s18 =	sadd.s32 $0x80, s18  }
.LBB2_25:
0x147: {  	v10 =	vld [tilespmem:s18+$0xFFFFFFD0]  }
0x148: {  	v9 =	vld [tilespmem:s18+$0xFFFFFFE0]  }
0x149: {  	v8 =	vld [tilespmem:s18+$0xFFFFFFF0]  }
0x14a: {  	v7 =	vld [tilespmem:s18+$0x0]  }
0x14b: {  	v6 =	vld [tilespmem:s18+$0x10]  }
0x14c: {  	s19 =	sadd.s32 s28, s17;
	v5 =	vld [tilespmem:s18+$0x20]  }
0x14d: {  	v4 =	vld [tilespmem:s18+$0x30];
	s19 =	sand.u32 $0xFFFFFF80, s19  }
0x14e: {  	v11 =	vld.idx.msk [tilespmem:v3+s19+$0x0 ss:$0x1], $0xffff;
	_ =	sdelay $0x3  }
0x14f: {  	v13 =	vmax.f32 v9, v8  }
0x150: {  	v14 =	vmax.f32 v7, v6;
	v15 =	vmax.f32 v5, v4;
	v12 =	vmax.f32 v11, v10  }
0x151: {  	v62 =	vmax.f32 v14, v15;
	v12 =	vmax.f32 v12, v13  }
0x152: {  	v12 =	vmax.f32 v12, v62  }
0x153: {  	vm1 =	vlt.f32 v12, $0.0e+00;
	vm2 =	vgt.f32 v12, $0.0e+00  }
0x154: {  	vm1 =	vmor vm2, vm1  }
0x155: {  	v63 =	vmpcnt.ones.xlane vm1;
	_ =	sdelay $0x1  }
0x156: {  	(v2sf) =	vpush v63, $0x0;
	_ =	sdelay $0xe  }
0x157: {  	s7 =	spop (v2sf)  }
0x158: {  	p0 =	slt.s32 s7, $0x1  }
.Ltmp22:
0x159: {  	_ = 	snop;
	(pc) =	sbr.rel @p0 .LBB2_27-.Ltmp22, $1  }
0x15a: {  	_ =	sdelay $0x3  }
0x15b: {  	vm1 =	vlt.f32 v11, $0.0e+00;
	vm2 =	vgt.f32 v11, $0.0e+00  }
0x15c: {  	vm5 =	vmor vm2, vm1  }
0x15d: {  	v12 =	vmpcnt.ones.xlane vm5  }
0x15e: {  	vm1 =	vlt.f32 v10, $0.0e+00;
	vm2 =	vgt.f32 v10, $0.0e+00  }
0x15f: {  	vm7 =	vmor vm2, vm1;
	(v2sf) =	vpush v12, $0x0  }
0x160: {  	v51 =	vmpcnt.ones.xlane vm7  }
0x161: {  	vm1 =	vlt.f32 v9, $0.0e+00;
	vm2 =	vgt.f32 v9, $0.0e+00  }
0x162: {  	vm6 =	vmor vm2, vm1;
	(v2sf) =	vpush v51, $0x0  }
0x163: {  	v52 =	vmpcnt.ones.xlane vm6  }
0x164: {  	vm1 =	vlt.f32 v8, $0.0e+00;
	vm2 =	vgt.f32 v8, $0.0e+00  }
0x165: {  	vm4 =	vmor vm2, vm1;
	(v2sf) =	vpush v52, $0x0  }
0x166: {  	v53 =	vmpcnt.ones.xlane vm4  }
0x167: {  	vm1 =	vlt.f32 v7, $0.0e+00;
	vm2 =	vgt.f32 v7, $0.0e+00  }
0x168: {  	vm2 =	vmor vm2, vm1;
	(v2sf) =	vpush v53, $0x0  }
0x169: {  	v54 =	vmpcnt.ones.xlane vm2  }
0x16a: {  	vm3 =	vgt.f32 v6, $0.0e+00;
	vm1 =	vlt.f32 v6, $0.0e+00  }
0x16b: {  	vm1 =	vmor vm3, vm1;
	(v2sf) =	vpush v54, $0x0  }
0x16c: {  	v55 =	vor.u32 s28, v0;
	v13 =	vmpcnt.ones.xlane vm1  }
0x16d: {  	vm8 =	vgt.f32 v5, $0.0e+00;
	[tilespmem:s25+$0x9D00] =	vst.msk vm5, v55;
	vm3 =	vlt.f32 v5, $0.0e+00  }
0x16e: {  	s7 =	sadd.s32 $0x10, s28;
	[tilespmem:s25+$0xE480] =	vst.msk vm5, v11;
	vm3 =	vmor vm8, vm3;
	s19 =	spop (v2sf);
	(v2sf) =	vpush v13, $0x0  }
0x16f: {  	v56 =	vor.u32 s7, v0;
	[tilespmem:s25+$0x12C00] =	vst.msk vm5, v2;
	v57 =	vmpcnt.ones.xlane vm3;
	s19 =	sadd.s32 s25, s19  }
0x170: {  	vm14 =	vlt.f32 v4, $0.0e+00;
	vm15 =	vgt.f32 v4, $0.0e+00;
	[tilespmem:s19+$0x9D00] =	vst.msk vm7, v56  }
0x171: {  	vm5 =	vmor vm15, vm14;
	s7 =	spop (v2sf);
	s25 =	sadd.s32 $0x20, s28;
	(v2sf) =	vpush v57, $0x0;
	[tilespmem:s19+$0xE480] =	vst.msk vm7, v10  }
0x172: {  	v59 =	vmpcnt.ones.xlane vm5;
	s7 =	sadd.s32 s19, s7;
	v58 =	vor.u32 s25, v0;
	[tilespmem:s19+$0x12C00] =	vst.msk vm7, v2  }
0x173: {  	[tilespmem:s7+$0x9D00] =	vst.msk vm6, v58  }
0x174: {  	s25 =	sadd.s32 $0x30, s28;
	s19 =	spop (v2sf);
	(v2sf) =	vpush v59, $0x0;
	[tilespmem:s7+$0xE480] =	vst.msk vm6, v9  }
0x175: {  	v60 =	vor.u32 s25, v0;
	[tilespmem:s7+$0x12C00] =	vst.msk vm6, v2;
	s7 =	sadd.s32 s7, s19  }
0x176: {  	[tilespmem:s7+$0x9D00] =	vst.msk vm4, v60  }
0x177: {  	s25 =	sadd.s32 $0x40, s28;
	s19 =	spop (v2sf);
	[tilespmem:s7+$0xE480] =	vst.msk vm4, v8  }
0x178: {  	v61 =	vor.u32 s25, v0;
	[tilespmem:s7+$0x12C00] =	vst.msk vm4, v2;
	s7 =	sadd.s32 s7, s19  }
0x179: {  	[tilespmem:s7+$0x9D00] =	vst.msk vm2, v61  }
0x17a: {  	s25 =	sadd.s32 $0x50, s28;
	s19 =	spop (v2sf);
	[tilespmem:s7+$0xE480] =	vst.msk vm2, v7  }
0x17b: {  	v62 =	vor.u32 s25, v0;
	[tilespmem:s7+$0x12C00] =	vst.msk vm2, v2;
	s7 =	sadd.s32 s7, s19  }
0x17c: {  	[tilespmem:s7+$0x9D00] =	vst.msk vm1, v62  }
0x17d: {  	s25 =	sadd.s32 $0x60, s28;
	s19 =	spop (v2sf);
	[tilespmem:s7+$0xE480] =	vst.msk vm1, v6  }
0x17e: {  	v63 =	vor.u32 s25, v0;
	[tilespmem:s7+$0x12C00] =	vst.msk vm1, v2;
	s7 =	sadd.s32 s7, s19  }
0x17f: {  	[tilespmem:s7+$0x9D00] =	vst.msk vm3, v63  }
.Ltmp23:
0x180: {  	s25 =	sadd.s32 $0x70, s28;
	s19 =	spop (v2sf);
	[tilespmem:s7+$0xE480] =	vst.msk vm3, v5;
	(pc) =	sbr.rel .LBB2_27-.Ltmp23, $4  }
0x181: {  	v5 =	vor.u32 s25, v0;
	[tilespmem:s7+$0x12C00] =	vst.msk vm3, v2;
	s7 =	sadd.s32 s7, s19  }
0x182: {  	[tilespmem:s7+$0x9D00] =	vst.msk vm5, v5  }
0x183: {  	s25 =	spop (v2sf);
	[tilespmem:s7+$0xE480] =	vst.msk vm5, v4  }
0x184: {  	s25 =	sadd.s32 s7, s25;
	[tilespmem:s7+$0x12C00] =	vst.msk vm5, v2  }
.LBB2_28:
0x185: {  	s7 =	sand.u32 $0xFFFFFF80, s10  }
0x186: {  	s0 =	sor.u32 s0, s7  }
0x187: {  	v3 =	vld [tilespmem:s0+$0x7580];
	_ =	sdelay $0x4  }
0x188: {  	vm1 =	vlt.f32 v3, $0.0e+00;
	vm2 =	vgt.f32 v3, $0.0e+00  }
0x189: {  	vm1 =	vmor vm2, vm1  }
0x18a: {  	v4 =	vmpcnt.ones.xlane vm1;
	_ =	sdelay $0x1  }
0x18b: {  	(v2sf) =	vpush v4, $0x0;
	_ =	sdelay $0xd  }
0x18c: {  	[tilespmem:s25+$0x9D00] =	vst.msk vm1, v1  }
0x18d: {  	[tilespmem:s25+$0xE480] =	vst.msk vm1, v3;
	s28 =	spop (v2sf)  }
0x18e: {  	[tilespmem:s25+$0x12C00] =	vst.msk vm1, v2;
	s25 =	sadd.s32 s25, s28  }
.LBB2_29:
0x18f: {  	s17 =	sadd.s32 $0x1, s26  }
0x190: {  	p0 =	sge.u32 s17, s9  }
.Ltmp24:
0x191: {  	_ = 	snop;
	(pc) =	sbr.rel @p0 .LBB2_35-.Ltmp24, $1  }
0x192: {  	_ =	sdelay $0x3  }
.Ltmp25:
0x193: {  	(pc) =	sbr.rel .LBB2_31-.Ltmp25, $4  }
0x194: {  	s0 =	sadd.s32 $0x2710, s10  }
0x195: {  	s0 =	sand.u32 $0x70, s0  }
0x196: {  	s7 =	sor.u32 $0x4E80, s0  }
0x197: {  	s1 =	sadd.s32 s1, s30;
	v2 =	vmov s17;
	s17 =	simm.s32 $0x0;
	s0 =	ssub.s32 s31, s23;
	v3 =	vmov s7  }
.LBB2_33:
0x198: {  	s17 =	sadd.s32 $0x80, s17  }
0x199: {  	p0 =	sne.s32 s17, $0x2700  }
.Ltmp26:
0x19a: {  	_ = 	snop;
	(pc) =	sbr.rel @!p0 .LBB2_34-.Ltmp26, $2  }
0x19b: {  	_ =	sdelay $0x2  }
0x19c: {  	s1 =	sadd.s32 $0x80, s1  }
.LBB2_31:
0x19d: {  	v10 =	vld [tilespmem:s1+$0xFFFFFFD0]  }
0x19e: {  	v9 =	vld [tilespmem:s1+$0xFFFFFFE0]  }
0x19f: {  	v8 =	vld [tilespmem:s1+$0xFFFFFFF0]  }
0x1a0: {  	v7 =	vld [tilespmem:s1+$0x0]  }
0x1a1: {  	v6 =	vld [tilespmem:s1+$0x10]  }
0x1a2: {  	s7 =	sadd.s32 s17, s0;
	v5 =	vld [tilespmem:s1+$0x20]  }
0x1a3: {  	v4 =	vld [tilespmem:s1+$0x30];
	s7 =	sand.u32 $0xFFFFFF80, s7  }
0x1a4: {  	v11 =	vld.idx.msk [tilespmem:v3+s7+$0x0 ss:$0x1], $0xffff;
	_ =	sdelay $0x3  }
0x1a5: {  	v13 =	vmax.f32 v9, v8  }
0x1a6: {  	v14 =	vmax.f32 v7, v6;
	v15 =	vmax.f32 v5, v4;
	v12 =	vmax.f32 v11, v10  }
0x1a7: {  	v62 =	vmax.f32 v14, v15;
	v12 =	vmax.f32 v12, v13  }
0x1a8: {  	v12 =	vmax.f32 v12, v62  }
0x1a9: {  	vm1 =	vlt.f32 v12, $0.0e+00;
	vm2 =	vgt.f32 v12, $0.0e+00  }
0x1aa: {  	vm1 =	vmor vm2, vm1  }
0x1ab: {  	v63 =	vmpcnt.ones.xlane vm1;
	_ =	sdelay $0x1  }
0x1ac: {  	(v2sf) =	vpush v63, $0x0;
	_ =	sdelay $0xe  }
0x1ad: {  	s28 =	spop (v2sf)  }
0x1ae: {  	p0 =	slt.s32 s28, $0x1  }
.Ltmp27:
0x1af: {  	_ = 	snop;
	(pc) =	sbr.rel @p0 .LBB2_33-.Ltmp27, $1  }
0x1b0: {  	_ =	sdelay $0x3  }
0x1b1: {  	vm1 =	vlt.f32 v11, $0.0e+00;
	vm2 =	vgt.f32 v11, $0.0e+00  }
0x1b2: {  	vm5 =	vmor vm2, vm1  }
0x1b3: {  	v12 =	vmpcnt.ones.xlane vm5  }
0x1b4: {  	vm1 =	vlt.f32 v10, $0.0e+00;
	vm2 =	vgt.f32 v10, $0.0e+00  }
0x1b5: {  	vm7 =	vmor vm2, vm1;
	(v2sf) =	vpush v12, $0x0  }
0x1b6: {  	v51 =	vmpcnt.ones.xlane vm7  }
0x1b7: {  	vm1 =	vlt.f32 v9, $0.0e+00;
	vm2 =	vgt.f32 v9, $0.0e+00  }
0x1b8: {  	vm6 =	vmor vm2, vm1;
	(v2sf) =	vpush v51, $0x0  }
0x1b9: {  	v52 =	vmpcnt.ones.xlane vm6  }
0x1ba: {  	vm1 =	vlt.f32 v8, $0.0e+00;
	vm2 =	vgt.f32 v8, $0.0e+00  }
0x1bb: {  	vm4 =	vmor vm2, vm1;
	(v2sf) =	vpush v52, $0x0  }
0x1bc: {  	v53 =	vmpcnt.ones.xlane vm4  }
0x1bd: {  	vm1 =	vlt.f32 v7, $0.0e+00;
	vm2 =	vgt.f32 v7, $0.0e+00  }
0x1be: {  	vm2 =	vmor vm2, vm1;
	(v2sf) =	vpush v53, $0x0  }
0x1bf: {  	v54 =	vmpcnt.ones.xlane vm2  }
0x1c0: {  	vm3 =	vgt.f32 v6, $0.0e+00;
	vm1 =	vlt.f32 v6, $0.0e+00  }
0x1c1: {  	vm1 =	vmor vm3, vm1;
	(v2sf) =	vpush v54, $0x0  }
0x1c2: {  	v55 =	vor.u32 s17, v0;
	v13 =	vmpcnt.ones.xlane vm1  }
0x1c3: {  	vm8 =	vgt.f32 v5, $0.0e+00;
	[tilespmem:s25+$0x9D00] =	vst.msk vm5, v55;
	vm3 =	vlt.f32 v5, $0.0e+00  }
0x1c4: {  	s18 =	sadd.s32 $0x10, s17;
	[tilespmem:s25+$0xE480] =	vst.msk vm5, v11;
	vm3 =	vmor vm8, vm3;
	s7 =	spop (v2sf);
	(v2sf) =	vpush v13, $0x0  }
0x1c5: {  	v56 =	vor.u32 s18, v0;
	[tilespmem:s25+$0x12C00] =	vst.msk vm5, v2;
	v57 =	vmpcnt.ones.xlane vm3;
	s7 =	sadd.s32 s25, s7  }
0x1c6: {  	vm14 =	vlt.f32 v4, $0.0e+00;
	vm15 =	vgt.f32 v4, $0.0e+00;
	[tilespmem:s7+$0x9D00] =	vst.msk vm7, v56  }
0x1c7: {  	s19 =	sadd.s32 $0x20, s17;
	vm5 =	vmor vm15, vm14;
	s25 =	spop (v2sf);
	(v2sf) =	vpush v57, $0x0;
	[tilespmem:s7+$0xE480] =	vst.msk vm7, v10  }
0x1c8: {  	v58 =	vor.u32 s19, v0;
	v59 =	vmpcnt.ones.xlane vm5;
	[tilespmem:s7+$0x12C00] =	vst.msk vm7, v2;
	s7 =	sadd.s32 s7, s25  }
0x1c9: {  	[tilespmem:s7+$0x9D00] =	vst.msk vm6, v58  }
0x1ca: {  	s28 =	sadd.s32 $0x30, s17;
	s26 =	spop (v2sf);
	(v2sf) =	vpush v59, $0x0;
	[tilespmem:s7+$0xE480] =	vst.msk vm6, v9  }
0x1cb: {  	v60 =	vor.u32 s28, v0;
	[tilespmem:s7+$0x12C00] =	vst.msk vm6, v2;
	s7 =	sadd.s32 s7, s26  }
0x1cc: {  	[tilespmem:s7+$0x9D00] =	vst.msk vm4, v60  }
0x1cd: {  	s23 =	spop (v2sf);
	s25 =	sadd.s32 $0x40, s17;
	[tilespmem:s7+$0xE480] =	vst.msk vm4, v8  }
0x1ce: {  	v61 =	vor.u32 s25, v0;
	[tilespmem:s7+$0x12C00] =	vst.msk vm4, v2;
	s7 =	sadd.s32 s7, s23  }
0x1cf: {  	[tilespmem:s7+$0x9D00] =	vst.msk vm2, v61  }
0x1d0: {  	s28 =	sadd.s32 $0x50, s17;
	s26 =	spop (v2sf);
	[tilespmem:s7+$0xE480] =	vst.msk vm2, v7  }
0x1d1: {  	v62 =	vor.u32 s28, v0;
	[tilespmem:s7+$0x12C00] =	vst.msk vm2, v2;
	s7 =	sadd.s32 s7, s26  }
0x1d2: {  	[tilespmem:s7+$0x9D00] =	vst.msk vm1, v62  }
0x1d3: {  	s23 =	sadd.s32 $0x60, s17;
	s19 =	spop (v2sf);
	[tilespmem:s7+$0xE480] =	vst.msk vm1, v6  }
0x1d4: {  	v63 =	vor.u32 s23, v0;
	[tilespmem:s7+$0x12C00] =	vst.msk vm1, v2;
	s7 =	sadd.s32 s7, s19  }
0x1d5: {  	[tilespmem:s7+$0x9D00] =	vst.msk vm3, v63  }
.Ltmp28:
0x1d6: {  	s26 =	sadd.s32 $0x70, s17;
	s25 =	spop (v2sf);
	[tilespmem:s7+$0xE480] =	vst.msk vm3, v5;
	(pc) =	sbr.rel .LBB2_33-.Ltmp28, $4  }
0x1d7: {  	v5 =	vor.u32 s26, v0;
	[tilespmem:s7+$0x12C00] =	vst.msk vm3, v2;
	s7 =	sadd.s32 s7, s25  }
0x1d8: {  	[tilespmem:s7+$0x9D00] =	vst.msk vm5, v5  }
0x1d9: {  	s28 =	spop (v2sf);
	[tilespmem:s7+$0xE480] =	vst.msk vm5, v4  }
0x1da: {  	s25 =	sadd.s32 s7, s28;
	[tilespmem:s7+$0x12C00] =	vst.msk vm5, v2  }
.LBB2_34:
0x1db: {  	v3 =	vld [tilespmem:s10+$0x9C90];
	_ =	sdelay $0x4  }
0x1dc: {  	vm1 =	vlt.f32 v3, $0.0e+00;
	vm2 =	vgt.f32 v3, $0.0e+00  }
0x1dd: {  	vm1 =	vmor vm2, vm1  }
0x1de: {  	v4 =	vmpcnt.ones.xlane vm1;
	_ =	sdelay $0x1  }
0x1df: {  	(v2sf) =	vpush v4, $0x0;
	_ =	sdelay $0xd  }
0x1e0: {  	[tilespmem:s25+$0x9D00] =	vst.msk vm1, v1  }
0x1e1: {  	[tilespmem:s25+$0xE480] =	vst.msk vm1, v3;
	s0 =	spop (v2sf)  }
0x1e2: {  	[tilespmem:s25+$0x12C00] =	vst.msk vm1, v2;
	s25 =	sadd.s32 s25, s0  }
.LBB2_35:
0x1e3: {  	p0 =	slt.s32 s25, $0x2000  }
.Ltmp29:
0x1e4: {  	_ = 	snop;
	(pc) =	sbr.rel @p0 .LBB2_44-.Ltmp29, $1  }
0x1e5: {  	_ =	sdelay $0x3  }
0x1e6: {  	s0 =	sadd.s32 s8, s29  }
0x1e7: {  	s7 =	sshrl.u32 s0, $0x3  }
0x1e8: {  	s18 =	simm.s32 $0x0;
	s0 =	simm.s32 $0x9D00;
	s1 =	sadd.s32 s3, s7  }
0x1e9: {  	[hbm4b:s1+s18] =	stream.linear.scatter [tilespmem:s0], [sflag:$0x3], $0x2000, $0x38;
	[tilespmem:$0x17400] =	vst v63  }
0x1ea: {  	_ =	swait.ge [sflag:s21], $0x2000  }
0x1eb: {  	s28 =	sadd.s32 $0xFFFFE00F, s25;
	[sflag:s21] =	ssyncset.done $0x0  }
0x1ec: {  	s10 =	sadd.s32 s5, s7;
	s1 =	simm.s32 $0xE480;
	[sflag:s21] =	ssyncadd.s32 $0xFFFFE000  }
0x1ed: {  	[hbm4b:s10+s18] =	stream.linear.scatter [tilespmem:s1], [sflag:$0x3], $0x2000, $0x38;
	[tilespmem:$0x17400] =	vst v63  }
0x1ee: {  	s19 =	sshrl.u32 s28, $0x4;
	_ =	swait.ge [sflag:s21], $0x2000  }
0x1ef: {  	s7 =	sadd.s32 s6, s7;
	p0 =	seq.s32 s19, $0x0;
	[sflag:s21] =	ssyncset.done $0x0  }
.Ltmp30:
0x1f0: {  	s10 =	simm.s32 $0x12C00;
	[sflag:s21] =	ssyncadd.s32 $0xFFFFE000;
	(pc) =	sbr.rel @p0 .LBB2_43-.Ltmp30, $4  }
0x1f1: {  	[hbm4b:s7+s18] =	stream.linear.scatter [tilespmem:s10], [sflag:$0x3], $0x2000, $0x38;
	[tilespmem:$0x17400] =	vst v63  }
0x1f2: {  	_ =	swait.ge [sflag:s21], $0x2000  }
0x1f3: {  	[sflag:s21] =	ssyncset.done $0x0  }
0x1f4: {  	[sflag:s21] =	ssyncadd.s32 $0xFFFFE000  }
0x1f5: {  	p1 =	sne.s32 s19, $0x1  }
.Ltmp31:
0x1f6: {  	_ = 	snop;
	(pc) =	sbr.rel @!p1 .LBB2_38-.Ltmp31, $2  }
0x1f7: {  	_ =	sdelay $0x2  }
0x1f8: {  	s17 =	sand.u32 $0xFFFFFFF0, s18;
	s19 =	sadd.s32 $0xFFFFFFFF, s19;
	p0 =	por $0x0, $0x0  }
0x1f9: {  	v2 =	vld [tilespmem:s17+$0xBD00];
	_ =	sdelay $0x4  }
0x1fa: {  	[tilespmem:s0+$0x0] =	vst v2  }
0x1fb: {  	v2 =	vld [tilespmem:s17+$0x10480];
	_ =	sdelay $0x4  }
0x1fc: {  	[tilespmem:s1+$0x0] =	vst v2  }
0x1fd: {  	p1 =	sne.s32 s19, $0x1;
	v2 =	vld [tilespmem:s17+$0x14C00]  }
.Ltmp32:
0x1fe: {  	_ = 	snop;
	(pc) =	sbr.rel @!p1 .LBB2_40-.Ltmp32, $4  }
0x1ff: {  	_ = 	snop  }
0x200: {  	s28 =	sadd.s32 $0x10, s18  }
0x201: {  	s19 =	sadd.s32 $0xFFFFFFFF, s19;
	p0 =	por $0x1, $0x1;
	s26 =	simm.s32 $0x9D00  }
0x202: {  	s23 =	simm.s32 $0xE480;
	s18 =	simm.s32 $0x12C00;
	s17 =	sand.u32 $0xFFFFFFF0, s28;
	[tilespmem:s10+$0x0] =	vst v2  }
.LBB2_41:
0x203: {  	p1 =	sne.s32 s19, $0x1;
	v2 =	vld [tilespmem:s17+$0xBD00];
	_ =	sdelay $0x3  }
0x204: {  	s26 =	sadd.s32 $0x10, s26  }
0x205: {  	[tilespmem:s26+$0x0] =	vst v2  }
0x206: {  	v2 =	vld [tilespmem:s17+$0x10480];
	_ =	sdelay $0x3  }
0x207: {  	s23 =	sadd.s32 $0x10, s23  }
0x208: {  	[tilespmem:s23+$0x0] =	vst v2  }
0x209: {  	v2 =	vld [tilespmem:s17+$0x14C00]  }
.Ltmp33:
0x20a: {  	(pc) =	sbr.rel @p1 .LBB2_41-.Ltmp33, $3  }
0x20b: {  	_ =	sdelay $0x1  }
0x20c: {  	s28 =	sadd.s32 $0x10, s28;
	s18 =	sadd.s32 $0x10, s18  }
0x20d: {  	s19 =	sadd.s32 $0xFFFFFFFF, s19;
	s17 =	sand.u32 $0xFFFFFFF0, s28;
	[tilespmem:s18+$0x0] =	vst v2  }
.Ltmp34:
0x20e: {  	_ = 	snop;
	(pc) =	sbr.rel .LBB2_42-.Ltmp34, $1  }
0x20f: {  	_ =	sdelay $0x3  }
.LBB2_17:
.Ltmp35:
0x210: {  	(pc) =	sbr.rel .LBB2_21-.Ltmp35, $2  }
0x211: {  	_ =	sdelay $0x2  }
0x212: {  	s23 =	simm.s32 $0x9D00;
	s18 =	simm.s32 $0xE480;
	s17 =	simm.s32 $0x12C00  }
.LBB2_19:
.Ltmp36:
0x213: {  	(pc) =	sbr.rel .LBB2_21-.Ltmp36, $2  }
0x214: {  	_ =	sdelay $0x2  }
0x215: {  	s23 =	simm.s32 $0x9D00;
	s18 =	simm.s32 $0xE480;
	s17 =	simm.s32 $0x12C00  }
.LBB2_40:
.Ltmp37:
0x216: {  	(pc) =	sbr.rel .LBB2_42-.Ltmp37, $2  }
0x217: {  	_ =	sdelay $0x2  }
0x218: {  	s26 =	simm.s32 $0x9D00;
	s23 =	simm.s32 $0xE480;
	s18 =	simm.s32 $0x12C00  }
.LBB2_46:
0x219: {  	_ =	sfence.sel $0x180000  }
0x21a: {  	[bflag:$0x0] =	sbarrier.arrive $0xFFFF  }
0x21b: {  	_ =	strace $0x90000047  }
0x21c: {  	s0 =	stileid.u32;
	[bflag:$0x2] =	sbarrier.arrive $0xFFFF  }
0x21d: {  	p0 =	sne.s32 s0, $0x0;
	s0 =	rddreg [dreg:$0x2]  }
0x21e: {  	s0 =	sadd.s32 @!p0 $0x100000, s0  }
0x21f: {  	[sflag:s0] =	ssyncadd.tile.s32 @!p0 $0x1;
	_ =	shalt  }
.Lfunc_end2:
_tile_overlayer_lowered:
.L_overlay_start_2:
0x220: {  	(tag) =	ssettag $0x2  }
0x221: {  	s0 =	rddreg [dreg:$0x0];
	s2 =	stileid.u32  }
0x222: {  	s1 =	rddreg [dreg:$0x1];
	p0 =	sne.s32 s2, $0x0  }
0x223: {  	s3 =	rddreg [dreg:$0x2];
	[bflag:$0x3] =	sbarrier.arrive $0xFFFF;
	s2 =	simm.s32 @!p0 $0x1C03  }
0x224: {  	[timem:s3], [sflag:s2] =	dma.local @!p0 [hbm:s0], s1  }
0x225: {  	s0 =	simm.s32 @!p0 $0x3  }
0x226: {  	_ =	swait.ge @!p0 [sflag:s0], s1  }
0x227: {  	s1 =	ssub.s32 @!p0 $0x0, s1;
	[sflag:s0] =	ssyncset.done @!p0 $0x0  }
0x228: {  	[sflag:s0] =	ssyncadd.s32 @!p0 s1  }
0x229: {  	[bflag:$0x3] =	sbarrier.arrive $0xFFFF  }
0x22a: {  	_ =	shalt  }

</sc_bundles>
